<compile_context>
chip_gen: v7x
topology: tpu7x:2x2x1
jax: 0.10.2.dev20260603
libtpu: 0.0.44.dev20260713+nightly
codegen_flags: <defaults>
</compile_context>

<pallas_src>
import functools

import jax
import jax.numpy as jnp
import numpy as np
from jax import lax
from jax.experimental import pallas as pl
from jax.experimental.pallas import tpu as pltpu
from jax.experimental.pallas import tpu_sc as plsc

N_NODES = 10000
D = 128
E = 320000
NB = 4
OUT_DIM = D * NB

NC = 2
NS = 16
NW = NC * NS
C = 80



def _tables_body(prop_ref, w1a_ref, w1b_ref, b1_ref, t1_ref, t2_ref):
    p = prop_ref[...]
    t1_ref[...] = (
        jnp.dot(p, w1a_ref[...], preferred_element_type=jnp.float32) + b1_ref[...]
    )
    t2_ref[...] = jnp.dot(p, w1b_ref[...], preferred_element_type=jnp.float32)


def _build_tables(prop, w1a, w1b, b1r):
    nblk = 5
    rows = N_NODES // nblk
    return pl.pallas_call(
        _tables_body,
        grid=(nblk,),
        in_specs=[
            pl.BlockSpec((rows, D), lambda i: (i, 0)),
            pl.BlockSpec((D, D), lambda i: (0, 0)),
            pl.BlockSpec((D, D), lambda i: (0, 0)),
            pl.BlockSpec((1, D), lambda i: (0, 0)),
        ],
        out_specs=[
            pl.BlockSpec((rows, D), lambda i: (i, 0)),
            pl.BlockSpec((rows, D), lambda i: (i, 0)),
        ],
        out_shape=[
            jax.ShapeDtypeStruct((N_NODES, D), jnp.float32),
            jax.ShapeDtypeStruct((N_NODES, D), jnp.float32),
        ],
    )(prop, w1a, w1b, b1r)



def _gather_add(t1, t2, idx_i, idx_j, es):
    epw = es // NW
    nchunk = epw // C
    mesh = plsc.VectorSubcoreMesh(core_axis_name="c", subcore_axis_name="s")

    @functools.partial(
        pl.kernel,
        mesh=mesh,
        out_type=jax.ShapeDtypeStruct((es, D), jnp.float32),
        scratch_types=[
            pltpu.VMEM((epw,), jnp.int32),
            pltpu.VMEM((epw,), jnp.int32),
            pltpu.VMEM((C, D), jnp.float32),
            pltpu.VMEM((C, D), jnp.float32),
            pltpu.VMEM((C, D), jnp.float32),
            pltpu.VMEM((C, D), jnp.float32),
            pltpu.SemaphoreType.DMA,
            pltpu.SemaphoreType.DMA,
        ],
    )
    def k(t1_hbm, t2_hbm, ii_hbm, jj_hbm, out_hbm,
          ii_v, jj_v, go0, go1, rb0, rb1, sg0, sg1):
        wid = lax.axis_index("s") * NC + lax.axis_index("c")
        base = wid * epw
        go = (go0, go1)
        rb = (rb0, rb1)
        sg = (sg0, sg1)

        pltpu.sync_copy(ii_hbm.at[pl.ds(base, epw)], ii_v)
        pltpu.sync_copy(jj_hbm.at[pl.ds(base, epw)], jj_v)

        def fire(t, b):
            sl = pl.ds(t * C, C)
            pltpu.make_async_copy(t1_hbm.at[ii_v.at[sl]], go[b], sg[b]).start()
            pltpu.make_async_copy(t2_hbm.at[jj_v.at[sl]], rb[b], sg[b]).start()

        def drain(b):
            pltpu.make_async_copy(t1_hbm.at[pl.ds(0, C)], go[b], sg[b]).wait()
            pltpu.make_async_copy(t2_hbm.at[pl.ds(0, C)], rb[b], sg[b]).wait()

        def process(t, b):
            drain(b)

            def row(r, c2):
                for v in range(D // 16):
                    s16 = pl.ds(v * 16, 16)
                    plsc.addupdate(go[b].at[r, s16], rb[b][r, s16])
                return c2

            lax.fori_loop(0, C, row, 0)
            pltpu.sync_copy(go[b], out_hbm.at[pl.ds(base + t * C, C)])

            @pl.when(t + 2 < nchunk)
            def _():
                fire(t + 2, b)

        fire(0, 0)
        fire(1, 1)

        def pair(i, carry):
            process(2 * i, 0)
            process(2 * i + 1, 1)
            return carry

        lax.fori_loop(0, nchunk // 2, pair, 0)
        if nchunk % 2:
            process(nchunk - 1, 0)

    return k(t1, t2, idx_i, idx_j)



def _edge_body(g_ref, bast_ref, w2_ref, *refs):
    out_ref = refs[-1]
    g = g_ref[...].astype(jnp.bfloat16)
    w2 = w2_ref[...]
    h0 = jnp.dot(g, w2[:, 0:D], preferred_element_type=jnp.float32)
    bas = jnp.transpose(bast_ref[...])
    acc = bas[:, 0:1] * h0
    for b in range(1, NB):
        acc = acc + bas[:, b : b + 1] * jnp.dot(
            g, w2[:, b * D : (b + 1) * D], preferred_element_type=jnp.float32
        )
    out_ref[...] = acc


def _edge_stage(g, basisT, w2p, acc, off_edges):
    es = g.shape[0]
    eb = 6400 if es % 6400 == 0 and off_edges % 6400 == 0 else 2560
    grid = es // eb
    off = off_edges // eb
    in_specs = [
        pl.BlockSpec((eb, D), lambda i: (i, 0)),
        pl.BlockSpec((NB, eb), lambda i, off=off: (0, off + i)),
        pl.BlockSpec((D, OUT_DIM), lambda i: (0, 0)),
    ]
    args = [g, basisT, w2p]
    aliases = {}
    if acc is not None:
        in_specs.append(pl.BlockSpec(memory_space=pl.ANY))
        args.append(acc)
        aliases = {3: 0}
    return pl.pallas_call(
        _edge_body,
        grid=(grid,),
        in_specs=in_specs,
        out_specs=pl.BlockSpec((eb, D), lambda i, off=off: (off + i, 0)),
        out_shape=jax.ShapeDtypeStruct((E, D), jnp.float32),
        input_output_aliases=aliases,
    )(*args)


def kernel(prop, idx_i, idx_j, basis, W1, b1, W2):
    w1a = W1[:D]
    w1b = W1[D:]
    b1r = b1.reshape(1, D)
    w2p = (
        W2.reshape(D, D, NB).transpose(0, 2, 1).reshape(D, OUT_DIM)
    ).astype(jnp.bfloat16)
    t1, t2 = _build_tables(prop, w1a, w1b, b1r)
    ii = idx_i.astype(jnp.int32)
    jj = idx_j.astype(jnp.int32)
    basisT = basis.T
    sizes = [25600] + [64000] * 4 + [38400]
    acc = None
    off = 0
    for es in sizes:
        sl = slice(off, off + es)
        g_s = _gather_add(t1, t2, ii[sl], jj[sl], es)
        acc = _edge_stage(g_s, basisT, w2p, acc, off)
        off += es
    return acc

# --- scband reference (transcript-rebuilt; emitter-appended) ---
"""Pipeline reference for scband-pilayer-82386062672472 (READ-ONLY COPY).

The authoritative reference and input builder live on the scoring server;
editing this copy changes nothing except your own understanding.
"""

import jax, jax.numpy as jnp
import numpy as np

N_NODES = 10000
D_FEAT = 128
N_EDGES = 320000
N_BASIS = 4
IN_FEATURES = 2 * D_FEAT  # 256, pair-concatenated input to the MLP
N_HIDDEN = 128
OUT_FEAT = 128            # out_features[-1]
OUT_DIM = OUT_FEAT * N_BASIS  # 512, MLP output width (last layer has no bias)


def setup_inputs(seed: int = 0) -> dict:
    key = jax.random.key(seed)
    ks = jax.random.split(key, 8)
    prop = jax.random.normal(ks[0], (N_NODES, D_FEAT), dtype=jnp.float32)
    idx_i = jax.random.randint(ks[1], (N_EDGES,), 0, N_NODES)
    idx_j = jax.random.randint(ks[2], (N_EDGES,), 0, N_NODES)
    basis = jax.random.normal(ks[3], (N_EDGES, N_BASIS), dtype=jnp.float32)
    # MLP parameters: Linear(256 -> 128) + Identity activation + Linear(128 -> 512, bias=False)
    W1 = jax.random.normal(ks[4], (IN_FEATURES, N_HIDDEN), dtype=jnp.float32) / np.sqrt(IN_FEATURES)
    b1 = jnp.zeros((N_HIDDEN,), dtype=jnp.float32)
    W2 = jax.random.normal(ks[5], (N_HIDDEN, OUT_DIM), dtype=jnp.float32) / np.sqrt(N_HIDDEN)
    return {"prop": prop, "idx_i": idx_i, "idx_j": idx_j, "basis": basis,
            "W1": W1, "b1": b1, "W2": W2}


def reference(prop, idx_i, idx_j, basis, W1, b1, W2):
    # Gather node properties for both endpoints of each edge
    prop_i = jnp.take(prop, idx_i, axis=0)   # [E, d]
    prop_j = jnp.take(prop, idx_j, axis=0)   # [E, d]
    inter = jnp.concatenate([prop_i, prop_j], axis=-1)  # [E, 2d]
    # ff_layer: MLP with Identity activation, last layer bias-free
    h = inter @ W1 + b1                      # [E, n_hidden]
    h = h @ W2                               # [E, out_feat * n_basis]
    h = h.reshape((-1, OUT_FEAT, N_BASIS))   # [E, out_feat, n_basis]
    out = jnp.einsum('pcb,pb->pc', h, basis) # [E, out_feat]
    return out

if __name__ == "__main__":
    import jax
    _d = setup_inputs()
    print(jax.jit(kernel)(*tuple(_d.values())))

</pallas_src>

<mosaic_0001>
#map = affine_map<(d0, d1) -> (0, 0)>
#map1 = affine_map<(d0, d1) -> (0)>
module attributes {stable_mosaic.version = 14 : i64} {
  func.func @k(%arg0: i32, %arg1: i32, %arg2: memref<10000x128xf32, #tpu.memory_space<hbm>>, %arg3: memref<10000x128xf32, #tpu.memory_space<hbm>>, %arg4: memref<25600xi32, #tpu.memory_space<hbm>>, %arg5: memref<25600xi32, #tpu.memory_space<hbm>>, %arg6: memref<25600x128xf32, #tpu.memory_space<hbm>>, %arg7: memref<800xi32, #tpu.memory_space<vmem>>, %arg8: memref<800xi32, #tpu.memory_space<vmem>>, %arg9: memref<80x128xf32, #tpu.memory_space<vmem>>, %arg10: memref<80x128xf32, #tpu.memory_space<vmem>>, %arg11: memref<80x128xf32, #tpu.memory_space<vmem>>, %arg12: memref<80x128xf32, #tpu.memory_space<vmem>>, %arg13: memref<!tpu.dma_semaphore, #tpu.memory_space<semaphore_mem>>, %arg14: memref<!tpu.dma_semaphore, #tpu.memory_space<semaphore_mem>>) attributes {dimension_semantics = [#tpu.dimension_semantics<core_parallel>, #tpu.dimension_semantics<subcore_parallel>], iteration_bounds = array<i64: 2, 16>, scalar_prefetch = 0 : i64, scratch_operands = 8 : i64, tpu.core_type = #tpu.core_type<sc_vector_subcore>, window_params = [{transform_indices = #map}, {transform_indices = #map}, {transform_indices = #map1}, {transform_indices = #map1}, {transform_indices = #map}]} {
    %mul3A = arith.constant 2 : i32
    %mul3A_0 = arith.muli %arg1, %mul3A : i32
    %add3A = arith.addi %mul3A_0, %arg0 : i32
    %mul3A_1 = arith.constant 800 : i32
    %mul3A_2 = arith.muli %add3A, %mul3A_1 : i32
    "tpu.region"() ({
      %run_scoped3A = tpu.sem_alloc : memref<!tpu.dma_semaphore, #tpu.memory_space<semaphore_mem>>
      %dma_start3A_27 = tpu.memref_slice %arg4[%mul3A_2] : memref<25600xi32, #tpu.memory_space<hbm>> -> memref<800xi32, #tpu.memory_space<hbm>>
      %dma_start3A_28 = tpu.memref_slice %arg4[%mul3A_2] : memref<25600xi32, #tpu.memory_space<hbm>> -> memref<800xi32, #tpu.memory_space<hbm>>
      tpu.enqueue_dma source(%dma_start3A_28 : memref<800xi32, #tpu.memory_space<hbm>>) target(%arg7 : memref<800xi32, #tpu.memory_space<vmem>>) target_semaphore(%run_scoped3A : memref<!tpu.dma_semaphore, #tpu.memory_space<semaphore_mem>>)
      %dma_wait3A = tpu.memref_slice %arg4[%mul3A_2] : memref<25600xi32, #tpu.memory_space<hbm>> -> memref<800xi32, #tpu.memory_space<hbm>>
      %dma_wait3A_29 = tpu.memref_slice %arg4[%mul3A_2] : memref<25600xi32, #tpu.memory_space<hbm>> -> memref<800xi32, #tpu.memory_space<hbm>>
      tpu.wait_dma2 semaphore(%run_scoped3A : memref<!tpu.dma_semaphore, #tpu.memory_space<semaphore_mem>>) src(%dma_wait3A_29 : memref<800xi32, #tpu.memory_space<hbm>>) dst(%arg7 : memref<800xi32, #tpu.memory_space<vmem>>)
      tpu.yield
    }) : () -> ()
    "tpu.region"() ({
      %run_scoped3A = tpu.sem_alloc : memref<!tpu.dma_semaphore, #tpu.memory_space<semaphore_mem>>
      %dma_start3A_27 = tpu.memref_slice %arg5[%mul3A_2] : memref<25600xi32, #tpu.memory_space<hbm>> -> memref<800xi32, #tpu.memory_space<hbm>>
      %dma_start3A_28 = tpu.memref_slice %arg5[%mul3A_2] : memref<25600xi32, #tpu.memory_space<hbm>> -> memref<800xi32, #tpu.memory_space<hbm>>
      tpu.enqueue_dma source(%dma_start3A_28 : memref<800xi32, #tpu.memory_space<hbm>>) target(%arg8 : memref<800xi32, #tpu.memory_space<vmem>>) target_semaphore(%run_scoped3A : memref<!tpu.dma_semaphore, #tpu.memory_space<semaphore_mem>>)
      %dma_wait3A = tpu.memref_slice %arg5[%mul3A_2] : memref<25600xi32, #tpu.memory_space<hbm>> -> memref<800xi32, #tpu.memory_space<hbm>>
      %dma_wait3A_29 = tpu.memref_slice %arg5[%mul3A_2] : memref<25600xi32, #tpu.memory_space<hbm>> -> memref<800xi32, #tpu.memory_space<hbm>>
      tpu.wait_dma2 semaphore(%run_scoped3A : memref<!tpu.dma_semaphore, #tpu.memory_space<semaphore_mem>>) src(%dma_wait3A_29 : memref<800xi32, #tpu.memory_space<hbm>>) dst(%arg8 : memref<800xi32, #tpu.memory_space<vmem>>)
      tpu.yield
    }) : () -> ()
    %dma_start3A = arith.constant 0 : i32
    %dma_start3A_3 = tpu.memref_slice %arg7[%dma_start3A] : memref<800xi32, #tpu.memory_space<vmem>> -> memref<80xi32, #tpu.memory_space<vmem>>
    %dma_start3A_4 = arith.constant 0 : i32
    %dma_start3A_5 = arith.constant 0 : i32
    %dma_start3A_6 = tpu.memref_slice %arg2[%dma_start3A_4, %dma_start3A_5] : memref<10000x128xf32, #tpu.memory_space<hbm>> -> memref<10000x128xf32, #tpu.memory_space<hbm>>
    tpu.enqueue_indirect_dma source(%dma_start3A_6 : memref<10000x128xf32, #tpu.memory_space<hbm>>) target(%arg9 : memref<80x128xf32, #tpu.memory_space<vmem>>) offsets(%dma_start3A_3 : memref<80xi32, #tpu.memory_space<vmem>>) semaphore(%arg13 : memref<!tpu.dma_semaphore, #tpu.memory_space<semaphore_mem>>)
    %dma_start3A_7 = arith.constant 0 : i32
    %dma_start3A_8 = tpu.memref_slice %arg8[%dma_start3A_7] : memref<800xi32, #tpu.memory_space<vmem>> -> memref<80xi32, #tpu.memory_space<vmem>>
    %dma_start3A_9 = arith.constant 0 : i32
    %dma_start3A_10 = arith.constant 0 : i32
    %dma_start3A_11 = tpu.memref_slice %arg3[%dma_start3A_9, %dma_start3A_10] : memref<10000x128xf32, #tpu.memory_space<hbm>> -> memref<10000x128xf32, #tpu.memory_space<hbm>>
    tpu.enqueue_indirect_dma source(%dma_start3A_11 : memref<10000x128xf32, #tpu.memory_space<hbm>>) target(%arg11 : memref<80x128xf32, #tpu.memory_space<vmem>>) offsets(%dma_start3A_8 : memref<80xi32, #tpu.memory_space<vmem>>) semaphore(%arg13 : memref<!tpu.dma_semaphore, #tpu.memory_space<semaphore_mem>>)
    %dma_start3A_12 = arith.constant 80 : i32
    %dma_start3A_13 = tpu.memref_slice %arg7[%dma_start3A_12] : memref<800xi32, #tpu.memory_space<vmem>> -> memref<80xi32, #tpu.memory_space<vmem>>
    %dma_start3A_14 = arith.constant 0 : i32
    %dma_start3A_15 = arith.constant 0 : i32
    %dma_start3A_16 = tpu.memref_slice %arg2[%dma_start3A_14, %dma_start3A_15] : memref<10000x128xf32, #tpu.memory_space<hbm>> -> memref<10000x128xf32, #tpu.memory_space<hbm>>
    tpu.enqueue_indirect_dma source(%dma_start3A_16 : memref<10000x128xf32, #tpu.memory_space<hbm>>) target(%arg10 : memref<80x128xf32, #tpu.memory_space<vmem>>) offsets(%dma_start3A_13 : memref<80xi32, #tpu.memory_space<vmem>>) semaphore(%arg14 : memref<!tpu.dma_semaphore, #tpu.memory_space<semaphore_mem>>)
    %dma_start3A_17 = arith.constant 80 : i32
    %dma_start3A_18 = tpu.memref_slice %arg8[%dma_start3A_17] : memref<800xi32, #tpu.memory_space<vmem>> -> memref<80xi32, #tpu.memory_space<vmem>>
    %dma_start3A_19 = arith.constant 0 : i32
    %dma_start3A_20 = arith.constant 0 : i32
    %dma_start3A_21 = tpu.memref_slice %arg3[%dma_start3A_19, %dma_start3A_20] : memref<10000x128xf32, #tpu.memory_space<hbm>> -> memref<10000x128xf32, #tpu.memory_space<hbm>>
    tpu.enqueue_indirect_dma source(%dma_start3A_21 : memref<10000x128xf32, #tpu.memory_space<hbm>>) target(%arg12 : memref<80x128xf32, #tpu.memory_space<vmem>>) offsets(%dma_start3A_18 : memref<80xi32, #tpu.memory_space<vmem>>) semaphore(%arg14 : memref<!tpu.dma_semaphore, #tpu.memory_space<semaphore_mem>>)
    %scan3A = arith.constant 0 : i32
    %scan3A_22 = arith.constant 0 : i32
    %scan3A_23 = arith.constant 5 : i32
    %scan3A_24 = arith.addi %scan3A_22, %scan3A_23 : i32
    %scan3A_25 = arith.constant 1 : i32
    scf.for %scan3A_27 = %scan3A_22 to %scan3A_24 step %scan3A_25  : i32 {
      %mul3A_28 = arith.constant 2 : i32
      %mul3A_29 = arith.muli %mul3A_28, %scan3A_27 : i32
      %dma_wait3A = arith.constant 0 : i32
      %dma_wait3A_30 = arith.constant 0 : i32
      %dma_wait3A_31 = tpu.memref_slice %arg2[%dma_wait3A, %dma_wait3A_30] : memref<10000x128xf32, #tpu.memory_space<hbm>> -> memref<80x128xf32, #tpu.memory_space<hbm>>
      %dma_wait3A_32 = arith.constant 0 : i32
      %dma_wait3A_33 = arith.constant 0 : i32
      %dma_wait3A_34 = tpu.memref_slice %arg2[%dma_wait3A_32, %dma_wait3A_33] : memref<10000x128xf32, #tpu.memory_space<hbm>> -> memref<80x128xf32, #tpu.memory_space<hbm>>
      tpu.wait_dma2 semaphore(%arg13 : memref<!tpu.dma_semaphore, #tpu.memory_space<semaphore_mem>>) src(%dma_wait3A_34 : memref<80x128xf32, #tpu.memory_space<hbm>>) dst(%arg9 : memref<80x128xf32, #tpu.memory_space<vmem>>)
      %dma_wait3A_35 = arith.constant 0 : i32
      %dma_wait3A_36 = arith.constant 0 : i32
      %dma_wait3A_37 = tpu.memref_slice %arg3[%dma_wait3A_35, %dma_wait3A_36] : memref<10000x128xf32, #tpu.memory_space<hbm>> -> memref<80x128xf32, #tpu.memory_space<hbm>>
      %dma_wait3A_38 = arith.constant 0 : i32
      %dma_wait3A_39 = arith.constant 0 : i32
      %dma_wait3A_40 = tpu.memref_slice %arg3[%dma_wait3A_38, %dma_wait3A_39] : memref<10000x128xf32, #tpu.memory_space<hbm>> -> memref<80x128xf32, #tpu.memory_space<hbm>>
      tpu.wait_dma2 semaphore(%arg13 : memref<!tpu.dma_semaphore, #tpu.memory_space<semaphore_mem>>) src(%dma_wait3A_40 : memref<80x128xf32, #tpu.memory_space<hbm>>) dst(%arg11 : memref<80x128xf32, #tpu.memory_space<vmem>>)
      %scan3A_41 = arith.constant 0 : i32
      %scan3A_42 = arith.constant 0 : i32
      %scan3A_43 = arith.constant 80 : i32
      %scan3A_44 = arith.addi %scan3A_42, %scan3A_43 : i32
      %scan3A_45 = arith.constant 1 : i32
      scf.for %scan3A_86 = %scan3A_42 to %scan3A_44 step %scan3A_45  : i32 {
        %get3A = arith.index_cast %scan3A_86 : i32 to index
        %get3A_87 = arith.constant 0 : index
        %get3A_88 = tpu.vector_load %arg11[%get3A, %get3A_87] {strides = array<i32>} : memref<80x128xf32, #tpu.memory_space<vmem>>, vector<1x16xf32>,
        %get3A_89 = vector.shape_cast %get3A_88 : vector<1x16xf32> to vector<16xf32>
        %swap3A = arith.index_cast %scan3A_86 : i32 to index
        %swap3A_90 = arith.constant 0 : index
        %swap3A_91 = tpu.vector_load %arg9[%swap3A, %swap3A_90] {strides = array<i32>} : memref<80x128xf32, #tpu.memory_space<vmem>>, vector<1x16xf32>,
        %swap3A_92 = vector.shape_cast %swap3A_91 : vector<1x16xf32> to vector<16xf32>
        %swap3A_93 = vector.shape_cast %get3A_89 : vector<16xf32> to vector<1x16xf32>
        tpu.vector_store %arg9[%swap3A, %swap3A_90], %swap3A_93 {add = true, strides = array<i32>} : memref<80x128xf32, #tpu.memory_space<vmem>>, vector<1x16xf32>,
        %get3A_94 = arith.index_cast %scan3A_86 : i32 to index
        %get3A_95 = arith.constant 16 : index
        %get3A_96 = tpu.vector_load %arg11[%get3A_94, %get3A_95] {strides = array<i32>} : memref<80x128xf32, #tpu.memory_space<vmem>>, vector<1x16xf32>,
        %get3A_97 = vector.shape_cast %get3A_96 : vector<1x16xf32> to vector<16xf32>
        %swap3A_98 = arith.index_cast %scan3A_86 : i32 to index
        %swap3A_99 = arith.constant 16 : index
        %swap3A_100 = tpu.vector_load %arg9[%swap3A_98, %swap3A_99] {strides = array<i32>} : memref<80x128xf32, #tpu.memory_space<vmem>>, vector<1x16xf32>,
        %swap3A_101 = vector.shape_cast %swap3A_100 : vector<1x16xf32> to vector<16xf32>
        %swap3A_102 = vector.shape_cast %get3A_97 : vector<16xf32> to vector<1x16xf32>
        tpu.vector_store %arg9[%swap3A_98, %swap3A_99], %swap3A_102 {add = true, strides = array<i32>} : memref<80x128xf32, #tpu.memory_space<vmem>>, vector<1x16xf32>,
        %get3A_103 = arith.index_cast %scan3A_86 : i32 to index
        %get3A_104 = arith.constant 32 : index
        %get3A_105 = tpu.vector_load %arg11[%get3A_103, %get3A_104] {strides = array<i32>} : memref<80x128xf32, #tpu.memory_space<vmem>>, vector<1x16xf32>,
        %get3A_106 = vector.shape_cast %get3A_105 : vector<1x16xf32> to vector<16xf32>
        %swap3A_107 = arith.index_cast %scan3A_86 : i32 to index
        %swap3A_108 = arith.constant 32 : index
        %swap3A_109 = tpu.vector_load %arg9[%swap3A_107, %swap3A_108] {strides = array<i32>} : memref<80x128xf32, #tpu.memory_space<vmem>>, vector<1x16xf32>,
        %swap3A_110 = vector.shape_cast %swap3A_109 : vector<1x16xf32> to vector<16xf32>
        %swap3A_111 = vector.shape_cast %get3A_106 : vector<16xf32> to vector<1x16xf32>
        tpu.vector_store %arg9[%swap3A_107, %swap3A_108], %swap3A_111 {add = true, strides = array<i32>} : memref<80x128xf32, #tpu.memory_space<vmem>>, vector<1x16xf32>,
        %get3A_112 = arith.index_cast %scan3A_86 : i32 to index
        %get3A_113 = arith.constant 48 : index
        %get3A_114 = tpu.vector_load %arg11[%get3A_112, %get3A_113] {strides = array<i32>} : memref<80x128xf32, #tpu.memory_space<vmem>>, vector<1x16xf32>,
        %get3A_115 = vector.shape_cast %get3A_114 : vector<1x16xf32> to vector<16xf32>
        %swap3A_116 = arith.index_cast %scan3A_86 : i32 to index
        %swap3A_117 = arith.constant 48 : index
        %swap3A_118 = tpu.vector_load %arg9[%swap3A_116, %swap3A_117] {strides = array<i32>} : memref<80x128xf32, #tpu.memory_space<vmem>>, vector<1x16xf32>,
        %swap3A_119 = vector.shape_cast %swap3A_118 : vector<1x16xf32> to vector<16xf32>
        %swap3A_120 = vector.shape_cast %get3A_115 : vector<16xf32> to vector<1x16xf32>
        tpu.vector_store %arg9[%swap3A_116, %swap3A_117], %swap3A_120 {add = true, strides = array<i32>} : memref<80x128xf32, #tpu.memory_space<vmem>>, vector<1x16xf32>,
        %get3A_121 = arith.index_cast %scan3A_86 : i32 to index
        %get3A_122 = arith.constant 64 : index
        %get3A_123 = tpu.vector_load %arg11[%get3A_121, %get3A_122] {strides = array<i32>} : memref<80x128xf32, #tpu.memory_space<vmem>>, vector<1x16xf32>,
        %get3A_124 = vector.shape_cast %get3A_123 : vector<1x16xf32> to vector<16xf32>
        %swap3A_125 = arith.index_cast %scan3A_86 : i32 to index
        %swap3A_126 = arith.constant 64 : index
        %swap3A_127 = tpu.vector_load %arg9[%swap3A_125, %swap3A_126] {strides = array<i32>} : memref<80x128xf32, #tpu.memory_space<vmem>>, vector<1x16xf32>,
        %swap3A_128 = vector.shape_cast %swap3A_127 : vector<1x16xf32> to vector<16xf32>
        %swap3A_129 = vector.shape_cast %get3A_124 : vector<16xf32> to vector<1x16xf32>
        tpu.vector_store %arg9[%swap3A_125, %swap3A_126], %swap3A_129 {add = true, strides = array<i32>} : memref<80x128xf32, #tpu.memory_space<vmem>>, vector<1x16xf32>,
        %get3A_130 = arith.index_cast %scan3A_86 : i32 to index
        %get3A_131 = arith.constant 80 : index
        %get3A_132 = tpu.vector_load %arg11[%get3A_130, %get3A_131] {strides = array<i32>} : memref<80x128xf32, #tpu.memory_space<vmem>>, vector<1x16xf32>,
        %get3A_133 = vector.shape_cast %get3A_132 : vector<1x16xf32> to vector<16xf32>
        %swap3A_134 = arith.index_cast %scan3A_86 : i32 to index
        %swap3A_135 = arith.constant 80 : index
        %swap3A_136 = tpu.vector_load %arg9[%swap3A_134, %swap3A_135] {strides = array<i32>} : memref<80x128xf32, #tpu.memory_space<vmem>>, vector<1x16xf32>,
        %swap3A_137 = vector.shape_cast %swap3A_136 : vector<1x16xf32> to vector<16xf32>
        %swap3A_138 = vector.shape_cast %get3A_133 : vector<16xf32> to vector<1x16xf32>
        tpu.vector_store %arg9[%swap3A_134, %swap3A_135], %swap3A_138 {add = true, strides = array<i32>} : memref<80x128xf32, #tpu.memory_space<vmem>>, vector<1x16xf32>,
        %get3A_139 = arith.index_cast %scan3A_86 : i32 to index
        %get3A_140 = arith.constant 96 : index
        %get3A_141 = tpu.vector_load %arg11[%get3A_139, %get3A_140] {strides = array<i32>} : memref<80x128xf32, #tpu.memory_space<vmem>>, vector<1x16xf32>,
        %get3A_142 = vector.shape_cast %get3A_141 : vector<1x16xf32> to vector<16xf32>
        %swap3A_143 = arith.index_cast %scan3A_86 : i32 to index
        %swap3A_144 = arith.constant 96 : index
        %swap3A_145 = tpu.vector_load %arg9[%swap3A_143, %swap3A_144] {strides = array<i32>} : memref<80x128xf32, #tpu.memory_space<vmem>>, vector<1x16xf32>,
        %swap3A_146 = vector.shape_cast %swap3A_145 : vector<1x16xf32> to vector<16xf32>
        %swap3A_147 = vector.shape_cast %get3A_142 : vector<16xf32> to vector<1x16xf32>
        tpu.vector_store %arg9[%swap3A_143, %swap3A_144], %swap3A_147 {add = true, strides = array<i32>} : memref<80x128xf32, #tpu.memory_space<vmem>>, vector<1x16xf32>,
        %get3A_148 = arith.index_cast %scan3A_86 : i32 to index
        %get3A_149 = arith.constant 112 : index
        %get3A_150 = tpu.vector_load %arg11[%get3A_148, %get3A_149] {strides = array<i32>} : memref<80x128xf32, #tpu.memory_space<vmem>>, vector<1x16xf32>,
        %get3A_151 = vector.shape_cast %get3A_150 : vector<1x16xf32> to vector<16xf32>
        %swap3A_152 = arith.index_cast %scan3A_86 : i32 to index
        %swap3A_153 = arith.constant 112 : index
        %swap3A_154 = tpu.vector_load %arg9[%swap3A_152, %swap3A_153] {strides = array<i32>} : memref<80x128xf32, #tpu.memory_space<vmem>>, vector<1x16xf32>,
        %swap3A_155 = vector.shape_cast %swap3A_154 : vector<1x16xf32> to vector<16xf32>
        %swap3A_156 = vector.shape_cast %get3A_151 : vector<16xf32> to vector<1x16xf32>
        tpu.vector_store %arg9[%swap3A_152, %swap3A_153], %swap3A_156 {add = true, strides = array<i32>} : memref<80x128xf32, #tpu.memory_space<vmem>>, vector<1x16xf32>,
      }
      %scan3A_46 = arith.constant 80 : i32
      %mul3A_47 = arith.constant 80 : i32
      %mul3A_48 = arith.muli %mul3A_29, %mul3A_47 : i32
      %add3A_49 = arith.addi %mul3A_2, %mul3A_48 : i32
      "tpu.region"() ({
        %run_scoped3A = tpu.sem_alloc : memref<!tpu.dma_semaphore, #tpu.memory_space<semaphore_mem>>
        %dma_start3A_86 = arith.constant 0 : i32
        %dma_start3A_87 = tpu.memref_slice %arg6[%add3A_49, %dma_start3A_86] : memref<25600x128xf32, #tpu.memory_space<hbm>> -> memref<80x128xf32, #tpu.memory_space<hbm>>
        %dma_start3A_88 = arith.constant 0 : i32
        %dma_start3A_89 = tpu.memref_slice %arg6[%add3A_49, %dma_start3A_88] : memref<25600x128xf32, #tpu.memory_space<hbm>> -> memref<80x128xf32, #tpu.memory_space<hbm>>
        tpu.enqueue_dma source(%arg9 : memref<80x128xf32, #tpu.memory_space<vmem>>) target(%dma_start3A_89 : memref<80x128xf32, #tpu.memory_space<hbm>>) target_semaphore(%run_scoped3A : memref<!tpu.dma_semaphore, #tpu.memory_space<semaphore_mem>>)
        %dma_wait3A_90 = arith.constant 0 : i32
        %dma_wait3A_91 = tpu.memref_slice %arg6[%add3A_49, %dma_wait3A_90] : memref<25600x128xf32, #tpu.memory_space<hbm>> -> memref<80x128xf32, #tpu.memory_space<hbm>>
        %dma_wait3A_92 = arith.constant 0 : i32
        %dma_wait3A_93 = tpu.memref_slice %arg6[%add3A_49, %dma_wait3A_92] : memref<25600x128xf32, #tpu.memory_space<hbm>> -> memref<80x128xf32, #tpu.memory_space<hbm>>
        tpu.wait_dma2 semaphore(%run_scoped3A : memref<!tpu.dma_semaphore, #tpu.memory_space<semaphore_mem>>) src(%arg9 : memref<80x128xf32, #tpu.memory_space<vmem>>) dst(%dma_wait3A_93 : memref<80x128xf32, #tpu.memory_space<hbm>>)
        tpu.yield
      }) : () -> ()
      %add3A_50 = arith.constant 2 : i32
      %add3A_51 = arith.addi %mul3A_29, %add3A_50 : i32
      %lt3A = arith.constant 10 : i32
      %lt3A_52 = arith.cmpi slt, %add3A_51, %lt3A : i32
      %convert_element_type3A = arith.extui %lt3A_52 : i1 to i32
      %cond3A = arith.constant 0 : i32
      %cond3A_53 = arith.cmpi ne, %convert_element_type3A, %cond3A : i32
      scf.if %cond3A_53 {
        %add3A_86 = arith.constant 2 : i32
        %add3A_87 = arith.addi %mul3A_29, %add3A_86 : i32
        %mul3A_88 = arith.constant 80 : i32
        %mul3A_89 = arith.muli %add3A_87, %mul3A_88 : i32
        %dma_start3A_90 = tpu.memref_slice %arg7[%mul3A_89] : memref<800xi32, #tpu.memory_space<vmem>> -> memref<80xi32, #tpu.memory_space<vmem>>
        %dma_start3A_91 = arith.constant 0 : i32
        %dma_start3A_92 = arith.constant 0 : i32
        %dma_start3A_93 = tpu.memref_slice %arg2[%dma_start3A_91, %dma_start3A_92] : memref<10000x128xf32, #tpu.memory_space<hbm>> -> memref<10000x128xf32, #tpu.memory_space<hbm>>
        tpu.enqueue_indirect_dma source(%dma_start3A_93 : memref<10000x128xf32, #tpu.memory_space<hbm>>) target(%arg9 : memref<80x128xf32, #tpu.memory_space<vmem>>) offsets(%dma_start3A_90 : memref<80xi32, #tpu.memory_space<vmem>>) semaphore(%arg13 : memref<!tpu.dma_semaphore, #tpu.memory_space<semaphore_mem>>)
        %dma_start3A_94 = tpu.memref_slice %arg8[%mul3A_89] : memref<800xi32, #tpu.memory_space<vmem>> -> memref<80xi32, #tpu.memory_space<vmem>>
        %dma_start3A_95 = arith.constant 0 : i32
        %dma_start3A_96 = arith.constant 0 : i32
        %dma_start3A_97 = tpu.memref_slice %arg3[%dma_start3A_95, %dma_start3A_96] : memref<10000x128xf32, #tpu.memory_space<hbm>> -> memref<10000x128xf32, #tpu.memory_space<hbm>>
        tpu.enqueue_indirect_dma source(%dma_start3A_97 : memref<10000x128xf32, #tpu.memory_space<hbm>>) target(%arg11 : memref<80x128xf32, #tpu.memory_space<vmem>>) offsets(%dma_start3A_94 : memref<80xi32, #tpu.memory_space<vmem>>) semaphore(%arg13 : memref<!tpu.dma_semaphore, #tpu.memory_space<semaphore_mem>>)
      } else {
      }
      %mul3A_54 = arith.constant 2 : i32
      %mul3A_55 = arith.muli %mul3A_54, %scan3A_27 : i32
      %add3A_56 = arith.constant 1 : i32
      %add3A_57 = arith.addi %mul3A_55, %add3A_56 : i32
      %dma_wait3A_58 = arith.constant 0 : i32
      %dma_wait3A_59 = arith.constant 0 : i32
      %dma_wait3A_60 = tpu.memref_slice %arg2[%dma_wait3A_58, %dma_wait3A_59] : memref<10000x128xf32, #tpu.memory_space<hbm>> -> memref<80x128xf32, #tpu.memory_space<hbm>>
      %dma_wait3A_61 = arith.constant 0 : i32
      %dma_wait3A_62 = arith.constant 0 : i32
      %dma_wait3A_63 = tpu.memref_slice %arg2[%dma_wait3A_61, %dma_wait3A_62] : memref<10000x128xf32, #tpu.memory_space<hbm>> -> memref<80x128xf32, #tpu.memory_space<hbm>>
      tpu.wait_dma2 semaphore(%arg14 : memref<!tpu.dma_semaphore, #tpu.memory_space<semaphore_mem>>) src(%dma_wait3A_63 : memref<80x128xf32, #tpu.memory_space<hbm>>) dst(%arg10 : memref<80x128xf32, #tpu.memory_space<vmem>>)
      %dma_wait3A_64 = arith.constant 0 : i32
      %dma_wait3A_65 = arith.constant 0 : i32
      %dma_wait3A_66 = tpu.memref_slice %arg3[%dma_wait3A_64, %dma_wait3A_65] : memref<10000x128xf32, #tpu.memory_space<hbm>> -> memref<80x128xf32, #tpu.memory_space<hbm>>
      %dma_wait3A_67 = arith.constant 0 : i32
      %dma_wait3A_68 = arith.constant 0 : i32
      %dma_wait3A_69 = tpu.memref_slice %arg3[%dma_wait3A_67, %dma_wait3A_68] : memref<10000x128xf32, #tpu.memory_space<hbm>> -> memref<80x128xf32, #tpu.memory_space<hbm>>
      tpu.wait_dma2 semaphore(%arg14 : memref<!tpu.dma_semaphore, #tpu.memory_space<semaphore_mem>>) src(%dma_wait3A_69 : memref<80x128xf32, #tpu.memory_space<hbm>>) dst(%arg12 : memref<80x128xf32, #tpu.memory_space<vmem>>)
      %scan3A_70 = arith.constant 0 : i32
      %scan3A_71 = arith.constant 0 : i32
      %scan3A_72 = arith.constant 80 : i32
      %scan3A_73 = arith.addi %scan3A_71, %scan3A_72 : i32
      %scan3A_74 = arith.constant 1 : i32
      scf.for %scan3A_86 = %scan3A_71 to %scan3A_73 step %scan3A_74  : i32 {
        %get3A = arith.index_cast %scan3A_86 : i32 to index
        %get3A_87 = arith.constant 0 : index
        %get3A_88 = tpu.vector_load %arg12[%get3A, %get3A_87] {strides = array<i32>} : memref<80x128xf32, #tpu.memory_space<vmem>>, vector<1x16xf32>,
        %get3A_89 = vector.shape_cast %get3A_88 : vector<1x16xf32> to vector<16xf32>
        %swap3A = arith.index_cast %scan3A_86 : i32 to index
        %swap3A_90 = arith.constant 0 : index
        %swap3A_91 = tpu.vector_load %arg10[%swap3A, %swap3A_90] {strides = array<i32>} : memref<80x128xf32, #tpu.memory_space<vmem>>, vector<1x16xf32>,
        %swap3A_92 = vector.shape_cast %swap3A_91 : vector<1x16xf32> to vector<16xf32>
        %swap3A_93 = vector.shape_cast %get3A_89 : vector<16xf32> to vector<1x16xf32>
        tpu.vector_store %arg10[%swap3A, %swap3A_90], %swap3A_93 {add = true, strides = array<i32>} : memref<80x128xf32, #tpu.memory_space<vmem>>, vector<1x16xf32>,
        %get3A_94 = arith.index_cast %scan3A_86 : i32 to index
        %get3A_95 = arith.constant 16 : index
        %get3A_96 = tpu.vector_load %arg12[%get3A_94, %get3A_95] {strides = array<i32>} : memref<80x128xf32, #tpu.memory_space<vmem>>, vector<1x16xf32>,
        %get3A_97 = vector.shape_cast %get3A_96 : vector<1x16xf32> to vector<16xf32>
        %swap3A_98 = arith.index_cast %scan3A_86 : i32 to index
        %swap3A_99 = arith.constant 16 : index
        %swap3A_100 = tpu.vector_load %arg10[%swap3A_98, %swap3A_99] {strides = array<i32>} : memref<80x128xf32, #tpu.memory_space<vmem>>, vector<1x16xf32>,
        %swap3A_101 = vector.shape_cast %swap3A_100 : vector<1x16xf32> to vector<16xf32>
        %swap3A_102 = vector.shape_cast %get3A_97 : vector<16xf32> to vector<1x16xf32>
        tpu.vector_store %arg10[%swap3A_98, %swap3A_99], %swap3A_102 {add = true, strides = array<i32>} : memref<80x128xf32, #tpu.memory_space<vmem>>, vector<1x16xf32>,
        %get3A_103 = arith.index_cast %scan3A_86 : i32 to index
        %get3A_104 = arith.constant 32 : index
        %get3A_105 = tpu.vector_load %arg12[%get3A_103, %get3A_104] {strides = array<i32>} : memref<80x128xf32, #tpu.memory_space<vmem>>, vector<1x16xf32>,
        %get3A_106 = vector.shape_cast %get3A_105 : vector<1x16xf32> to vector<16xf32>
        %swap3A_107 = arith.index_cast %scan3A_86 : i32 to index
        %swap3A_108 = arith.constant 32 : index
        %swap3A_109 = tpu.vector_load %arg10[%swap3A_107, %swap3A_108] {strides = array<i32>} : memref<80x128xf32, #tpu.memory_space<vmem>>, vector<1x16xf32>,
        %swap3A_110 = vector.shape_cast %swap3A_109 : vector<1x16xf32> to vector<16xf32>
        %swap3A_111 = vector.shape_cast %get3A_106 : vector<16xf32> to vector<1x16xf32>
        tpu.vector_store %arg10[%swap3A_107, %swap3A_108], %swap3A_111 {add = true, strides = array<i32>} : memref<80x128xf32, #tpu.memory_space<vmem>>, vector<1x16xf32>,
        %get3A_112 = arith.index_cast %scan3A_86 : i32 to index
        %get3A_113 = arith.constant 48 : index
        %get3A_114 = tpu.vector_load %arg12[%get3A_112, %get3A_113] {strides = array<i32>} : memref<80x128xf32, #tpu.memory_space<vmem>>, vector<1x16xf32>,
        %get3A_115 = vector.shape_cast %get3A_114 : vector<1x16xf32> to vector<16xf32>
        %swap3A_116 = arith.index_cast %scan3A_86 : i32 to index
        %swap3A_117 = arith.constant 48 : index
        %swap3A_118 = tpu.vector_load %arg10[%swap3A_116, %swap3A_117] {strides = array<i32>} : memref<80x128xf32, #tpu.memory_space<vmem>>, vector<1x16xf32>,
        %swap3A_119 = vector.shape_cast %swap3A_118 : vector<1x16xf32> to vector<16xf32>
        %swap3A_120 = vector.shape_cast %get3A_115 : vector<16xf32> to vector<1x16xf32>
        tpu.vector_store %arg10[%swap3A_116, %swap3A_117], %swap3A_120 {add = true, strides = array<i32>} : memref<80x128xf32, #tpu.memory_space<vmem>>, vector<1x16xf32>,
        %get3A_121 = arith.index_cast %scan3A_86 : i32 to index
        %get3A_122 = arith.constant 64 : index
        %get3A_123 = tpu.vector_load %arg12[%get3A_121, %get3A_122] {strides = array<i32>} : memref<80x128xf32, #tpu.memory_space<vmem>>, vector<1x16xf32>,
        %get3A_124 = vector.shape_cast %get3A_123 : vector<1x16xf32> to vector<16xf32>
        %swap3A_125 = arith.index_cast %scan3A_86 : i32 to index
        %swap3A_126 = arith.constant 64 : index
        %swap3A_127 = tpu.vector_load %arg10[%swap3A_125, %swap3A_126] {strides = array<i32>} : memref<80x128xf32, #tpu.memory_space<vmem>>, vector<1x16xf32>,
        %swap3A_128 = vector.shape_cast %swap3A_127 : vector<1x16xf32> to vector<16xf32>
        %swap3A_129 = vector.shape_cast %get3A_124 : vector<16xf32> to vector<1x16xf32>
        tpu.vector_store %arg10[%swap3A_125, %swap3A_126], %swap3A_129 {add = true, strides = array<i32>} : memref<80x128xf32, #tpu.memory_space<vmem>>, vector<1x16xf32>,
        %get3A_130 = arith.index_cast %scan3A_86 : i32 to index
        %get3A_131 = arith.constant 80 : index
        %get3A_132 = tpu.vector_load %arg12[%get3A_130, %get3A_131] {strides = array<i32>} : memref<80x128xf32, #tpu.memory_space<vmem>>, vector<1x16xf32>,
        %get3A_133 = vector.shape_cast %get3A_132 : vector<1x16xf32> to vector<16xf32>
        %swap3A_134 = arith.index_cast %scan3A_86 : i32 to index
        %swap3A_135 = arith.constant 80 : index
        %swap3A_136 = tpu.vector_load %arg10[%swap3A_134, %swap3A_135] {strides = array<i32>} : memref<80x128xf32, #tpu.memory_space<vmem>>, vector<1x16xf32>,
        %swap3A_137 = vector.shape_cast %swap3A_136 : vector<1x16xf32> to vector<16xf32>
        %swap3A_138 = vector.shape_cast %get3A_133 : vector<16xf32> to vector<1x16xf32>
        tpu.vector_store %arg10[%swap3A_134, %swap3A_135], %swap3A_138 {add = true, strides = array<i32>} : memref<80x128xf32, #tpu.memory_space<vmem>>, vector<1x16xf32>,
        %get3A_139 = arith.index_cast %scan3A_86 : i32 to index
        %get3A_140 = arith.constant 96 : index
        %get3A_141 = tpu.vector_load %arg12[%get3A_139, %get3A_140] {strides = array<i32>} : memref<80x128xf32, #tpu.memory_space<vmem>>, vector<1x16xf32>,
        %get3A_142 = vector.shape_cast %get3A_141 : vector<1x16xf32> to vector<16xf32>
        %swap3A_143 = arith.index_cast %scan3A_86 : i32 to index
        %swap3A_144 = arith.constant 96 : index
        %swap3A_145 = tpu.vector_load %arg10[%swap3A_143, %swap3A_144] {strides = array<i32>} : memref<80x128xf32, #tpu.memory_space<vmem>>, vector<1x16xf32>,
        %swap3A_146 = vector.shape_cast %swap3A_145 : vector<1x16xf32> to vector<16xf32>
        %swap3A_147 = vector.shape_cast %get3A_142 : vector<16xf32> to vector<1x16xf32>
        tpu.vector_store %arg10[%swap3A_143, %swap3A_144], %swap3A_147 {add = true, strides = array<i32>} : memref<80x128xf32, #tpu.memory_space<vmem>>, vector<1x16xf32>,
        %get3A_148 = arith.index_cast %scan3A_86 : i32 to index
        %get3A_149 = arith.constant 112 : index
        %get3A_150 = tpu.vector_load %arg12[%get3A_148, %get3A_149] {strides = array<i32>} : memref<80x128xf32, #tpu.memory_space<vmem>>, vector<1x16xf32>,
        %get3A_151 = vector.shape_cast %get3A_150 : vector<1x16xf32> to vector<16xf32>
        %swap3A_152 = arith.index_cast %scan3A_86 : i32 to index
        %swap3A_153 = arith.constant 112 : index
        %swap3A_154 = tpu.vector_load %arg10[%swap3A_152, %swap3A_153] {strides = array<i32>} : memref<80x128xf32, #tpu.memory_space<vmem>>, vector<1x16xf32>,
        %swap3A_155 = vector.shape_cast %swap3A_154 : vector<1x16xf32> to vector<16xf32>
        %swap3A_156 = vector.shape_cast %get3A_151 : vector<16xf32> to vector<1x16xf32>
        tpu.vector_store %arg10[%swap3A_152, %swap3A_153], %swap3A_156 {add = true, strides = array<i32>} : memref<80x128xf32, #tpu.memory_space<vmem>>, vector<1x16xf32>,
      }
      %scan3A_75 = arith.constant 80 : i32
      %mul3A_76 = arith.constant 80 : i32
      %mul3A_77 = arith.muli %add3A_57, %mul3A_76 : i32
      %add3A_78 = arith.addi %mul3A_2, %mul3A_77 : i32
      "tpu.region"() ({
        %run_scoped3A = tpu.sem_alloc : memref<!tpu.dma_semaphore, #tpu.memory_space<semaphore_mem>>
        %dma_start3A_86 = arith.constant 0 : i32
        %dma_start3A_87 = tpu.memref_slice %arg6[%add3A_78, %dma_start3A_86] : memref<25600x128xf32, #tpu.memory_space<hbm>> -> memref<80x128xf32, #tpu.memory_space<hbm>>
        %dma_start3A_88 = arith.constant 0 : i32
        %dma_start3A_89 = tpu.memref_slice %arg6[%add3A_78, %dma_start3A_88] : memref<25600x128xf32, #tpu.memory_space<hbm>> -> memref<80x128xf32, #tpu.memory_space<hbm>>
        tpu.enqueue_dma source(%arg10 : memref<80x128xf32, #tpu.memory_space<vmem>>) target(%dma_start3A_89 : memref<80x128xf32, #tpu.memory_space<hbm>>) target_semaphore(%run_scoped3A : memref<!tpu.dma_semaphore, #tpu.memory_space<semaphore_mem>>)
        %dma_wait3A_90 = arith.constant 0 : i32
        %dma_wait3A_91 = tpu.memref_slice %arg6[%add3A_78, %dma_wait3A_90] : memref<25600x128xf32, #tpu.memory_space<hbm>> -> memref<80x128xf32, #tpu.memory_space<hbm>>
        %dma_wait3A_92 = arith.constant 0 : i32
        %dma_wait3A_93 = tpu.memref_slice %arg6[%add3A_78, %dma_wait3A_92] : memref<25600x128xf32, #tpu.memory_space<hbm>> -> memref<80x128xf32, #tpu.memory_space<hbm>>
        tpu.wait_dma2 semaphore(%run_scoped3A : memref<!tpu.dma_semaphore, #tpu.memory_space<semaphore_mem>>) src(%arg10 : memref<80x128xf32, #tpu.memory_space<vmem>>) dst(%dma_wait3A_93 : memref<80x128xf32, #tpu.memory_space<hbm>>)
        tpu.yield
      }) : () -> ()
      %add3A_79 = arith.constant 2 : i32
      %add3A_80 = arith.addi %add3A_57, %add3A_79 : i32
      %lt3A_81 = arith.constant 10 : i32
      %lt3A_82 = arith.cmpi slt, %add3A_80, %lt3A_81 : i32
      %convert_element_type3A_83 = arith.extui %lt3A_82 : i1 to i32
      %cond3A_84 = arith.constant 0 : i32
      %cond3A_85 = arith.cmpi ne, %convert_element_type3A_83, %cond3A_84 : i32
      scf.if %cond3A_85 {
        %add3A_86 = arith.constant 2 : i32
        %add3A_87 = arith.addi %add3A_57, %add3A_86 : i32
        %mul3A_88 = arith.constant 80 : i32
        %mul3A_89 = arith.muli %add3A_87, %mul3A_88 : i32
        %dma_start3A_90 = tpu.memref_slice %arg7[%mul3A_89] : memref<800xi32, #tpu.memory_space<vmem>> -> memref<80xi32, #tpu.memory_space<vmem>>
        %dma_start3A_91 = arith.constant 0 : i32
        %dma_start3A_92 = arith.constant 0 : i32
        %dma_start3A_93 = tpu.memref_slice %arg2[%dma_start3A_91, %dma_start3A_92] : memref<10000x128xf32, #tpu.memory_space<hbm>> -> memref<10000x128xf32, #tpu.memory_space<hbm>>
        tpu.enqueue_indirect_dma source(%dma_start3A_93 : memref<10000x128xf32, #tpu.memory_space<hbm>>) target(%arg10 : memref<80x128xf32, #tpu.memory_space<vmem>>) offsets(%dma_start3A_90 : memref<80xi32, #tpu.memory_space<vmem>>) semaphore(%arg14 : memref<!tpu.dma_semaphore, #tpu.memory_space<semaphore_mem>>)
        %dma_start3A_94 = tpu.memref_slice %arg8[%mul3A_89] : memref<800xi32, #tpu.memory_space<vmem>> -> memref<80xi32, #tpu.memory_space<vmem>>
        %dma_start3A_95 = arith.constant 0 : i32
        %dma_start3A_96 = arith.constant 0 : i32
        %dma_start3A_97 = tpu.memref_slice %arg3[%dma_start3A_95, %dma_start3A_96] : memref<10000x128xf32, #tpu.memory_space<hbm>> -> memref<10000x128xf32, #tpu.memory_space<hbm>>
        tpu.enqueue_indirect_dma source(%dma_start3A_97 : memref<10000x128xf32, #tpu.memory_space<hbm>>) target(%arg12 : memref<80x128xf32, #tpu.memory_space<vmem>>) offsets(%dma_start3A_94 : memref<80xi32, #tpu.memory_space<vmem>>) semaphore(%arg14 : memref<!tpu.dma_semaphore, #tpu.memory_space<semaphore_mem>>)
      } else {
      }
    }
    %scan3A_26 = arith.constant 5 : i32
    return
  }
}

#map = affine_map<(d0, d1) -> (0, 0)>
#map1 = affine_map<(d0, d1) -> (0)>
module attributes {stable_mosaic.version = 14 : i64} {
  func.func @k(%arg0: i32, %arg1: i32, %arg2: memref<10000x128xf32, #tpu.memory_space<hbm>>, %arg3: memref<10000x128xf32, #tpu.memory_space<hbm>>, %arg4: memref<64000xi32, #tpu.memory_space<hbm>>, %arg5: memref<64000xi32, #tpu.memory_space<hbm>>, %arg6: memref<64000x128xf32, #tpu.memory_space<hbm>>, %arg7: memref<2000xi32, #tpu.memory_space<vmem>>, %arg8: memref<2000xi32, #tpu.memory_space<vmem>>, %arg9: memref<80x128xf32, #tpu.memory_space<vmem>>, %arg10: memref<80x128xf32, #tpu.memory_space<vmem>>, %arg11: memref<80x128xf32, #tpu.memory_space<vmem>>, %arg12: memref<80x128xf32, #tpu.memory_space<vmem>>, %arg13: memref<!tpu.dma_semaphore, #tpu.memory_space<semaphore_mem>>, %arg14: memref<!tpu.dma_semaphore, #tpu.memory_space<semaphore_mem>>) attributes {dimension_semantics = [#tpu.dimension_semantics<core_parallel>, #tpu.dimension_semantics<subcore_parallel>], iteration_bounds = array<i64: 2, 16>, scalar_prefetch = 0 : i64, scratch_operands = 8 : i64, tpu.core_type = #tpu.core_type<sc_vector_subcore>, window_params = [{transform_indices = #map}, {transform_indices = #map}, {transform_indices = #map1}, {transform_indices = #map1}, {transform_indices = #map}]} {
    %mul3A = arith.constant 2 : i32
    %mul3A_0 = arith.muli %arg1, %mul3A : i32
    %add3A = arith.addi %mul3A_0, %arg0 : i32
    %mul3A_1 = arith.constant 2000 : i32
    %mul3A_2 = arith.muli %add3A, %mul3A_1 : i32
    "tpu.region"() ({
      %run_scoped3A = tpu.sem_alloc : memref<!tpu.dma_semaphore, #tpu.memory_space<semaphore_mem>>
      %dma_start3A_46 = tpu.memref_slice %arg4[%mul3A_2] : memref<64000xi32, #tpu.memory_space<hbm>> -> memref<2000xi32, #tpu.memory_space<hbm>>
      %dma_start3A_47 = tpu.memref_slice %arg4[%mul3A_2] : memref<64000xi32, #tpu.memory_space<hbm>> -> memref<2000xi32, #tpu.memory_space<hbm>>
      tpu.enqueue_dma source(%dma_start3A_47 : memref<2000xi32, #tpu.memory_space<hbm>>) target(%arg7 : memref<2000xi32, #tpu.memory_space<vmem>>) target_semaphore(%run_scoped3A : memref<!tpu.dma_semaphore, #tpu.memory_space<semaphore_mem>>)
      %dma_wait3A_48 = tpu.memref_slice %arg4[%mul3A_2] : memref<64000xi32, #tpu.memory_space<hbm>> -> memref<2000xi32, #tpu.memory_space<hbm>>
      %dma_wait3A_49 = tpu.memref_slice %arg4[%mul3A_2] : memref<64000xi32, #tpu.memory_space<hbm>> -> memref<2000xi32, #tpu.memory_space<hbm>>
      tpu.wait_dma2 semaphore(%run_scoped3A : memref<!tpu.dma_semaphore, #tpu.memory_space<semaphore_mem>>) src(%dma_wait3A_49 : memref<2000xi32, #tpu.memory_space<hbm>>) dst(%arg7 : memref<2000xi32, #tpu.memory_space<vmem>>)
      tpu.yield
    }) : () -> ()
    "tpu.region"() ({
      %run_scoped3A = tpu.sem_alloc : memref<!tpu.dma_semaphore, #tpu.memory_space<semaphore_mem>>
      %dma_start3A_46 = tpu.memref_slice %arg5[%mul3A_2] : memref<64000xi32, #tpu.memory_space<hbm>> -> memref<2000xi32, #tpu.memory_space<hbm>>
      %dma_start3A_47 = tpu.memref_slice %arg5[%mul3A_2] : memref<64000xi32, #tpu.memory_space<hbm>> -> memref<2000xi32, #tpu.memory_space<hbm>>
      tpu.enqueue_dma source(%dma_start3A_47 : memref<2000xi32, #tpu.memory_space<hbm>>) target(%arg8 : memref<2000xi32, #tpu.memory_space<vmem>>) target_semaphore(%run_scoped3A : memref<!tpu.dma_semaphore, #tpu.memory_space<semaphore_mem>>)
      %dma_wait3A_48 = tpu.memref_slice %arg5[%mul3A_2] : memref<64000xi32, #tpu.memory_space<hbm>> -> memref<2000xi32, #tpu.memory_space<hbm>>
      %dma_wait3A_49 = tpu.memref_slice %arg5[%mul3A_2] : memref<64000xi32, #tpu.memory_space<hbm>> -> memref<2000xi32, #tpu.memory_space<hbm>>
      tpu.wait_dma2 semaphore(%run_scoped3A : memref<!tpu.dma_semaphore, #tpu.memory_space<semaphore_mem>>) src(%dma_wait3A_49 : memref<2000xi32, #tpu.memory_space<hbm>>) dst(%arg8 : memref<2000xi32, #tpu.memory_space<vmem>>)
      tpu.yield
    }) : () -> ()
    %dma_start3A = arith.constant 0 : i32
    %dma_start3A_3 = tpu.memref_slice %arg7[%dma_start3A] : memref<2000xi32, #tpu.memory_space<vmem>> -> memref<80xi32, #tpu.memory_space<vmem>>
    %dma_start3A_4 = arith.constant 0 : i32
    %dma_start3A_5 = arith.constant 0 : i32
    %dma_start3A_6 = tpu.memref_slice %arg2[%dma_start3A_4, %dma_start3A_5] : memref<10000x128xf32, #tpu.memory_space<hbm>> -> memref<10000x128xf32, #tpu.memory_space<hbm>>
    tpu.enqueue_indirect_dma source(%dma_start3A_6 : memref<10000x128xf32, #tpu.memory_space<hbm>>) target(%arg9 : memref<80x128xf32, #tpu.memory_space<vmem>>) offsets(%dma_start3A_3 : memref<80xi32, #tpu.memory_space<vmem>>) semaphore(%arg13 : memref<!tpu.dma_semaphore, #tpu.memory_space<semaphore_mem>>)
    %dma_start3A_7 = arith.constant 0 : i32
    %dma_start3A_8 = tpu.memref_slice %arg8[%dma_start3A_7] : memref<2000xi32, #tpu.memory_space<vmem>> -> memref<80xi32, #tpu.memory_space<vmem>>
    %dma_start3A_9 = arith.constant 0 : i32
    %dma_start3A_10 = arith.constant 0 : i32
    %dma_start3A_11 = tpu.memref_slice %arg3[%dma_start3A_9, %dma_start3A_10] : memref<10000x128xf32, #tpu.memory_space<hbm>> -> memref<10000x128xf32, #tpu.memory_space<hbm>>
    tpu.enqueue_indirect_dma source(%dma_start3A_11 : memref<10000x128xf32, #tpu.memory_space<hbm>>) target(%arg11 : memref<80x128xf32, #tpu.memory_space<vmem>>) offsets(%dma_start3A_8 : memref<80xi32, #tpu.memory_space<vmem>>) semaphore(%arg13 : memref<!tpu.dma_semaphore, #tpu.memory_space<semaphore_mem>>)
    %dma_start3A_12 = arith.constant 80 : i32
    %dma_start3A_13 = tpu.memref_slice %arg7[%dma_start3A_12] : memref<2000xi32, #tpu.memory_space<vmem>> -> memref<80xi32, #tpu.memory_space<vmem>>
    %dma_start3A_14 = arith.constant 0 : i32
    %dma_start3A_15 = arith.constant 0 : i32
    %dma_start3A_16 = tpu.memref_slice %arg2[%dma_start3A_14, %dma_start3A_15] : memref<10000x128xf32, #tpu.memory_space<hbm>> -> memref<10000x128xf32, #tpu.memory_space<hbm>>
    tpu.enqueue_indirect_dma source(%dma_start3A_16 : memref<10000x128xf32, #tpu.memory_space<hbm>>) target(%arg10 : memref<80x128xf32, #tpu.memory_space<vmem>>) offsets(%dma_start3A_13 : memref<80xi32, #tpu.memory_space<vmem>>) semaphore(%arg14 : memref<!tpu.dma_semaphore, #tpu.memory_space<semaphore_mem>>)
    %dma_start3A_17 = arith.constant 80 : i32
    %dma_start3A_18 = tpu.memref_slice %arg8[%dma_start3A_17] : memref<2000xi32, #tpu.memory_space<vmem>> -> memref<80xi32, #tpu.memory_space<vmem>>
    %dma_start3A_19 = arith.constant 0 : i32
    %dma_start3A_20 = arith.constant 0 : i32
    %dma_start3A_21 = tpu.memref_slice %arg3[%dma_start3A_19, %dma_start3A_20] : memref<10000x128xf32, #tpu.memory_space<hbm>> -> memref<10000x128xf32, #tpu.memory_space<hbm>>
    tpu.enqueue_indirect_dma source(%dma_start3A_21 : memref<10000x128xf32, #tpu.memory_space<hbm>>) target(%arg12 : memref<80x128xf32, #tpu.memory_space<vmem>>) offsets(%dma_start3A_18 : memref<80xi32, #tpu.memory_space<vmem>>) semaphore(%arg14 : memref<!tpu.dma_semaphore, #tpu.memory_space<semaphore_mem>>)
    %scan3A = arith.constant 0 : i32
    %scan3A_22 = arith.constant 0 : i32
    %scan3A_23 = arith.constant 12 : i32
    %scan3A_24 = arith.addi %scan3A_22, %scan3A_23 : i32
    %scan3A_25 = arith.constant 1 : i32
    scf.for %scan3A_46 = %scan3A_22 to %scan3A_24 step %scan3A_25  : i32 {
      %mul3A_47 = arith.constant 2 : i32
      %mul3A_48 = arith.muli %mul3A_47, %scan3A_46 : i32
      %dma_wait3A_49 = arith.constant 0 : i32
      %dma_wait3A_50 = arith.constant 0 : i32
      %dma_wait3A_51 = tpu.memref_slice %arg2[%dma_wait3A_49, %dma_wait3A_50] : memref<10000x128xf32, #tpu.memory_space<hbm>> -> memref<80x128xf32, #tpu.memory_space<hbm>>
      %dma_wait3A_52 = arith.constant 0 : i32
      %dma_wait3A_53 = arith.constant 0 : i32
      %dma_wait3A_54 = tpu.memref_slice %arg2[%dma_wait3A_52, %dma_wait3A_53] : memref<10000x128xf32, #tpu.memory_space<hbm>> -> memref<80x128xf32, #tpu.memory_space<hbm>>
      tpu.wait_dma2 semaphore(%arg13 : memref<!tpu.dma_semaphore, #tpu.memory_space<semaphore_mem>>) src(%dma_wait3A_54 : memref<80x128xf32, #tpu.memory_space<hbm>>) dst(%arg9 : memref<80x128xf32, #tpu.memory_space<vmem>>)
      %dma_wait3A_55 = arith.constant 0 : i32
      %dma_wait3A_56 = arith.constant 0 : i32
      %dma_wait3A_57 = tpu.memref_slice %arg3[%dma_wait3A_55, %dma_wait3A_56] : memref<10000x128xf32, #tpu.memory_space<hbm>> -> memref<80x128xf32, #tpu.memory_space<hbm>>
      %dma_wait3A_58 = arith.constant 0 : i32
      %dma_wait3A_59 = arith.constant 0 : i32
      %dma_wait3A_60 = tpu.memref_slice %arg3[%dma_wait3A_58, %dma_wait3A_59] : memref<10000x128xf32, #tpu.memory_space<hbm>> -> memref<80x128xf32, #tpu.memory_space<hbm>>
      tpu.wait_dma2 semaphore(%arg13 : memref<!tpu.dma_semaphore, #tpu.memory_space<semaphore_mem>>) src(%dma_wait3A_60 : memref<80x128xf32, #tpu.memory_space<hbm>>) dst(%arg11 : memref<80x128xf32, #tpu.memory_space<vmem>>)
      %scan3A_61 = arith.constant 0 : i32
      %scan3A_62 = arith.constant 0 : i32
      %scan3A_63 = arith.constant 80 : i32
      %scan3A_64 = arith.addi %scan3A_62, %scan3A_63 : i32
      %scan3A_65 = arith.constant 1 : i32
      scf.for %scan3A_106 = %scan3A_62 to %scan3A_64 step %scan3A_65  : i32 {
        %get3A = arith.index_cast %scan3A_106 : i32 to index
        %get3A_107 = arith.constant 0 : index
        %get3A_108 = tpu.vector_load %arg11[%get3A, %get3A_107] {strides = array<i32>} : memref<80x128xf32, #tpu.memory_space<vmem>>, vector<1x16xf32>,
        %get3A_109 = vector.shape_cast %get3A_108 : vector<1x16xf32> to vector<16xf32>
        %swap3A = arith.index_cast %scan3A_106 : i32 to index
        %swap3A_110 = arith.constant 0 : index
        %swap3A_111 = tpu.vector_load %arg9[%swap3A, %swap3A_110] {strides = array<i32>} : memref<80x128xf32, #tpu.memory_space<vmem>>, vector<1x16xf32>,
        %swap3A_112 = vector.shape_cast %swap3A_111 : vector<1x16xf32> to vector<16xf32>
        %swap3A_113 = vector.shape_cast %get3A_109 : vector<16xf32> to vector<1x16xf32>
        tpu.vector_store %arg9[%swap3A, %swap3A_110], %swap3A_113 {add = true, strides = array<i32>} : memref<80x128xf32, #tpu.memory_space<vmem>>, vector<1x16xf32>,
        %get3A_114 = arith.index_cast %scan3A_106 : i32 to index
        %get3A_115 = arith.constant 16 : index
        %get3A_116 = tpu.vector_load %arg11[%get3A_114, %get3A_115] {strides = array<i32>} : memref<80x128xf32, #tpu.memory_space<vmem>>, vector<1x16xf32>,
        %get3A_117 = vector.shape_cast %get3A_116 : vector<1x16xf32> to vector<16xf32>
        %swap3A_118 = arith.index_cast %scan3A_106 : i32 to index
        %swap3A_119 = arith.constant 16 : index
        %swap3A_120 = tpu.vector_load %arg9[%swap3A_118, %swap3A_119] {strides = array<i32>} : memref<80x128xf32, #tpu.memory_space<vmem>>, vector<1x16xf32>,
        %swap3A_121 = vector.shape_cast %swap3A_120 : vector<1x16xf32> to vector<16xf32>
        %swap3A_122 = vector.shape_cast %get3A_117 : vector<16xf32> to vector<1x16xf32>
        tpu.vector_store %arg9[%swap3A_118, %swap3A_119], %swap3A_122 {add = true, strides = array<i32>} : memref<80x128xf32, #tpu.memory_space<vmem>>, vector<1x16xf32>,
        %get3A_123 = arith.index_cast %scan3A_106 : i32 to index
        %get3A_124 = arith.constant 32 : index
        %get3A_125 = tpu.vector_load %arg11[%get3A_123, %get3A_124] {strides = array<i32>} : memref<80x128xf32, #tpu.memory_space<vmem>>, vector<1x16xf32>,
        %get3A_126 = vector.shape_cast %get3A_125 : vector<1x16xf32> to vector<16xf32>
        %swap3A_127 = arith.index_cast %scan3A_106 : i32 to index
        %swap3A_128 = arith.constant 32 : index
        %swap3A_129 = tpu.vector_load %arg9[%swap3A_127, %swap3A_128] {strides = array<i32>} : memref<80x128xf32, #tpu.memory_space<vmem>>, vector<1x16xf32>,
        %swap3A_130 = vector.shape_cast %swap3A_129 : vector<1x16xf32> to vector<16xf32>
        %swap3A_131 = vector.shape_cast %get3A_126 : vector<16xf32> to vector<1x16xf32>
        tpu.vector_store %arg9[%swap3A_127, %swap3A_128], %swap3A_131 {add = true, strides = array<i32>} : memref<80x128xf32, #tpu.memory_space<vmem>>, vector<1x16xf32>,
        %get3A_132 = arith.index_cast %scan3A_106 : i32 to index
        %get3A_133 = arith.constant 48 : index
        %get3A_134 = tpu.vector_load %arg11[%get3A_132, %get3A_133] {strides = array<i32>} : memref<80x128xf32, #tpu.memory_space<vmem>>, vector<1x16xf32>,
        %get3A_135 = vector.shape_cast %get3A_134 : vector<1x16xf32> to vector<16xf32>
        %swap3A_136 = arith.index_cast %scan3A_106 : i32 to index
        %swap3A_137 = arith.constant 48 : index
        %swap3A_138 = tpu.vector_load %arg9[%swap3A_136, %swap3A_137] {strides = array<i32>} : memref<80x128xf32, #tpu.memory_space<vmem>>, vector<1x16xf32>,
        %swap3A_139 = vector.shape_cast %swap3A_138 : vector<1x16xf32> to vector<16xf32>
        %swap3A_140 = vector.shape_cast %get3A_135 : vector<16xf32> to vector<1x16xf32>
        tpu.vector_store %arg9[%swap3A_136, %swap3A_137], %swap3A_140 {add = true, strides = array<i32>} : memref<80x128xf32, #tpu.memory_space<vmem>>, vector<1x16xf32>,
        %get3A_141 = arith.index_cast %scan3A_106 : i32 to index
        %get3A_142 = arith.constant 64 : index
        %get3A_143 = tpu.vector_load %arg11[%get3A_141, %get3A_142] {strides = array<i32>} : memref<80x128xf32, #tpu.memory_space<vmem>>, vector<1x16xf32>,
        %get3A_144 = vector.shape_cast %get3A_143 : vector<1x16xf32> to vector<16xf32>
        %swap3A_145 = arith.index_cast %scan3A_106 : i32 to index
        %swap3A_146 = arith.constant 64 : index
        %swap3A_147 = tpu.vector_load %arg9[%swap3A_145, %swap3A_146] {strides = array<i32>} : memref<80x128xf32, #tpu.memory_space<vmem>>, vector<1x16xf32>,
        %swap3A_148 = vector.shape_cast %swap3A_147 : vector<1x16xf32> to vector<16xf32>
        %swap3A_149 = vector.shape_cast %get3A_144 : vector<16xf32> to vector<1x16xf32>
        tpu.vector_store %arg9[%swap3A_145, %swap3A_146], %swap3A_149 {add = true, strides = array<i32>} : memref<80x128xf32, #tpu.memory_space<vmem>>, vector<1x16xf32>,
        %get3A_150 = arith.index_cast %scan3A_106 : i32 to index
        %get3A_151 = arith.constant 80 : index
        %get3A_152 = tpu.vector_load %arg11[%get3A_150, %get3A_151] {strides = array<i32>} : memref<80x128xf32, #tpu.memory_space<vmem>>, vector<1x16xf32>,
        %get3A_153 = vector.shape_cast %get3A_152 : vector<1x16xf32> to vector<16xf32>
        %swap3A_154 = arith.index_cast %scan3A_106 : i32 to index
        %swap3A_155 = arith.constant 80 : index
        %swap3A_156 = tpu.vector_load %arg9[%swap3A_154, %swap3A_155] {strides = array<i32>} : memref<80x128xf32, #tpu.memory_space<vmem>>, vector<1x16xf32>,
        %swap3A_157 = vector.shape_cast %swap3A_156 : vector<1x16xf32> to vector<16xf32>
        %swap3A_158 = vector.shape_cast %get3A_153 : vector<16xf32> to vector<1x16xf32>
        tpu.vector_store %arg9[%swap3A_154, %swap3A_155], %swap3A_158 {add = true, strides = array<i32>} : memref<80x128xf32, #tpu.memory_space<vmem>>, vector<1x16xf32>,
        %get3A_159 = arith.index_cast %scan3A_106 : i32 to index
        %get3A_160 = arith.constant 96 : index
        %get3A_161 = tpu.vector_load %arg11[%get3A_159, %get3A_160] {strides = array<i32>} : memref<80x128xf32, #tpu.memory_space<vmem>>, vector<1x16xf32>,
        %get3A_162 = vector.shape_cast %get3A_161 : vector<1x16xf32> to vector<16xf32>
        %swap3A_163 = arith.index_cast %scan3A_106 : i32 to index
        %swap3A_164 = arith.constant 96 : index
        %swap3A_165 = tpu.vector_load %arg9[%swap3A_163, %swap3A_164] {strides = array<i32>} : memref<80x128xf32, #tpu.memory_space<vmem>>, vector<1x16xf32>,
        %swap3A_166 = vector.shape_cast %swap3A_165 : vector<1x16xf32> to vector<16xf32>
        %swap3A_167 = vector.shape_cast %get3A_162 : vector<16xf32> to vector<1x16xf32>
        tpu.vector_store %arg9[%swap3A_163, %swap3A_164], %swap3A_167 {add = true, strides = array<i32>} : memref<80x128xf32, #tpu.memory_space<vmem>>, vector<1x16xf32>,
        %get3A_168 = arith.index_cast %scan3A_106 : i32 to index
        %get3A_169 = arith.constant 112 : index
        %get3A_170 = tpu.vector_load %arg11[%get3A_168, %get3A_169] {strides = array<i32>} : memref<80x128xf32, #tpu.memory_space<vmem>>, vector<1x16xf32>,
        %get3A_171 = vector.shape_cast %get3A_170 : vector<1x16xf32> to vector<16xf32>
        %swap3A_172 = arith.index_cast %scan3A_106 : i32 to index
        %swap3A_173 = arith.constant 112 : index
        %swap3A_174 = tpu.vector_load %arg9[%swap3A_172, %swap3A_173] {strides = array<i32>} : memref<80x128xf32, #tpu.memory_space<vmem>>, vector<1x16xf32>,
        %swap3A_175 = vector.shape_cast %swap3A_174 : vector<1x16xf32> to vector<16xf32>
        %swap3A_176 = vector.shape_cast %get3A_171 : vector<16xf32> to vector<1x16xf32>
        tpu.vector_store %arg9[%swap3A_172, %swap3A_173], %swap3A_176 {add = true, strides = array<i32>} : memref<80x128xf32, #tpu.memory_space<vmem>>, vector<1x16xf32>,
      }
      %scan3A_66 = arith.constant 80 : i32
      %mul3A_67 = arith.constant 80 : i32
      %mul3A_68 = arith.muli %mul3A_48, %mul3A_67 : i32
      %add3A_69 = arith.addi %mul3A_2, %mul3A_68 : i32
      "tpu.region"() ({
        %run_scoped3A = tpu.sem_alloc : memref<!tpu.dma_semaphore, #tpu.memory_space<semaphore_mem>>
        %dma_start3A_106 = arith.constant 0 : i32
        %dma_start3A_107 = tpu.memref_slice %arg6[%add3A_69, %dma_start3A_106] : memref<64000x128xf32, #tpu.memory_space<hbm>> -> memref<80x128xf32, #tpu.memory_space<hbm>>
        %dma_start3A_108 = arith.constant 0 : i32
        %dma_start3A_109 = tpu.memref_slice %arg6[%add3A_69, %dma_start3A_108] : memref<64000x128xf32, #tpu.memory_space<hbm>> -> memref<80x128xf32, #tpu.memory_space<hbm>>
        tpu.enqueue_dma source(%arg9 : memref<80x128xf32, #tpu.memory_space<vmem>>) target(%dma_start3A_109 : memref<80x128xf32, #tpu.memory_space<hbm>>) target_semaphore(%run_scoped3A : memref<!tpu.dma_semaphore, #tpu.memory_space<semaphore_mem>>)
        %dma_wait3A_110 = arith.constant 0 : i32
        %dma_wait3A_111 = tpu.memref_slice %arg6[%add3A_69, %dma_wait3A_110] : memref<64000x128xf32, #tpu.memory_space<hbm>> -> memref<80x128xf32, #tpu.memory_space<hbm>>
        %dma_wait3A_112 = arith.constant 0 : i32
        %dma_wait3A_113 = tpu.memref_slice %arg6[%add3A_69, %dma_wait3A_112] : memref<64000x128xf32, #tpu.memory_space<hbm>> -> memref<80x128xf32, #tpu.memory_space<hbm>>
        tpu.wait_dma2 semaphore(%run_scoped3A : memref<!tpu.dma_semaphore, #tpu.memory_space<semaphore_mem>>) src(%arg9 : memref<80x128xf32, #tpu.memory_space<vmem>>) dst(%dma_wait3A_113 : memref<80x128xf32, #tpu.memory_space<hbm>>)
        tpu.yield
      }) : () -> ()
      %add3A_70 = arith.constant 2 : i32
      %add3A_71 = arith.addi %mul3A_48, %add3A_70 : i32
      %lt3A = arith.constant 25 : i32
      %lt3A_72 = arith.cmpi slt, %add3A_71, %lt3A : i32
      %convert_element_type3A = arith.extui %lt3A_72 : i1 to i32
      %cond3A = arith.constant 0 : i32
      %cond3A_73 = arith.cmpi ne, %convert_element_type3A, %cond3A : i32
      scf.if %cond3A_73 {
        %add3A_106 = arith.constant 2 : i32
        %add3A_107 = arith.addi %mul3A_48, %add3A_106 : i32
        %mul3A_108 = arith.constant 80 : i32
        %mul3A_109 = arith.muli %add3A_107, %mul3A_108 : i32
        %dma_start3A_110 = tpu.memref_slice %arg7[%mul3A_109] : memref<2000xi32, #tpu.memory_space<vmem>> -> memref<80xi32, #tpu.memory_space<vmem>>
        %dma_start3A_111 = arith.constant 0 : i32
        %dma_start3A_112 = arith.constant 0 : i32
        %dma_start3A_113 = tpu.memref_slice %arg2[%dma_start3A_111, %dma_start3A_112] : memref<10000x128xf32, #tpu.memory_space<hbm>> -> memref<10000x128xf32, #tpu.memory_space<hbm>>
        tpu.enqueue_indirect_dma source(%dma_start3A_113 : memref<10000x128xf32, #tpu.memory_space<hbm>>) target(%arg9 : memref<80x128xf32, #tpu.memory_space<vmem>>) offsets(%dma_start3A_110 : memref<80xi32, #tpu.memory_space<vmem>>) semaphore(%arg13 : memref<!tpu.dma_semaphore, #tpu.memory_space<semaphore_mem>>)
        %dma_start3A_114 = tpu.memref_slice %arg8[%mul3A_109] : memref<2000xi32, #tpu.memory_space<vmem>> -> memref<80xi32, #tpu.memory_space<vmem>>
        %dma_start3A_115 = arith.constant 0 : i32
        %dma_start3A_116 = arith.constant 0 : i32
        %dma_start3A_117 = tpu.memref_slice %arg3[%dma_start3A_115, %dma_start3A_116] : memref<10000x128xf32, #tpu.memory_space<hbm>> -> memref<10000x128xf32, #tpu.memory_space<hbm>>
        tpu.enqueue_indirect_dma source(%dma_start3A_117 : memref<10000x128xf32, #tpu.memory_space<hbm>>) target(%arg11 : memref<80x128xf32, #tpu.memory_space<vmem>>) offsets(%dma_start3A_114 : memref<80xi32, #tpu.memory_space<vmem>>) semaphore(%arg13 : memref<!tpu.dma_semaphore, #tpu.memory_space<semaphore_mem>>)
      } else {
      }
      %mul3A_74 = arith.constant 2 : i32
      %mul3A_75 = arith.muli %mul3A_74, %scan3A_46 : i32
      %add3A_76 = arith.constant 1 : i32
      %add3A_77 = arith.addi %mul3A_75, %add3A_76 : i32
      %dma_wait3A_78 = arith.constant 0 : i32
      %dma_wait3A_79 = arith.constant 0 : i32
      %dma_wait3A_80 = tpu.memref_slice %arg2[%dma_wait3A_78, %dma_wait3A_79] : memref<10000x128xf32, #tpu.memory_space<hbm>> -> memref<80x128xf32, #tpu.memory_space<hbm>>
      %dma_wait3A_81 = arith.constant 0 : i32
      %dma_wait3A_82 = arith.constant 0 : i32
      %dma_wait3A_83 = tpu.memref_slice %arg2[%dma_wait3A_81, %dma_wait3A_82] : memref<10000x128xf32, #tpu.memory_space<hbm>> -> memref<80x128xf32, #tpu.memory_space<hbm>>
      tpu.wait_dma2 semaphore(%arg14 : memref<!tpu.dma_semaphore, #tpu.memory_space<semaphore_mem>>) src(%dma_wait3A_83 : memref<80x128xf32, #tpu.memory_space<hbm>>) dst(%arg10 : memref<80x128xf32, #tpu.memory_space<vmem>>)
      %dma_wait3A_84 = arith.constant 0 : i32
      %dma_wait3A_85 = arith.constant 0 : i32
      %dma_wait3A_86 = tpu.memref_slice %arg3[%dma_wait3A_84, %dma_wait3A_85] : memref<10000x128xf32, #tpu.memory_space<hbm>> -> memref<80x128xf32, #tpu.memory_space<hbm>>
      %dma_wait3A_87 = arith.constant 0 : i32
      %dma_wait3A_88 = arith.constant 0 : i32
      %dma_wait3A_89 = tpu.memref_slice %arg3[%dma_wait3A_87, %dma_wait3A_88] : memref<10000x128xf32, #tpu.memory_space<hbm>> -> memref<80x128xf32, #tpu.memory_space<hbm>>
      tpu.wait_dma2 semaphore(%arg14 : memref<!tpu.dma_semaphore, #tpu.memory_space<semaphore_mem>>) src(%dma_wait3A_89 : memref<80x128xf32, #tpu.memory_space<hbm>>) dst(%arg12 : memref<80x128xf32, #tpu.memory_space<vmem>>)
      %scan3A_90 = arith.constant 0 : i32
      %scan3A_91 = arith.constant 0 : i32
      %scan3A_92 = arith.constant 80 : i32
      %scan3A_93 = arith.addi %scan3A_91, %scan3A_92 : i32
      %scan3A_94 = arith.constant 1 : i32
      scf.for %scan3A_106 = %scan3A_91 to %scan3A_93 step %scan3A_94  : i32 {
        %get3A = arith.index_cast %scan3A_106 : i32 to index
        %get3A_107 = arith.constant 0 : index
        %get3A_108 = tpu.vector_load %arg12[%get3A, %get3A_107] {strides = array<i32>} : memref<80x128xf32, #tpu.memory_space<vmem>>, vector<1x16xf32>,
        %get3A_109 = vector.shape_cast %get3A_108 : vector<1x16xf32> to vector<16xf32>
        %swap3A = arith.index_cast %scan3A_106 : i32 to index
        %swap3A_110 = arith.constant 0 : index
        %swap3A_111 = tpu.vector_load %arg10[%swap3A, %swap3A_110] {strides = array<i32>} : memref<80x128xf32, #tpu.memory_space<vmem>>, vector<1x16xf32>,
        %swap3A_112 = vector.shape_cast %swap3A_111 : vector<1x16xf32> to vector<16xf32>
        %swap3A_113 = vector.shape_cast %get3A_109 : vector<16xf32> to vector<1x16xf32>
        tpu.vector_store %arg10[%swap3A, %swap3A_110], %swap3A_113 {add = true, strides = array<i32>} : memref<80x128xf32, #tpu.memory_space<vmem>>, vector<1x16xf32>,
        %get3A_114 = arith.index_cast %scan3A_106 : i32 to index
        %get3A_115 = arith.constant 16 : index
        %get3A_116 = tpu.vector_load %arg12[%get3A_114, %get3A_115] {strides = array<i32>} : memref<80x128xf32, #tpu.memory_space<vmem>>, vector<1x16xf32>,
        %get3A_117 = vector.shape_cast %get3A_116 : vector<1x16xf32> to vector<16xf32>
        %swap3A_118 = arith.index_cast %scan3A_106 : i32 to index
        %swap3A_119 = arith.constant 16 : index
        %swap3A_120 = tpu.vector_load %arg10[%swap3A_118, %swap3A_119] {strides = array<i32>} : memref<80x128xf32, #tpu.memory_space<vmem>>, vector<1x16xf32>,
        %swap3A_121 = vector.shape_cast %swap3A_120 : vector<1x16xf32> to vector<16xf32>
        %swap3A_122 = vector.shape_cast %get3A_117 : vector<16xf32> to vector<1x16xf32>
        tpu.vector_store %arg10[%swap3A_118, %swap3A_119], %swap3A_122 {add = true, strides = array<i32>} : memref<80x128xf32, #tpu.memory_space<vmem>>, vector<1x16xf32>,
        %get3A_123 = arith.index_cast %scan3A_106 : i32 to index
        %get3A_124 = arith.constant 32 : index
        %get3A_125 = tpu.vector_load %arg12[%get3A_123, %get3A_124] {strides = array<i32>} : memref<80x128xf32, #tpu.memory_space<vmem>>, vector<1x16xf32>,
        %get3A_126 = vector.shape_cast %get3A_125 : vector<1x16xf32> to vector<16xf32>
        %swap3A_127 = arith.index_cast %scan3A_106 : i32 to index
        %swap3A_128 = arith.constant 32 : index
        %swap3A_129 = tpu.vector_load %arg10[%swap3A_127, %swap3A_128] {strides = array<i32>} : memref<80x128xf32, #tpu.memory_space<vmem>>, vector<1x16xf32>,
        %swap3A_130 = vector.shape_cast %swap3A_129 : vector<1x16xf32> to vector<16xf32>
        %swap3A_131 = vector.shape_cast %get3A_126 : vector<16xf32> to vector<1x16xf32>
        tpu.vector_store %arg10[%swap3A_127, %swap3A_128], %swap3A_131 {add = true, strides = array<i32>} : memref<80x128xf32, #tpu.memory_space<vmem>>, vector<1x16xf32>,
        %get3A_132 = arith.index_cast %scan3A_106 : i32 to index
        %get3A_133 = arith.constant 48 : index
        %get3A_134 = tpu.vector_load %arg12[%get3A_132, %get3A_133] {strides = array<i32>} : memref<80x128xf32, #tpu.memory_space<vmem>>, vector<1x16xf32>,
        %get3A_135 = vector.shape_cast %get3A_134 : vector<1x16xf32> to vector<16xf32>
        %swap3A_136 = arith.index_cast %scan3A_106 : i32 to index
        %swap3A_137 = arith.constant 48 : index
        %swap3A_138 = tpu.vector_load %arg10[%swap3A_136, %swap3A_137] {strides = array<i32>} : memref<80x128xf32, #tpu.memory_space<vmem>>, vector<1x16xf32>,
        %swap3A_139 = vector.shape_cast %swap3A_138 : vector<1x16xf32> to vector<16xf32>
        %swap3A_140 = vector.shape_cast %get3A_135 : vector<16xf32> to vector<1x16xf32>
        tpu.vector_store %arg10[%swap3A_136, %swap3A_137], %swap3A_140 {add = true, strides = array<i32>} : memref<80x128xf32, #tpu.memory_space<vmem>>, vector<1x16xf32>,
        %get3A_141 = arith.index_cast %scan3A_106 : i32 to index
        %get3A_142 = arith.constant 64 : index
        %get3A_143 = tpu.vector_load %arg12[%get3A_141, %get3A_142] {strides = array<i32>} : memref<80x128xf32, #tpu.memory_space<vmem>>, vector<1x16xf32>,
        %get3A_144 = vector.shape_cast %get3A_143 : vector<1x16xf32> to vector<16xf32>
        %swap3A_145 = arith.index_cast %scan3A_106 : i32 to index
        %swap3A_146 = arith.constant 64 : index
        %swap3A_147 = tpu.vector_load %arg10[%swap3A_145, %swap3A_146] {strides = array<i32>} : memref<80x128xf32, #tpu.memory_space<vmem>>, vector<1x16xf32>,
        %swap3A_148 = vector.shape_cast %swap3A_147 : vector<1x16xf32> to vector<16xf32>
        %swap3A_149 = vector.shape_cast %get3A_144 : vector<16xf32> to vector<1x16xf32>
        tpu.vector_store %arg10[%swap3A_145, %swap3A_146], %swap3A_149 {add = true, strides = array<i32>} : memref<80x128xf32, #tpu.memory_space<vmem>>, vector<1x16xf32>,
        %get3A_150 = arith.index_cast %scan3A_106 : i32 to index
        %get3A_151 = arith.constant 80 : index
        %get3A_152 = tpu.vector_load %arg12[%get3A_150, %get3A_151] {strides = array<i32>} : memref<80x128xf32, #tpu.memory_space<vmem>>, vector<1x16xf32>,
        %get3A_153 = vector.shape_cast %get3A_152 : vector<1x16xf32> to vector<16xf32>
        %swap3A_154 = arith.index_cast %scan3A_106 : i32 to index
        %swap3A_155 = arith.constant 80 : index
        %swap3A_156 = tpu.vector_load %arg10[%swap3A_154, %swap3A_155] {strides = array<i32>} : memref<80x128xf32, #tpu.memory_space<vmem>>, vector<1x16xf32>,
        %swap3A_157 = vector.shape_cast %swap3A_156 : vector<1x16xf32> to vector<16xf32>
        %swap3A_158 = vector.shape_cast %get3A_153 : vector<16xf32> to vector<1x16xf32>
        tpu.vector_store %arg10[%swap3A_154, %swap3A_155], %swap3A_158 {add = true, strides = array<i32>} : memref<80x128xf32, #tpu.memory_space<vmem>>, vector<1x16xf32>,
        %get3A_159 = arith.index_cast %scan3A_106 : i32 to index
        %get3A_160 = arith.constant 96 : index
        %get3A_161 = tpu.vector_load %arg12[%get3A_159, %get3A_160] {strides = array<i32>} : memref<80x128xf32, #tpu.memory_space<vmem>>, vector<1x16xf32>,
        %get3A_162 = vector.shape_cast %get3A_161 : vector<1x16xf32> to vector<16xf32>
        %swap3A_163 = arith.index_cast %scan3A_106 : i32 to index
        %swap3A_164 = arith.constant 96 : index
        %swap3A_165 = tpu.vector_load %arg10[%swap3A_163, %swap3A_164] {strides = array<i32>} : memref<80x128xf32, #tpu.memory_space<vmem>>, vector<1x16xf32>,
        %swap3A_166 = vector.shape_cast %swap3A_165 : vector<1x16xf32> to vector<16xf32>
        %swap3A_167 = vector.shape_cast %get3A_162 : vector<16xf32> to vector<1x16xf32>
        tpu.vector_store %arg10[%swap3A_163, %swap3A_164], %swap3A_167 {add = true, strides = array<i32>} : memref<80x128xf32, #tpu.memory_space<vmem>>, vector<1x16xf32>,
        %get3A_168 = arith.index_cast %scan3A_106 : i32 to index
        %get3A_169 = arith.constant 112 : index
        %get3A_170 = tpu.vector_load %arg12[%get3A_168, %get3A_169] {strides = array<i32>} : memref<80x128xf32, #tpu.memory_space<vmem>>, vector<1x16xf32>,
        %get3A_171 = vector.shape_cast %get3A_170 : vector<1x16xf32> to vector<16xf32>
        %swap3A_172 = arith.index_cast %scan3A_106 : i32 to index
        %swap3A_173 = arith.constant 112 : index
        %swap3A_174 = tpu.vector_load %arg10[%swap3A_172, %swap3A_173] {strides = array<i32>} : memref<80x128xf32, #tpu.memory_space<vmem>>, vector<1x16xf32>,
        %swap3A_175 = vector.shape_cast %swap3A_174 : vector<1x16xf32> to vector<16xf32>
        %swap3A_176 = vector.shape_cast %get3A_171 : vector<16xf32> to vector<1x16xf32>
        tpu.vector_store %arg10[%swap3A_172, %swap3A_173], %swap3A_176 {add = true, strides = array<i32>} : memref<80x128xf32, #tpu.memory_space<vmem>>, vector<1x16xf32>,
      }
      %scan3A_95 = arith.constant 80 : i32
      %mul3A_96 = arith.constant 80 : i32
      %mul3A_97 = arith.muli %add3A_77, %mul3A_96 : i32
      %add3A_98 = arith.addi %mul3A_2, %mul3A_97 : i32
      "tpu.region"() ({
        %run_scoped3A = tpu.sem_alloc : memref<!tpu.dma_semaphore, #tpu.memory_space<semaphore_mem>>
        %dma_start3A_106 = arith.constant 0 : i32
        %dma_start3A_107 = tpu.memref_slice %arg6[%add3A_98, %dma_start3A_106] : memref<64000x128xf32, #tpu.memory_space<hbm>> -> memref<80x128xf32, #tpu.memory_space<hbm>>
        %dma_start3A_108 = arith.constant 0 : i32
        %dma_start3A_109 = tpu.memref_slice %arg6[%add3A_98, %dma_start3A_108] : memref<64000x128xf32, #tpu.memory_space<hbm>> -> memref<80x128xf32, #tpu.memory_space<hbm>>
        tpu.enqueue_dma source(%arg10 : memref<80x128xf32, #tpu.memory_space<vmem>>) target(%dma_start3A_109 : memref<80x128xf32, #tpu.memory_space<hbm>>) target_semaphore(%run_scoped3A : memref<!tpu.dma_semaphore, #tpu.memory_space<semaphore_mem>>)
        %dma_wait3A_110 = arith.constant 0 : i32
        %dma_wait3A_111 = tpu.memref_slice %arg6[%add3A_98, %dma_wait3A_110] : memref<64000x128xf32, #tpu.memory_space<hbm>> -> memref<80x128xf32, #tpu.memory_space<hbm>>
        %dma_wait3A_112 = arith.constant 0 : i32
        %dma_wait3A_113 = tpu.memref_slice %arg6[%add3A_98, %dma_wait3A_112] : memref<64000x128xf32, #tpu.memory_space<hbm>> -> memref<80x128xf32, #tpu.memory_space<hbm>>
        tpu.wait_dma2 semaphore(%run_scoped3A : memref<!tpu.dma_semaphore, #tpu.memory_space<semaphore_mem>>) src(%arg10 : memref<80x128xf32, #tpu.memory_space<vmem>>) dst(%dma_wait3A_113 : memref<80x128xf32, #tpu.memory_space<hbm>>)
        tpu.yield
      }) : () -> ()
      %add3A_99 = arith.constant 2 : i32
      %add3A_100 = arith.addi %add3A_77, %add3A_99 : i32
      %lt3A_101 = arith.constant 25 : i32
      %lt3A_102 = arith.cmpi slt, %add3A_100, %lt3A_101 : i32
      %convert_element_type3A_103 = arith.extui %lt3A_102 : i1 to i32
      %cond3A_104 = arith.constant 0 : i32
      %cond3A_105 = arith.cmpi ne, %convert_element_type3A_103, %cond3A_104 : i32
      scf.if %cond3A_105 {
        %add3A_106 = arith.constant 2 : i32
        %add3A_107 = arith.addi %add3A_77, %add3A_106 : i32
        %mul3A_108 = arith.constant 80 : i32
        %mul3A_109 = arith.muli %add3A_107, %mul3A_108 : i32
        %dma_start3A_110 = tpu.memref_slice %arg7[%mul3A_109] : memref<2000xi32, #tpu.memory_space<vmem>> -> memref<80xi32, #tpu.memory_space<vmem>>
        %dma_start3A_111 = arith.constant 0 : i32
        %dma_start3A_112 = arith.constant 0 : i32
        %dma_start3A_113 = tpu.memref_slice %arg2[%dma_start3A_111, %dma_start3A_112] : memref<10000x128xf32, #tpu.memory_space<hbm>> -> memref<10000x128xf32, #tpu.memory_space<hbm>>
        tpu.enqueue_indirect_dma source(%dma_start3A_113 : memref<10000x128xf32, #tpu.memory_space<hbm>>) target(%arg10 : memref<80x128xf32, #tpu.memory_space<vmem>>) offsets(%dma_start3A_110 : memref<80xi32, #tpu.memory_space<vmem>>) semaphore(%arg14 : memref<!tpu.dma_semaphore, #tpu.memory_space<semaphore_mem>>)
        %dma_start3A_114 = tpu.memref_slice %arg8[%mul3A_109] : memref<2000xi32, #tpu.memory_space<vmem>> -> memref<80xi32, #tpu.memory_space<vmem>>
        %dma_start3A_115 = arith.constant 0 : i32
        %dma_start3A_116 = arith.constant 0 : i32
        %dma_start3A_117 = tpu.memref_slice %arg3[%dma_start3A_115, %dma_start3A_116] : memref<10000x128xf32, #tpu.memory_space<hbm>> -> memref<10000x128xf32, #tpu.memory_space<hbm>>
        tpu.enqueue_indirect_dma source(%dma_start3A_117 : memref<10000x128xf32, #tpu.memory_space<hbm>>) target(%arg12 : memref<80x128xf32, #tpu.memory_space<vmem>>) offsets(%dma_start3A_114 : memref<80xi32, #tpu.memory_space<vmem>>) semaphore(%arg14 : memref<!tpu.dma_semaphore, #tpu.memory_space<semaphore_mem>>)
      } else {
      }
    }
    %scan3A_26 = arith.constant 12 : i32
    %dma_wait3A = arith.constant 0 : i32
    %dma_wait3A_27 = arith.constant 0 : i32
    %dma_wait3A_28 = tpu.memref_slice %arg2[%dma_wait3A, %dma_wait3A_27] : memref<10000x128xf32, #tpu.memory_space<hbm>> -> memref<80x128xf32, #tpu.memory_space<hbm>>
    %dma_wait3A_29 = arith.constant 0 : i32
    %dma_wait3A_30 = arith.constant 0 : i32
    %dma_wait3A_31 = tpu.memref_slice %arg2[%dma_wait3A_29, %dma_wait3A_30] : memref<10000x128xf32, #tpu.memory_space<hbm>> -> memref<80x128xf32, #tpu.memory_space<hbm>>
    tpu.wait_dma2 semaphore(%arg13 : memref<!tpu.dma_semaphore, #tpu.memory_space<semaphore_mem>>) src(%dma_wait3A_31 : memref<80x128xf32, #tpu.memory_space<hbm>>) dst(%arg9 : memref<80x128xf32, #tpu.memory_space<vmem>>)
    %dma_wait3A_32 = arith.constant 0 : i32
    %dma_wait3A_33 = arith.constant 0 : i32
    %dma_wait3A_34 = tpu.memref_slice %arg3[%dma_wait3A_32, %dma_wait3A_33] : memref<10000x128xf32, #tpu.memory_space<hbm>> -> memref<80x128xf32, #tpu.memory_space<hbm>>
    %dma_wait3A_35 = arith.constant 0 : i32
    %dma_wait3A_36 = arith.constant 0 : i32
    %dma_wait3A_37 = tpu.memref_slice %arg3[%dma_wait3A_35, %dma_wait3A_36] : memref<10000x128xf32, #tpu.memory_space<hbm>> -> memref<80x128xf32, #tpu.memory_space<hbm>>
    tpu.wait_dma2 semaphore(%arg13 : memref<!tpu.dma_semaphore, #tpu.memory_space<semaphore_mem>>) src(%dma_wait3A_37 : memref<80x128xf32, #tpu.memory_space<hbm>>) dst(%arg11 : memref<80x128xf32, #tpu.memory_space<vmem>>)
    %scan3A_38 = arith.constant 0 : i32
    %scan3A_39 = arith.constant 0 : i32
    %scan3A_40 = arith.constant 80 : i32
    %scan3A_41 = arith.addi %scan3A_39, %scan3A_40 : i32
    %scan3A_42 = arith.constant 1 : i32
    scf.for %scan3A_46 = %scan3A_39 to %scan3A_41 step %scan3A_42  : i32 {
      %get3A = arith.index_cast %scan3A_46 : i32 to index
      %get3A_47 = arith.constant 0 : index
      %get3A_48 = tpu.vector_load %arg11[%get3A, %get3A_47] {strides = array<i32>} : memref<80x128xf32, #tpu.memory_space<vmem>>, vector<1x16xf32>,
      %get3A_49 = vector.shape_cast %get3A_48 : vector<1x16xf32> to vector<16xf32>
      %swap3A = arith.index_cast %scan3A_46 : i32 to index
      %swap3A_50 = arith.constant 0 : index
      %swap3A_51 = tpu.vector_load %arg9[%swap3A, %swap3A_50] {strides = array<i32>} : memref<80x128xf32, #tpu.memory_space<vmem>>, vector<1x16xf32>,
      %swap3A_52 = vector.shape_cast %swap3A_51 : vector<1x16xf32> to vector<16xf32>
      %swap3A_53 = vector.shape_cast %get3A_49 : vector<16xf32> to vector<1x16xf32>
      tpu.vector_store %arg9[%swap3A, %swap3A_50], %swap3A_53 {add = true, strides = array<i32>} : memref<80x128xf32, #tpu.memory_space<vmem>>, vector<1x16xf32>,
      %get3A_54 = arith.index_cast %scan3A_46 : i32 to index
      %get3A_55 = arith.constant 16 : index
      %get3A_56 = tpu.vector_load %arg11[%get3A_54, %get3A_55] {strides = array<i32>} : memref<80x128xf32, #tpu.memory_space<vmem>>, vector<1x16xf32>,
      %get3A_57 = vector.shape_cast %get3A_56 : vector<1x16xf32> to vector<16xf32>
      %swap3A_58 = arith.index_cast %scan3A_46 : i32 to index
      %swap3A_59 = arith.constant 16 : index
      %swap3A_60 = tpu.vector_load %arg9[%swap3A_58, %swap3A_59] {strides = array<i32>} : memref<80x128xf32, #tpu.memory_space<vmem>>, vector<1x16xf32>,
      %swap3A_61 = vector.shape_cast %swap3A_60 : vector<1x16xf32> to vector<16xf32>
      %swap3A_62 = vector.shape_cast %get3A_57 : vector<16xf32> to vector<1x16xf32>
      tpu.vector_store %arg9[%swap3A_58, %swap3A_59], %swap3A_62 {add = true, strides = array<i32>} : memref<80x128xf32, #tpu.memory_space<vmem>>, vector<1x16xf32>,
      %get3A_63 = arith.index_cast %scan3A_46 : i32 to index
      %get3A_64 = arith.constant 32 : index
      %get3A_65 = tpu.vector_load %arg11[%get3A_63, %get3A_64] {strides = array<i32>} : memref<80x128xf32, #tpu.memory_space<vmem>>, vector<1x16xf32>,
      %get3A_66 = vector.shape_cast %get3A_65 : vector<1x16xf32> to vector<16xf32>
      %swap3A_67 = arith.index_cast %scan3A_46 : i32 to index
      %swap3A_68 = arith.constant 32 : index
      %swap3A_69 = tpu.vector_load %arg9[%swap3A_67, %swap3A_68] {strides = array<i32>} : memref<80x128xf32, #tpu.memory_space<vmem>>, vector<1x16xf32>,
      %swap3A_70 = vector.shape_cast %swap3A_69 : vector<1x16xf32> to vector<16xf32>
      %swap3A_71 = vector.shape_cast %get3A_66 : vector<16xf32> to vector<1x16xf32>
      tpu.vector_store %arg9[%swap3A_67, %swap3A_68], %swap3A_71 {add = true, strides = array<i32>} : memref<80x128xf32, #tpu.memory_space<vmem>>, vector<1x16xf32>,
      %get3A_72 = arith.index_cast %scan3A_46 : i32 to index
      %get3A_73 = arith.constant 48 : index
      %get3A_74 = tpu.vector_load %arg11[%get3A_72, %get3A_73] {strides = array<i32>} : memref<80x128xf32, #tpu.memory_space<vmem>>, vector<1x16xf32>,
      %get3A_75 = vector.shape_cast %get3A_74 : vector<1x16xf32> to vector<16xf32>
      %swap3A_76 = arith.index_cast %scan3A_46 : i32 to index
      %swap3A_77 = arith.constant 48 : index
      %swap3A_78 = tpu.vector_load %arg9[%swap3A_76, %swap3A_77] {strides = array<i32>} : memref<80x128xf32, #tpu.memory_space<vmem>>, vector<1x16xf32>,
      %swap3A_79 = vector.shape_cast %swap3A_78 : vector<1x16xf32> to vector<16xf32>
      %swap3A_80 = vector.shape_cast %get3A_75 : vector<16xf32> to vector<1x16xf32>
      tpu.vector_store %arg9[%swap3A_76, %swap3A_77], %swap3A_80 {add = true, strides = array<i32>} : memref<80x128xf32, #tpu.memory_space<vmem>>, vector<1x16xf32>,
      %get3A_81 = arith.index_cast %scan3A_46 : i32 to index
      %get3A_82 = arith.constant 64 : index
      %get3A_83 = tpu.vector_load %arg11[%get3A_81, %get3A_82] {strides = array<i32>} : memref<80x128xf32, #tpu.memory_space<vmem>>, vector<1x16xf32>,
      %get3A_84 = vector.shape_cast %get3A_83 : vector<1x16xf32> to vector<16xf32>
      %swap3A_85 = arith.index_cast %scan3A_46 : i32 to index
      %swap3A_86 = arith.constant 64 : index
      %swap3A_87 = tpu.vector_load %arg9[%swap3A_85, %swap3A_86] {strides = array<i32>} : memref<80x128xf32, #tpu.memory_space<vmem>>, vector<1x16xf32>,
      %swap3A_88 = vector.shape_cast %swap3A_87 : vector<1x16xf32> to vector<16xf32>
      %swap3A_89 = vector.shape_cast %get3A_84 : vector<16xf32> to vector<1x16xf32>
      tpu.vector_store %arg9[%swap3A_85, %swap3A_86], %swap3A_89 {add = true, strides = array<i32>} : memref<80x128xf32, #tpu.memory_space<vmem>>, vector<1x16xf32>,
      %get3A_90 = arith.index_cast %scan3A_46 : i32 to index
      %get3A_91 = arith.constant 80 : index
      %get3A_92 = tpu.vector_load %arg11[%get3A_90, %get3A_91] {strides = array<i32>} : memref<80x128xf32, #tpu.memory_space<vmem>>, vector<1x16xf32>,
      %get3A_93 = vector.shape_cast %get3A_92 : vector<1x16xf32> to vector<16xf32>
      %swap3A_94 = arith.index_cast %scan3A_46 : i32 to index
      %swap3A_95 = arith.constant 80 : index
      %swap3A_96 = tpu.vector_load %arg9[%swap3A_94, %swap3A_95] {strides = array<i32>} : memref<80x128xf32, #tpu.memory_space<vmem>>, vector<1x16xf32>,
      %swap3A_97 = vector.shape_cast %swap3A_96 : vector<1x16xf32> to vector<16xf32>
      %swap3A_98 = vector.shape_cast %get3A_93 : vector<16xf32> to vector<1x16xf32>
      tpu.vector_store %arg9[%swap3A_94, %swap3A_95], %swap3A_98 {add = true, strides = array<i32>} : memref<80x128xf32, #tpu.memory_space<vmem>>, vector<1x16xf32>,
      %get3A_99 = arith.index_cast %scan3A_46 : i32 to index
      %get3A_100 = arith.constant 96 : index
      %get3A_101 = tpu.vector_load %arg11[%get3A_99, %get3A_100] {strides = array<i32>} : memref<80x128xf32, #tpu.memory_space<vmem>>, vector<1x16xf32>,
      %get3A_102 = vector.shape_cast %get3A_101 : vector<1x16xf32> to vector<16xf32>
      %swap3A_103 = arith.index_cast %scan3A_46 : i32 to index
      %swap3A_104 = arith.constant 96 : index
      %swap3A_105 = tpu.vector_load %arg9[%swap3A_103, %swap3A_104] {strides = array<i32>} : memref<80x128xf32, #tpu.memory_space<vmem>>, vector<1x16xf32>,
      %swap3A_106 = vector.shape_cast %swap3A_105 : vector<1x16xf32> to vector<16xf32>
      %swap3A_107 = vector.shape_cast %get3A_102 : vector<16xf32> to vector<1x16xf32>
      tpu.vector_store %arg9[%swap3A_103, %swap3A_104], %swap3A_107 {add = true, strides = array<i32>} : memref<80x128xf32, #tpu.memory_space<vmem>>, vector<1x16xf32>,
      %get3A_108 = arith.index_cast %scan3A_46 : i32 to index
      %get3A_109 = arith.constant 112 : index
      %get3A_110 = tpu.vector_load %arg11[%get3A_108, %get3A_109] {strides = array<i32>} : memref<80x128xf32, #tpu.memory_space<vmem>>, vector<1x16xf32>,
      %get3A_111 = vector.shape_cast %get3A_110 : vector<1x16xf32> to vector<16xf32>
      %swap3A_112 = arith.index_cast %scan3A_46 : i32 to index
      %swap3A_113 = arith.constant 112 : index
      %swap3A_114 = tpu.vector_load %arg9[%swap3A_112, %swap3A_113] {strides = array<i32>} : memref<80x128xf32, #tpu.memory_space<vmem>>, vector<1x16xf32>,
      %swap3A_115 = vector.shape_cast %swap3A_114 : vector<1x16xf32> to vector<16xf32>
      %swap3A_116 = vector.shape_cast %get3A_111 : vector<16xf32> to vector<1x16xf32>
      tpu.vector_store %arg9[%swap3A_112, %swap3A_113], %swap3A_116 {add = true, strides = array<i32>} : memref<80x128xf32, #tpu.memory_space<vmem>>, vector<1x16xf32>,
    }
    %scan3A_43 = arith.constant 80 : i32
    %add3A_44 = arith.constant 1920 : i32
    %add3A_45 = arith.addi %mul3A_2, %add3A_44 : i32
    "tpu.region"() ({
      %run_scoped3A = tpu.sem_alloc : memref<!tpu.dma_semaphore, #tpu.memory_space<semaphore_mem>>
      %dma_start3A_46 = arith.constant 0 : i32
      %dma_start3A_47 = tpu.memref_slice %arg6[%add3A_45, %dma_start3A_46] : memref<64000x128xf32, #tpu.memory_space<hbm>> -> memref<80x128xf32, #tpu.memory_space<hbm>>
      %dma_start3A_48 = arith.constant 0 : i32
      %dma_start3A_49 = tpu.memref_slice %arg6[%add3A_45, %dma_start3A_48] : memref<64000x128xf32, #tpu.memory_space<hbm>> -> memref<80x128xf32, #tpu.memory_space<hbm>>
      tpu.enqueue_dma source(%arg9 : memref<80x128xf32, #tpu.memory_space<vmem>>) target(%dma_start3A_49 : memref<80x128xf32, #tpu.memory_space<hbm>>) target_semaphore(%run_scoped3A : memref<!tpu.dma_semaphore, #tpu.memory_space<semaphore_mem>>)
      %dma_wait3A_50 = arith.constant 0 : i32
      %dma_wait3A_51 = tpu.memref_slice %arg6[%add3A_45, %dma_wait3A_50] : memref<64000x128xf32, #tpu.memory_space<hbm>> -> memref<80x128xf32, #tpu.memory_space<hbm>>
      %dma_wait3A_52 = arith.constant 0 : i32
      %dma_wait3A_53 = tpu.memref_slice %arg6[%add3A_45, %dma_wait3A_52] : memref<64000x128xf32, #tpu.memory_space<hbm>> -> memref<80x128xf32, #tpu.memory_space<hbm>>
      tpu.wait_dma2 semaphore(%run_scoped3A : memref<!tpu.dma_semaphore, #tpu.memory_space<semaphore_mem>>) src(%arg9 : memref<80x128xf32, #tpu.memory_space<vmem>>) dst(%dma_wait3A_53 : memref<80x128xf32, #tpu.memory_space<hbm>>)
      tpu.yield
    }) : () -> ()
    return
  }
}

#map = affine_map<(d0, d1) -> (0, 0)>
#map1 = affine_map<(d0, d1) -> (0)>
module attributes {stable_mosaic.version = 14 : i64} {
  func.func @k(%arg0: i32, %arg1: i32, %arg2: memref<10000x128xf32, #tpu.memory_space<hbm>>, %arg3: memref<10000x128xf32, #tpu.memory_space<hbm>>, %arg4: memref<64000xi32, #tpu.memory_space<hbm>>, %arg5: memref<64000xi32, #tpu.memory_space<hbm>>, %arg6: memref<64000x128xf32, #tpu.memory_space<hbm>>, %arg7: memref<2000xi32, #tpu.memory_space<vmem>>, %arg8: memref<2000xi32, #tpu.memory_space<vmem>>, %arg9: memref<80x128xf32, #tpu.memory_space<vmem>>, %arg10: memref<80x128xf32, #tpu.memory_space<vmem>>, %arg11: memref<80x128xf32, #tpu.memory_space<vmem>>, %arg12: memref<80x128xf32, #tpu.memory_space<vmem>>, %arg13: memref<!tpu.dma_semaphore, #tpu.memory_space<semaphore_mem>>, %arg14: memref<!tpu.dma_semaphore, #tpu.memory_space<semaphore_mem>>) attributes {dimension_semantics = [#tpu.dimension_semantics<core_parallel>, #tpu.dimension_semantics<subcore_parallel>], iteration_bounds = array<i64: 2, 16>, scalar_prefetch = 0 : i64, scratch_operands = 8 : i64, tpu.core_type = #tpu.core_type<sc_vector_subcore>, window_params = [{transform_indices = #map}, {transform_indices = #map}, {transform_indices = #map1}, {transform_indices = #map1}, {transform_indices = #map}]} {
    %mul3A = arith.constant 2 : i32
    %mul3A_0 = arith.muli %arg1, %mul3A : i32
    %add3A = arith.addi %mul3A_0, %arg0 : i32
    %mul3A_1 = arith.constant 2000 : i32
    %mul3A_2 = arith.muli %add3A, %mul3A_1 : i32
    "tpu.region"() ({
      %run_scoped3A = tpu.sem_alloc : memref<!tpu.dma_semaphore, #tpu.memory_space<semaphore_mem>>
      %dma_start3A_46 = tpu.memref_slice %arg4[%mul3A_2] : memref<64000xi32, #tpu.memory_space<hbm>> -> memref<2000xi32, #tpu.memory_space<hbm>>
      %dma_start3A_47 = tpu.memref_slice %arg4[%mul3A_2] : memref<64000xi32, #tpu.memory_space<hbm>> -> memref<2000xi32, #tpu.memory_space<hbm>>
      tpu.enqueue_dma source(%dma_start3A_47 : memref<2000xi32, #tpu.memory_space<hbm>>) target(%arg7 : memref<2000xi32, #tpu.memory_space<vmem>>) target_semaphore(%run_scoped3A : memref<!tpu.dma_semaphore, #tpu.memory_space<semaphore_mem>>)
      %dma_wait3A_48 = tpu.memref_slice %arg4[%mul3A_2] : memref<64000xi32, #tpu.memory_space<hbm>> -> memref<2000xi32, #tpu.memory_space<hbm>>
      %dma_wait3A_49 = tpu.memref_slice %arg4[%mul3A_2] : memref<64000xi32, #tpu.memory_space<hbm>> -> memref<2000xi32, #tpu.memory_space<hbm>>
      tpu.wait_dma2 semaphore(%run_scoped3A : memref<!tpu.dma_semaphore, #tpu.memory_space<semaphore_mem>>) src(%dma_wait3A_49 : memref<2000xi32, #tpu.memory_space<hbm>>) dst(%arg7 : memref<2000xi32, #tpu.memory_space<vmem>>)
      tpu.yield
    }) : () -> ()
    "tpu.region"() ({
      %run_scoped3A = tpu.sem_alloc : memref<!tpu.dma_semaphore, #tpu.memory_space<semaphore_mem>>
      %dma_start3A_46 = tpu.memref_slice %arg5[%mul3A_2] : memref<64000xi32, #tpu.memory_space<hbm>> -> memref<2000xi32, #tpu.memory_space<hbm>>
      %dma_start3A_47 = tpu.memref_slice %arg5[%mul3A_2] : memref<64000xi32, #tpu.memory_space<hbm>> -> memref<2000xi32, #tpu.memory_space<hbm>>
      tpu.enqueue_dma source(%dma_start3A_47 : memref<2000xi32, #tpu.memory_space<hbm>>) target(%arg8 : memref<2000xi32, #tpu.memory_space<vmem>>) target_semaphore(%run_scoped3A : memref<!tpu.dma_semaphore, #tpu.memory_space<semaphore_mem>>)
      %dma_wait3A_48 = tpu.memref_slice %arg5[%mul3A_2] : memref<64000xi32, #tpu.memory_space<hbm>> -> memref<2000xi32, #tpu.memory_space<hbm>>
      %dma_wait3A_49 = tpu.memref_slice %arg5[%mul3A_2] : memref<64000xi32, #tpu.memory_space<hbm>> -> memref<2000xi32, #tpu.memory_space<hbm>>
      tpu.wait_dma2 semaphore(%run_scoped3A : memref<!tpu.dma_semaphore, #tpu.memory_space<semaphore_mem>>) src(%dma_wait3A_49 : memref<2000xi32, #tpu.memory_space<hbm>>) dst(%arg8 : memref<2000xi32, #tpu.memory_space<vmem>>)
      tpu.yield
    }) : () -> ()
    %dma_start3A = arith.constant 0 : i32
    %dma_start3A_3 = tpu.memref_slice %arg7[%dma_start3A] : memref<2000xi32, #tpu.memory_space<vmem>> -> memref<80xi32, #tpu.memory_space<vmem>>
    %dma_start3A_4 = arith.constant 0 : i32
    %dma_start3A_5 = arith.constant 0 : i32
    %dma_start3A_6 = tpu.memref_slice %arg2[%dma_start3A_4, %dma_start3A_5] : memref<10000x128xf32, #tpu.memory_space<hbm>> -> memref<10000x128xf32, #tpu.memory_space<hbm>>
    tpu.enqueue_indirect_dma source(%dma_start3A_6 : memref<10000x128xf32, #tpu.memory_space<hbm>>) target(%arg9 : memref<80x128xf32, #tpu.memory_space<vmem>>) offsets(%dma_start3A_3 : memref<80xi32, #tpu.memory_space<vmem>>) semaphore(%arg13 : memref<!tpu.dma_semaphore, #tpu.memory_space<semaphore_mem>>)
    %dma_start3A_7 = arith.constant 0 : i32
    %dma_start3A_8 = tpu.memref_slice %arg8[%dma_start3A_7] : memref<2000xi32, #tpu.memory_space<vmem>> -> memref<80xi32, #tpu.memory_space<vmem>>
    %dma_start3A_9 = arith.constant 0 : i32
    %dma_start3A_10 = arith.constant 0 : i32
    %dma_start3A_11 = tpu.memref_slice %arg3[%dma_start3A_9, %dma_start3A_10] : memref<10000x128xf32, #tpu.memory_space<hbm>> -> memref<10000x128xf32, #tpu.memory_space<hbm>>
    tpu.enqueue_indirect_dma source(%dma_start3A_11 : memref<10000x128xf32, #tpu.memory_space<hbm>>) target(%arg11 : memref<80x128xf32, #tpu.memory_space<vmem>>) offsets(%dma_start3A_8 : memref<80xi32, #tpu.memory_space<vmem>>) semaphore(%arg13 : memref<!tpu.dma_semaphore, #tpu.memory_space<semaphore_mem>>)
    %dma_start3A_12 = arith.constant 80 : i32
    %dma_start3A_13 = tpu.memref_slice %arg7[%dma_start3A_12] : memref<2000xi32, #tpu.memory_space<vmem>> -> memref<80xi32, #tpu.memory_space<vmem>>
    %dma_start3A_14 = arith.constant 0 : i32
    %dma_start3A_15 = arith.constant 0 : i32
    %dma_start3A_16 = tpu.memref_slice %arg2[%dma_start3A_14, %dma_start3A_15] : memref<10000x128xf32, #tpu.memory_space<hbm>> -> memref<10000x128xf32, #tpu.memory_space<hbm>>
    tpu.enqueue_indirect_dma source(%dma_start3A_16 : memref<10000x128xf32, #tpu.memory_space<hbm>>) target(%arg10 : memref<80x128xf32, #tpu.memory_space<vmem>>) offsets(%dma_start3A_13 : memref<80xi32, #tpu.memory_space<vmem>>) semaphore(%arg14 : memref<!tpu.dma_semaphore, #tpu.memory_space<semaphore_mem>>)
    %dma_start3A_17 = arith.constant 80 : i32
    %dma_start3A_18 = tpu.memref_slice %arg8[%dma_start3A_17] : memref<2000xi32, #tpu.memory_space<vmem>> -> memref<80xi32, #tpu.memory_space<vmem>>
    %dma_start3A_19 = arith.constant 0 : i32
    %dma_start3A_20 = arith.constant 0 : i32
    %dma_start3A_21 = tpu.memref_slice %arg3[%dma_start3A_19, %dma_start3A_20] : memref<10000x128xf32, #tpu.memory_space<hbm>> -> memref<10000x128xf32, #tpu.memory_space<hbm>>
    tpu.enqueue_indirect_dma source(%dma_start3A_21 : memref<10000x128xf32, #tpu.memory_space<hbm>>) target(%arg12 : memref<80x128xf32, #tpu.memory_space<vmem>>) offsets(%dma_start3A_18 : memref<80xi32, #tpu.memory_space<vmem>>) semaphore(%arg14 : memref<!tpu.dma_semaphore, #tpu.memory_space<semaphore_mem>>)
    %scan3A = arith.constant 0 : i32
    %scan3A_22 = arith.constant 0 : i32
    %scan3A_23 = arith.constant 12 : i32
    %scan3A_24 = arith.addi %scan3A_22, %scan3A_23 : i32
    %scan3A_25 = arith.constant 1 : i32
    scf.for %scan3A_46 = %scan3A_22 to %scan3A_24 step %scan3A_25  : i32 {
      %mul3A_47 = arith.constant 2 : i32
      %mul3A_48 = arith.muli %mul3A_47, %scan3A_46 : i32
      %dma_wait3A_49 = arith.constant 0 : i32
      %dma_wait3A_50 = arith.constant 0 : i32
      %dma_wait3A_51 = tpu.memref_slice %arg2[%dma_wait3A_49, %dma_wait3A_50] : memref<10000x128xf32, #tpu.memory_space<hbm>> -> memref<80x128xf32, #tpu.memory_space<hbm>>
      %dma_wait3A_52 = arith.constant 0 : i32
      %dma_wait3A_53 = arith.constant 0 : i32
      %dma_wait3A_54 = tpu.memref_slice %arg2[%dma_wait3A_52, %dma_wait3A_53] : memref<10000x128xf32, #tpu.memory_space<hbm>> -> memref<80x128xf32, #tpu.memory_space<hbm>>
      tpu.wait_dma2 semaphore(%arg13 : memref<!tpu.dma_semaphore, #tpu.memory_space<semaphore_mem>>) src(%dma_wait3A_54 : memref<80x128xf32, #tpu.memory_space<hbm>>) dst(%arg9 : memref<80x128xf32, #tpu.memory_space<vmem>>)
      %dma_wait3A_55 = arith.constant 0 : i32
      %dma_wait3A_56 = arith.constant 0 : i32
      %dma_wait3A_57 = tpu.memref_slice %arg3[%dma_wait3A_55, %dma_wait3A_56] : memref<10000x128xf32, #tpu.memory_space<hbm>> -> memref<80x128xf32, #tpu.memory_space<hbm>>
      %dma_wait3A_58 = arith.constant 0 : i32
      %dma_wait3A_59 = arith.constant 0 : i32
      %dma_wait3A_60 = tpu.memref_slice %arg3[%dma_wait3A_58, %dma_wait3A_59] : memref<10000x128xf32, #tpu.memory_space<hbm>> -> memref<80x128xf32, #tpu.memory_space<hbm>>
      tpu.wait_dma2 semaphore(%arg13 : memref<!tpu.dma_semaphore, #tpu.memory_space<semaphore_mem>>) src(%dma_wait3A_60 : memref<80x128xf32, #tpu.memory_space<hbm>>) dst(%arg11 : memref<80x128xf32, #tpu.memory_space<vmem>>)
      %scan3A_61 = arith.constant 0 : i32
      %scan3A_62 = arith.constant 0 : i32
      %scan3A_63 = arith.constant 80 : i32
      %scan3A_64 = arith.addi %scan3A_62, %scan3A_63 : i32
      %scan3A_65 = arith.constant 1 : i32
      scf.for %scan3A_106 = %scan3A_62 to %scan3A_64 step %scan3A_65  : i32 {
        %get3A = arith.index_cast %scan3A_106 : i32 to index
        %get3A_107 = arith.constant 0 : index
        %get3A_108 = tpu.vector_load %arg11[%get3A, %get3A_107] {strides = array<i32>} : memref<80x128xf32, #tpu.memory_space<vmem>>, vector<1x16xf32>,
        %get3A_109 = vector.shape_cast %get3A_108 : vector<1x16xf32> to vector<16xf32>
        %swap3A = arith.index_cast %scan3A_106 : i32 to index
        %swap3A_110 = arith.constant 0 : index
        %swap3A_111 = tpu.vector_load %arg9[%swap3A, %swap3A_110] {strides = array<i32>} : memref<80x128xf32, #tpu.memory_space<vmem>>, vector<1x16xf32>,
        %swap3A_112 = vector.shape_cast %swap3A_111 : vector<1x16xf32> to vector<16xf32>
        %swap3A_113 = vector.shape_cast %get3A_109 : vector<16xf32> to vector<1x16xf32>
        tpu.vector_store %arg9[%swap3A, %swap3A_110], %swap3A_113 {add = true, strides = array<i32>} : memref<80x128xf32, #tpu.memory_space<vmem>>, vector<1x16xf32>,
        %get3A_114 = arith.index_cast %scan3A_106 : i32 to index
        %get3A_115 = arith.constant 16 : index
        %get3A_116 = tpu.vector_load %arg11[%get3A_114, %get3A_115] {strides = array<i32>} : memref<80x128xf32, #tpu.memory_space<vmem>>, vector<1x16xf32>,
        %get3A_117 = vector.shape_cast %get3A_116 : vector<1x16xf32> to vector<16xf32>
        %swap3A_118 = arith.index_cast %scan3A_106 : i32 to index
        %swap3A_119 = arith.constant 16 : index
        %swap3A_120 = tpu.vector_load %arg9[%swap3A_118, %swap3A_119] {strides = array<i32>} : memref<80x128xf32, #tpu.memory_space<vmem>>, vector<1x16xf32>,
        %swap3A_121 = vector.shape_cast %swap3A_120 : vector<1x16xf32> to vector<16xf32>
        %swap3A_122 = vector.shape_cast %get3A_117 : vector<16xf32> to vector<1x16xf32>
        tpu.vector_store %arg9[%swap3A_118, %swap3A_119], %swap3A_122 {add = true, strides = array<i32>} : memref<80x128xf32, #tpu.memory_space<vmem>>, vector<1x16xf32>,
        %get3A_123 = arith.index_cast %scan3A_106 : i32 to index
        %get3A_124 = arith.constant 32 : index
        %get3A_125 = tpu.vector_load %arg11[%get3A_123, %get3A_124] {strides = array<i32>} : memref<80x128xf32, #tpu.memory_space<vmem>>, vector<1x16xf32>,
        %get3A_126 = vector.shape_cast %get3A_125 : vector<1x16xf32> to vector<16xf32>
        %swap3A_127 = arith.index_cast %scan3A_106 : i32 to index
        %swap3A_128 = arith.constant 32 : index
        %swap3A_129 = tpu.vector_load %arg9[%swap3A_127, %swap3A_128] {strides = array<i32>} : memref<80x128xf32, #tpu.memory_space<vmem>>, vector<1x16xf32>,
        %swap3A_130 = vector.shape_cast %swap3A_129 : vector<1x16xf32> to vector<16xf32>
        %swap3A_131 = vector.shape_cast %get3A_126 : vector<16xf32> to vector<1x16xf32>
        tpu.vector_store %arg9[%swap3A_127, %swap3A_128], %swap3A_131 {add = true, strides = array<i32>} : memref<80x128xf32, #tpu.memory_space<vmem>>, vector<1x16xf32>,
        %get3A_132 = arith.index_cast %scan3A_106 : i32 to index
        %get3A_133 = arith.constant 48 : index
        %get3A_134 = tpu.vector_load %arg11[%get3A_132, %get3A_133] {strides = array<i32>} : memref<80x128xf32, #tpu.memory_space<vmem>>, vector<1x16xf32>,
        %get3A_135 = vector.shape_cast %get3A_134 : vector<1x16xf32> to vector<16xf32>
        %swap3A_136 = arith.index_cast %scan3A_106 : i32 to index
        %swap3A_137 = arith.constant 48 : index
        %swap3A_138 = tpu.vector_load %arg9[%swap3A_136, %swap3A_137] {strides = array<i32>} : memref<80x128xf32, #tpu.memory_space<vmem>>, vector<1x16xf32>,
        %swap3A_139 = vector.shape_cast %swap3A_138 : vector<1x16xf32> to vector<16xf32>
        %swap3A_140 = vector.shape_cast %get3A_135 : vector<16xf32> to vector<1x16xf32>
        tpu.vector_store %arg9[%swap3A_136, %swap3A_137], %swap3A_140 {add = true, strides = array<i32>} : memref<80x128xf32, #tpu.memory_space<vmem>>, vector<1x16xf32>,
        %get3A_141 = arith.index_cast %scan3A_106 : i32 to index
        %get3A_142 = arith.constant 64 : index
        %get3A_143 = tpu.vector_load %arg11[%get3A_141, %get3A_142] {strides = array<i32>} : memref<80x128xf32, #tpu.memory_space<vmem>>, vector<1x16xf32>,
        %get3A_144 = vector.shape_cast %get3A_143 : vector<1x16xf32> to vector<16xf32>
        %swap3A_145 = arith.index_cast %scan3A_106 : i32 to index
        %swap3A_146 = arith.constant 64 : index
        %swap3A_147 = tpu.vector_load %arg9[%swap3A_145, %swap3A_146] {strides = array<i32>} : memref<80x128xf32, #tpu.memory_space<vmem>>, vector<1x16xf32>,
        %swap3A_148 = vector.shape_cast %swap3A_147 : vector<1x16xf32> to vector<16xf32>
        %swap3A_149 = vector.shape_cast %get3A_144 : vector<16xf32> to vector<1x16xf32>
        tpu.vector_store %arg9[%swap3A_145, %swap3A_146], %swap3A_149 {add = true, strides = array<i32>} : memref<80x128xf32, #tpu.memory_space<vmem>>, vector<1x16xf32>,
        %get3A_150 = arith.index_cast %scan3A_106 : i32 to index
        %get3A_151 = arith.constant 80 : index
        %get3A_152 = tpu.vector_load %arg11[%get3A_150, %get3A_151] {strides = array<i32>} : memref<80x128xf32, #tpu.memory_space<vmem>>, vector<1x16xf32>,
        %get3A_153 = vector.shape_cast %get3A_152 : vector<1x16xf32> to vector<16xf32>
        %swap3A_154 = arith.index_cast %scan3A_106 : i32 to index
        %swap3A_155 = arith.constant 80 : index
        %swap3A_156 = tpu.vector_load %arg9[%swap3A_154, %swap3A_155] {strides = array<i32>} : memref<80x128xf32, #tpu.memory_space<vmem>>, vector<1x16xf32>,
        %swap3A_157 = vector.shape_cast %swap3A_156 : vector<1x16xf32> to vector<16xf32>
        %swap3A_158 = vector.shape_cast %get3A_153 : vector<16xf32> to vector<1x16xf32>
        tpu.vector_store %arg9[%swap3A_154, %swap3A_155], %swap3A_158 {add = true, strides = array<i32>} : memref<80x128xf32, #tpu.memory_space<vmem>>, vector<1x16xf32>,
        %get3A_159 = arith.index_cast %scan3A_106 : i32 to index
        %get3A_160 = arith.constant 96 : index
        %get3A_161 = tpu.vector_load %arg11[%get3A_159, %get3A_160] {strides = array<i32>} : memref<80x128xf32, #tpu.memory_space<vmem>>, vector<1x16xf32>,
        %get3A_162 = vector.shape_cast %get3A_161 : vector<1x16xf32> to vector<16xf32>
        %swap3A_163 = arith.index_cast %scan3A_106 : i32 to index
        %swap3A_164 = arith.constant 96 : index
        %swap3A_165 = tpu.vector_load %arg9[%swap3A_163, %swap3A_164] {strides = array<i32>} : memref<80x128xf32, #tpu.memory_space<vmem>>, vector<1x16xf32>,
        %swap3A_166 = vector.shape_cast %swap3A_165 : vector<1x16xf32> to vector<16xf32>
        %swap3A_167 = vector.shape_cast %get3A_162 : vector<16xf32> to vector<1x16xf32>
        tpu.vector_store %arg9[%swap3A_163, %swap3A_164], %swap3A_167 {add = true, strides = array<i32>} : memref<80x128xf32, #tpu.memory_space<vmem>>, vector<1x16xf32>,
        %get3A_168 = arith.index_cast %scan3A_106 : i32 to index
        %get3A_169 = arith.constant 112 : index
        %get3A_170 = tpu.vector_load %arg11[%get3A_168, %get3A_169] {strides = array<i32>} : memref<80x128xf32, #tpu.memory_space<vmem>>, vector<1x16xf32>,
        %get3A_171 = vector.shape_cast %get3A_170 : vector<1x16xf32> to vector<16xf32>
        %swap3A_172 = arith.index_cast %scan3A_106 : i32 to index
        %swap3A_173 = arith.constant 112 : index
        %swap3A_174 = tpu.vector_load %arg9[%swap3A_172, %swap3A_173] {strides = array<i32>} : memref<80x128xf32, #tpu.memory_space<vmem>>, vector<1x16xf32>,
        %swap3A_175 = vector.shape_cast %swap3A_174 : vector<1x16xf32> to vector<16xf32>
        %swap3A_176 = vector.shape_cast %get3A_171 : vector<16xf32> to vector<1x16xf32>
        tpu.vector_store %arg9[%swap3A_172, %swap3A_173], %swap3A_176 {add = true, strides = array<i32>} : memref<80x128xf32, #tpu.memory_space<vmem>>, vector<1x16xf32>,
      }
      %scan3A_66 = arith.constant 80 : i32
      %mul3A_67 = arith.constant 80 : i32
      %mul3A_68 = arith.muli %mul3A_48, %mul3A_67 : i32
      %add3A_69 = arith.addi %mul3A_2, %mul3A_68 : i32
      "tpu.region"() ({
        %run_scoped3A = tpu.sem_alloc : memref<!tpu.dma_semaphore, #tpu.memory_space<semaphore_mem>>
        %dma_start3A_106 = arith.constant 0 : i32
        %dma_start3A_107 = tpu.memref_slice %arg6[%add3A_69, %dma_start3A_106] : memref<64000x128xf32, #tpu.memory_space<hbm>> -> memref<80x128xf32, #tpu.memory_space<hbm>>
        %dma_start3A_108 = arith.constant 0 : i32
        %dma_start3A_109 = tpu.memref_slice %arg6[%add3A_69, %dma_start3A_108] : memref<64000x128xf32, #tpu.memory_space<hbm>> -> memref<80x128xf32, #tpu.memory_space<hbm>>
        tpu.enqueue_dma source(%arg9 : memref<80x128xf32, #tpu.memory_space<vmem>>) target(%dma_start3A_109 : memref<80x128xf32, #tpu.memory_space<hbm>>) target_semaphore(%run_scoped3A : memref<!tpu.dma_semaphore, #tpu.memory_space<semaphore_mem>>)
        %dma_wait3A_110 = arith.constant 0 : i32
        %dma_wait3A_111 = tpu.memref_slice %arg6[%add3A_69, %dma_wait3A_110] : memref<64000x128xf32, #tpu.memory_space<hbm>> -> memref<80x128xf32, #tpu.memory_space<hbm>>
        %dma_wait3A_112 = arith.constant 0 : i32
        %dma_wait3A_113 = tpu.memref_slice %arg6[%add3A_69, %dma_wait3A_112] : memref<64000x128xf32, #tpu.memory_space<hbm>> -> memref<80x128xf32, #tpu.memory_space<hbm>>
        tpu.wait_dma2 semaphore(%run_scoped3A : memref<!tpu.dma_semaphore, #tpu.memory_space<semaphore_mem>>) src(%arg9 : memref<80x128xf32, #tpu.memory_space<vmem>>) dst(%dma_wait3A_113 : memref<80x128xf32, #tpu.memory_space<hbm>>)
        tpu.yield
      }) : () -> ()
      %add3A_70 = arith.constant 2 : i32
      %add3A_71 = arith.addi %mul3A_48, %add3A_70 : i32
      %lt3A = arith.constant 25 : i32
      %lt3A_72 = arith.cmpi slt, %add3A_71, %lt3A : i32
      %convert_element_type3A = arith.extui %lt3A_72 : i1 to i32
      %cond3A = arith.constant 0 : i32
      %cond3A_73 = arith.cmpi ne, %convert_element_type3A, %cond3A : i32
      scf.if %cond3A_73 {
        %add3A_106 = arith.constant 2 : i32
        %add3A_107 = arith.addi %mul3A_48, %add3A_106 : i32
        %mul3A_108 = arith.constant 80 : i32
        %mul3A_109 = arith.muli %add3A_107, %mul3A_108 : i32
        %dma_start3A_110 = tpu.memref_slice %arg7[%mul3A_109] : memref<2000xi32, #tpu.memory_space<vmem>> -> memref<80xi32, #tpu.memory_space<vmem>>
        %dma_start3A_111 = arith.constant 0 : i32
        %dma_start3A_112 = arith.constant 0 : i32
        %dma_start3A_113 = tpu.memref_slice %arg2[%dma_start3A_111, %dma_start3A_112] : memref<10000x128xf32, #tpu.memory_space<hbm>> -> memref<10000x128xf32, #tpu.memory_space<hbm>>
        tpu.enqueue_indirect_dma source(%dma_start3A_113 : memref<10000x128xf32, #tpu.memory_space<hbm>>) target(%arg9 : memref<80x128xf32, #tpu.memory_space<vmem>>) offsets(%dma_start3A_110 : memref<80xi32, #tpu.memory_space<vmem>>) semaphore(%arg13 : memref<!tpu.dma_semaphore, #tpu.memory_space<semaphore_mem>>)
        %dma_start3A_114 = tpu.memref_slice %arg8[%mul3A_109] : memref<2000xi32, #tpu.memory_space<vmem>> -> memref<80xi32, #tpu.memory_space<vmem>>
        %dma_start3A_115 = arith.constant 0 : i32
        %dma_start3A_116 = arith.constant 0 : i32
        %dma_start3A_117 = tpu.memref_slice %arg3[%dma_start3A_115, %dma_start3A_116] : memref<10000x128xf32, #tpu.memory_space<hbm>> -> memref<10000x128xf32, #tpu.memory_space<hbm>>
        tpu.enqueue_indirect_dma source(%dma_start3A_117 : memref<10000x128xf32, #tpu.memory_space<hbm>>) target(%arg11 : memref<80x128xf32, #tpu.memory_space<vmem>>) offsets(%dma_start3A_114 : memref<80xi32, #tpu.memory_space<vmem>>) semaphore(%arg13 : memref<!tpu.dma_semaphore, #tpu.memory_space<semaphore_mem>>)
      } else {
      }
      %mul3A_74 = arith.constant 2 : i32
      %mul3A_75 = arith.muli %mul3A_74, %scan3A_46 : i32
      %add3A_76 = arith.constant 1 : i32
      %add3A_77 = arith.addi %mul3A_75, %add3A_76 : i32
      %dma_wait3A_78 = arith.constant 0 : i32
      %dma_wait3A_79 = arith.constant 0 : i32
      %dma_wait3A_80 = tpu.memref_slice %arg2[%dma_wait3A_78, %dma_wait3A_79] : memref<10000x128xf32, #tpu.memory_space<hbm>> -> memref<80x128xf32, #tpu.memory_space<hbm>>
      %dma_wait3A_81 = arith.constant 0 : i32
      %dma_wait3A_82 = arith.constant 0 : i32
      %dma_wait3A_83 = tpu.memref_slice %arg2[%dma_wait3A_81, %dma_wait3A_82] : memref<10000x128xf32, #tpu.memory_space<hbm>> -> memref<80x128xf32, #tpu.memory_space<hbm>>
      tpu.wait_dma2 semaphore(%arg14 : memref<!tpu.dma_semaphore, #tpu.memory_space<semaphore_mem>>) src(%dma_wait3A_83 : memref<80x128xf32, #tpu.memory_space<hbm>>) dst(%arg10 : memref<80x128xf32, #tpu.memory_space<vmem>>)
      %dma_wait3A_84 = arith.constant 0 : i32
      %dma_wait3A_85 = arith.constant 0 : i32
      %dma_wait3A_86 = tpu.memref_slice %arg3[%dma_wait3A_84, %dma_wait3A_85] : memref<10000x128xf32, #tpu.memory_space<hbm>> -> memref<80x128xf32, #tpu.memory_space<hbm>>
      %dma_wait3A_87 = arith.constant 0 : i32
      %dma_wait3A_88 = arith.constant 0 : i32
      %dma_wait3A_89 = tpu.memref_slice %arg3[%dma_wait3A_87, %dma_wait3A_88] : memref<10000x128xf32, #tpu.memory_space<hbm>> -> memref<80x128xf32, #tpu.memory_space<hbm>>
      tpu.wait_dma2 semaphore(%arg14 : memref<!tpu.dma_semaphore, #tpu.memory_space<semaphore_mem>>) src(%dma_wait3A_89 : memref<80x128xf32, #tpu.memory_space<hbm>>) dst(%arg12 : memref<80x128xf32, #tpu.memory_space<vmem>>)
      %scan3A_90 = arith.constant 0 : i32
      %scan3A_91 = arith.constant 0 : i32
      %scan3A_92 = arith.constant 80 : i32
      %scan3A_93 = arith.addi %scan3A_91, %scan3A_92 : i32
      %scan3A_94 = arith.constant 1 : i32
      scf.for %scan3A_106 = %scan3A_91 to %scan3A_93 step %scan3A_94  : i32 {
        %get3A = arith.index_cast %scan3A_106 : i32 to index
        %get3A_107 = arith.constant 0 : index
        %get3A_108 = tpu.vector_load %arg12[%get3A, %get3A_107] {strides = array<i32>} : memref<80x128xf32, #tpu.memory_space<vmem>>, vector<1x16xf32>,
        %get3A_109 = vector.shape_cast %get3A_108 : vector<1x16xf32> to vector<16xf32>
        %swap3A = arith.index_cast %scan3A_106 : i32 to index
        %swap3A_110 = arith.constant 0 : index
        %swap3A_111 = tpu.vector_load %arg10[%swap3A, %swap3A_110] {strides = array<i32>} : memref<80x128xf32, #tpu.memory_space<vmem>>, vector<1x16xf32>,
        %swap3A_112 = vector.shape_cast %swap3A_111 : vector<1x16xf32> to vector<16xf32>
        %swap3A_113 = vector.shape_cast %get3A_109 : vector<16xf32> to vector<1x16xf32>
        tpu.vector_store %arg10[%swap3A, %swap3A_110], %swap3A_113 {add = true, strides = array<i32>} : memref<80x128xf32, #tpu.memory_space<vmem>>, vector<1x16xf32>,
        %get3A_114 = arith.index_cast %scan3A_106 : i32 to index
        %get3A_115 = arith.constant 16 : index
        %get3A_116 = tpu.vector_load %arg12[%get3A_114, %get3A_115] {strides = array<i32>} : memref<80x128xf32, #tpu.memory_space<vmem>>, vector<1x16xf32>,
        %get3A_117 = vector.shape_cast %get3A_116 : vector<1x16xf32> to vector<16xf32>
        %swap3A_118 = arith.index_cast %scan3A_106 : i32 to index
        %swap3A_119 = arith.constant 16 : index
        %swap3A_120 = tpu.vector_load %arg10[%swap3A_118, %swap3A_119] {strides = array<i32>} : memref<80x128xf32, #tpu.memory_space<vmem>>, vector<1x16xf32>,
        %swap3A_121 = vector.shape_cast %swap3A_120 : vector<1x16xf32> to vector<16xf32>
        %swap3A_122 = vector.shape_cast %get3A_117 : vector<16xf32> to vector<1x16xf32>
        tpu.vector_store %arg10[%swap3A_118, %swap3A_119], %swap3A_122 {add = true, strides = array<i32>} : memref<80x128xf32, #tpu.memory_space<vmem>>, vector<1x16xf32>,
        %get3A_123 = arith.index_cast %scan3A_106 : i32 to index
        %get3A_124 = arith.constant 32 : index
        %get3A_125 = tpu.vector_load %arg12[%get3A_123, %get3A_124] {strides = array<i32>} : memref<80x128xf32, #tpu.memory_space<vmem>>, vector<1x16xf32>,
        %get3A_126 = vector.shape_cast %get3A_125 : vector<1x16xf32> to vector<16xf32>
        %swap3A_127 = arith.index_cast %scan3A_106 : i32 to index
        %swap3A_128 = arith.constant 32 : index
        %swap3A_129 = tpu.vector_load %arg10[%swap3A_127, %swap3A_128] {strides = array<i32>} : memref<80x128xf32, #tpu.memory_space<vmem>>, vector<1x16xf32>,
        %swap3A_130 = vector.shape_cast %swap3A_129 : vector<1x16xf32> to vector<16xf32>
        %swap3A_131 = vector.shape_cast %get3A_126 : vector<16xf32> to vector<1x16xf32>
        tpu.vector_store %arg10[%swap3A_127, %swap3A_128], %swap3A_131 {add = true, strides = array<i32>} : memref<80x128xf32, #tpu.memory_space<vmem>>, vector<1x16xf32>,
        %get3A_132 = arith.index_cast %scan3A_106 : i32 to index
        %get3A_133 = arith.constant 48 : index
        %get3A_134 = tpu.vector_load %arg12[%get3A_132, %get3A_133] {strides = array<i32>} : memref<80x128xf32, #tpu.memory_space<vmem>>, vector<1x16xf32>,
        %get3A_135 = vector.shape_cast %get3A_134 : vector<1x16xf32> to vector<16xf32>
        %swap3A_136 = arith.index_cast %scan3A_106 : i32 to index
        %swap3A_137 = arith.constant 48 : index
        %swap3A_138 = tpu.vector_load %arg10[%swap3A_136, %swap3A_137] {strides = array<i32>} : memref<80x128xf32, #tpu.memory_space<vmem>>, vector<1x16xf32>,
        %swap3A_139 = vector.shape_cast %swap3A_138 : vector<1x16xf32> to vector<16xf32>
        %swap3A_140 = vector.shape_cast %get3A_135 : vector<16xf32> to vector<1x16xf32>
        tpu.vector_store %arg10[%swap3A_136, %swap3A_137], %swap3A_140 {add = true, strides = array<i32>} : memref<80x128xf32, #tpu.memory_space<vmem>>, vector<1x16xf32>,
        %get3A_141 = arith.index_cast %scan3A_106 : i32 to index
        %get3A_142 = arith.constant 64 : index
        %get3A_143 = tpu.vector_load %arg12[%get3A_141, %get3A_142] {strides = array<i32>} : memref<80x128xf32, #tpu.memory_space<vmem>>, vector<1x16xf32>,
        %get3A_144 = vector.shape_cast %get3A_143 : vector<1x16xf32> to vector<16xf32>
        %swap3A_145 = arith.index_cast %scan3A_106 : i32 to index
        %swap3A_146 = arith.constant 64 : index
        %swap3A_147 = tpu.vector_load %arg10[%swap3A_145, %swap3A_146] {strides = array<i32>} : memref<80x128xf32, #tpu.memory_space<vmem>>, vector<1x16xf32>,
        %swap3A_148 = vector.shape_cast %swap3A_147 : vector<1x16xf32> to vector<16xf32>
        %swap3A_149 = vector.shape_cast %get3A_144 : vector<16xf32> to vector<1x16xf32>
        tpu.vector_store %arg10[%swap3A_145, %swap3A_146], %swap3A_149 {add = true, strides = array<i32>} : memref<80x128xf32, #tpu.memory_space<vmem>>, vector<1x16xf32>,
        %get3A_150 = arith.index_cast %scan3A_106 : i32 to index
        %get3A_151 = arith.constant 80 : index
        %get3A_152 = tpu.vector_load %arg12[%get3A_150, %get3A_151] {strides = array<i32>} : memref<80x128xf32, #tpu.memory_space<vmem>>, vector<1x16xf32>,
        %get3A_153 = vector.shape_cast %get3A_152 : vector<1x16xf32> to vector<16xf32>
        %swap3A_154 = arith.index_cast %scan3A_106 : i32 to index
        %swap3A_155 = arith.constant 80 : index
        %swap3A_156 = tpu.vector_load %arg10[%swap3A_154, %swap3A_155] {strides = array<i32>} : memref<80x128xf32, #tpu.memory_space<vmem>>, vector<1x16xf32>,
        %swap3A_157 = vector.shape_cast %swap3A_156 : vector<1x16xf32> to vector<16xf32>
        %swap3A_158 = vector.shape_cast %get3A_153 : vector<16xf32> to vector<1x16xf32>
        tpu.vector_store %arg10[%swap3A_154, %swap3A_155], %swap3A_158 {add = true, strides = array<i32>} : memref<80x128xf32, #tpu.memory_space<vmem>>, vector<1x16xf32>,
        %get3A_159 = arith.index_cast %scan3A_106 : i32 to index
        %get3A_160 = arith.constant 96 : index
        %get3A_161 = tpu.vector_load %arg12[%get3A_159, %get3A_160] {strides = array<i32>} : memref<80x128xf32, #tpu.memory_space<vmem>>, vector<1x16xf32>,
        %get3A_162 = vector.shape_cast %get3A_161 : vector<1x16xf32> to vector<16xf32>
        %swap3A_163 = arith.index_cast %scan3A_106 : i32 to index
        %swap3A_164 = arith.constant 96 : index
        %swap3A_165 = tpu.vector_load %arg10[%swap3A_163, %swap3A_164] {strides = array<i32>} : memref<80x128xf32, #tpu.memory_space<vmem>>, vector<1x16xf32>,
        %swap3A_166 = vector.shape_cast %swap3A_165 : vector<1x16xf32> to vector<16xf32>
        %swap3A_167 = vector.shape_cast %get3A_162 : vector<16xf32> to vector<1x16xf32>
        tpu.vector_store %arg10[%swap3A_163, %swap3A_164], %swap3A_167 {add = true, strides = array<i32>} : memref<80x128xf32, #tpu.memory_space<vmem>>, vector<1x16xf32>,
        %get3A_168 = arith.index_cast %scan3A_106 : i32 to index
        %get3A_169 = arith.constant 112 : index
        %get3A_170 = tpu.vector_load %arg12[%get3A_168, %get3A_169] {strides = array<i32>} : memref<80x128xf32, #tpu.memory_space<vmem>>, vector<1x16xf32>,
        %get3A_171 = vector.shape_cast %get3A_170 : vector<1x16xf32> to vector<16xf32>
        %swap3A_172 = arith.index_cast %scan3A_106 : i32 to index
        %swap3A_173 = arith.constant 112 : index
        %swap3A_174 = tpu.vector_load %arg10[%swap3A_172, %swap3A_173] {strides = array<i32>} : memref<80x128xf32, #tpu.memory_space<vmem>>, vector<1x16xf32>,
        %swap3A_175 = vector.shape_cast %swap3A_174 : vector<1x16xf32> to vector<16xf32>
        %swap3A_176 = vector.shape_cast %get3A_171 : vector<16xf32> to vector<1x16xf32>
        tpu.vector_store %arg10[%swap3A_172, %swap3A_173], %swap3A_176 {add = true, strides = array<i32>} : memref<80x128xf32, #tpu.memory_space<vmem>>, vector<1x16xf32>,
      }
      %scan3A_95 = arith.constant 80 : i32
      %mul3A_96 = arith.constant 80 : i32
      %mul3A_97 = arith.muli %add3A_77, %mul3A_96 : i32
      %add3A_98 = arith.addi %mul3A_2, %mul3A_97 : i32
      "tpu.region"() ({
        %run_scoped3A = tpu.sem_alloc : memref<!tpu.dma_semaphore, #tpu.memory_space<semaphore_mem>>
        %dma_start3A_106 = arith.constant 0 : i32
        %dma_start3A_107 = tpu.memref_slice %arg6[%add3A_98, %dma_start3A_106] : memref<64000x128xf32, #tpu.memory_space<hbm>> -> memref<80x128xf32, #tpu.memory_space<hbm>>
        %dma_start3A_108 = arith.constant 0 : i32
        %dma_start3A_109 = tpu.memref_slice %arg6[%add3A_98, %dma_start3A_108] : memref<64000x128xf32, #tpu.memory_space<hbm>> -> memref<80x128xf32, #tpu.memory_space<hbm>>
        tpu.enqueue_dma source(%arg10 : memref<80x128xf32, #tpu.memory_space<vmem>>) target(%dma_start3A_109 : memref<80x128xf32, #tpu.memory_space<hbm>>) target_semaphore(%run_scoped3A : memref<!tpu.dma_semaphore, #tpu.memory_space<semaphore_mem>>)
        %dma_wait3A_110 = arith.constant 0 : i32
        %dma_wait3A_111 = tpu.memref_slice %arg6[%add3A_98, %dma_wait3A_110] : memref<64000x128xf32, #tpu.memory_space<hbm>> -> memref<80x128xf32, #tpu.memory_space<hbm>>
        %dma_wait3A_112 = arith.constant 0 : i32
        %dma_wait3A_113 = tpu.memref_slice %arg6[%add3A_98, %dma_wait3A_112] : memref<64000x128xf32, #tpu.memory_space<hbm>> -> memref<80x128xf32, #tpu.memory_space<hbm>>
        tpu.wait_dma2 semaphore(%run_scoped3A : memref<!tpu.dma_semaphore, #tpu.memory_space<semaphore_mem>>) src(%arg10 : memref<80x128xf32, #tpu.memory_space<vmem>>) dst(%dma_wait3A_113 : memref<80x128xf32, #tpu.memory_space<hbm>>)
        tpu.yield
      }) : () -> ()
      %add3A_99 = arith.constant 2 : i32
      %add3A_100 = arith.addi %add3A_77, %add3A_99 : i32
      %lt3A_101 = arith.constant 25 : i32
      %lt3A_102 = arith.cmpi slt, %add3A_100, %lt3A_101 : i32
      %convert_element_type3A_103 = arith.extui %lt3A_102 : i1 to i32
      %cond3A_104 = arith.constant 0 : i32
      %cond3A_105 = arith.cmpi ne, %convert_element_type3A_103, %cond3A_104 : i32
      scf.if %cond3A_105 {
        %add3A_106 = arith.constant 2 : i32
        %add3A_107 = arith.addi %add3A_77, %add3A_106 : i32
        %mul3A_108 = arith.constant 80 : i32
        %mul3A_109 = arith.muli %add3A_107, %mul3A_108 : i32
        %dma_start3A_110 = tpu.memref_slice %arg7[%mul3A_109] : memref<2000xi32, #tpu.memory_space<vmem>> -> memref<80xi32, #tpu.memory_space<vmem>>
        %dma_start3A_111 = arith.constant 0 : i32
        %dma_start3A_112 = arith.constant 0 : i32
        %dma_start3A_113 = tpu.memref_slice %arg2[%dma_start3A_111, %dma_start3A_112] : memref<10000x128xf32, #tpu.memory_space<hbm>> -> memref<10000x128xf32, #tpu.memory_space<hbm>>
        tpu.enqueue_indirect_dma source(%dma_start3A_113 : memref<10000x128xf32, #tpu.memory_space<hbm>>) target(%arg10 : memref<80x128xf32, #tpu.memory_space<vmem>>) offsets(%dma_start3A_110 : memref<80xi32, #tpu.memory_space<vmem>>) semaphore(%arg14 : memref<!tpu.dma_semaphore, #tpu.memory_space<semaphore_mem>>)
        %dma_start3A_114 = tpu.memref_slice %arg8[%mul3A_109] : memref<2000xi32, #tpu.memory_space<vmem>> -> memref<80xi32, #tpu.memory_space<vmem>>
        %dma_start3A_115 = arith.constant 0 : i32
        %dma_start3A_116 = arith.constant 0 : i32
        %dma_start3A_117 = tpu.memref_slice %arg3[%dma_start3A_115, %dma_start3A_116] : memref<10000x128xf32, #tpu.memory_space<hbm>> -> memref<10000x128xf32, #tpu.memory_space<hbm>>
        tpu.enqueue_indirect_dma source(%dma_start3A_117 : memref<10000x128xf32, #tpu.memory_space<hbm>>) target(%arg12 : memref<80x128xf32, #tpu.memory_space<vmem>>) offsets(%dma_start3A_114 : memref<80xi32, #tpu.memory_space<vmem>>) semaphore(%arg14 : memref<!tpu.dma_semaphore, #tpu.memory_space<semaphore_mem>>)
      } else {
      }
    }
    %scan3A_26 = arith.constant 12 : i32
    %dma_wait3A = arith.constant 0 : i32
    %dma_wait3A_27 = arith.constant 0 : i32
    %dma_wait3A_28 = tpu.memref_slice %arg2[%dma_wait3A, %dma_wait3A_27] : memref<10000x128xf32, #tpu.memory_space<hbm>> -> memref<80x128xf32, #tpu.memory_space<hbm>>
    %dma_wait3A_29 = arith.constant 0 : i32
    %dma_wait3A_30 = arith.constant 0 : i32
    %dma_wait3A_31 = tpu.memref_slice %arg2[%dma_wait3A_29, %dma_wait3A_30] : memref<10000x128xf32, #tpu.memory_space<hbm>> -> memref<80x128xf32, #tpu.memory_space<hbm>>
    tpu.wait_dma2 semaphore(%arg13 : memref<!tpu.dma_semaphore, #tpu.memory_space<semaphore_mem>>) src(%dma_wait3A_31 : memref<80x128xf32, #tpu.memory_space<hbm>>) dst(%arg9 : memref<80x128xf32, #tpu.memory_space<vmem>>)
    %dma_wait3A_32 = arith.constant 0 : i32
    %dma_wait3A_33 = arith.constant 0 : i32
    %dma_wait3A_34 = tpu.memref_slice %arg3[%dma_wait3A_32, %dma_wait3A_33] : memref<10000x128xf32, #tpu.memory_space<hbm>> -> memref<80x128xf32, #tpu.memory_space<hbm>>
    %dma_wait3A_35 = arith.constant 0 : i32
    %dma_wait3A_36 = arith.constant 0 : i32
    %dma_wait3A_37 = tpu.memref_slice %arg3[%dma_wait3A_35, %dma_wait3A_36] : memref<10000x128xf32, #tpu.memory_space<hbm>> -> memref<80x128xf32, #tpu.memory_space<hbm>>
    tpu.wait_dma2 semaphore(%arg13 : memref<!tpu.dma_semaphore, #tpu.memory_space<semaphore_mem>>) src(%dma_wait3A_37 : memref<80x128xf32, #tpu.memory_space<hbm>>) dst(%arg11 : memref<80x128xf32, #tpu.memory_space<vmem>>)
    %scan3A_38 = arith.constant 0 : i32
    %scan3A_39 = arith.constant 0 : i32
    %scan3A_40 = arith.constant 80 : i32
    %scan3A_41 = arith.addi %scan3A_39, %scan3A_40 : i32
    %scan3A_42 = arith.constant 1 : i32
    scf.for %scan3A_46 = %scan3A_39 to %scan3A_41 step %scan3A_42  : i32 {
      %get3A = arith.index_cast %scan3A_46 : i32 to index
      %get3A_47 = arith.constant 0 : index
      %get3A_48 = tpu.vector_load %arg11[%get3A, %get3A_47] {strides = array<i32>} : memref<80x128xf32, #tpu.memory_space<vmem>>, vector<1x16xf32>,
      %get3A_49 = vector.shape_cast %get3A_48 : vector<1x16xf32> to vector<16xf32>
      %swap3A = arith.index_cast %scan3A_46 : i32 to index
      %swap3A_50 = arith.constant 0 : index
      %swap3A_51 = tpu.vector_load %arg9[%swap3A, %swap3A_50] {strides = array<i32>} : memref<80x128xf32, #tpu.memory_space<vmem>>, vector<1x16xf32>,
      %swap3A_52 = vector.shape_cast %swap3A_51 : vector<1x16xf32> to vector<16xf32>
      %swap3A_53 = vector.shape_cast %get3A_49 : vector<16xf32> to vector<1x16xf32>
      tpu.vector_store %arg9[%swap3A, %swap3A_50], %swap3A_53 {add = true, strides = array<i32>} : memref<80x128xf32, #tpu.memory_space<vmem>>, vector<1x16xf32>,
      %get3A_54 = arith.index_cast %scan3A_46 : i32 to index
      %get3A_55 = arith.constant 16 : index
      %get3A_56 = tpu.vector_load %arg11[%get3A_54, %get3A_55] {strides = array<i32>} : memref<80x128xf32, #tpu.memory_space<vmem>>, vector<1x16xf32>,
      %get3A_57 = vector.shape_cast %get3A_56 : vector<1x16xf32> to vector<16xf32>
      %swap3A_58 = arith.index_cast %scan3A_46 : i32 to index
      %swap3A_59 = arith.constant 16 : index
      %swap3A_60 = tpu.vector_load %arg9[%swap3A_58, %swap3A_59] {strides = array<i32>} : memref<80x128xf32, #tpu.memory_space<vmem>>, vector<1x16xf32>,
      %swap3A_61 = vector.shape_cast %swap3A_60 : vector<1x16xf32> to vector<16xf32>
      %swap3A_62 = vector.shape_cast %get3A_57 : vector<16xf32> to vector<1x16xf32>
      tpu.vector_store %arg9[%swap3A_58, %swap3A_59], %swap3A_62 {add = true, strides = array<i32>} : memref<80x128xf32, #tpu.memory_space<vmem>>, vector<1x16xf32>,
      %get3A_63 = arith.index_cast %scan3A_46 : i32 to index
      %get3A_64 = arith.constant 32 : index
      %get3A_65 = tpu.vector_load %arg11[%get3A_63, %get3A_64] {strides = array<i32>} : memref<80x128xf32, #tpu.memory_space<vmem>>, vector<1x16xf32>,
      %get3A_66 = vector.shape_cast %get3A_65 : vector<1x16xf32> to vector<16xf32>
      %swap3A_67 = arith.index_cast %scan3A_46 : i32 to index
      %swap3A_68 = arith.constant 32 : index
      %swap3A_69 = tpu.vector_load %arg9[%swap3A_67, %swap3A_68] {strides = array<i32>} : memref<80x128xf32, #tpu.memory_space<vmem>>, vector<1x16xf32>,
      %swap3A_70 = vector.shape_cast %swap3A_69 : vector<1x16xf32> to vector<16xf32>
      %swap3A_71 = vector.shape_cast %get3A_66 : vector<16xf32> to vector<1x16xf32>
      tpu.vector_store %arg9[%swap3A_67, %swap3A_68], %swap3A_71 {add = true, strides = array<i32>} : memref<80x128xf32, #tpu.memory_space<vmem>>, vector<1x16xf32>,
      %get3A_72 = arith.index_cast %scan3A_46 : i32 to index
      %get3A_73 = arith.constant 48 : index
      %get3A_74 = tpu.vector_load %arg11[%get3A_72, %get3A_73] {strides = array<i32>} : memref<80x128xf32, #tpu.memory_space<vmem>>, vector<1x16xf32>,
      %get3A_75 = vector.shape_cast %get3A_74 : vector<1x16xf32> to vector<16xf32>
      %swap3A_76 = arith.index_cast %scan3A_46 : i32 to index
      %swap3A_77 = arith.constant 48 : index
      %swap3A_78 = tpu.vector_load %arg9[%swap3A_76, %swap3A_77] {strides = array<i32>} : memref<80x128xf32, #tpu.memory_space<vmem>>, vector<1x16xf32>,
      %swap3A_79 = vector.shape_cast %swap3A_78 : vector<1x16xf32> to vector<16xf32>
      %swap3A_80 = vector.shape_cast %get3A_75 : vector<16xf32> to vector<1x16xf32>
      tpu.vector_store %arg9[%swap3A_76, %swap3A_77], %swap3A_80 {add = true, strides = array<i32>} : memref<80x128xf32, #tpu.memory_space<vmem>>, vector<1x16xf32>,
      %get3A_81 = arith.index_cast %scan3A_46 : i32 to index
      %get3A_82 = arith.constant 64 : index
      %get3A_83 = tpu.vector_load %arg11[%get3A_81, %get3A_82] {strides = array<i32>} : memref<80x128xf32, #tpu.memory_space<vmem>>, vector<1x16xf32>,
      %get3A_84 = vector.shape_cast %get3A_83 : vector<1x16xf32> to vector<16xf32>
      %swap3A_85 = arith.index_cast %scan3A_46 : i32 to index
      %swap3A_86 = arith.constant 64 : index
      %swap3A_87 = tpu.vector_load %arg9[%swap3A_85, %swap3A_86] {strides = array<i32>} : memref<80x128xf32, #tpu.memory_space<vmem>>, vector<1x16xf32>,
      %swap3A_88 = vector.shape_cast %swap3A_87 : vector<1x16xf32> to vector<16xf32>
      %swap3A_89 = vector.shape_cast %get3A_84 : vector<16xf32> to vector<1x16xf32>
      tpu.vector_store %arg9[%swap3A_85, %swap3A_86], %swap3A_89 {add = true, strides = array<i32>} : memref<80x128xf32, #tpu.memory_space<vmem>>, vector<1x16xf32>,
      %get3A_90 = arith.index_cast %scan3A_46 : i32 to index
      %get3A_91 = arith.constant 80 : index
      %get3A_92 = tpu.vector_load %arg11[%get3A_90, %get3A_91] {strides = array<i32>} : memref<80x128xf32, #tpu.memory_space<vmem>>, vector<1x16xf32>,
      %get3A_93 = vector.shape_cast %get3A_92 : vector<1x16xf32> to vector<16xf32>
      %swap3A_94 = arith.index_cast %scan3A_46 : i32 to index
      %swap3A_95 = arith.constant 80 : index
      %swap3A_96 = tpu.vector_load %arg9[%swap3A_94, %swap3A_95] {strides = array<i32>} : memref<80x128xf32, #tpu.memory_space<vmem>>, vector<1x16xf32>,
      %swap3A_97 = vector.shape_cast %swap3A_96 : vector<1x16xf32> to vector<16xf32>
      %swap3A_98 = vector.shape_cast %get3A_93 : vector<16xf32> to vector<1x16xf32>
      tpu.vector_store %arg9[%swap3A_94, %swap3A_95], %swap3A_98 {add = true, strides = array<i32>} : memref<80x128xf32, #tpu.memory_space<vmem>>, vector<1x16xf32>,
      %get3A_99 = arith.index_cast %scan3A_46 : i32 to index
      %get3A_100 = arith.constant 96 : index
      %get3A_101 = tpu.vector_load %arg11[%get3A_99, %get3A_100] {strides = array<i32>} : memref<80x128xf32, #tpu.memory_space<vmem>>, vector<1x16xf32>,
      %get3A_102 = vector.shape_cast %get3A_101 : vector<1x16xf32> to vector<16xf32>
      %swap3A_103 = arith.index_cast %scan3A_46 : i32 to index
      %swap3A_104 = arith.constant 96 : index
      %swap3A_105 = tpu.vector_load %arg9[%swap3A_103, %swap3A_104] {strides = array<i32>} : memref<80x128xf32, #tpu.memory_space<vmem>>, vector<1x16xf32>,
      %swap3A_106 = vector.shape_cast %swap3A_105 : vector<1x16xf32> to vector<16xf32>
      %swap3A_107 = vector.shape_cast %get3A_102 : vector<16xf32> to vector<1x16xf32>
      tpu.vector_store %arg9[%swap3A_103, %swap3A_104], %swap3A_107 {add = true, strides = array<i32>} : memref<80x128xf32, #tpu.memory_space<vmem>>, vector<1x16xf32>,
      %get3A_108 = arith.index_cast %scan3A_46 : i32 to index
      %get3A_109 = arith.constant 112 : index
      %get3A_110 = tpu.vector_load %arg11[%get3A_108, %get3A_109] {strides = array<i32>} : memref<80x128xf32, #tpu.memory_space<vmem>>, vector<1x16xf32>,
      %get3A_111 = vector.shape_cast %get3A_110 : vector<1x16xf32> to vector<16xf32>
      %swap3A_112 = arith.index_cast %scan3A_46 : i32 to index
      %swap3A_113 = arith.constant 112 : index
      %swap3A_114 = tpu.vector_load %arg9[%swap3A_112, %swap3A_113] {strides = array<i32>} : memref<80x128xf32, #tpu.memory_space<vmem>>, vector<1x16xf32>,
      %swap3A_115 = vector.shape_cast %swap3A_114 : vector<1x16xf32> to vector<16xf32>
      %swap3A_116 = vector.shape_cast %get3A_111 : vector<16xf32> to vector<1x16xf32>
      tpu.vector_store %arg9[%swap3A_112, %swap3A_113], %swap3A_116 {add = true, strides = array<i32>} : memref<80x128xf32, #tpu.memory_space<vmem>>, vector<1x16xf32>,
    }
    %scan3A_43 = arith.constant 80 : i32
    %add3A_44 = arith.constant 1920 : i32
    %add3A_45 = arith.addi %mul3A_2, %add3A_44 : i32
    "tpu.region"() ({
      %run_scoped3A = tpu.sem_alloc : memref<!tpu.dma_semaphore, #tpu.memory_space<semaphore_mem>>
      %dma_start3A_46 = arith.constant 0 : i32
      %dma_start3A_47 = tpu.memref_slice %arg6[%add3A_45, %dma_start3A_46] : memref<64000x128xf32, #tpu.memory_space<hbm>> -> memref<80x128xf32, #tpu.memory_space<hbm>>
      %dma_start3A_48 = arith.constant 0 : i32
      %dma_start3A_49 = tpu.memref_slice %arg6[%add3A_45, %dma_start3A_48] : memref<64000x128xf32, #tpu.memory_space<hbm>> -> memref<80x128xf32, #tpu.memory_space<hbm>>
      tpu.enqueue_dma source(%arg9 : memref<80x128xf32, #tpu.memory_space<vmem>>) target(%dma_start3A_49 : memref<80x128xf32, #tpu.memory_space<hbm>>) target_semaphore(%run_scoped3A : memref<!tpu.dma_semaphore, #tpu.memory_space<semaphore_mem>>)
      %dma_wait3A_50 = arith.constant 0 : i32
      %dma_wait3A_51 = tpu.memref_slice %arg6[%add3A_45, %dma_wait3A_50] : memref<64000x128xf32, #tpu.memory_space<hbm>> -> memref<80x128xf32, #tpu.memory_space<hbm>>
      %dma_wait3A_52 = arith.constant 0 : i32
      %dma_wait3A_53 = tpu.memref_slice %arg6[%add3A_45, %dma_wait3A_52] : memref<64000x128xf32, #tpu.memory_space<hbm>> -> memref<80x128xf32, #tpu.memory_space<hbm>>
      tpu.wait_dma2 semaphore(%run_scoped3A : memref<!tpu.dma_semaphore, #tpu.memory_space<semaphore_mem>>) src(%arg9 : memref<80x128xf32, #tpu.memory_space<vmem>>) dst(%dma_wait3A_53 : memref<80x128xf32, #tpu.memory_space<hbm>>)
      tpu.yield
    }) : () -> ()
    return
  }
}

#map = affine_map<(d0, d1) -> (0, 0)>
#map1 = affine_map<(d0, d1) -> (0)>
module attributes {stable_mosaic.version = 14 : i64} {
  func.func @k(%arg0: i32, %arg1: i32, %arg2: memref<10000x128xf32, #tpu.memory_space<hbm>>, %arg3: memref<10000x128xf32, #tpu.memory_space<hbm>>, %arg4: memref<64000xi32, #tpu.memory_space<hbm>>, %arg5: memref<64000xi32, #tpu.memory_space<hbm>>, %arg6: memref<64000x128xf32, #tpu.memory_space<hbm>>, %arg7: memref<2000xi32, #tpu.memory_space<vmem>>, %arg8: memref<2000xi32, #tpu.memory_space<vmem>>, %arg9: memref<80x128xf32, #tpu.memory_space<vmem>>, %arg10: memref<80x128xf32, #tpu.memory_space<vmem>>, %arg11: memref<80x128xf32, #tpu.memory_space<vmem>>, %arg12: memref<80x128xf32, #tpu.memory_space<vmem>>, %arg13: memref<!tpu.dma_semaphore, #tpu.memory_space<semaphore_mem>>, %arg14: memref<!tpu.dma_semaphore, #tpu.memory_space<semaphore_mem>>) attributes {dimension_semantics = [#tpu.dimension_semantics<core_parallel>, #tpu.dimension_semantics<subcore_parallel>], iteration_bounds = array<i64: 2, 16>, scalar_prefetch = 0 : i64, scratch_operands = 8 : i64, tpu.core_type = #tpu.core_type<sc_vector_subcore>, window_params = [{transform_indices = #map}, {transform_indices = #map}, {transform_indices = #map1}, {transform_indices = #map1}, {transform_indices = #map}]} {
    %mul3A = arith.constant 2 : i32
    %mul3A_0 = arith.muli %arg1, %mul3A : i32
    %add3A = arith.addi %mul3A_0, %arg0 : i32
    %mul3A_1 = arith.constant 2000 : i32
    %mul3A_2 = arith.muli %add3A, %mul3A_1 : i32
    "tpu.region"() ({
      %run_scoped3A = tpu.sem_alloc : memref<!tpu.dma_semaphore, #tpu.memory_space<semaphore_mem>>
      %dma_start3A_46 = tpu.memref_slice %arg4[%mul3A_2] : memref<64000xi32, #tpu.memory_space<hbm>> -> memref<2000xi32, #tpu.memory_space<hbm>>
      %dma_start3A_47 = tpu.memref_slice %arg4[%mul3A_2] : memref<64000xi32, #tpu.memory_space<hbm>> -> memref<2000xi32, #tpu.memory_space<hbm>>
      tpu.enqueue_dma source(%dma_start3A_47 : memref<2000xi32, #tpu.memory_space<hbm>>) target(%arg7 : memref<2000xi32, #tpu.memory_space<vmem>>) target_semaphore(%run_scoped3A : memref<!tpu.dma_semaphore, #tpu.memory_space<semaphore_mem>>)
      %dma_wait3A_48 = tpu.memref_slice %arg4[%mul3A_2] : memref<64000xi32, #tpu.memory_space<hbm>> -> memref<2000xi32, #tpu.memory_space<hbm>>
      %dma_wait3A_49 = tpu.memref_slice %arg4[%mul3A_2] : memref<64000xi32, #tpu.memory_space<hbm>> -> memref<2000xi32, #tpu.memory_space<hbm>>
      tpu.wait_dma2 semaphore(%run_scoped3A : memref<!tpu.dma_semaphore, #tpu.memory_space<semaphore_mem>>) src(%dma_wait3A_49 : memref<2000xi32, #tpu.memory_space<hbm>>) dst(%arg7 : memref<2000xi32, #tpu.memory_space<vmem>>)
      tpu.yield
    }) : () -> ()
    "tpu.region"() ({
      %run_scoped3A = tpu.sem_alloc : memref<!tpu.dma_semaphore, #tpu.memory_space<semaphore_mem>>
      %dma_start3A_46 = tpu.memref_slice %arg5[%mul3A_2] : memref<64000xi32, #tpu.memory_space<hbm>> -> memref<2000xi32, #tpu.memory_space<hbm>>
      %dma_start3A_47 = tpu.memref_slice %arg5[%mul3A_2] : memref<64000xi32, #tpu.memory_space<hbm>> -> memref<2000xi32, #tpu.memory_space<hbm>>
      tpu.enqueue_dma source(%dma_start3A_47 : memref<2000xi32, #tpu.memory_space<hbm>>) target(%arg8 : memref<2000xi32, #tpu.memory_space<vmem>>) target_semaphore(%run_scoped3A : memref<!tpu.dma_semaphore, #tpu.memory_space<semaphore_mem>>)
      %dma_wait3A_48 = tpu.memref_slice %arg5[%mul3A_2] : memref<64000xi32, #tpu.memory_space<hbm>> -> memref<2000xi32, #tpu.memory_space<hbm>>
      %dma_wait3A_49 = tpu.memref_slice %arg5[%mul3A_2] : memref<64000xi32, #tpu.memory_space<hbm>> -> memref<2000xi32, #tpu.memory_space<hbm>>
      tpu.wait_dma2 semaphore(%run_scoped3A : memref<!tpu.dma_semaphore, #tpu.memory_space<semaphore_mem>>) src(%dma_wait3A_49 : memref<2000xi32, #tpu.memory_space<hbm>>) dst(%arg8 : memref<2000xi32, #tpu.memory_space<vmem>>)
      tpu.yield
    }) : () -> ()
    %dma_start3A = arith.constant 0 : i32
    %dma_start3A_3 = tpu.memref_slice %arg7[%dma_start3A] : memref<2000xi32, #tpu.memory_space<vmem>> -> memref<80xi32, #tpu.memory_space<vmem>>
    %dma_start3A_4 = arith.constant 0 : i32
    %dma_start3A_5 = arith.constant 0 : i32
    %dma_start3A_6 = tpu.memref_slice %arg2[%dma_start3A_4, %dma_start3A_5] : memref<10000x128xf32, #tpu.memory_space<hbm>> -> memref<10000x128xf32, #tpu.memory_space<hbm>>
    tpu.enqueue_indirect_dma source(%dma_start3A_6 : memref<10000x128xf32, #tpu.memory_space<hbm>>) target(%arg9 : memref<80x128xf32, #tpu.memory_space<vmem>>) offsets(%dma_start3A_3 : memref<80xi32, #tpu.memory_space<vmem>>) semaphore(%arg13 : memref<!tpu.dma_semaphore, #tpu.memory_space<semaphore_mem>>)
    %dma_start3A_7 = arith.constant 0 : i32
    %dma_start3A_8 = tpu.memref_slice %arg8[%dma_start3A_7] : memref<2000xi32, #tpu.memory_space<vmem>> -> memref<80xi32, #tpu.memory_space<vmem>>
    %dma_start3A_9 = arith.constant 0 : i32
    %dma_start3A_10 = arith.constant 0 : i32
    %dma_start3A_11 = tpu.memref_slice %arg3[%dma_start3A_9, %dma_start3A_10] : memref<10000x128xf32, #tpu.memory_space<hbm>> -> memref<10000x128xf32, #tpu.memory_space<hbm>>
    tpu.enqueue_indirect_dma source(%dma_start3A_11 : memref<10000x128xf32, #tpu.memory_space<hbm>>) target(%arg11 : memref<80x128xf32, #tpu.memory_space<vmem>>) offsets(%dma_start3A_8 : memref<80xi32, #tpu.memory_space<vmem>>) semaphore(%arg13 : memref<!tpu.dma_semaphore, #tpu.memory_space<semaphore_mem>>)
    %dma_start3A_12 = arith.constant 80 : i32
    %dma_start3A_13 = tpu.memref_slice %arg7[%dma_start3A_12] : memref<2000xi32, #tpu.memory_space<vmem>> -> memref<80xi32, #tpu.memory_space<vmem>>
    %dma_start3A_14 = arith.constant 0 : i32
    %dma_start3A_15 = arith.constant 0 : i32
    %dma_start3A_16 = tpu.memref_slice %arg2[%dma_start3A_14, %dma_start3A_15] : memref<10000x128xf32, #tpu.memory_space<hbm>> -> memref<10000x128xf32, #tpu.memory_space<hbm>>
    tpu.enqueue_indirect_dma source(%dma_start3A_16 : memref<10000x128xf32, #tpu.memory_space<hbm>>) target(%arg10 : memref<80x128xf32, #tpu.memory_space<vmem>>) offsets(%dma_start3A_13 : memref<80xi32, #tpu.memory_space<vmem>>) semaphore(%arg14 : memref<!tpu.dma_semaphore, #tpu.memory_space<semaphore_mem>>)
    %dma_start3A_17 = arith.constant 80 : i32
    %dma_start3A_18 = tpu.memref_slice %arg8[%dma_start3A_17] : memref<2000xi32, #tpu.memory_space<vmem>> -> memref<80xi32, #tpu.memory_space<vmem>>
    %dma_start3A_19 = arith.constant 0 : i32
    %dma_start3A_20 = arith.constant 0 : i32
    %dma_start3A_21 = tpu.memref_slice %arg3[%dma_start3A_19, %dma_start3A_20] : memref<10000x128xf32, #tpu.memory_space<hbm>> -> memref<10000x128xf32, #tpu.memory_space<hbm>>
    tpu.enqueue_indirect_dma source(%dma_start3A_21 : memref<10000x128xf32, #tpu.memory_space<hbm>>) target(%arg12 : memref<80x128xf32, #tpu.memory_space<vmem>>) offsets(%dma_start3A_18 : memref<80xi32, #tpu.memory_space<vmem>>) semaphore(%arg14 : memref<!tpu.dma_semaphore, #tpu.memory_space<semaphore_mem>>)
    %scan3A = arith.constant 0 : i32
    %scan3A_22 = arith.constant 0 : i32
    %scan3A_23 = arith.constant 12 : i32
    %scan3A_24 = arith.addi %scan3A_22, %scan3A_23 : i32
    %scan3A_25 = arith.constant 1 : i32
    scf.for %scan3A_46 = %scan3A_22 to %scan3A_24 step %scan3A_25  : i32 {
      %mul3A_47 = arith.constant 2 : i32
      %mul3A_48 = arith.muli %mul3A_47, %scan3A_46 : i32
      %dma_wait3A_49 = arith.constant 0 : i32
      %dma_wait3A_50 = arith.constant 0 : i32
      %dma_wait3A_51 = tpu.memref_slice %arg2[%dma_wait3A_49, %dma_wait3A_50] : memref<10000x128xf32, #tpu.memory_space<hbm>> -> memref<80x128xf32, #tpu.memory_space<hbm>>
      %dma_wait3A_52 = arith.constant 0 : i32
      %dma_wait3A_53 = arith.constant 0 : i32
      %dma_wait3A_54 = tpu.memref_slice %arg2[%dma_wait3A_52, %dma_wait3A_53] : memref<10000x128xf32, #tpu.memory_space<hbm>> -> memref<80x128xf32, #tpu.memory_space<hbm>>
      tpu.wait_dma2 semaphore(%arg13 : memref<!tpu.dma_semaphore, #tpu.memory_space<semaphore_mem>>) src(%dma_wait3A_54 : memref<80x128xf32, #tpu.memory_space<hbm>>) dst(%arg9 : memref<80x128xf32, #tpu.memory_space<vmem>>)
      %dma_wait3A_55 = arith.constant 0 : i32
      %dma_wait3A_56 = arith.constant 0 : i32
      %dma_wait3A_57 = tpu.memref_slice %arg3[%dma_wait3A_55, %dma_wait3A_56] : memref<10000x128xf32, #tpu.memory_space<hbm>> -> memref<80x128xf32, #tpu.memory_space<hbm>>
      %dma_wait3A_58 = arith.constant 0 : i32
      %dma_wait3A_59 = arith.constant 0 : i32
      %dma_wait3A_60 = tpu.memref_slice %arg3[%dma_wait3A_58, %dma_wait3A_59] : memref<10000x128xf32, #tpu.memory_space<hbm>> -> memref<80x128xf32, #tpu.memory_space<hbm>>
      tpu.wait_dma2 semaphore(%arg13 : memref<!tpu.dma_semaphore, #tpu.memory_space<semaphore_mem>>) src(%dma_wait3A_60 : memref<80x128xf32, #tpu.memory_space<hbm>>) dst(%arg11 : memref<80x128xf32, #tpu.memory_space<vmem>>)
      %scan3A_61 = arith.constant 0 : i32
      %scan3A_62 = arith.constant 0 : i32
      %scan3A_63 = arith.constant 80 : i32
      %scan3A_64 = arith.addi %scan3A_62, %scan3A_63 : i32
      %scan3A_65 = arith.constant 1 : i32
      scf.for %scan3A_106 = %scan3A_62 to %scan3A_64 step %scan3A_65  : i32 {
        %get3A = arith.index_cast %scan3A_106 : i32 to index
        %get3A_107 = arith.constant 0 : index
        %get3A_108 = tpu.vector_load %arg11[%get3A, %get3A_107] {strides = array<i32>} : memref<80x128xf32, #tpu.memory_space<vmem>>, vector<1x16xf32>,
        %get3A_109 = vector.shape_cast %get3A_108 : vector<1x16xf32> to vector<16xf32>
        %swap3A = arith.index_cast %scan3A_106 : i32 to index
        %swap3A_110 = arith.constant 0 : index
        %swap3A_111 = tpu.vector_load %arg9[%swap3A, %swap3A_110] {strides = array<i32>} : memref<80x128xf32, #tpu.memory_space<vmem>>, vector<1x16xf32>,
        %swap3A_112 = vector.shape_cast %swap3A_111 : vector<1x16xf32> to vector<16xf32>
        %swap3A_113 = vector.shape_cast %get3A_109 : vector<16xf32> to vector<1x16xf32>
        tpu.vector_store %arg9[%swap3A, %swap3A_110], %swap3A_113 {add = true, strides = array<i32>} : memref<80x128xf32, #tpu.memory_space<vmem>>, vector<1x16xf32>,
        %get3A_114 = arith.index_cast %scan3A_106 : i32 to index
        %get3A_115 = arith.constant 16 : index
        %get3A_116 = tpu.vector_load %arg11[%get3A_114, %get3A_115] {strides = array<i32>} : memref<80x128xf32, #tpu.memory_space<vmem>>, vector<1x16xf32>,
        %get3A_117 = vector.shape_cast %get3A_116 : vector<1x16xf32> to vector<16xf32>
        %swap3A_118 = arith.index_cast %scan3A_106 : i32 to index
        %swap3A_119 = arith.constant 16 : index
        %swap3A_120 = tpu.vector_load %arg9[%swap3A_118, %swap3A_119] {strides = array<i32>} : memref<80x128xf32, #tpu.memory_space<vmem>>, vector<1x16xf32>,
        %swap3A_121 = vector.shape_cast %swap3A_120 : vector<1x16xf32> to vector<16xf32>
        %swap3A_122 = vector.shape_cast %get3A_117 : vector<16xf32> to vector<1x16xf32>
        tpu.vector_store %arg9[%swap3A_118, %swap3A_119], %swap3A_122 {add = true, strides = array<i32>} : memref<80x128xf32, #tpu.memory_space<vmem>>, vector<1x16xf32>,
        %get3A_123 = arith.index_cast %scan3A_106 : i32 to index
        %get3A_124 = arith.constant 32 : index
        %get3A_125 = tpu.vector_load %arg11[%get3A_123, %get3A_124] {strides = array<i32>} : memref<80x128xf32, #tpu.memory_space<vmem>>, vector<1x16xf32>,
        %get3A_126 = vector.shape_cast %get3A_125 : vector<1x16xf32> to vector<16xf32>
        %swap3A_127 = arith.index_cast %scan3A_106 : i32 to index
        %swap3A_128 = arith.constant 32 : index
        %swap3A_129 = tpu.vector_load %arg9[%swap3A_127, %swap3A_128] {strides = array<i32>} : memref<80x128xf32, #tpu.memory_space<vmem>>, vector<1x16xf32>,
        %swap3A_130 = vector.shape_cast %swap3A_129 : vector<1x16xf32> to vector<16xf32>
        %swap3A_131 = vector.shape_cast %get3A_126 : vector<16xf32> to vector<1x16xf32>
        tpu.vector_store %arg9[%swap3A_127, %swap3A_128], %swap3A_131 {add = true, strides = array<i32>} : memref<80x128xf32, #tpu.memory_space<vmem>>, vector<1x16xf32>,
        %get3A_132 = arith.index_cast %scan3A_106 : i32 to index
        %get3A_133 = arith.constant 48 : index
        %get3A_134 = tpu.vector_load %arg11[%get3A_132, %get3A_133] {strides = array<i32>} : memref<80x128xf32, #tpu.memory_space<vmem>>, vector<1x16xf32>,
        %get3A_135 = vector.shape_cast %get3A_134 : vector<1x16xf32> to vector<16xf32>
        %swap3A_136 = arith.index_cast %scan3A_106 : i32 to index
        %swap3A_137 = arith.constant 48 : index
        %swap3A_138 = tpu.vector_load %arg9[%swap3A_136, %swap3A_137] {strides = array<i32>} : memref<80x128xf32, #tpu.memory_space<vmem>>, vector<1x16xf32>,
        %swap3A_139 = vector.shape_cast %swap3A_138 : vector<1x16xf32> to vector<16xf32>
        %swap3A_140 = vector.shape_cast %get3A_135 : vector<16xf32> to vector<1x16xf32>
        tpu.vector_store %arg9[%swap3A_136, %swap3A_137], %swap3A_140 {add = true, strides = array<i32>} : memref<80x128xf32, #tpu.memory_space<vmem>>, vector<1x16xf32>,
        %get3A_141 = arith.index_cast %scan3A_106 : i32 to index
        %get3A_142 = arith.constant 64 : index
        %get3A_143 = tpu.vector_load %arg11[%get3A_141, %get3A_142] {strides = array<i32>} : memref<80x128xf32, #tpu.memory_space<vmem>>, vector<1x16xf32>,
        %get3A_144 = vector.shape_cast %get3A_143 : vector<1x16xf32> to vector<16xf32>
        %swap3A_145 = arith.index_cast %scan3A_106 : i32 to index
        %swap3A_146 = arith.constant 64 : index
        %swap3A_147 = tpu.vector_load %arg9[%swap3A_145, %swap3A_146] {strides = array<i32>} : memref<80x128xf32, #tpu.memory_space<vmem>>, vector<1x16xf32>,
        %swap3A_148 = vector.shape_cast %swap3A_147 : vector<1x16xf32> to vector<16xf32>
        %swap3A_149 = vector.shape_cast %get3A_144 : vector<16xf32> to vector<1x16xf32>
        tpu.vector_store %arg9[%swap3A_145, %swap3A_146], %swap3A_149 {add = true, strides = array<i32>} : memref<80x128xf32, #tpu.memory_space<vmem>>, vector<1x16xf32>,
        %get3A_150 = arith.index_cast %scan3A_106 : i32 to index
        %get3A_151 = arith.constant 80 : index
        %get3A_152 = tpu.vector_load %arg11[%get3A_150, %get3A_151] {strides = array<i32>} : memref<80x128xf32, #tpu.memory_space<vmem>>, vector<1x16xf32>,
        %get3A_153 = vector.shape_cast %get3A_152 : vector<1x16xf32> to vector<16xf32>
        %swap3A_154 = arith.index_cast %scan3A_106 : i32 to index
        %swap3A_155 = arith.constant 80 : index
        %swap3A_156 = tpu.vector_load %arg9[%swap3A_154, %swap3A_155] {strides = array<i32>} : memref<80x128xf32, #tpu.memory_space<vmem>>, vector<1x16xf32>,
        %swap3A_157 = vector.shape_cast %swap3A_156 : vector<1x16xf32> to vector<16xf32>
        %swap3A_158 = vector.shape_cast %get3A_153 : vector<16xf32> to vector<1x16xf32>
        tpu.vector_store %arg9[%swap3A_154, %swap3A_155], %swap3A_158 {add = true, strides = array<i32>} : memref<80x128xf32, #tpu.memory_space<vmem>>, vector<1x16xf32>,
        %get3A_159 = arith.index_cast %scan3A_106 : i32 to index
        %get3A_160 = arith.constant 96 : index
        %get3A_161 = tpu.vector_load %arg11[%get3A_159, %get3A_160] {strides = array<i32>} : memref<80x128xf32, #tpu.memory_space<vmem>>, vector<1x16xf32>,
        %get3A_162 = vector.shape_cast %get3A_161 : vector<1x16xf32> to vector<16xf32>
        %swap3A_163 = arith.index_cast %scan3A_106 : i32 to index
        %swap3A_164 = arith.constant 96 : index
        %swap3A_165 = tpu.vector_load %arg9[%swap3A_163, %swap3A_164] {strides = array<i32>} : memref<80x128xf32, #tpu.memory_space<vmem>>, vector<1x16xf32>,
        %swap3A_166 = vector.shape_cast %swap3A_165 : vector<1x16xf32> to vector<16xf32>
        %swap3A_167 = vector.shape_cast %get3A_162 : vector<16xf32> to vector<1x16xf32>
        tpu.vector_store %arg9[%swap3A_163, %swap3A_164], %swap3A_167 {add = true, strides = array<i32>} : memref<80x128xf32, #tpu.memory_space<vmem>>, vector<1x16xf32>,
        %get3A_168 = arith.index_cast %scan3A_106 : i32 to index
        %get3A_169 = arith.constant 112 : index
        %get3A_170 = tpu.vector_load %arg11[%get3A_168, %get3A_169] {strides = array<i32>} : memref<80x128xf32, #tpu.memory_space<vmem>>, vector<1x16xf32>,
        %get3A_171 = vector.shape_cast %get3A_170 : vector<1x16xf32> to vector<16xf32>
        %swap3A_172 = arith.index_cast %scan3A_106 : i32 to index
        %swap3A_173 = arith.constant 112 : index
        %swap3A_174 = tpu.vector_load %arg9[%swap3A_172, %swap3A_173] {strides = array<i32>} : memref<80x128xf32, #tpu.memory_space<vmem>>, vector<1x16xf32>,
        %swap3A_175 = vector.shape_cast %swap3A_174 : vector<1x16xf32> to vector<16xf32>
        %swap3A_176 = vector.shape_cast %get3A_171 : vector<16xf32> to vector<1x16xf32>
        tpu.vector_store %arg9[%swap3A_172, %swap3A_173], %swap3A_176 {add = true, strides = array<i32>} : memref<80x128xf32, #tpu.memory_space<vmem>>, vector<1x16xf32>,
      }
      %scan3A_66 = arith.constant 80 : i32
      %mul3A_67 = arith.constant 80 : i32
      %mul3A_68 = arith.muli %mul3A_48, %mul3A_67 : i32
      %add3A_69 = arith.addi %mul3A_2, %mul3A_68 : i32
      "tpu.region"() ({
        %run_scoped3A = tpu.sem_alloc : memref<!tpu.dma_semaphore, #tpu.memory_space<semaphore_mem>>
        %dma_start3A_106 = arith.constant 0 : i32
        %dma_start3A_107 = tpu.memref_slice %arg6[%add3A_69, %dma_start3A_106] : memref<64000x128xf32, #tpu.memory_space<hbm>> -> memref<80x128xf32, #tpu.memory_space<hbm>>
        %dma_start3A_108 = arith.constant 0 : i32
        %dma_start3A_109 = tpu.memref_slice %arg6[%add3A_69, %dma_start3A_108] : memref<64000x128xf32, #tpu.memory_space<hbm>> -> memref<80x128xf32, #tpu.memory_space<hbm>>
        tpu.enqueue_dma source(%arg9 : memref<80x128xf32, #tpu.memory_space<vmem>>) target(%dma_start3A_109 : memref<80x128xf32, #tpu.memory_space<hbm>>) target_semaphore(%run_scoped3A : memref<!tpu.dma_semaphore, #tpu.memory_space<semaphore_mem>>)
        %dma_wait3A_110 = arith.constant 0 : i32
        %dma_wait3A_111 = tpu.memref_slice %arg6[%add3A_69, %dma_wait3A_110] : memref<64000x128xf32, #tpu.memory_space<hbm>> -> memref<80x128xf32, #tpu.memory_space<hbm>>
        %dma_wait3A_112 = arith.constant 0 : i32
        %dma_wait3A_113 = tpu.memref_slice %arg6[%add3A_69, %dma_wait3A_112] : memref<64000x128xf32, #tpu.memory_space<hbm>> -> memref<80x128xf32, #tpu.memory_space<hbm>>
        tpu.wait_dma2 semaphore(%run_scoped3A : memref<!tpu.dma_semaphore, #tpu.memory_space<semaphore_mem>>) src(%arg9 : memref<80x128xf32, #tpu.memory_space<vmem>>) dst(%dma_wait3A_113 : memref<80x128xf32, #tpu.memory_space<hbm>>)
        tpu.yield
      }) : () -> ()
      %add3A_70 = arith.constant 2 : i32
      %add3A_71 = arith.addi %mul3A_48, %add3A_70 : i32
      %lt3A = arith.constant 25 : i32
      %lt3A_72 = arith.cmpi slt, %add3A_71, %lt3A : i32
      %convert_element_type3A = arith.extui %lt3A_72 : i1 to i32
      %cond3A = arith.constant 0 : i32
      %cond3A_73 = arith.cmpi ne, %convert_element_type3A, %cond3A : i32
      scf.if %cond3A_73 {
        %add3A_106 = arith.constant 2 : i32
        %add3A_107 = arith.addi %mul3A_48, %add3A_106 : i32
        %mul3A_108 = arith.constant 80 : i32
        %mul3A_109 = arith.muli %add3A_107, %mul3A_108 : i32
        %dma_start3A_110 = tpu.memref_slice %arg7[%mul3A_109] : memref<2000xi32, #tpu.memory_space<vmem>> -> memref<80xi32, #tpu.memory_space<vmem>>
        %dma_start3A_111 = arith.constant 0 : i32
        %dma_start3A_112 = arith.constant 0 : i32
        %dma_start3A_113 = tpu.memref_slice %arg2[%dma_start3A_111, %dma_start3A_112] : memref<10000x128xf32, #tpu.memory_space<hbm>> -> memref<10000x128xf32, #tpu.memory_space<hbm>>
        tpu.enqueue_indirect_dma source(%dma_start3A_113 : memref<10000x128xf32, #tpu.memory_space<hbm>>) target(%arg9 : memref<80x128xf32, #tpu.memory_space<vmem>>) offsets(%dma_start3A_110 : memref<80xi32, #tpu.memory_space<vmem>>) semaphore(%arg13 : memref<!tpu.dma_semaphore, #tpu.memory_space<semaphore_mem>>)
        %dma_start3A_114 = tpu.memref_slice %arg8[%mul3A_109] : memref<2000xi32, #tpu.memory_space<vmem>> -> memref<80xi32, #tpu.memory_space<vmem>>
        %dma_start3A_115 = arith.constant 0 : i32
        %dma_start3A_116 = arith.constant 0 : i32
        %dma_start3A_117 = tpu.memref_slice %arg3[%dma_start3A_115, %dma_start3A_116] : memref<10000x128xf32, #tpu.memory_space<hbm>> -> memref<10000x128xf32, #tpu.memory_space<hbm>>
        tpu.enqueue_indirect_dma source(%dma_start3A_117 : memref<10000x128xf32, #tpu.memory_space<hbm>>) target(%arg11 : memref<80x128xf32, #tpu.memory_space<vmem>>) offsets(%dma_start3A_114 : memref<80xi32, #tpu.memory_space<vmem>>) semaphore(%arg13 : memref<!tpu.dma_semaphore, #tpu.memory_space<semaphore_mem>>)
      } else {
      }
      %mul3A_74 = arith.constant 2 : i32
      %mul3A_75 = arith.muli %mul3A_74, %scan3A_46 : i32
      %add3A_76 = arith.constant 1 : i32
      %add3A_77 = arith.addi %mul3A_75, %add3A_76 : i32
      %dma_wait3A_78 = arith.constant 0 : i32
      %dma_wait3A_79 = arith.constant 0 : i32
      %dma_wait3A_80 = tpu.memref_slice %arg2[%dma_wait3A_78, %dma_wait3A_79] : memref<10000x128xf32, #tpu.memory_space<hbm>> -> memref<80x128xf32, #tpu.memory_space<hbm>>
      %dma_wait3A_81 = arith.constant 0 : i32
      %dma_wait3A_82 = arith.constant 0 : i32
      %dma_wait3A_83 = tpu.memref_slice %arg2[%dma_wait3A_81, %dma_wait3A_82] : memref<10000x128xf32, #tpu.memory_space<hbm>> -> memref<80x128xf32, #tpu.memory_space<hbm>>
      tpu.wait_dma2 semaphore(%arg14 : memref<!tpu.dma_semaphore, #tpu.memory_space<semaphore_mem>>) src(%dma_wait3A_83 : memref<80x128xf32, #tpu.memory_space<hbm>>) dst(%arg10 : memref<80x128xf32, #tpu.memory_space<vmem>>)
      %dma_wait3A_84 = arith.constant 0 : i32
      %dma_wait3A_85 = arith.constant 0 : i32
      %dma_wait3A_86 = tpu.memref_slice %arg3[%dma_wait3A_84, %dma_wait3A_85] : memref<10000x128xf32, #tpu.memory_space<hbm>> -> memref<80x128xf32, #tpu.memory_space<hbm>>
      %dma_wait3A_87 = arith.constant 0 : i32
      %dma_wait3A_88 = arith.constant 0 : i32
      %dma_wait3A_89 = tpu.memref_slice %arg3[%dma_wait3A_87, %dma_wait3A_88] : memref<10000x128xf32, #tpu.memory_space<hbm>> -> memref<80x128xf32, #tpu.memory_space<hbm>>
      tpu.wait_dma2 semaphore(%arg14 : memref<!tpu.dma_semaphore, #tpu.memory_space<semaphore_mem>>) src(%dma_wait3A_89 : memref<80x128xf32, #tpu.memory_space<hbm>>) dst(%arg12 : memref<80x128xf32, #tpu.memory_space<vmem>>)
      %scan3A_90 = arith.constant 0 : i32
      %scan3A_91 = arith.constant 0 : i32
      %scan3A_92 = arith.constant 80 : i32
      %scan3A_93 = arith.addi %scan3A_91, %scan3A_92 : i32
      %scan3A_94 = arith.constant 1 : i32
      scf.for %scan3A_106 = %scan3A_91 to %scan3A_93 step %scan3A_94  : i32 {
        %get3A = arith.index_cast %scan3A_106 : i32 to index
        %get3A_107 = arith.constant 0 : index
        %get3A_108 = tpu.vector_load %arg12[%get3A, %get3A_107] {strides = array<i32>} : memref<80x128xf32, #tpu.memory_space<vmem>>, vector<1x16xf32>,
        %get3A_109 = vector.shape_cast %get3A_108 : vector<1x16xf32> to vector<16xf32>
        %swap3A = arith.index_cast %scan3A_106 : i32 to index
        %swap3A_110 = arith.constant 0 : index
        %swap3A_111 = tpu.vector_load %arg10[%swap3A, %swap3A_110] {strides = array<i32>} : memref<80x128xf32, #tpu.memory_space<vmem>>, vector<1x16xf32>,
        %swap3A_112 = vector.shape_cast %swap3A_111 : vector<1x16xf32> to vector<16xf32>
        %swap3A_113 = vector.shape_cast %get3A_109 : vector<16xf32> to vector<1x16xf32>
        tpu.vector_store %arg10[%swap3A, %swap3A_110], %swap3A_113 {add = true, strides = array<i32>} : memref<80x128xf32, #tpu.memory_space<vmem>>, vector<1x16xf32>,
        %get3A_114 = arith.index_cast %scan3A_106 : i32 to index
        %get3A_115 = arith.constant 16 : index
        %get3A_116 = tpu.vector_load %arg12[%get3A_114, %get3A_115] {strides = array<i32>} : memref<80x128xf32, #tpu.memory_space<vmem>>, vector<1x16xf32>,
        %get3A_117 = vector.shape_cast %get3A_116 : vector<1x16xf32> to vector<16xf32>
        %swap3A_118 = arith.index_cast %scan3A_106 : i32 to index
        %swap3A_119 = arith.constant 16 : index
        %swap3A_120 = tpu.vector_load %arg10[%swap3A_118, %swap3A_119] {strides = array<i32>} : memref<80x128xf32, #tpu.memory_space<vmem>>, vector<1x16xf32>,
        %swap3A_121 = vector.shape_cast %swap3A_120 : vector<1x16xf32> to vector<16xf32>
        %swap3A_122 = vector.shape_cast %get3A_117 : vector<16xf32> to vector<1x16xf32>
        tpu.vector_store %arg10[%swap3A_118, %swap3A_119], %swap3A_122 {add = true, strides = array<i32>} : memref<80x128xf32, #tpu.memory_space<vmem>>, vector<1x16xf32>,
        %get3A_123 = arith.index_cast %scan3A_106 : i32 to index
        %get3A_124 = arith.constant 32 : index
        %get3A_125 = tpu.vector_load %arg12[%get3A_123, %get3A_124] {strides = array<i32>} : memref<80x128xf32, #tpu.memory_space<vmem>>, vector<1x16xf32>,
        %get3A_126 = vector.shape_cast %get3A_125 : vector<1x16xf32> to vector<16xf32>
        %swap3A_127 = arith.index_cast %scan3A_106 : i32 to index
        %swap3A_128 = arith.constant 32 : index
        %swap3A_129 = tpu.vector_load %arg10[%swap3A_127, %swap3A_128] {strides = array<i32>} : memref<80x128xf32, #tpu.memory_space<vmem>>, vector<1x16xf32>,
        %swap3A_130 = vector.shape_cast %swap3A_129 : vector<1x16xf32> to vector<16xf32>
        %swap3A_131 = vector.shape_cast %get3A_126 : vector<16xf32> to vector<1x16xf32>
        tpu.vector_store %arg10[%swap3A_127, %swap3A_128], %swap3A_131 {add = true, strides = array<i32>} : memref<80x128xf32, #tpu.memory_space<vmem>>, vector<1x16xf32>,
        %get3A_132 = arith.index_cast %scan3A_106 : i32 to index
        %get3A_133 = arith.constant 48 : index
        %get3A_134 = tpu.vector_load %arg12[%get3A_132, %get3A_133] {strides = array<i32>} : memref<80x128xf32, #tpu.memory_space<vmem>>, vector<1x16xf32>,
        %get3A_135 = vector.shape_cast %get3A_134 : vector<1x16xf32> to vector<16xf32>
        %swap3A_136 = arith.index_cast %scan3A_106 : i32 to index
        %swap3A_137 = arith.constant 48 : index
        %swap3A_138 = tpu.vector_load %arg10[%swap3A_136, %swap3A_137] {strides = array<i32>} : memref<80x128xf32, #tpu.memory_space<vmem>>, vector<1x16xf32>,
        %swap3A_139 = vector.shape_cast %swap3A_138 : vector<1x16xf32> to vector<16xf32>
        %swap3A_140 = vector.shape_cast %get3A_135 : vector<16xf32> to vector<1x16xf32>
        tpu.vector_store %arg10[%swap3A_136, %swap3A_137], %swap3A_140 {add = true, strides = array<i32>} : memref<80x128xf32, #tpu.memory_space<vmem>>, vector<1x16xf32>,
        %get3A_141 = arith.index_cast %scan3A_106 : i32 to index
        %get3A_142 = arith.constant 64 : index
        %get3A_143 = tpu.vector_load %arg12[%get3A_141, %get3A_142] {strides = array<i32>} : memref<80x128xf32, #tpu.memory_space<vmem>>, vector<1x16xf32>,
        %get3A_144 = vector.shape_cast %get3A_143 : vector<1x16xf32> to vector<16xf32>
        %swap3A_145 = arith.index_cast %scan3A_106 : i32 to index
        %swap3A_146 = arith.constant 64 : index
        %swap3A_147 = tpu.vector_load %arg10[%swap3A_145, %swap3A_146] {strides = array<i32>} : memref<80x128xf32, #tpu.memory_space<vmem>>, vector<1x16xf32>,
        %swap3A_148 = vector.shape_cast %swap3A_147 : vector<1x16xf32> to vector<16xf32>
        %swap3A_149 = vector.shape_cast %get3A_144 : vector<16xf32> to vector<1x16xf32>
        tpu.vector_store %arg10[%swap3A_145, %swap3A_146], %swap3A_149 {add = true, strides = array<i32>} : memref<80x128xf32, #tpu.memory_space<vmem>>, vector<1x16xf32>,
        %get3A_150 = arith.index_cast %scan3A_106 : i32 to index
        %get3A_151 = arith.constant 80 : index
        %get3A_152 = tpu.vector_load %arg12[%get3A_150, %get3A_151] {strides = array<i32>} : memref<80x128xf32, #tpu.memory_space<vmem>>, vector<1x16xf32>,
        %get3A_153 = vector.shape_cast %get3A_152 : vector<1x16xf32> to vector<16xf32>
        %swap3A_154 = arith.index_cast %scan3A_106 : i32 to index
        %swap3A_155 = arith.constant 80 : index
        %swap3A_156 = tpu.vector_load %arg10[%swap3A_154, %swap3A_155] {strides = array<i32>} : memref<80x128xf32, #tpu.memory_space<vmem>>, vector<1x16xf32>,
        %swap3A_157 = vector.shape_cast %swap3A_156 : vector<1x16xf32> to vector<16xf32>
        %swap3A_158 = vector.shape_cast %get3A_153 : vector<16xf32> to vector<1x16xf32>
        tpu.vector_store %arg10[%swap3A_154, %swap3A_155], %swap3A_158 {add = true, strides = array<i32>} : memref<80x128xf32, #tpu.memory_space<vmem>>, vector<1x16xf32>,
        %get3A_159 = arith.index_cast %scan3A_106 : i32 to index
        %get3A_160 = arith.constant 96 : index
        %get3A_161 = tpu.vector_load %arg12[%get3A_159, %get3A_160] {strides = array<i32>} : memref<80x128xf32, #tpu.memory_space<vmem>>, vector<1x16xf32>,
        %get3A_162 = vector.shape_cast %get3A_161 : vector<1x16xf32> to vector<16xf32>
        %swap3A_163 = arith.index_cast %scan3A_106 : i32 to index
        %swap3A_164 = arith.constant 96 : index
        %swap3A_165 = tpu.vector_load %arg10[%swap3A_163, %swap3A_164] {strides = array<i32>} : memref<80x128xf32, #tpu.memory_space<vmem>>, vector<1x16xf32>,
        %swap3A_166 = vector.shape_cast %swap3A_165 : vector<1x16xf32> to vector<16xf32>
        %swap3A_167 = vector.shape_cast %get3A_162 : vector<16xf32> to vector<1x16xf32>
        tpu.vector_store %arg10[%swap3A_163, %swap3A_164], %swap3A_167 {add = true, strides = array<i32>} : memref<80x128xf32, #tpu.memory_space<vmem>>, vector<1x16xf32>,
        %get3A_168 = arith.index_cast %scan3A_106 : i32 to index
        %get3A_169 = arith.constant 112 : index
        %get3A_170 = tpu.vector_load %arg12[%get3A_168, %get3A_169] {strides = array<i32>} : memref<80x128xf32, #tpu.memory_space<vmem>>, vector<1x16xf32>,
        %get3A_171 = vector.shape_cast %get3A_170 : vector<1x16xf32> to vector<16xf32>
        %swap3A_172 = arith.index_cast %scan3A_106 : i32 to index
        %swap3A_173 = arith.constant 112 : index
        %swap3A_174 = tpu.vector_load %arg10[%swap3A_172, %swap3A_173] {strides = array<i32>} : memref<80x128xf32, #tpu.memory_space<vmem>>, vector<1x16xf32>,
        %swap3A_175 = vector.shape_cast %swap3A_174 : vector<1x16xf32> to vector<16xf32>
        %swap3A_176 = vector.shape_cast %get3A_171 : vector<16xf32> to vector<1x16xf32>
        tpu.vector_store %arg10[%swap3A_172, %swap3A_173], %swap3A_176 {add = true, strides = array<i32>} : memref<80x128xf32, #tpu.memory_space<vmem>>, vector<1x16xf32>,
      }
      %scan3A_95 = arith.constant 80 : i32
      %mul3A_96 = arith.constant 80 : i32
      %mul3A_97 = arith.muli %add3A_77, %mul3A_96 : i32
      %add3A_98 = arith.addi %mul3A_2, %mul3A_97 : i32
      "tpu.region"() ({
        %run_scoped3A = tpu.sem_alloc : memref<!tpu.dma_semaphore, #tpu.memory_space<semaphore_mem>>
        %dma_start3A_106 = arith.constant 0 : i32
        %dma_start3A_107 = tpu.memref_slice %arg6[%add3A_98, %dma_start3A_106] : memref<64000x128xf32, #tpu.memory_space<hbm>> -> memref<80x128xf32, #tpu.memory_space<hbm>>
        %dma_start3A_108 = arith.constant 0 : i32
        %dma_start3A_109 = tpu.memref_slice %arg6[%add3A_98, %dma_start3A_108] : memref<64000x128xf32, #tpu.memory_space<hbm>> -> memref<80x128xf32, #tpu.memory_space<hbm>>
        tpu.enqueue_dma source(%arg10 : memref<80x128xf32, #tpu.memory_space<vmem>>) target(%dma_start3A_109 : memref<80x128xf32, #tpu.memory_space<hbm>>) target_semaphore(%run_scoped3A : memref<!tpu.dma_semaphore, #tpu.memory_space<semaphore_mem>>)
        %dma_wait3A_110 = arith.constant 0 : i32
        %dma_wait3A_111 = tpu.memref_slice %arg6[%add3A_98, %dma_wait3A_110] : memref<64000x128xf32, #tpu.memory_space<hbm>> -> memref<80x128xf32, #tpu.memory_space<hbm>>
        %dma_wait3A_112 = arith.constant 0 : i32
        %dma_wait3A_113 = tpu.memref_slice %arg6[%add3A_98, %dma_wait3A_112] : memref<64000x128xf32, #tpu.memory_space<hbm>> -> memref<80x128xf32, #tpu.memory_space<hbm>>
        tpu.wait_dma2 semaphore(%run_scoped3A : memref<!tpu.dma_semaphore, #tpu.memory_space<semaphore_mem>>) src(%arg10 : memref<80x128xf32, #tpu.memory_space<vmem>>) dst(%dma_wait3A_113 : memref<80x128xf32, #tpu.memory_space<hbm>>)
        tpu.yield
      }) : () -> ()
      %add3A_99 = arith.constant 2 : i32
      %add3A_100 = arith.addi %add3A_77, %add3A_99 : i32
      %lt3A_101 = arith.constant 25 : i32
      %lt3A_102 = arith.cmpi slt, %add3A_100, %lt3A_101 : i32
      %convert_element_type3A_103 = arith.extui %lt3A_102 : i1 to i32
      %cond3A_104 = arith.constant 0 : i32
      %cond3A_105 = arith.cmpi ne, %convert_element_type3A_103, %cond3A_104 : i32
      scf.if %cond3A_105 {
        %add3A_106 = arith.constant 2 : i32
        %add3A_107 = arith.addi %add3A_77, %add3A_106 : i32
        %mul3A_108 = arith.constant 80 : i32
        %mul3A_109 = arith.muli %add3A_107, %mul3A_108 : i32
        %dma_start3A_110 = tpu.memref_slice %arg7[%mul3A_109] : memref<2000xi32, #tpu.memory_space<vmem>> -> memref<80xi32, #tpu.memory_space<vmem>>
        %dma_start3A_111 = arith.constant 0 : i32
        %dma_start3A_112 = arith.constant 0 : i32
        %dma_start3A_113 = tpu.memref_slice %arg2[%dma_start3A_111, %dma_start3A_112] : memref<10000x128xf32, #tpu.memory_space<hbm>> -> memref<10000x128xf32, #tpu.memory_space<hbm>>
        tpu.enqueue_indirect_dma source(%dma_start3A_113 : memref<10000x128xf32, #tpu.memory_space<hbm>>) target(%arg10 : memref<80x128xf32, #tpu.memory_space<vmem>>) offsets(%dma_start3A_110 : memref<80xi32, #tpu.memory_space<vmem>>) semaphore(%arg14 : memref<!tpu.dma_semaphore, #tpu.memory_space<semaphore_mem>>)
        %dma_start3A_114 = tpu.memref_slice %arg8[%mul3A_109] : memref<2000xi32, #tpu.memory_space<vmem>> -> memref<80xi32, #tpu.memory_space<vmem>>
        %dma_start3A_115 = arith.constant 0 : i32
        %dma_start3A_116 = arith.constant 0 : i32
        %dma_start3A_117 = tpu.memref_slice %arg3[%dma_start3A_115, %dma_start3A_116] : memref<10000x128xf32, #tpu.memory_space<hbm>> -> memref<10000x128xf32, #tpu.memory_space<hbm>>
        tpu.enqueue_indirect_dma source(%dma_start3A_117 : memref<10000x128xf32, #tpu.memory_space<hbm>>) target(%arg12 : memref<80x128xf32, #tpu.memory_space<vmem>>) offsets(%dma_start3A_114 : memref<80xi32, #tpu.memory_space<vmem>>) semaphore(%arg14 : memref<!tpu.dma_semaphore, #tpu.memory_space<semaphore_mem>>)
      } else {
      }
    }
    %scan3A_26 = arith.constant 12 : i32
    %dma_wait3A = arith.constant 0 : i32
    %dma_wait3A_27 = arith.constant 0 : i32
    %dma_wait3A_28 = tpu.memref_slice %arg2[%dma_wait3A, %dma_wait3A_27] : memref<10000x128xf32, #tpu.memory_space<hbm>> -> memref<80x128xf32, #tpu.memory_space<hbm>>
    %dma_wait3A_29 = arith.constant 0 : i32
    %dma_wait3A_30 = arith.constant 0 : i32
    %dma_wait3A_31 = tpu.memref_slice %arg2[%dma_wait3A_29, %dma_wait3A_30] : memref<10000x128xf32, #tpu.memory_space<hbm>> -> memref<80x128xf32, #tpu.memory_space<hbm>>
    tpu.wait_dma2 semaphore(%arg13 : memref<!tpu.dma_semaphore, #tpu.memory_space<semaphore_mem>>) src(%dma_wait3A_31 : memref<80x128xf32, #tpu.memory_space<hbm>>) dst(%arg9 : memref<80x128xf32, #tpu.memory_space<vmem>>)
    %dma_wait3A_32 = arith.constant 0 : i32
    %dma_wait3A_33 = arith.constant 0 : i32
    %dma_wait3A_34 = tpu.memref_slice %arg3[%dma_wait3A_32, %dma_wait3A_33] : memref<10000x128xf32, #tpu.memory_space<hbm>> -> memref<80x128xf32, #tpu.memory_space<hbm>>
    %dma_wait3A_35 = arith.constant 0 : i32
    %dma_wait3A_36 = arith.constant 0 : i32
    %dma_wait3A_37 = tpu.memref_slice %arg3[%dma_wait3A_35, %dma_wait3A_36] : memref<10000x128xf32, #tpu.memory_space<hbm>> -> memref<80x128xf32, #tpu.memory_space<hbm>>
    tpu.wait_dma2 semaphore(%arg13 : memref<!tpu.dma_semaphore, #tpu.memory_space<semaphore_mem>>) src(%dma_wait3A_37 : memref<80x128xf32, #tpu.memory_space<hbm>>) dst(%arg11 : memref<80x128xf32, #tpu.memory_space<vmem>>)
    %scan3A_38 = arith.constant 0 : i32
    %scan3A_39 = arith.constant 0 : i32
    %scan3A_40 = arith.constant 80 : i32
    %scan3A_41 = arith.addi %scan3A_39, %scan3A_40 : i32
    %scan3A_42 = arith.constant 1 : i32
    scf.for %scan3A_46 = %scan3A_39 to %scan3A_41 step %scan3A_42  : i32 {
      %get3A = arith.index_cast %scan3A_46 : i32 to index
      %get3A_47 = arith.constant 0 : index
      %get3A_48 = tpu.vector_load %arg11[%get3A, %get3A_47] {strides = array<i32>} : memref<80x128xf32, #tpu.memory_space<vmem>>, vector<1x16xf32>,
      %get3A_49 = vector.shape_cast %get3A_48 : vector<1x16xf32> to vector<16xf32>
      %swap3A = arith.index_cast %scan3A_46 : i32 to index
      %swap3A_50 = arith.constant 0 : index
      %swap3A_51 = tpu.vector_load %arg9[%swap3A, %swap3A_50] {strides = array<i32>} : memref<80x128xf32, #tpu.memory_space<vmem>>, vector<1x16xf32>,
      %swap3A_52 = vector.shape_cast %swap3A_51 : vector<1x16xf32> to vector<16xf32>
      %swap3A_53 = vector.shape_cast %get3A_49 : vector<16xf32> to vector<1x16xf32>
      tpu.vector_store %arg9[%swap3A, %swap3A_50], %swap3A_53 {add = true, strides = array<i32>} : memref<80x128xf32, #tpu.memory_space<vmem>>, vector<1x16xf32>,
      %get3A_54 = arith.index_cast %scan3A_46 : i32 to index
      %get3A_55 = arith.constant 16 : index
      %get3A_56 = tpu.vector_load %arg11[%get3A_54, %get3A_55] {strides = array<i32>} : memref<80x128xf32, #tpu.memory_space<vmem>>, vector<1x16xf32>,
      %get3A_57 = vector.shape_cast %get3A_56 : vector<1x16xf32> to vector<16xf32>
      %swap3A_58 = arith.index_cast %scan3A_46 : i32 to index
      %swap3A_59 = arith.constant 16 : index
      %swap3A_60 = tpu.vector_load %arg9[%swap3A_58, %swap3A_59] {strides = array<i32>} : memref<80x128xf32, #tpu.memory_space<vmem>>, vector<1x16xf32>,
      %swap3A_61 = vector.shape_cast %swap3A_60 : vector<1x16xf32> to vector<16xf32>
      %swap3A_62 = vector.shape_cast %get3A_57 : vector<16xf32> to vector<1x16xf32>
      tpu.vector_store %arg9[%swap3A_58, %swap3A_59], %swap3A_62 {add = true, strides = array<i32>} : memref<80x128xf32, #tpu.memory_space<vmem>>, vector<1x16xf32>,
      %get3A_63 = arith.index_cast %scan3A_46 : i32 to index
      %get3A_64 = arith.constant 32 : index
      %get3A_65 = tpu.vector_load %arg11[%get3A_63, %get3A_64] {strides = array<i32>} : memref<80x128xf32, #tpu.memory_space<vmem>>, vector<1x16xf32>,
      %get3A_66 = vector.shape_cast %get3A_65 : vector<1x16xf32> to vector<16xf32>
      %swap3A_67 = arith.index_cast %scan3A_46 : i32 to index
      %swap3A_68 = arith.constant 32 : index
      %swap3A_69 = tpu.vector_load %arg9[%swap3A_67, %swap3A_68] {strides = array<i32>} : memref<80x128xf32, #tpu.memory_space<vmem>>, vector<1x16xf32>,
      %swap3A_70 = vector.shape_cast %swap3A_69 : vector<1x16xf32> to vector<16xf32>
      %swap3A_71 = vector.shape_cast %get3A_66 : vector<16xf32> to vector<1x16xf32>
      tpu.vector_store %arg9[%swap3A_67, %swap3A_68], %swap3A_71 {add = true, strides = array<i32>} : memref<80x128xf32, #tpu.memory_space<vmem>>, vector<1x16xf32>,
      %get3A_72 = arith.index_cast %scan3A_46 : i32 to index
      %get3A_73 = arith.constant 48 : index
      %get3A_74 = tpu.vector_load %arg11[%get3A_72, %get3A_73] {strides = array<i32>} : memref<80x128xf32, #tpu.memory_space<vmem>>, vector<1x16xf32>,
      %get3A_75 = vector.shape_cast %get3A_74 : vector<1x16xf32> to vector<16xf32>
      %swap3A_76 = arith.index_cast %scan3A_46 : i32 to index
      %swap3A_77 = arith.constant 48 : index
      %swap3A_78 = tpu.vector_load %arg9[%swap3A_76, %swap3A_77] {strides = array<i32>} : memref<80x128xf32, #tpu.memory_space<vmem>>, vector<1x16xf32>,
      %swap3A_79 = vector.shape_cast %swap3A_78 : vector<1x16xf32> to vector<16xf32>
      %swap3A_80 = vector.shape_cast %get3A_75 : vector<16xf32> to vector<1x16xf32>
      tpu.vector_store %arg9[%swap3A_76, %swap3A_77], %swap3A_80 {add = true, strides = array<i32>} : memref<80x128xf32, #tpu.memory_space<vmem>>, vector<1x16xf32>,
      %get3A_81 = arith.index_cast %scan3A_46 : i32 to index
      %get3A_82 = arith.constant 64 : index
      %get3A_83 = tpu.vector_load %arg11[%get3A_81, %get3A_82] {strides = array<i32>} : memref<80x128xf32, #tpu.memory_space<vmem>>, vector<1x16xf32>,
      %get3A_84 = vector.shape_cast %get3A_83 : vector<1x16xf32> to vector<16xf32>
      %swap3A_85 = arith.index_cast %scan3A_46 : i32 to index
      %swap3A_86 = arith.constant 64 : index
      %swap3A_87 = tpu.vector_load %arg9[%swap3A_85, %swap3A_86] {strides = array<i32>} : memref<80x128xf32, #tpu.memory_space<vmem>>, vector<1x16xf32>,
      %swap3A_88 = vector.shape_cast %swap3A_87 : vector<1x16xf32> to vector<16xf32>
      %swap3A_89 = vector.shape_cast %get3A_84 : vector<16xf32> to vector<1x16xf32>
      tpu.vector_store %arg9[%swap3A_85, %swap3A_86], %swap3A_89 {add = true, strides = array<i32>} : memref<80x128xf32, #tpu.memory_space<vmem>>, vector<1x16xf32>,
      %get3A_90 = arith.index_cast %scan3A_46 : i32 to index
      %get3A_91 = arith.constant 80 : index
      %get3A_92 = tpu.vector_load %arg11[%get3A_90, %get3A_91] {strides = array<i32>} : memref<80x128xf32, #tpu.memory_space<vmem>>, vector<1x16xf32>,
      %get3A_93 = vector.shape_cast %get3A_92 : vector<1x16xf32> to vector<16xf32>
      %swap3A_94 = arith.index_cast %scan3A_46 : i32 to index
      %swap3A_95 = arith.constant 80 : index
      %swap3A_96 = tpu.vector_load %arg9[%swap3A_94, %swap3A_95] {strides = array<i32>} : memref<80x128xf32, #tpu.memory_space<vmem>>, vector<1x16xf32>,
      %swap3A_97 = vector.shape_cast %swap3A_96 : vector<1x16xf32> to vector<16xf32>
      %swap3A_98 = vector.shape_cast %get3A_93 : vector<16xf32> to vector<1x16xf32>
      tpu.vector_store %arg9[%swap3A_94, %swap3A_95], %swap3A_98 {add = true, strides = array<i32>} : memref<80x128xf32, #tpu.memory_space<vmem>>, vector<1x16xf32>,
      %get3A_99 = arith.index_cast %scan3A_46 : i32 to index
      %get3A_100 = arith.constant 96 : index
      %get3A_101 = tpu.vector_load %arg11[%get3A_99, %get3A_100] {strides = array<i32>} : memref<80x128xf32, #tpu.memory_space<vmem>>, vector<1x16xf32>,
      %get3A_102 = vector.shape_cast %get3A_101 : vector<1x16xf32> to vector<16xf32>
      %swap3A_103 = arith.index_cast %scan3A_46 : i32 to index
      %swap3A_104 = arith.constant 96 : index
      %swap3A_105 = tpu.vector_load %arg9[%swap3A_103, %swap3A_104] {strides = array<i32>} : memref<80x128xf32, #tpu.memory_space<vmem>>, vector<1x16xf32>,
      %swap3A_106 = vector.shape_cast %swap3A_105 : vector<1x16xf32> to vector<16xf32>
      %swap3A_107 = vector.shape_cast %get3A_102 : vector<16xf32> to vector<1x16xf32>
      tpu.vector_store %arg9[%swap3A_103, %swap3A_104], %swap3A_107 {add = true, strides = array<i32>} : memref<80x128xf32, #tpu.memory_space<vmem>>, vector<1x16xf32>,
      %get3A_108 = arith.index_cast %scan3A_46 : i32 to index
      %get3A_109 = arith.constant 112 : index
      %get3A_110 = tpu.vector_load %arg11[%get3A_108, %get3A_109] {strides = array<i32>} : memref<80x128xf32, #tpu.memory_space<vmem>>, vector<1x16xf32>,
      %get3A_111 = vector.shape_cast %get3A_110 : vector<1x16xf32> to vector<16xf32>
      %swap3A_112 = arith.index_cast %scan3A_46 : i32 to index
      %swap3A_113 = arith.constant 112 : index
      %swap3A_114 = tpu.vector_load %arg9[%swap3A_112, %swap3A_113] {strides = array<i32>} : memref<80x128xf32, #tpu.memory_space<vmem>>, vector<1x16xf32>,
      %swap3A_115 = vector.shape_cast %swap3A_114 : vector<1x16xf32> to vector<16xf32>
      %swap3A_116 = vector.shape_cast %get3A_111 : vector<16xf32> to vector<1x16xf32>
      tpu.vector_store %arg9[%swap3A_112, %swap3A_113], %swap3A_116 {add = true, strides = array<i32>} : memref<80x128xf32, #tpu.memory_space<vmem>>, vector<1x16xf32>,
    }
    %scan3A_43 = arith.constant 80 : i32
    %add3A_44 = arith.constant 1920 : i32
    %add3A_45 = arith.addi %mul3A_2, %add3A_44 : i32
    "tpu.region"() ({
      %run_scoped3A = tpu.sem_alloc : memref<!tpu.dma_semaphore, #tpu.memory_space<semaphore_mem>>
      %dma_start3A_46 = arith.constant 0 : i32
      %dma_start3A_47 = tpu.memref_slice %arg6[%add3A_45, %dma_start3A_46] : memref<64000x128xf32, #tpu.memory_space<hbm>> -> memref<80x128xf32, #tpu.memory_space<hbm>>
      %dma_start3A_48 = arith.constant 0 : i32
      %dma_start3A_49 = tpu.memref_slice %arg6[%add3A_45, %dma_start3A_48] : memref<64000x128xf32, #tpu.memory_space<hbm>> -> memref<80x128xf32, #tpu.memory_space<hbm>>
      tpu.enqueue_dma source(%arg9 : memref<80x128xf32, #tpu.memory_space<vmem>>) target(%dma_start3A_49 : memref<80x128xf32, #tpu.memory_space<hbm>>) target_semaphore(%run_scoped3A : memref<!tpu.dma_semaphore, #tpu.memory_space<semaphore_mem>>)
      %dma_wait3A_50 = arith.constant 0 : i32
      %dma_wait3A_51 = tpu.memref_slice %arg6[%add3A_45, %dma_wait3A_50] : memref<64000x128xf32, #tpu.memory_space<hbm>> -> memref<80x128xf32, #tpu.memory_space<hbm>>
      %dma_wait3A_52 = arith.constant 0 : i32
      %dma_wait3A_53 = tpu.memref_slice %arg6[%add3A_45, %dma_wait3A_52] : memref<64000x128xf32, #tpu.memory_space<hbm>> -> memref<80x128xf32, #tpu.memory_space<hbm>>
      tpu.wait_dma2 semaphore(%run_scoped3A : memref<!tpu.dma_semaphore, #tpu.memory_space<semaphore_mem>>) src(%arg9 : memref<80x128xf32, #tpu.memory_space<vmem>>) dst(%dma_wait3A_53 : memref<80x128xf32, #tpu.memory_space<hbm>>)
      tpu.yield
    }) : () -> ()
    return
  }
}

#map = affine_map<(d0, d1) -> (0, 0)>
#map1 = affine_map<(d0, d1) -> (0)>
module attributes {stable_mosaic.version = 14 : i64} {
  func.func @k(%arg0: i32, %arg1: i32, %arg2: memref<10000x128xf32, #tpu.memory_space<hbm>>, %arg3: memref<10000x128xf32, #tpu.memory_space<hbm>>, %arg4: memref<64000xi32, #tpu.memory_space<hbm>>, %arg5: memref<64000xi32, #tpu.memory_space<hbm>>, %arg6: memref<64000x128xf32, #tpu.memory_space<hbm>>, %arg7: memref<2000xi32, #tpu.memory_space<vmem>>, %arg8: memref<2000xi32, #tpu.memory_space<vmem>>, %arg9: memref<80x128xf32, #tpu.memory_space<vmem>>, %arg10: memref<80x128xf32, #tpu.memory_space<vmem>>, %arg11: memref<80x128xf32, #tpu.memory_space<vmem>>, %arg12: memref<80x128xf32, #tpu.memory_space<vmem>>, %arg13: memref<!tpu.dma_semaphore, #tpu.memory_space<semaphore_mem>>, %arg14: memref<!tpu.dma_semaphore, #tpu.memory_space<semaphore_mem>>) attributes {dimension_semantics = [#tpu.dimension_semantics<core_parallel>, #tpu.dimension_semantics<subcore_parallel>], iteration_bounds = array<i64: 2, 16>, scalar_prefetch = 0 : i64, scratch_operands = 8 : i64, tpu.core_type = #tpu.core_type<sc_vector_subcore>, window_params = [{transform_indices = #map}, {transform_indices = #map}, {transform_indices = #map1}, {transform_indices = #map1}, {transform_indices = #map}]} {
    %mul3A = arith.constant 2 : i32
    %mul3A_0 = arith.muli %arg1, %mul3A : i32
    %add3A = arith.addi %mul3A_0, %arg0 : i32
    %mul3A_1 = arith.constant 2000 : i32
    %mul3A_2 = arith.muli %add3A, %mul3A_1 : i32
    "tpu.region"() ({
      %run_scoped3A = tpu.sem_alloc : memref<!tpu.dma_semaphore, #tpu.memory_space<semaphore_mem>>
      %dma_start3A_46 = tpu.memref_slice %arg4[%mul3A_2] : memref<64000xi32, #tpu.memory_space<hbm>> -> memref<2000xi32, #tpu.memory_space<hbm>>
      %dma_start3A_47 = tpu.memref_slice %arg4[%mul3A_2] : memref<64000xi32, #tpu.memory_space<hbm>> -> memref<2000xi32, #tpu.memory_space<hbm>>
      tpu.enqueue_dma source(%dma_start3A_47 : memref<2000xi32, #tpu.memory_space<hbm>>) target(%arg7 : memref<2000xi32, #tpu.memory_space<vmem>>) target_semaphore(%run_scoped3A : memref<!tpu.dma_semaphore, #tpu.memory_space<semaphore_mem>>)
      %dma_wait3A_48 = tpu.memref_slice %arg4[%mul3A_2] : memref<64000xi32, #tpu.memory_space<hbm>> -> memref<2000xi32, #tpu.memory_space<hbm>>
      %dma_wait3A_49 = tpu.memref_slice %arg4[%mul3A_2] : memref<64000xi32, #tpu.memory_space<hbm>> -> memref<2000xi32, #tpu.memory_space<hbm>>
      tpu.wait_dma2 semaphore(%run_scoped3A : memref<!tpu.dma_semaphore, #tpu.memory_space<semaphore_mem>>) src(%dma_wait3A_49 : memref<2000xi32, #tpu.memory_space<hbm>>) dst(%arg7 : memref<2000xi32, #tpu.memory_space<vmem>>)
      tpu.yield
    }) : () -> ()
    "tpu.region"() ({
      %run_scoped3A = tpu.sem_alloc : memref<!tpu.dma_semaphore, #tpu.memory_space<semaphore_mem>>
      %dma_start3A_46 = tpu.memref_slice %arg5[%mul3A_2] : memref<64000xi32, #tpu.memory_space<hbm>> -> memref<2000xi32, #tpu.memory_space<hbm>>
      %dma_start3A_47 = tpu.memref_slice %arg5[%mul3A_2] : memref<64000xi32, #tpu.memory_space<hbm>> -> memref<2000xi32, #tpu.memory_space<hbm>>
      tpu.enqueue_dma source(%dma_start3A_47 : memref<2000xi32, #tpu.memory_space<hbm>>) target(%arg8 : memref<2000xi32, #tpu.memory_space<vmem>>) target_semaphore(%run_scoped3A : memref<!tpu.dma_semaphore, #tpu.memory_space<semaphore_mem>>)
      %dma_wait3A_48 = tpu.memref_slice %arg5[%mul3A_2] : memref<64000xi32, #tpu.memory_space<hbm>> -> memref<2000xi32, #tpu.memory_space<hbm>>
      %dma_wait3A_49 = tpu.memref_slice %arg5[%mul3A_2] : memref<64000xi32, #tpu.memory_space<hbm>> -> memref<2000xi32, #tpu.memory_space<hbm>>
      tpu.wait_dma2 semaphore(%run_scoped3A : memref<!tpu.dma_semaphore, #tpu.memory_space<semaphore_mem>>) src(%dma_wait3A_49 : memref<2000xi32, #tpu.memory_space<hbm>>) dst(%arg8 : memref<2000xi32, #tpu.memory_space<vmem>>)
      tpu.yield
    }) : () -> ()
    %dma_start3A = arith.constant 0 : i32
    %dma_start3A_3 = tpu.memref_slice %arg7[%dma_start3A] : memref<2000xi32, #tpu.memory_space<vmem>> -> memref<80xi32, #tpu.memory_space<vmem>>
    %dma_start3A_4 = arith.constant 0 : i32
    %dma_start3A_5 = arith.constant 0 : i32
    %dma_start3A_6 = tpu.memref_slice %arg2[%dma_start3A_4, %dma_start3A_5] : memref<10000x128xf32, #tpu.memory_space<hbm>> -> memref<10000x128xf32, #tpu.memory_space<hbm>>
    tpu.enqueue_indirect_dma source(%dma_start3A_6 : memref<10000x128xf32, #tpu.memory_space<hbm>>) target(%arg9 : memref<80x128xf32, #tpu.memory_space<vmem>>) offsets(%dma_start3A_3 : memref<80xi32, #tpu.memory_space<vmem>>) semaphore(%arg13 : memref<!tpu.dma_semaphore, #tpu.memory_space<semaphore_mem>>)
    %dma_start3A_7 = arith.constant 0 : i32
    %dma_start3A_8 = tpu.memref_slice %arg8[%dma_start3A_7] : memref<2000xi32, #tpu.memory_space<vmem>> -> memref<80xi32, #tpu.memory_space<vmem>>
    %dma_start3A_9 = arith.constant 0 : i32
    %dma_start3A_10 = arith.constant 0 : i32
    %dma_start3A_11 = tpu.memref_slice %arg3[%dma_start3A_9, %dma_start3A_10] : memref<10000x128xf32, #tpu.memory_space<hbm>> -> memref<10000x128xf32, #tpu.memory_space<hbm>>
    tpu.enqueue_indirect_dma source(%dma_start3A_11 : memref<10000x128xf32, #tpu.memory_space<hbm>>) target(%arg11 : memref<80x128xf32, #tpu.memory_space<vmem>>) offsets(%dma_start3A_8 : memref<80xi32, #tpu.memory_space<vmem>>) semaphore(%arg13 : memref<!tpu.dma_semaphore, #tpu.memory_space<semaphore_mem>>)
    %dma_start3A_12 = arith.constant 80 : i32
    %dma_start3A_13 = tpu.memref_slice %arg7[%dma_start3A_12] : memref<2000xi32, #tpu.memory_space<vmem>> -> memref<80xi32, #tpu.memory_space<vmem>>
    %dma_start3A_14 = arith.constant 0 : i32
    %dma_start3A_15 = arith.constant 0 : i32
    %dma_start3A_16 = tpu.memref_slice %arg2[%dma_start3A_14, %dma_start3A_15] : memref<10000x128xf32, #tpu.memory_space<hbm>> -> memref<10000x128xf32, #tpu.memory_space<hbm>>
    tpu.enqueue_indirect_dma source(%dma_start3A_16 : memref<10000x128xf32, #tpu.memory_space<hbm>>) target(%arg10 : memref<80x128xf32, #tpu.memory_space<vmem>>) offsets(%dma_start3A_13 : memref<80xi32, #tpu.memory_space<vmem>>) semaphore(%arg14 : memref<!tpu.dma_semaphore, #tpu.memory_space<semaphore_mem>>)
    %dma_start3A_17 = arith.constant 80 : i32
    %dma_start3A_18 = tpu.memref_slice %arg8[%dma_start3A_17] : memref<2000xi32, #tpu.memory_space<vmem>> -> memref<80xi32, #tpu.memory_space<vmem>>
    %dma_start3A_19 = arith.constant 0 : i32
    %dma_start3A_20 = arith.constant 0 : i32
    %dma_start3A_21 = tpu.memref_slice %arg3[%dma_start3A_19, %dma_start3A_20] : memref<10000x128xf32, #tpu.memory_space<hbm>> -> memref<10000x128xf32, #tpu.memory_space<hbm>>
    tpu.enqueue_indirect_dma source(%dma_start3A_21 : memref<10000x128xf32, #tpu.memory_space<hbm>>) target(%arg12 : memref<80x128xf32, #tpu.memory_space<vmem>>) offsets(%dma_start3A_18 : memref<80xi32, #tpu.memory_space<vmem>>) semaphore(%arg14 : memref<!tpu.dma_semaphore, #tpu.memory_space<semaphore_mem>>)
    %scan3A = arith.constant 0 : i32
    %scan3A_22 = arith.constant 0 : i32
    %scan3A_23 = arith.constant 12 : i32
    %scan3A_24 = arith.addi %scan3A_22, %scan3A_23 : i32
    %scan3A_25 = arith.constant 1 : i32
    scf.for %scan3A_46 = %scan3A_22 to %scan3A_24 step %scan3A_25  : i32 {
      %mul3A_47 = arith.constant 2 : i32
      %mul3A_48 = arith.muli %mul3A_47, %scan3A_46 : i32
      %dma_wait3A_49 = arith.constant 0 : i32
      %dma_wait3A_50 = arith.constant 0 : i32
      %dma_wait3A_51 = tpu.memref_slice %arg2[%dma_wait3A_49, %dma_wait3A_50] : memref<10000x128xf32, #tpu.memory_space<hbm>> -> memref<80x128xf32, #tpu.memory_space<hbm>>
      %dma_wait3A_52 = arith.constant 0 : i32
      %dma_wait3A_53 = arith.constant 0 : i32
      %dma_wait3A_54 = tpu.memref_slice %arg2[%dma_wait3A_52, %dma_wait3A_53] : memref<10000x128xf32, #tpu.memory_space<hbm>> -> memref<80x128xf32, #tpu.memory_space<hbm>>
      tpu.wait_dma2 semaphore(%arg13 : memref<!tpu.dma_semaphore, #tpu.memory_space<semaphore_mem>>) src(%dma_wait3A_54 : memref<80x128xf32, #tpu.memory_space<hbm>>) dst(%arg9 : memref<80x128xf32, #tpu.memory_space<vmem>>)
      %dma_wait3A_55 = arith.constant 0 : i32
      %dma_wait3A_56 = arith.constant 0 : i32
      %dma_wait3A_57 = tpu.memref_slice %arg3[%dma_wait3A_55, %dma_wait3A_56] : memref<10000x128xf32, #tpu.memory_space<hbm>> -> memref<80x128xf32, #tpu.memory_space<hbm>>
      %dma_wait3A_58 = arith.constant 0 : i32
      %dma_wait3A_59 = arith.constant 0 : i32
      %dma_wait3A_60 = tpu.memref_slice %arg3[%dma_wait3A_58, %dma_wait3A_59] : memref<10000x128xf32, #tpu.memory_space<hbm>> -> memref<80x128xf32, #tpu.memory_space<hbm>>
      tpu.wait_dma2 semaphore(%arg13 : memref<!tpu.dma_semaphore, #tpu.memory_space<semaphore_mem>>) src(%dma_wait3A_60 : memref<80x128xf32, #tpu.memory_space<hbm>>) dst(%arg11 : memref<80x128xf32, #tpu.memory_space<vmem>>)
      %scan3A_61 = arith.constant 0 : i32
      %scan3A_62 = arith.constant 0 : i32
      %scan3A_63 = arith.constant 80 : i32
      %scan3A_64 = arith.addi %scan3A_62, %scan3A_63 : i32
      %scan3A_65 = arith.constant 1 : i32
      scf.for %scan3A_106 = %scan3A_62 to %scan3A_64 step %scan3A_65  : i32 {
        %get3A = arith.index_cast %scan3A_106 : i32 to index
        %get3A_107 = arith.constant 0 : index
        %get3A_108 = tpu.vector_load %arg11[%get3A, %get3A_107] {strides = array<i32>} : memref<80x128xf32, #tpu.memory_space<vmem>>, vector<1x16xf32>,
        %get3A_109 = vector.shape_cast %get3A_108 : vector<1x16xf32> to vector<16xf32>
        %swap3A = arith.index_cast %scan3A_106 : i32 to index
        %swap3A_110 = arith.constant 0 : index
        %swap3A_111 = tpu.vector_load %arg9[%swap3A, %swap3A_110] {strides = array<i32>} : memref<80x128xf32, #tpu.memory_space<vmem>>, vector<1x16xf32>,
        %swap3A_112 = vector.shape_cast %swap3A_111 : vector<1x16xf32> to vector<16xf32>
        %swap3A_113 = vector.shape_cast %get3A_109 : vector<16xf32> to vector<1x16xf32>
        tpu.vector_store %arg9[%swap3A, %swap3A_110], %swap3A_113 {add = true, strides = array<i32>} : memref<80x128xf32, #tpu.memory_space<vmem>>, vector<1x16xf32>,
        %get3A_114 = arith.index_cast %scan3A_106 : i32 to index
        %get3A_115 = arith.constant 16 : index
        %get3A_116 = tpu.vector_load %arg11[%get3A_114, %get3A_115] {strides = array<i32>} : memref<80x128xf32, #tpu.memory_space<vmem>>, vector<1x16xf32>,
        %get3A_117 = vector.shape_cast %get3A_116 : vector<1x16xf32> to vector<16xf32>
        %swap3A_118 = arith.index_cast %scan3A_106 : i32 to index
        %swap3A_119 = arith.constant 16 : index
        %swap3A_120 = tpu.vector_load %arg9[%swap3A_118, %swap3A_119] {strides = array<i32>} : memref<80x128xf32, #tpu.memory_space<vmem>>, vector<1x16xf32>,
        %swap3A_121 = vector.shape_cast %swap3A_120 : vector<1x16xf32> to vector<16xf32>
        %swap3A_122 = vector.shape_cast %get3A_117 : vector<16xf32> to vector<1x16xf32>
        tpu.vector_store %arg9[%swap3A_118, %swap3A_119], %swap3A_122 {add = true, strides = array<i32>} : memref<80x128xf32, #tpu.memory_space<vmem>>, vector<1x16xf32>,
        %get3A_123 = arith.index_cast %scan3A_106 : i32 to index
        %get3A_124 = arith.constant 32 : index
        %get3A_125 = tpu.vector_load %arg11[%get3A_123, %get3A_124] {strides = array<i32>} : memref<80x128xf32, #tpu.memory_space<vmem>>, vector<1x16xf32>,
        %get3A_126 = vector.shape_cast %get3A_125 : vector<1x16xf32> to vector<16xf32>
        %swap3A_127 = arith.index_cast %scan3A_106 : i32 to index
        %swap3A_128 = arith.constant 32 : index
        %swap3A_129 = tpu.vector_load %arg9[%swap3A_127, %swap3A_128] {strides = array<i32>} : memref<80x128xf32, #tpu.memory_space<vmem>>, vector<1x16xf32>,
        %swap3A_130 = vector.shape_cast %swap3A_129 : vector<1x16xf32> to vector<16xf32>
        %swap3A_131 = vector.shape_cast %get3A_126 : vector<16xf32> to vector<1x16xf32>
        tpu.vector_store %arg9[%swap3A_127, %swap3A_128], %swap3A_131 {add = true, strides = array<i32>} : memref<80x128xf32, #tpu.memory_space<vmem>>, vector<1x16xf32>,
        %get3A_132 = arith.index_cast %scan3A_106 : i32 to index
        %get3A_133 = arith.constant 48 : index
        %get3A_134 = tpu.vector_load %arg11[%get3A_132, %get3A_133] {strides = array<i32>} : memref<80x128xf32, #tpu.memory_space<vmem>>, vector<1x16xf32>,
        %get3A_135 = vector.shape_cast %get3A_134 : vector<1x16xf32> to vector<16xf32>
        %swap3A_136 = arith.index_cast %scan3A_106 : i32 to index
        %swap3A_137 = arith.constant 48 : index
        %swap3A_138 = tpu.vector_load %arg9[%swap3A_136, %swap3A_137] {strides = array<i32>} : memref<80x128xf32, #tpu.memory_space<vmem>>, vector<1x16xf32>,
        %swap3A_139 = vector.shape_cast %swap3A_138 : vector<1x16xf32> to vector<16xf32>
        %swap3A_140 = vector.shape_cast %get3A_135 : vector<16xf32> to vector<1x16xf32>
        tpu.vector_store %arg9[%swap3A_136, %swap3A_137], %swap3A_140 {add = true, strides = array<i32>} : memref<80x128xf32, #tpu.memory_space<vmem>>, vector<1x16xf32>,
        %get3A_141 = arith.index_cast %scan3A_106 : i32 to index
        %get3A_142 = arith.constant 64 : index
        %get3A_143 = tpu.vector_load %arg11[%get3A_141, %get3A_142] {strides = array<i32>} : memref<80x128xf32, #tpu.memory_space<vmem>>, vector<1x16xf32>,
        %get3A_144 = vector.shape_cast %get3A_143 : vector<1x16xf32> to vector<16xf32>
        %swap3A_145 = arith.index_cast %scan3A_106 : i32 to index
        %swap3A_146 = arith.constant 64 : index
        %swap3A_147 = tpu.vector_load %arg9[%swap3A_145, %swap3A_146] {strides = array<i32>} : memref<80x128xf32, #tpu.memory_space<vmem>>, vector<1x16xf32>,
        %swap3A_148 = vector.shape_cast %swap3A_147 : vector<1x16xf32> to vector<16xf32>
        %swap3A_149 = vector.shape_cast %get3A_144 : vector<16xf32> to vector<1x16xf32>
        tpu.vector_store %arg9[%swap3A_145, %swap3A_146], %swap3A_149 {add = true, strides = array<i32>} : memref<80x128xf32, #tpu.memory_space<vmem>>, vector<1x16xf32>,
        %get3A_150 = arith.index_cast %scan3A_106 : i32 to index
        %get3A_151 = arith.constant 80 : index
        %get3A_152 = tpu.vector_load %arg11[%get3A_150, %get3A_151] {strides = array<i32>} : memref<80x128xf32, #tpu.memory_space<vmem>>, vector<1x16xf32>,
        %get3A_153 = vector.shape_cast %get3A_152 : vector<1x16xf32> to vector<16xf32>
        %swap3A_154 = arith.index_cast %scan3A_106 : i32 to index
        %swap3A_155 = arith.constant 80 : index
        %swap3A_156 = tpu.vector_load %arg9[%swap3A_154, %swap3A_155] {strides = array<i32>} : memref<80x128xf32, #tpu.memory_space<vmem>>, vector<1x16xf32>,
        %swap3A_157 = vector.shape_cast %swap3A_156 : vector<1x16xf32> to vector<16xf32>
        %swap3A_158 = vector.shape_cast %get3A_153 : vector<16xf32> to vector<1x16xf32>
        tpu.vector_store %arg9[%swap3A_154, %swap3A_155], %swap3A_158 {add = true, strides = array<i32>} : memref<80x128xf32, #tpu.memory_space<vmem>>, vector<1x16xf32>,
        %get3A_159 = arith.index_cast %scan3A_106 : i32 to index
        %get3A_160 = arith.constant 96 : index
        %get3A_161 = tpu.vector_load %arg11[%get3A_159, %get3A_160] {strides = array<i32>} : memref<80x128xf32, #tpu.memory_space<vmem>>, vector<1x16xf32>,
        %get3A_162 = vector.shape_cast %get3A_161 : vector<1x16xf32> to vector<16xf32>
        %swap3A_163 = arith.index_cast %scan3A_106 : i32 to index
        %swap3A_164 = arith.constant 96 : index
        %swap3A_165 = tpu.vector_load %arg9[%swap3A_163, %swap3A_164] {strides = array<i32>} : memref<80x128xf32, #tpu.memory_space<vmem>>, vector<1x16xf32>,
        %swap3A_166 = vector.shape_cast %swap3A_165 : vector<1x16xf32> to vector<16xf32>
        %swap3A_167 = vector.shape_cast %get3A_162 : vector<16xf32> to vector<1x16xf32>
        tpu.vector_store %arg9[%swap3A_163, %swap3A_164], %swap3A_167 {add = true, strides = array<i32>} : memref<80x128xf32, #tpu.memory_space<vmem>>, vector<1x16xf32>,
        %get3A_168 = arith.index_cast %scan3A_106 : i32 to index
        %get3A_169 = arith.constant 112 : index
        %get3A_170 = tpu.vector_load %arg11[%get3A_168, %get3A_169] {strides = array<i32>} : memref<80x128xf32, #tpu.memory_space<vmem>>, vector<1x16xf32>,
        %get3A_171 = vector.shape_cast %get3A_170 : vector<1x16xf32> to vector<16xf32>
        %swap3A_172 = arith.index_cast %scan3A_106 : i32 to index
        %swap3A_173 = arith.constant 112 : index
        %swap3A_174 = tpu.vector_load %arg9[%swap3A_172, %swap3A_173] {strides = array<i32>} : memref<80x128xf32, #tpu.memory_space<vmem>>, vector<1x16xf32>,
        %swap3A_175 = vector.shape_cast %swap3A_174 : vector<1x16xf32> to vector<16xf32>
        %swap3A_176 = vector.shape_cast %get3A_171 : vector<16xf32> to vector<1x16xf32>
        tpu.vector_store %arg9[%swap3A_172, %swap3A_173], %swap3A_176 {add = true, strides = array<i32>} : memref<80x128xf32, #tpu.memory_space<vmem>>, vector<1x16xf32>,
      }
      %scan3A_66 = arith.constant 80 : i32
      %mul3A_67 = arith.constant 80 : i32
      %mul3A_68 = arith.muli %mul3A_48, %mul3A_67 : i32
      %add3A_69 = arith.addi %mul3A_2, %mul3A_68 : i32
      "tpu.region"() ({
        %run_scoped3A = tpu.sem_alloc : memref<!tpu.dma_semaphore, #tpu.memory_space<semaphore_mem>>
        %dma_start3A_106 = arith.constant 0 : i32
        %dma_start3A_107 = tpu.memref_slice %arg6[%add3A_69, %dma_start3A_106] : memref<64000x128xf32, #tpu.memory_space<hbm>> -> memref<80x128xf32, #tpu.memory_space<hbm>>
        %dma_start3A_108 = arith.constant 0 : i32
        %dma_start3A_109 = tpu.memref_slice %arg6[%add3A_69, %dma_start3A_108] : memref<64000x128xf32, #tpu.memory_space<hbm>> -> memref<80x128xf32, #tpu.memory_space<hbm>>
        tpu.enqueue_dma source(%arg9 : memref<80x128xf32, #tpu.memory_space<vmem>>) target(%dma_start3A_109 : memref<80x128xf32, #tpu.memory_space<hbm>>) target_semaphore(%run_scoped3A : memref<!tpu.dma_semaphore, #tpu.memory_space<semaphore_mem>>)
        %dma_wait3A_110 = arith.constant 0 : i32
        %dma_wait3A_111 = tpu.memref_slice %arg6[%add3A_69, %dma_wait3A_110] : memref<64000x128xf32, #tpu.memory_space<hbm>> -> memref<80x128xf32, #tpu.memory_space<hbm>>
        %dma_wait3A_112 = arith.constant 0 : i32
        %dma_wait3A_113 = tpu.memref_slice %arg6[%add3A_69, %dma_wait3A_112] : memref<64000x128xf32, #tpu.memory_space<hbm>> -> memref<80x128xf32, #tpu.memory_space<hbm>>
        tpu.wait_dma2 semaphore(%run_scoped3A : memref<!tpu.dma_semaphore, #tpu.memory_space<semaphore_mem>>) src(%arg9 : memref<80x128xf32, #tpu.memory_space<vmem>>) dst(%dma_wait3A_113 : memref<80x128xf32, #tpu.memory_space<hbm>>)
        tpu.yield
      }) : () -> ()
      %add3A_70 = arith.constant 2 : i32
      %add3A_71 = arith.addi %mul3A_48, %add3A_70 : i32
      %lt3A = arith.constant 25 : i32
      %lt3A_72 = arith.cmpi slt, %add3A_71, %lt3A : i32
      %convert_element_type3A = arith.extui %lt3A_72 : i1 to i32
      %cond3A = arith.constant 0 : i32
      %cond3A_73 = arith.cmpi ne, %convert_element_type3A, %cond3A : i32
      scf.if %cond3A_73 {
        %add3A_106 = arith.constant 2 : i32
        %add3A_107 = arith.addi %mul3A_48, %add3A_106 : i32
        %mul3A_108 = arith.constant 80 : i32
        %mul3A_109 = arith.muli %add3A_107, %mul3A_108 : i32
        %dma_start3A_110 = tpu.memref_slice %arg7[%mul3A_109] : memref<2000xi32, #tpu.memory_space<vmem>> -> memref<80xi32, #tpu.memory_space<vmem>>
        %dma_start3A_111 = arith.constant 0 : i32
        %dma_start3A_112 = arith.constant 0 : i32
        %dma_start3A_113 = tpu.memref_slice %arg2[%dma_start3A_111, %dma_start3A_112] : memref<10000x128xf32, #tpu.memory_space<hbm>> -> memref<10000x128xf32, #tpu.memory_space<hbm>>
        tpu.enqueue_indirect_dma source(%dma_start3A_113 : memref<10000x128xf32, #tpu.memory_space<hbm>>) target(%arg9 : memref<80x128xf32, #tpu.memory_space<vmem>>) offsets(%dma_start3A_110 : memref<80xi32, #tpu.memory_space<vmem>>) semaphore(%arg13 : memref<!tpu.dma_semaphore, #tpu.memory_space<semaphore_mem>>)
        %dma_start3A_114 = tpu.memref_slice %arg8[%mul3A_109] : memref<2000xi32, #tpu.memory_space<vmem>> -> memref<80xi32, #tpu.memory_space<vmem>>
        %dma_start3A_115 = arith.constant 0 : i32
        %dma_start3A_116 = arith.constant 0 : i32
        %dma_start3A_117 = tpu.memref_slice %arg3[%dma_start3A_115, %dma_start3A_116] : memref<10000x128xf32, #tpu.memory_space<hbm>> -> memref<10000x128xf32, #tpu.memory_space<hbm>>
        tpu.enqueue_indirect_dma source(%dma_start3A_117 : memref<10000x128xf32, #tpu.memory_space<hbm>>) target(%arg11 : memref<80x128xf32, #tpu.memory_space<vmem>>) offsets(%dma_start3A_114 : memref<80xi32, #tpu.memory_space<vmem>>) semaphore(%arg13 : memref<!tpu.dma_semaphore, #tpu.memory_space<semaphore_mem>>)
      } else {
      }
      %mul3A_74 = arith.constant 2 : i32
      %mul3A_75 = arith.muli %mul3A_74, %scan3A_46 : i32
      %add3A_76 = arith.constant 1 : i32
      %add3A_77 = arith.addi %mul3A_75, %add3A_76 : i32
      %dma_wait3A_78 = arith.constant 0 : i32
      %dma_wait3A_79 = arith.constant 0 : i32
      %dma_wait3A_80 = tpu.memref_slice %arg2[%dma_wait3A_78, %dma_wait3A_79] : memref<10000x128xf32, #tpu.memory_space<hbm>> -> memref<80x128xf32, #tpu.memory_space<hbm>>
      %dma_wait3A_81 = arith.constant 0 : i32
      %dma_wait3A_82 = arith.constant 0 : i32
      %dma_wait3A_83 = tpu.memref_slice %arg2[%dma_wait3A_81, %dma_wait3A_82] : memref<10000x128xf32, #tpu.memory_space<hbm>> -> memref<80x128xf32, #tpu.memory_space<hbm>>
      tpu.wait_dma2 semaphore(%arg14 : memref<!tpu.dma_semaphore, #tpu.memory_space<semaphore_mem>>) src(%dma_wait3A_83 : memref<80x128xf32, #tpu.memory_space<hbm>>) dst(%arg10 : memref<80x128xf32, #tpu.memory_space<vmem>>)
      %dma_wait3A_84 = arith.constant 0 : i32
      %dma_wait3A_85 = arith.constant 0 : i32
      %dma_wait3A_86 = tpu.memref_slice %arg3[%dma_wait3A_84, %dma_wait3A_85] : memref<10000x128xf32, #tpu.memory_space<hbm>> -> memref<80x128xf32, #tpu.memory_space<hbm>>
      %dma_wait3A_87 = arith.constant 0 : i32
      %dma_wait3A_88 = arith.constant 0 : i32
      %dma_wait3A_89 = tpu.memref_slice %arg3[%dma_wait3A_87, %dma_wait3A_88] : memref<10000x128xf32, #tpu.memory_space<hbm>> -> memref<80x128xf32, #tpu.memory_space<hbm>>
      tpu.wait_dma2 semaphore(%arg14 : memref<!tpu.dma_semaphore, #tpu.memory_space<semaphore_mem>>) src(%dma_wait3A_89 : memref<80x128xf32, #tpu.memory_space<hbm>>) dst(%arg12 : memref<80x128xf32, #tpu.memory_space<vmem>>)
      %scan3A_90 = arith.constant 0 : i32
      %scan3A_91 = arith.constant 0 : i32
      %scan3A_92 = arith.constant 80 : i32
      %scan3A_93 = arith.addi %scan3A_91, %scan3A_92 : i32
      %scan3A_94 = arith.constant 1 : i32
      scf.for %scan3A_106 = %scan3A_91 to %scan3A_93 step %scan3A_94  : i32 {
        %get3A = arith.index_cast %scan3A_106 : i32 to index
        %get3A_107 = arith.constant 0 : index
        %get3A_108 = tpu.vector_load %arg12[%get3A, %get3A_107] {strides = array<i32>} : memref<80x128xf32, #tpu.memory_space<vmem>>, vector<1x16xf32>,
        %get3A_109 = vector.shape_cast %get3A_108 : vector<1x16xf32> to vector<16xf32>
        %swap3A = arith.index_cast %scan3A_106 : i32 to index
        %swap3A_110 = arith.constant 0 : index
        %swap3A_111 = tpu.vector_load %arg10[%swap3A, %swap3A_110] {strides = array<i32>} : memref<80x128xf32, #tpu.memory_space<vmem>>, vector<1x16xf32>,
        %swap3A_112 = vector.shape_cast %swap3A_111 : vector<1x16xf32> to vector<16xf32>
        %swap3A_113 = vector.shape_cast %get3A_109 : vector<16xf32> to vector<1x16xf32>
        tpu.vector_store %arg10[%swap3A, %swap3A_110], %swap3A_113 {add = true, strides = array<i32>} : memref<80x128xf32, #tpu.memory_space<vmem>>, vector<1x16xf32>,
        %get3A_114 = arith.index_cast %scan3A_106 : i32 to index
        %get3A_115 = arith.constant 16 : index
        %get3A_116 = tpu.vector_load %arg12[%get3A_114, %get3A_115] {strides = array<i32>} : memref<80x128xf32, #tpu.memory_space<vmem>>, vector<1x16xf32>,
        %get3A_117 = vector.shape_cast %get3A_116 : vector<1x16xf32> to vector<16xf32>
        %swap3A_118 = arith.index_cast %scan3A_106 : i32 to index
        %swap3A_119 = arith.constant 16 : index
        %swap3A_120 = tpu.vector_load %arg10[%swap3A_118, %swap3A_119] {strides = array<i32>} : memref<80x128xf32, #tpu.memory_space<vmem>>, vector<1x16xf32>,
        %swap3A_121 = vector.shape_cast %swap3A_120 : vector<1x16xf32> to vector<16xf32>
        %swap3A_122 = vector.shape_cast %get3A_117 : vector<16xf32> to vector<1x16xf32>
        tpu.vector_store %arg10[%swap3A_118, %swap3A_119], %swap3A_122 {add = true, strides = array<i32>} : memref<80x128xf32, #tpu.memory_space<vmem>>, vector<1x16xf32>,
        %get3A_123 = arith.index_cast %scan3A_106 : i32 to index
        %get3A_124 = arith.constant 32 : index
        %get3A_125 = tpu.vector_load %arg12[%get3A_123, %get3A_124] {strides = array<i32>} : memref<80x128xf32, #tpu.memory_space<vmem>>, vector<1x16xf32>,
        %get3A_126 = vector.shape_cast %get3A_125 : vector<1x16xf32> to vector<16xf32>
        %swap3A_127 = arith.index_cast %scan3A_106 : i32 to index
        %swap3A_128 = arith.constant 32 : index
        %swap3A_129 = tpu.vector_load %arg10[%swap3A_127, %swap3A_128] {strides = array<i32>} : memref<80x128xf32, #tpu.memory_space<vmem>>, vector<1x16xf32>,
        %swap3A_130 = vector.shape_cast %swap3A_129 : vector<1x16xf32> to vector<16xf32>
        %swap3A_131 = vector.shape_cast %get3A_126 : vector<16xf32> to vector<1x16xf32>
        tpu.vector_store %arg10[%swap3A_127, %swap3A_128], %swap3A_131 {add = true, strides = array<i32>} : memref<80x128xf32, #tpu.memory_space<vmem>>, vector<1x16xf32>,
        %get3A_132 = arith.index_cast %scan3A_106 : i32 to index
        %get3A_133 = arith.constant 48 : index
        %get3A_134 = tpu.vector_load %arg12[%get3A_132, %get3A_133] {strides = array<i32>} : memref<80x128xf32, #tpu.memory_space<vmem>>, vector<1x16xf32>,
        %get3A_135 = vector.shape_cast %get3A_134 : vector<1x16xf32> to vector<16xf32>
        %swap3A_136 = arith.index_cast %scan3A_106 : i32 to index
        %swap3A_137 = arith.constant 48 : index
        %swap3A_138 = tpu.vector_load %arg10[%swap3A_136, %swap3A_137] {strides = array<i32>} : memref<80x128xf32, #tpu.memory_space<vmem>>, vector<1x16xf32>,
        %swap3A_139 = vector.shape_cast %swap3A_138 : vector<1x16xf32> to vector<16xf32>
        %swap3A_140 = vector.shape_cast %get3A_135 : vector<16xf32> to vector<1x16xf32>
        tpu.vector_store %arg10[%swap3A_136, %swap3A_137], %swap3A_140 {add = true, strides = array<i32>} : memref<80x128xf32, #tpu.memory_space<vmem>>, vector<1x16xf32>,
        %get3A_141 = arith.index_cast %scan3A_106 : i32 to index
        %get3A_142 = arith.constant 64 : index
        %get3A_143 = tpu.vector_load %arg12[%get3A_141, %get3A_142] {strides = array<i32>} : memref<80x128xf32, #tpu.memory_space<vmem>>, vector<1x16xf32>,
        %get3A_144 = vector.shape_cast %get3A_143 : vector<1x16xf32> to vector<16xf32>
        %swap3A_145 = arith.index_cast %scan3A_106 : i32 to index
        %swap3A_146 = arith.constant 64 : index
        %swap3A_147 = tpu.vector_load %arg10[%swap3A_145, %swap3A_146] {strides = array<i32>} : memref<80x128xf32, #tpu.memory_space<vmem>>, vector<1x16xf32>,
        %swap3A_148 = vector.shape_cast %swap3A_147 : vector<1x16xf32> to vector<16xf32>
        %swap3A_149 = vector.shape_cast %get3A_144 : vector<16xf32> to vector<1x16xf32>
        tpu.vector_store %arg10[%swap3A_145, %swap3A_146], %swap3A_149 {add = true, strides = array<i32>} : memref<80x128xf32, #tpu.memory_space<vmem>>, vector<1x16xf32>,
        %get3A_150 = arith.index_cast %scan3A_106 : i32 to index
        %get3A_151 = arith.constant 80 : index
        %get3A_152 = tpu.vector_load %arg12[%get3A_150, %get3A_151] {strides = array<i32>} : memref<80x128xf32, #tpu.memory_space<vmem>>, vector<1x16xf32>,
        %get3A_153 = vector.shape_cast %get3A_152 : vector<1x16xf32> to vector<16xf32>
        %swap3A_154 = arith.index_cast %scan3A_106 : i32 to index
        %swap3A_155 = arith.constant 80 : index
        %swap3A_156 = tpu.vector_load %arg10[%swap3A_154, %swap3A_155] {strides = array<i32>} : memref<80x128xf32, #tpu.memory_space<vmem>>, vector<1x16xf32>,
        %swap3A_157 = vector.shape_cast %swap3A_156 : vector<1x16xf32> to vector<16xf32>
        %swap3A_158 = vector.shape_cast %get3A_153 : vector<16xf32> to vector<1x16xf32>
        tpu.vector_store %arg10[%swap3A_154, %swap3A_155], %swap3A_158 {add = true, strides = array<i32>} : memref<80x128xf32, #tpu.memory_space<vmem>>, vector<1x16xf32>,
        %get3A_159 = arith.index_cast %scan3A_106 : i32 to index
        %get3A_160 = arith.constant 96 : index
        %get3A_161 = tpu.vector_load %arg12[%get3A_159, %get3A_160] {strides = array<i32>} : memref<80x128xf32, #tpu.memory_space<vmem>>, vector<1x16xf32>,
        %get3A_162 = vector.shape_cast %get3A_161 : vector<1x16xf32> to vector<16xf32>
        %swap3A_163 = arith.index_cast %scan3A_106 : i32 to index
        %swap3A_164 = arith.constant 96 : index
        %swap3A_165 = tpu.vector_load %arg10[%swap3A_163, %swap3A_164] {strides = array<i32>} : memref<80x128xf32, #tpu.memory_space<vmem>>, vector<1x16xf32>,
        %swap3A_166 = vector.shape_cast %swap3A_165 : vector<1x16xf32> to vector<16xf32>
        %swap3A_167 = vector.shape_cast %get3A_162 : vector<16xf32> to vector<1x16xf32>
        tpu.vector_store %arg10[%swap3A_163, %swap3A_164], %swap3A_167 {add = true, strides = array<i32>} : memref<80x128xf32, #tpu.memory_space<vmem>>, vector<1x16xf32>,
        %get3A_168 = arith.index_cast %scan3A_106 : i32 to index
        %get3A_169 = arith.constant 112 : index
        %get3A_170 = tpu.vector_load %arg12[%get3A_168, %get3A_169] {strides = array<i32>} : memref<80x128xf32, #tpu.memory_space<vmem>>, vector<1x16xf32>,
        %get3A_171 = vector.shape_cast %get3A_170 : vector<1x16xf32> to vector<16xf32>
        %swap3A_172 = arith.index_cast %scan3A_106 : i32 to index
        %swap3A_173 = arith.constant 112 : index
        %swap3A_174 = tpu.vector_load %arg10[%swap3A_172, %swap3A_173] {strides = array<i32>} : memref<80x128xf32, #tpu.memory_space<vmem>>, vector<1x16xf32>,
        %swap3A_175 = vector.shape_cast %swap3A_174 : vector<1x16xf32> to vector<16xf32>
        %swap3A_176 = vector.shape_cast %get3A_171 : vector<16xf32> to vector<1x16xf32>
        tpu.vector_store %arg10[%swap3A_172, %swap3A_173], %swap3A_176 {add = true, strides = array<i32>} : memref<80x128xf32, #tpu.memory_space<vmem>>, vector<1x16xf32>,
      }
      %scan3A_95 = arith.constant 80 : i32
      %mul3A_96 = arith.constant 80 : i32
      %mul3A_97 = arith.muli %add3A_77, %mul3A_96 : i32
      %add3A_98 = arith.addi %mul3A_2, %mul3A_97 : i32
      "tpu.region"() ({
        %run_scoped3A = tpu.sem_alloc : memref<!tpu.dma_semaphore, #tpu.memory_space<semaphore_mem>>
        %dma_start3A_106 = arith.constant 0 : i32
        %dma_start3A_107 = tpu.memref_slice %arg6[%add3A_98, %dma_start3A_106] : memref<64000x128xf32, #tpu.memory_space<hbm>> -> memref<80x128xf32, #tpu.memory_space<hbm>>
        %dma_start3A_108 = arith.constant 0 : i32
        %dma_start3A_109 = tpu.memref_slice %arg6[%add3A_98, %dma_start3A_108] : memref<64000x128xf32, #tpu.memory_space<hbm>> -> memref<80x128xf32, #tpu.memory_space<hbm>>
        tpu.enqueue_dma source(%arg10 : memref<80x128xf32, #tpu.memory_space<vmem>>) target(%dma_start3A_109 : memref<80x128xf32, #tpu.memory_space<hbm>>) target_semaphore(%run_scoped3A : memref<!tpu.dma_semaphore, #tpu.memory_space<semaphore_mem>>)
        %dma_wait3A_110 = arith.constant 0 : i32
        %dma_wait3A_111 = tpu.memref_slice %arg6[%add3A_98, %dma_wait3A_110] : memref<64000x128xf32, #tpu.memory_space<hbm>> -> memref<80x128xf32, #tpu.memory_space<hbm>>
        %dma_wait3A_112 = arith.constant 0 : i32
        %dma_wait3A_113 = tpu.memref_slice %arg6[%add3A_98, %dma_wait3A_112] : memref<64000x128xf32, #tpu.memory_space<hbm>> -> memref<80x128xf32, #tpu.memory_space<hbm>>
        tpu.wait_dma2 semaphore(%run_scoped3A : memref<!tpu.dma_semaphore, #tpu.memory_space<semaphore_mem>>) src(%arg10 : memref<80x128xf32, #tpu.memory_space<vmem>>) dst(%dma_wait3A_113 : memref<80x128xf32, #tpu.memory_space<hbm>>)
        tpu.yield
      }) : () -> ()
      %add3A_99 = arith.constant 2 : i32
      %add3A_100 = arith.addi %add3A_77, %add3A_99 : i32
      %lt3A_101 = arith.constant 25 : i32
      %lt3A_102 = arith.cmpi slt, %add3A_100, %lt3A_101 : i32
      %convert_element_type3A_103 = arith.extui %lt3A_102 : i1 to i32
      %cond3A_104 = arith.constant 0 : i32
      %cond3A_105 = arith.cmpi ne, %convert_element_type3A_103, %cond3A_104 : i32
      scf.if %cond3A_105 {
        %add3A_106 = arith.constant 2 : i32
        %add3A_107 = arith.addi %add3A_77, %add3A_106 : i32
        %mul3A_108 = arith.constant 80 : i32
        %mul3A_109 = arith.muli %add3A_107, %mul3A_108 : i32
        %dma_start3A_110 = tpu.memref_slice %arg7[%mul3A_109] : memref<2000xi32, #tpu.memory_space<vmem>> -> memref<80xi32, #tpu.memory_space<vmem>>
        %dma_start3A_111 = arith.constant 0 : i32
        %dma_start3A_112 = arith.constant 0 : i32
        %dma_start3A_113 = tpu.memref_slice %arg2[%dma_start3A_111, %dma_start3A_112] : memref<10000x128xf32, #tpu.memory_space<hbm>> -> memref<10000x128xf32, #tpu.memory_space<hbm>>
        tpu.enqueue_indirect_dma source(%dma_start3A_113 : memref<10000x128xf32, #tpu.memory_space<hbm>>) target(%arg10 : memref<80x128xf32, #tpu.memory_space<vmem>>) offsets(%dma_start3A_110 : memref<80xi32, #tpu.memory_space<vmem>>) semaphore(%arg14 : memref<!tpu.dma_semaphore, #tpu.memory_space<semaphore_mem>>)
        %dma_start3A_114 = tpu.memref_slice %arg8[%mul3A_109] : memref<2000xi32, #tpu.memory_space<vmem>> -> memref<80xi32, #tpu.memory_space<vmem>>
        %dma_start3A_115 = arith.constant 0 : i32
        %dma_start3A_116 = arith.constant 0 : i32
        %dma_start3A_117 = tpu.memref_slice %arg3[%dma_start3A_115, %dma_start3A_116] : memref<10000x128xf32, #tpu.memory_space<hbm>> -> memref<10000x128xf32, #tpu.memory_space<hbm>>
        tpu.enqueue_indirect_dma source(%dma_start3A_117 : memref<10000x128xf32, #tpu.memory_space<hbm>>) target(%arg12 : memref<80x128xf32, #tpu.memory_space<vmem>>) offsets(%dma_start3A_114 : memref<80xi32, #tpu.memory_space<vmem>>) semaphore(%arg14 : memref<!tpu.dma_semaphore, #tpu.memory_space<semaphore_mem>>)
      } else {
      }
    }
    %scan3A_26 = arith.constant 12 : i32
    %dma_wait3A = arith.constant 0 : i32
    %dma_wait3A_27 = arith.constant 0 : i32
    %dma_wait3A_28 = tpu.memref_slice %arg2[%dma_wait3A, %dma_wait3A_27] : memref<10000x128xf32, #tpu.memory_space<hbm>> -> memref<80x128xf32, #tpu.memory_space<hbm>>
    %dma_wait3A_29 = arith.constant 0 : i32
    %dma_wait3A_30 = arith.constant 0 : i32
    %dma_wait3A_31 = tpu.memref_slice %arg2[%dma_wait3A_29, %dma_wait3A_30] : memref<10000x128xf32, #tpu.memory_space<hbm>> -> memref<80x128xf32, #tpu.memory_space<hbm>>
    tpu.wait_dma2 semaphore(%arg13 : memref<!tpu.dma_semaphore, #tpu.memory_space<semaphore_mem>>) src(%dma_wait3A_31 : memref<80x128xf32, #tpu.memory_space<hbm>>) dst(%arg9 : memref<80x128xf32, #tpu.memory_space<vmem>>)
    %dma_wait3A_32 = arith.constant 0 : i32
    %dma_wait3A_33 = arith.constant 0 : i32
    %dma_wait3A_34 = tpu.memref_slice %arg3[%dma_wait3A_32, %dma_wait3A_33] : memref<10000x128xf32, #tpu.memory_space<hbm>> -> memref<80x128xf32, #tpu.memory_space<hbm>>
    %dma_wait3A_35 = arith.constant 0 : i32
    %dma_wait3A_36 = arith.constant 0 : i32
    %dma_wait3A_37 = tpu.memref_slice %arg3[%dma_wait3A_35, %dma_wait3A_36] : memref<10000x128xf32, #tpu.memory_space<hbm>> -> memref<80x128xf32, #tpu.memory_space<hbm>>
    tpu.wait_dma2 semaphore(%arg13 : memref<!tpu.dma_semaphore, #tpu.memory_space<semaphore_mem>>) src(%dma_wait3A_37 : memref<80x128xf32, #tpu.memory_space<hbm>>) dst(%arg11 : memref<80x128xf32, #tpu.memory_space<vmem>>)
    %scan3A_38 = arith.constant 0 : i32
    %scan3A_39 = arith.constant 0 : i32
    %scan3A_40 = arith.constant 80 : i32
    %scan3A_41 = arith.addi %scan3A_39, %scan3A_40 : i32
    %scan3A_42 = arith.constant 1 : i32
    scf.for %scan3A_46 = %scan3A_39 to %scan3A_41 step %scan3A_42  : i32 {
      %get3A = arith.index_cast %scan3A_46 : i32 to index
      %get3A_47 = arith.constant 0 : index
      %get3A_48 = tpu.vector_load %arg11[%get3A, %get3A_47] {strides = array<i32>} : memref<80x128xf32, #tpu.memory_space<vmem>>, vector<1x16xf32>,
      %get3A_49 = vector.shape_cast %get3A_48 : vector<1x16xf32> to vector<16xf32>
      %swap3A = arith.index_cast %scan3A_46 : i32 to index
      %swap3A_50 = arith.constant 0 : index
      %swap3A_51 = tpu.vector_load %arg9[%swap3A, %swap3A_50] {strides = array<i32>} : memref<80x128xf32, #tpu.memory_space<vmem>>, vector<1x16xf32>,
      %swap3A_52 = vector.shape_cast %swap3A_51 : vector<1x16xf32> to vector<16xf32>
      %swap3A_53 = vector.shape_cast %get3A_49 : vector<16xf32> to vector<1x16xf32>
      tpu.vector_store %arg9[%swap3A, %swap3A_50], %swap3A_53 {add = true, strides = array<i32>} : memref<80x128xf32, #tpu.memory_space<vmem>>, vector<1x16xf32>,
      %get3A_54 = arith.index_cast %scan3A_46 : i32 to index
      %get3A_55 = arith.constant 16 : index
      %get3A_56 = tpu.vector_load %arg11[%get3A_54, %get3A_55] {strides = array<i32>} : memref<80x128xf32, #tpu.memory_space<vmem>>, vector<1x16xf32>,
      %get3A_57 = vector.shape_cast %get3A_56 : vector<1x16xf32> to vector<16xf32>
      %swap3A_58 = arith.index_cast %scan3A_46 : i32 to index
      %swap3A_59 = arith.constant 16 : index
      %swap3A_60 = tpu.vector_load %arg9[%swap3A_58, %swap3A_59] {strides = array<i32>} : memref<80x128xf32, #tpu.memory_space<vmem>>, vector<1x16xf32>,
      %swap3A_61 = vector.shape_cast %swap3A_60 : vector<1x16xf32> to vector<16xf32>
      %swap3A_62 = vector.shape_cast %get3A_57 : vector<16xf32> to vector<1x16xf32>
      tpu.vector_store %arg9[%swap3A_58, %swap3A_59], %swap3A_62 {add = true, strides = array<i32>} : memref<80x128xf32, #tpu.memory_space<vmem>>, vector<1x16xf32>,
      %get3A_63 = arith.index_cast %scan3A_46 : i32 to index
      %get3A_64 = arith.constant 32 : index
      %get3A_65 = tpu.vector_load %arg11[%get3A_63, %get3A_64] {strides = array<i32>} : memref<80x128xf32, #tpu.memory_space<vmem>>, vector<1x16xf32>,
      %get3A_66 = vector.shape_cast %get3A_65 : vector<1x16xf32> to vector<16xf32>
      %swap3A_67 = arith.index_cast %scan3A_46 : i32 to index
      %swap3A_68 = arith.constant 32 : index
      %swap3A_69 = tpu.vector_load %arg9[%swap3A_67, %swap3A_68] {strides = array<i32>} : memref<80x128xf32, #tpu.memory_space<vmem>>, vector<1x16xf32>,
      %swap3A_70 = vector.shape_cast %swap3A_69 : vector<1x16xf32> to vector<16xf32>
      %swap3A_71 = vector.shape_cast %get3A_66 : vector<16xf32> to vector<1x16xf32>
      tpu.vector_store %arg9[%swap3A_67, %swap3A_68], %swap3A_71 {add = true, strides = array<i32>} : memref<80x128xf32, #tpu.memory_space<vmem>>, vector<1x16xf32>,
      %get3A_72 = arith.index_cast %scan3A_46 : i32 to index
      %get3A_73 = arith.constant 48 : index
      %get3A_74 = tpu.vector_load %arg11[%get3A_72, %get3A_73] {strides = array<i32>} : memref<80x128xf32, #tpu.memory_space<vmem>>, vector<1x16xf32>,
      %get3A_75 = vector.shape_cast %get3A_74 : vector<1x16xf32> to vector<16xf32>
      %swap3A_76 = arith.index_cast %scan3A_46 : i32 to index
      %swap3A_77 = arith.constant 48 : index
      %swap3A_78 = tpu.vector_load %arg9[%swap3A_76, %swap3A_77] {strides = array<i32>} : memref<80x128xf32, #tpu.memory_space<vmem>>, vector<1x16xf32>,
      %swap3A_79 = vector.shape_cast %swap3A_78 : vector<1x16xf32> to vector<16xf32>
      %swap3A_80 = vector.shape_cast %get3A_75 : vector<16xf32> to vector<1x16xf32>
      tpu.vector_store %arg9[%swap3A_76, %swap3A_77], %swap3A_80 {add = true, strides = array<i32>} : memref<80x128xf32, #tpu.memory_space<vmem>>, vector<1x16xf32>,
      %get3A_81 = arith.index_cast %scan3A_46 : i32 to index
      %get3A_82 = arith.constant 64 : index
      %get3A_83 = tpu.vector_load %arg11[%get3A_81, %get3A_82] {strides = array<i32>} : memref<80x128xf32, #tpu.memory_space<vmem>>, vector<1x16xf32>,
      %get3A_84 = vector.shape_cast %get3A_83 : vector<1x16xf32> to vector<16xf32>
      %swap3A_85 = arith.index_cast %scan3A_46 : i32 to index
      %swap3A_86 = arith.constant 64 : index
      %swap3A_87 = tpu.vector_load %arg9[%swap3A_85, %swap3A_86] {strides = array<i32>} : memref<80x128xf32, #tpu.memory_space<vmem>>, vector<1x16xf32>,
      %swap3A_88 = vector.shape_cast %swap3A_87 : vector<1x16xf32> to vector<16xf32>
      %swap3A_89 = vector.shape_cast %get3A_84 : vector<16xf32> to vector<1x16xf32>
      tpu.vector_store %arg9[%swap3A_85, %swap3A_86], %swap3A_89 {add = true, strides = array<i32>} : memref<80x128xf32, #tpu.memory_space<vmem>>, vector<1x16xf32>,
      %get3A_90 = arith.index_cast %scan3A_46 : i32 to index
      %get3A_91 = arith.constant 80 : index
      %get3A_92 = tpu.vector_load %arg11[%get3A_90, %get3A_91] {strides = array<i32>} : memref<80x128xf32, #tpu.memory_space<vmem>>, vector<1x16xf32>,
      %get3A_93 = vector.shape_cast %get3A_92 : vector<1x16xf32> to vector<16xf32>
      %swap3A_94 = arith.index_cast %scan3A_46 : i32 to index
      %swap3A_95 = arith.constant 80 : index
      %swap3A_96 = tpu.vector_load %arg9[%swap3A_94, %swap3A_95] {strides = array<i32>} : memref<80x128xf32, #tpu.memory_space<vmem>>, vector<1x16xf32>,
      %swap3A_97 = vector.shape_cast %swap3A_96 : vector<1x16xf32> to vector<16xf32>
      %swap3A_98 = vector.shape_cast %get3A_93 : vector<16xf32> to vector<1x16xf32>
      tpu.vector_store %arg9[%swap3A_94, %swap3A_95], %swap3A_98 {add = true, strides = array<i32>} : memref<80x128xf32, #tpu.memory_space<vmem>>, vector<1x16xf32>,
      %get3A_99 = arith.index_cast %scan3A_46 : i32 to index
      %get3A_100 = arith.constant 96 : index
      %get3A_101 = tpu.vector_load %arg11[%get3A_99, %get3A_100] {strides = array<i32>} : memref<80x128xf32, #tpu.memory_space<vmem>>, vector<1x16xf32>,
      %get3A_102 = vector.shape_cast %get3A_101 : vector<1x16xf32> to vector<16xf32>
      %swap3A_103 = arith.index_cast %scan3A_46 : i32 to index
      %swap3A_104 = arith.constant 96 : index
      %swap3A_105 = tpu.vector_load %arg9[%swap3A_103, %swap3A_104] {strides = array<i32>} : memref<80x128xf32, #tpu.memory_space<vmem>>, vector<1x16xf32>,
      %swap3A_106 = vector.shape_cast %swap3A_105 : vector<1x16xf32> to vector<16xf32>
      %swap3A_107 = vector.shape_cast %get3A_102 : vector<16xf32> to vector<1x16xf32>
      tpu.vector_store %arg9[%swap3A_103, %swap3A_104], %swap3A_107 {add = true, strides = array<i32>} : memref<80x128xf32, #tpu.memory_space<vmem>>, vector<1x16xf32>,
      %get3A_108 = arith.index_cast %scan3A_46 : i32 to index
      %get3A_109 = arith.constant 112 : index
      %get3A_110 = tpu.vector_load %arg11[%get3A_108, %get3A_109] {strides = array<i32>} : memref<80x128xf32, #tpu.memory_space<vmem>>, vector<1x16xf32>,
      %get3A_111 = vector.shape_cast %get3A_110 : vector<1x16xf32> to vector<16xf32>
      %swap3A_112 = arith.index_cast %scan3A_46 : i32 to index
      %swap3A_113 = arith.constant 112 : index
      %swap3A_114 = tpu.vector_load %arg9[%swap3A_112, %swap3A_113] {strides = array<i32>} : memref<80x128xf32, #tpu.memory_space<vmem>>, vector<1x16xf32>,
      %swap3A_115 = vector.shape_cast %swap3A_114 : vector<1x16xf32> to vector<16xf32>
      %swap3A_116 = vector.shape_cast %get3A_111 : vector<16xf32> to vector<1x16xf32>
      tpu.vector_store %arg9[%swap3A_112, %swap3A_113], %swap3A_116 {add = true, strides = array<i32>} : memref<80x128xf32, #tpu.memory_space<vmem>>, vector<1x16xf32>,
    }
    %scan3A_43 = arith.constant 80 : i32
    %add3A_44 = arith.constant 1920 : i32
    %add3A_45 = arith.addi %mul3A_2, %add3A_44 : i32
    "tpu.region"() ({
      %run_scoped3A = tpu.sem_alloc : memref<!tpu.dma_semaphore, #tpu.memory_space<semaphore_mem>>
      %dma_start3A_46 = arith.constant 0 : i32
      %dma_start3A_47 = tpu.memref_slice %arg6[%add3A_45, %dma_start3A_46] : memref<64000x128xf32, #tpu.memory_space<hbm>> -> memref<80x128xf32, #tpu.memory_space<hbm>>
      %dma_start3A_48 = arith.constant 0 : i32
      %dma_start3A_49 = tpu.memref_slice %arg6[%add3A_45, %dma_start3A_48] : memref<64000x128xf32, #tpu.memory_space<hbm>> -> memref<80x128xf32, #tpu.memory_space<hbm>>
      tpu.enqueue_dma source(%arg9 : memref<80x128xf32, #tpu.memory_space<vmem>>) target(%dma_start3A_49 : memref<80x128xf32, #tpu.memory_space<hbm>>) target_semaphore(%run_scoped3A : memref<!tpu.dma_semaphore, #tpu.memory_space<semaphore_mem>>)
      %dma_wait3A_50 = arith.constant 0 : i32
      %dma_wait3A_51 = tpu.memref_slice %arg6[%add3A_45, %dma_wait3A_50] : memref<64000x128xf32, #tpu.memory_space<hbm>> -> memref<80x128xf32, #tpu.memory_space<hbm>>
      %dma_wait3A_52 = arith.constant 0 : i32
      %dma_wait3A_53 = tpu.memref_slice %arg6[%add3A_45, %dma_wait3A_52] : memref<64000x128xf32, #tpu.memory_space<hbm>> -> memref<80x128xf32, #tpu.memory_space<hbm>>
      tpu.wait_dma2 semaphore(%run_scoped3A : memref<!tpu.dma_semaphore, #tpu.memory_space<semaphore_mem>>) src(%arg9 : memref<80x128xf32, #tpu.memory_space<vmem>>) dst(%dma_wait3A_53 : memref<80x128xf32, #tpu.memory_space<hbm>>)
      tpu.yield
    }) : () -> ()
    return
  }
}

#map = affine_map<(d0, d1) -> (0, 0)>
#map1 = affine_map<(d0, d1) -> (0)>
module attributes {stable_mosaic.version = 14 : i64} {
  func.func @k(%arg0: i32, %arg1: i32, %arg2: memref<10000x128xf32, #tpu.memory_space<hbm>>, %arg3: memref<10000x128xf32, #tpu.memory_space<hbm>>, %arg4: memref<38400xi32, #tpu.memory_space<hbm>>, %arg5: memref<38400xi32, #tpu.memory_space<hbm>>, %arg6: memref<38400x128xf32, #tpu.memory_space<hbm>>, %arg7: memref<1200xi32, #tpu.memory_space<vmem>>, %arg8: memref<1200xi32, #tpu.memory_space<vmem>>, %arg9: memref<80x128xf32, #tpu.memory_space<vmem>>, %arg10: memref<80x128xf32, #tpu.memory_space<vmem>>, %arg11: memref<80x128xf32, #tpu.memory_space<vmem>>, %arg12: memref<80x128xf32, #tpu.memory_space<vmem>>, %arg13: memref<!tpu.dma_semaphore, #tpu.memory_space<semaphore_mem>>, %arg14: memref<!tpu.dma_semaphore, #tpu.memory_space<semaphore_mem>>) attributes {dimension_semantics = [#tpu.dimension_semantics<core_parallel>, #tpu.dimension_semantics<subcore_parallel>], iteration_bounds = array<i64: 2, 16>, scalar_prefetch = 0 : i64, scratch_operands = 8 : i64, tpu.core_type = #tpu.core_type<sc_vector_subcore>, window_params = [{transform_indices = #map}, {transform_indices = #map}, {transform_indices = #map1}, {transform_indices = #map1}, {transform_indices = #map}]} {
    %mul3A = arith.constant 2 : i32
    %mul3A_0 = arith.muli %arg1, %mul3A : i32
    %add3A = arith.addi %mul3A_0, %arg0 : i32
    %mul3A_1 = arith.constant 1200 : i32
    %mul3A_2 = arith.muli %add3A, %mul3A_1 : i32
    "tpu.region"() ({
      %run_scoped3A = tpu.sem_alloc : memref<!tpu.dma_semaphore, #tpu.memory_space<semaphore_mem>>
      %dma_start3A_46 = tpu.memref_slice %arg4[%mul3A_2] : memref<38400xi32, #tpu.memory_space<hbm>> -> memref<1200xi32, #tpu.memory_space<hbm>>
      %dma_start3A_47 = tpu.memref_slice %arg4[%mul3A_2] : memref<38400xi32, #tpu.memory_space<hbm>> -> memref<1200xi32, #tpu.memory_space<hbm>>
      tpu.enqueue_dma source(%dma_start3A_47 : memref<1200xi32, #tpu.memory_space<hbm>>) target(%arg7 : memref<1200xi32, #tpu.memory_space<vmem>>) target_semaphore(%run_scoped3A : memref<!tpu.dma_semaphore, #tpu.memory_space<semaphore_mem>>)
      %dma_wait3A_48 = tpu.memref_slice %arg4[%mul3A_2] : memref<38400xi32, #tpu.memory_space<hbm>> -> memref<1200xi32, #tpu.memory_space<hbm>>
      %dma_wait3A_49 = tpu.memref_slice %arg4[%mul3A_2] : memref<38400xi32, #tpu.memory_space<hbm>> -> memref<1200xi32, #tpu.memory_space<hbm>>
      tpu.wait_dma2 semaphore(%run_scoped3A : memref<!tpu.dma_semaphore, #tpu.memory_space<semaphore_mem>>) src(%dma_wait3A_49 : memref<1200xi32, #tpu.memory_space<hbm>>) dst(%arg7 : memref<1200xi32, #tpu.memory_space<vmem>>)
      tpu.yield
    }) : () -> ()
    "tpu.region"() ({
      %run_scoped3A = tpu.sem_alloc : memref<!tpu.dma_semaphore, #tpu.memory_space<semaphore_mem>>
      %dma_start3A_46 = tpu.memref_slice %arg5[%mul3A_2] : memref<38400xi32, #tpu.memory_space<hbm>> -> memref<1200xi32, #tpu.memory_space<hbm>>
      %dma_start3A_47 = tpu.memref_slice %arg5[%mul3A_2] : memref<38400xi32, #tpu.memory_space<hbm>> -> memref<1200xi32, #tpu.memory_space<hbm>>
      tpu.enqueue_dma source(%dma_start3A_47 : memref<1200xi32, #tpu.memory_space<hbm>>) target(%arg8 : memref<1200xi32, #tpu.memory_space<vmem>>) target_semaphore(%run_scoped3A : memref<!tpu.dma_semaphore, #tpu.memory_space<semaphore_mem>>)
      %dma_wait3A_48 = tpu.memref_slice %arg5[%mul3A_2] : memref<38400xi32, #tpu.memory_space<hbm>> -> memref<1200xi32, #tpu.memory_space<hbm>>
      %dma_wait3A_49 = tpu.memref_slice %arg5[%mul3A_2] : memref<38400xi32, #tpu.memory_space<hbm>> -> memref<1200xi32, #tpu.memory_space<hbm>>
      tpu.wait_dma2 semaphore(%run_scoped3A : memref<!tpu.dma_semaphore, #tpu.memory_space<semaphore_mem>>) src(%dma_wait3A_49 : memref<1200xi32, #tpu.memory_space<hbm>>) dst(%arg8 : memref<1200xi32, #tpu.memory_space<vmem>>)
      tpu.yield
    }) : () -> ()
    %dma_start3A = arith.constant 0 : i32
    %dma_start3A_3 = tpu.memref_slice %arg7[%dma_start3A] : memref<1200xi32, #tpu.memory_space<vmem>> -> memref<80xi32, #tpu.memory_space<vmem>>
    %dma_start3A_4 = arith.constant 0 : i32
    %dma_start3A_5 = arith.constant 0 : i32
    %dma_start3A_6 = tpu.memref_slice %arg2[%dma_start3A_4, %dma_start3A_5] : memref<10000x128xf32, #tpu.memory_space<hbm>> -> memref<10000x128xf32, #tpu.memory_space<hbm>>
    tpu.enqueue_indirect_dma source(%dma_start3A_6 : memref<10000x128xf32, #tpu.memory_space<hbm>>) target(%arg9 : memref<80x128xf32, #tpu.memory_space<vmem>>) offsets(%dma_start3A_3 : memref<80xi32, #tpu.memory_space<vmem>>) semaphore(%arg13 : memref<!tpu.dma_semaphore, #tpu.memory_space<semaphore_mem>>)
    %dma_start3A_7 = arith.constant 0 : i32
    %dma_start3A_8 = tpu.memref_slice %arg8[%dma_start3A_7] : memref<1200xi32, #tpu.memory_space<vmem>> -> memref<80xi32, #tpu.memory_space<vmem>>
    %dma_start3A_9 = arith.constant 0 : i32
    %dma_start3A_10 = arith.constant 0 : i32
    %dma_start3A_11 = tpu.memref_slice %arg3[%dma_start3A_9, %dma_start3A_10] : memref<10000x128xf32, #tpu.memory_space<hbm>> -> memref<10000x128xf32, #tpu.memory_space<hbm>>
    tpu.enqueue_indirect_dma source(%dma_start3A_11 : memref<10000x128xf32, #tpu.memory_space<hbm>>) target(%arg11 : memref<80x128xf32, #tpu.memory_space<vmem>>) offsets(%dma_start3A_8 : memref<80xi32, #tpu.memory_space<vmem>>) semaphore(%arg13 : memref<!tpu.dma_semaphore, #tpu.memory_space<semaphore_mem>>)
    %dma_start3A_12 = arith.constant 80 : i32
    %dma_start3A_13 = tpu.memref_slice %arg7[%dma_start3A_12] : memref<1200xi32, #tpu.memory_space<vmem>> -> memref<80xi32, #tpu.memory_space<vmem>>
    %dma_start3A_14 = arith.constant 0 : i32
    %dma_start3A_15 = arith.constant 0 : i32
    %dma_start3A_16 = tpu.memref_slice %arg2[%dma_start3A_14, %dma_start3A_15] : memref<10000x128xf32, #tpu.memory_space<hbm>> -> memref<10000x128xf32, #tpu.memory_space<hbm>>
    tpu.enqueue_indirect_dma source(%dma_start3A_16 : memref<10000x128xf32, #tpu.memory_space<hbm>>) target(%arg10 : memref<80x128xf32, #tpu.memory_space<vmem>>) offsets(%dma_start3A_13 : memref<80xi32, #tpu.memory_space<vmem>>) semaphore(%arg14 : memref<!tpu.dma_semaphore, #tpu.memory_space<semaphore_mem>>)
    %dma_start3A_17 = arith.constant 80 : i32
    %dma_start3A_18 = tpu.memref_slice %arg8[%dma_start3A_17] : memref<1200xi32, #tpu.memory_space<vmem>> -> memref<80xi32, #tpu.memory_space<vmem>>
    %dma_start3A_19 = arith.constant 0 : i32
    %dma_start3A_20 = arith.constant 0 : i32
    %dma_start3A_21 = tpu.memref_slice %arg3[%dma_start3A_19, %dma_start3A_20] : memref<10000x128xf32, #tpu.memory_space<hbm>> -> memref<10000x128xf32, #tpu.memory_space<hbm>>
    tpu.enqueue_indirect_dma source(%dma_start3A_21 : memref<10000x128xf32, #tpu.memory_space<hbm>>) target(%arg12 : memref<80x128xf32, #tpu.memory_space<vmem>>) offsets(%dma_start3A_18 : memref<80xi32, #tpu.memory_space<vmem>>) semaphore(%arg14 : memref<!tpu.dma_semaphore, #tpu.memory_space<semaphore_mem>>)
    %scan3A = arith.constant 0 : i32
    %scan3A_22 = arith.constant 0 : i32
    %scan3A_23 = arith.constant 7 : i32
    %scan3A_24 = arith.addi %scan3A_22, %scan3A_23 : i32
    %scan3A_25 = arith.constant 1 : i32
    scf.for %scan3A_46 = %scan3A_22 to %scan3A_24 step %scan3A_25  : i32 {
      %mul3A_47 = arith.constant 2 : i32
      %mul3A_48 = arith.muli %mul3A_47, %scan3A_46 : i32
      %dma_wait3A_49 = arith.constant 0 : i32
      %dma_wait3A_50 = arith.constant 0 : i32
      %dma_wait3A_51 = tpu.memref_slice %arg2[%dma_wait3A_49, %dma_wait3A_50] : memref<10000x128xf32, #tpu.memory_space<hbm>> -> memref<80x128xf32, #tpu.memory_space<hbm>>
      %dma_wait3A_52 = arith.constant 0 : i32
      %dma_wait3A_53 = arith.constant 0 : i32
      %dma_wait3A_54 = tpu.memref_slice %arg2[%dma_wait3A_52, %dma_wait3A_53] : memref<10000x128xf32, #tpu.memory_space<hbm>> -> memref<80x128xf32, #tpu.memory_space<hbm>>
      tpu.wait_dma2 semaphore(%arg13 : memref<!tpu.dma_semaphore, #tpu.memory_space<semaphore_mem>>) src(%dma_wait3A_54 : memref<80x128xf32, #tpu.memory_space<hbm>>) dst(%arg9 : memref<80x128xf32, #tpu.memory_space<vmem>>)
      %dma_wait3A_55 = arith.constant 0 : i32
      %dma_wait3A_56 = arith.constant 0 : i32
      %dma_wait3A_57 = tpu.memref_slice %arg3[%dma_wait3A_55, %dma_wait3A_56] : memref<10000x128xf32, #tpu.memory_space<hbm>> -> memref<80x128xf32, #tpu.memory_space<hbm>>
      %dma_wait3A_58 = arith.constant 0 : i32
      %dma_wait3A_59 = arith.constant 0 : i32
      %dma_wait3A_60 = tpu.memref_slice %arg3[%dma_wait3A_58, %dma_wait3A_59] : memref<10000x128xf32, #tpu.memory_space<hbm>> -> memref<80x128xf32, #tpu.memory_space<hbm>>
      tpu.wait_dma2 semaphore(%arg13 : memref<!tpu.dma_semaphore, #tpu.memory_space<semaphore_mem>>) src(%dma_wait3A_60 : memref<80x128xf32, #tpu.memory_space<hbm>>) dst(%arg11 : memref<80x128xf32, #tpu.memory_space<vmem>>)
      %scan3A_61 = arith.constant 0 : i32
      %scan3A_62 = arith.constant 0 : i32
      %scan3A_63 = arith.constant 80 : i32
      %scan3A_64 = arith.addi %scan3A_62, %scan3A_63 : i32
      %scan3A_65 = arith.constant 1 : i32
      scf.for %scan3A_106 = %scan3A_62 to %scan3A_64 step %scan3A_65  : i32 {
        %get3A = arith.index_cast %scan3A_106 : i32 to index
        %get3A_107 = arith.constant 0 : index
        %get3A_108 = tpu.vector_load %arg11[%get3A, %get3A_107] {strides = array<i32>} : memref<80x128xf32, #tpu.memory_space<vmem>>, vector<1x16xf32>,
        %get3A_109 = vector.shape_cast %get3A_108 : vector<1x16xf32> to vector<16xf32>
        %swap3A = arith.index_cast %scan3A_106 : i32 to index
        %swap3A_110 = arith.constant 0 : index
        %swap3A_111 = tpu.vector_load %arg9[%swap3A, %swap3A_110] {strides = array<i32>} : memref<80x128xf32, #tpu.memory_space<vmem>>, vector<1x16xf32>,
        %swap3A_112 = vector.shape_cast %swap3A_111 : vector<1x16xf32> to vector<16xf32>
        %swap3A_113 = vector.shape_cast %get3A_109 : vector<16xf32> to vector<1x16xf32>
        tpu.vector_store %arg9[%swap3A, %swap3A_110], %swap3A_113 {add = true, strides = array<i32>} : memref<80x128xf32, #tpu.memory_space<vmem>>, vector<1x16xf32>,
        %get3A_114 = arith.index_cast %scan3A_106 : i32 to index
        %get3A_115 = arith.constant 16 : index
        %get3A_116 = tpu.vector_load %arg11[%get3A_114, %get3A_115] {strides = array<i32>} : memref<80x128xf32, #tpu.memory_space<vmem>>, vector<1x16xf32>,
        %get3A_117 = vector.shape_cast %get3A_116 : vector<1x16xf32> to vector<16xf32>
        %swap3A_118 = arith.index_cast %scan3A_106 : i32 to index
        %swap3A_119 = arith.constant 16 : index
        %swap3A_120 = tpu.vector_load %arg9[%swap3A_118, %swap3A_119] {strides = array<i32>} : memref<80x128xf32, #tpu.memory_space<vmem>>, vector<1x16xf32>,
        %swap3A_121 = vector.shape_cast %swap3A_120 : vector<1x16xf32> to vector<16xf32>
        %swap3A_122 = vector.shape_cast %get3A_117 : vector<16xf32> to vector<1x16xf32>
        tpu.vector_store %arg9[%swap3A_118, %swap3A_119], %swap3A_122 {add = true, strides = array<i32>} : memref<80x128xf32, #tpu.memory_space<vmem>>, vector<1x16xf32>,
        %get3A_123 = arith.index_cast %scan3A_106 : i32 to index
        %get3A_124 = arith.constant 32 : index
        %get3A_125 = tpu.vector_load %arg11[%get3A_123, %get3A_124] {strides = array<i32>} : memref<80x128xf32, #tpu.memory_space<vmem>>, vector<1x16xf32>,
        %get3A_126 = vector.shape_cast %get3A_125 : vector<1x16xf32> to vector<16xf32>
        %swap3A_127 = arith.index_cast %scan3A_106 : i32 to index
        %swap3A_128 = arith.constant 32 : index
        %swap3A_129 = tpu.vector_load %arg9[%swap3A_127, %swap3A_128] {strides = array<i32>} : memref<80x128xf32, #tpu.memory_space<vmem>>, vector<1x16xf32>,
        %swap3A_130 = vector.shape_cast %swap3A_129 : vector<1x16xf32> to vector<16xf32>
        %swap3A_131 = vector.shape_cast %get3A_126 : vector<16xf32> to vector<1x16xf32>
        tpu.vector_store %arg9[%swap3A_127, %swap3A_128], %swap3A_131 {add = true, strides = array<i32>} : memref<80x128xf32, #tpu.memory_space<vmem>>, vector<1x16xf32>,
        %get3A_132 = arith.index_cast %scan3A_106 : i32 to index
        %get3A_133 = arith.constant 48 : index
        %get3A_134 = tpu.vector_load %arg11[%get3A_132, %get3A_133] {strides = array<i32>} : memref<80x128xf32, #tpu.memory_space<vmem>>, vector<1x16xf32>,
        %get3A_135 = vector.shape_cast %get3A_134 : vector<1x16xf32> to vector<16xf32>
        %swap3A_136 = arith.index_cast %scan3A_106 : i32 to index
        %swap3A_137 = arith.constant 48 : index
        %swap3A_138 = tpu.vector_load %arg9[%swap3A_136, %swap3A_137] {strides = array<i32>} : memref<80x128xf32, #tpu.memory_space<vmem>>, vector<1x16xf32>,
        %swap3A_139 = vector.shape_cast %swap3A_138 : vector<1x16xf32> to vector<16xf32>
        %swap3A_140 = vector.shape_cast %get3A_135 : vector<16xf32> to vector<1x16xf32>
        tpu.vector_store %arg9[%swap3A_136, %swap3A_137], %swap3A_140 {add = true, strides = array<i32>} : memref<80x128xf32, #tpu.memory_space<vmem>>, vector<1x16xf32>,
        %get3A_141 = arith.index_cast %scan3A_106 : i32 to index
        %get3A_142 = arith.constant 64 : index
        %get3A_143 = tpu.vector_load %arg11[%get3A_141, %get3A_142] {strides = array<i32>} : memref<80x128xf32, #tpu.memory_space<vmem>>, vector<1x16xf32>,
        %get3A_144 = vector.shape_cast %get3A_143 : vector<1x16xf32> to vector<16xf32>
        %swap3A_145 = arith.index_cast %scan3A_106 : i32 to index
        %swap3A_146 = arith.constant 64 : index
        %swap3A_147 = tpu.vector_load %arg9[%swap3A_145, %swap3A_146] {strides = array<i32>} : memref<80x128xf32, #tpu.memory_space<vmem>>, vector<1x16xf32>,
        %swap3A_148 = vector.shape_cast %swap3A_147 : vector<1x16xf32> to vector<16xf32>
        %swap3A_149 = vector.shape_cast %get3A_144 : vector<16xf32> to vector<1x16xf32>
        tpu.vector_store %arg9[%swap3A_145, %swap3A_146], %swap3A_149 {add = true, strides = array<i32>} : memref<80x128xf32, #tpu.memory_space<vmem>>, vector<1x16xf32>,
        %get3A_150 = arith.index_cast %scan3A_106 : i32 to index
        %get3A_151 = arith.constant 80 : index
        %get3A_152 = tpu.vector_load %arg11[%get3A_150, %get3A_151] {strides = array<i32>} : memref<80x128xf32, #tpu.memory_space<vmem>>, vector<1x16xf32>,
        %get3A_153 = vector.shape_cast %get3A_152 : vector<1x16xf32> to vector<16xf32>
        %swap3A_154 = arith.index_cast %scan3A_106 : i32 to index
        %swap3A_155 = arith.constant 80 : index
        %swap3A_156 = tpu.vector_load %arg9[%swap3A_154, %swap3A_155] {strides = array<i32>} : memref<80x128xf32, #tpu.memory_space<vmem>>, vector<1x16xf32>,
        %swap3A_157 = vector.shape_cast %swap3A_156 : vector<1x16xf32> to vector<16xf32>
        %swap3A_158 = vector.shape_cast %get3A_153 : vector<16xf32> to vector<1x16xf32>
        tpu.vector_store %arg9[%swap3A_154, %swap3A_155], %swap3A_158 {add = true, strides = array<i32>} : memref<80x128xf32, #tpu.memory_space<vmem>>, vector<1x16xf32>,
        %get3A_159 = arith.index_cast %scan3A_106 : i32 to index
        %get3A_160 = arith.constant 96 : index
        %get3A_161 = tpu.vector_load %arg11[%get3A_159, %get3A_160] {strides = array<i32>} : memref<80x128xf32, #tpu.memory_space<vmem>>, vector<1x16xf32>,
        %get3A_162 = vector.shape_cast %get3A_161 : vector<1x16xf32> to vector<16xf32>
        %swap3A_163 = arith.index_cast %scan3A_106 : i32 to index
        %swap3A_164 = arith.constant 96 : index
        %swap3A_165 = tpu.vector_load %arg9[%swap3A_163, %swap3A_164] {strides = array<i32>} : memref<80x128xf32, #tpu.memory_space<vmem>>, vector<1x16xf32>,
        %swap3A_166 = vector.shape_cast %swap3A_165 : vector<1x16xf32> to vector<16xf32>
        %swap3A_167 = vector.shape_cast %get3A_162 : vector<16xf32> to vector<1x16xf32>
        tpu.vector_store %arg9[%swap3A_163, %swap3A_164], %swap3A_167 {add = true, strides = array<i32>} : memref<80x128xf32, #tpu.memory_space<vmem>>, vector<1x16xf32>,
        %get3A_168 = arith.index_cast %scan3A_106 : i32 to index
        %get3A_169 = arith.constant 112 : index
        %get3A_170 = tpu.vector_load %arg11[%get3A_168, %get3A_169] {strides = array<i32>} : memref<80x128xf32, #tpu.memory_space<vmem>>, vector<1x16xf32>,
        %get3A_171 = vector.shape_cast %get3A_170 : vector<1x16xf32> to vector<16xf32>
        %swap3A_172 = arith.index_cast %scan3A_106 : i32 to index
        %swap3A_173 = arith.constant 112 : index
        %swap3A_174 = tpu.vector_load %arg9[%swap3A_172, %swap3A_173] {strides = array<i32>} : memref<80x128xf32, #tpu.memory_space<vmem>>, vector<1x16xf32>,
        %swap3A_175 = vector.shape_cast %swap3A_174 : vector<1x16xf32> to vector<16xf32>
        %swap3A_176 = vector.shape_cast %get3A_171 : vector<16xf32> to vector<1x16xf32>
        tpu.vector_store %arg9[%swap3A_172, %swap3A_173], %swap3A_176 {add = true, strides = array<i32>} : memref<80x128xf32, #tpu.memory_space<vmem>>, vector<1x16xf32>,
      }
      %scan3A_66 = arith.constant 80 : i32
      %mul3A_67 = arith.constant 80 : i32
      %mul3A_68 = arith.muli %mul3A_48, %mul3A_67 : i32
      %add3A_69 = arith.addi %mul3A_2, %mul3A_68 : i32
      "tpu.region"() ({
        %run_scoped3A = tpu.sem_alloc : memref<!tpu.dma_semaphore, #tpu.memory_space<semaphore_mem>>
        %dma_start3A_106 = arith.constant 0 : i32
        %dma_start3A_107 = tpu.memref_slice %arg6[%add3A_69, %dma_start3A_106] : memref<38400x128xf32, #tpu.memory_space<hbm>> -> memref<80x128xf32, #tpu.memory_space<hbm>>
        %dma_start3A_108 = arith.constant 0 : i32
        %dma_start3A_109 = tpu.memref_slice %arg6[%add3A_69, %dma_start3A_108] : memref<38400x128xf32, #tpu.memory_space<hbm>> -> memref<80x128xf32, #tpu.memory_space<hbm>>
        tpu.enqueue_dma source(%arg9 : memref<80x128xf32, #tpu.memory_space<vmem>>) target(%dma_start3A_109 : memref<80x128xf32, #tpu.memory_space<hbm>>) target_semaphore(%run_scoped3A : memref<!tpu.dma_semaphore, #tpu.memory_space<semaphore_mem>>)
        %dma_wait3A_110 = arith.constant 0 : i32
        %dma_wait3A_111 = tpu.memref_slice %arg6[%add3A_69, %dma_wait3A_110] : memref<38400x128xf32, #tpu.memory_space<hbm>> -> memref<80x128xf32, #tpu.memory_space<hbm>>
        %dma_wait3A_112 = arith.constant 0 : i32
        %dma_wait3A_113 = tpu.memref_slice %arg6[%add3A_69, %dma_wait3A_112] : memref<38400x128xf32, #tpu.memory_space<hbm>> -> memref<80x128xf32, #tpu.memory_space<hbm>>
        tpu.wait_dma2 semaphore(%run_scoped3A : memref<!tpu.dma_semaphore, #tpu.memory_space<semaphore_mem>>) src(%arg9 : memref<80x128xf32, #tpu.memory_space<vmem>>) dst(%dma_wait3A_113 : memref<80x128xf32, #tpu.memory_space<hbm>>)
        tpu.yield
      }) : () -> ()
      %add3A_70 = arith.constant 2 : i32
      %add3A_71 = arith.addi %mul3A_48, %add3A_70 : i32
      %lt3A = arith.constant 15 : i32
      %lt3A_72 = arith.cmpi slt, %add3A_71, %lt3A : i32
      %convert_element_type3A = arith.extui %lt3A_72 : i1 to i32
      %cond3A = arith.constant 0 : i32
      %cond3A_73 = arith.cmpi ne, %convert_element_type3A, %cond3A : i32
      scf.if %cond3A_73 {
        %add3A_106 = arith.constant 2 : i32
        %add3A_107 = arith.addi %mul3A_48, %add3A_106 : i32
        %mul3A_108 = arith.constant 80 : i32
        %mul3A_109 = arith.muli %add3A_107, %mul3A_108 : i32
        %dma_start3A_110 = tpu.memref_slice %arg7[%mul3A_109] : memref<1200xi32, #tpu.memory_space<vmem>> -> memref<80xi32, #tpu.memory_space<vmem>>
        %dma_start3A_111 = arith.constant 0 : i32
        %dma_start3A_112 = arith.constant 0 : i32
        %dma_start3A_113 = tpu.memref_slice %arg2[%dma_start3A_111, %dma_start3A_112] : memref<10000x128xf32, #tpu.memory_space<hbm>> -> memref<10000x128xf32, #tpu.memory_space<hbm>>
        tpu.enqueue_indirect_dma source(%dma_start3A_113 : memref<10000x128xf32, #tpu.memory_space<hbm>>) target(%arg9 : memref<80x128xf32, #tpu.memory_space<vmem>>) offsets(%dma_start3A_110 : memref<80xi32, #tpu.memory_space<vmem>>) semaphore(%arg13 : memref<!tpu.dma_semaphore, #tpu.memory_space<semaphore_mem>>)
        %dma_start3A_114 = tpu.memref_slice %arg8[%mul3A_109] : memref<1200xi32, #tpu.memory_space<vmem>> -> memref<80xi32, #tpu.memory_space<vmem>>
        %dma_start3A_115 = arith.constant 0 : i32
        %dma_start3A_116 = arith.constant 0 : i32
        %dma_start3A_117 = tpu.memref_slice %arg3[%dma_start3A_115, %dma_start3A_116] : memref<10000x128xf32, #tpu.memory_space<hbm>> -> memref<10000x128xf32, #tpu.memory_space<hbm>>
        tpu.enqueue_indirect_dma source(%dma_start3A_117 : memref<10000x128xf32, #tpu.memory_space<hbm>>) target(%arg11 : memref<80x128xf32, #tpu.memory_space<vmem>>) offsets(%dma_start3A_114 : memref<80xi32, #tpu.memory_space<vmem>>) semaphore(%arg13 : memref<!tpu.dma_semaphore, #tpu.memory_space<semaphore_mem>>)
      } else {
      }
      %mul3A_74 = arith.constant 2 : i32
      %mul3A_75 = arith.muli %mul3A_74, %scan3A_46 : i32
      %add3A_76 = arith.constant 1 : i32
      %add3A_77 = arith.addi %mul3A_75, %add3A_76 : i32
      %dma_wait3A_78 = arith.constant 0 : i32
      %dma_wait3A_79 = arith.constant 0 : i32
      %dma_wait3A_80 = tpu.memref_slice %arg2[%dma_wait3A_78, %dma_wait3A_79] : memref<10000x128xf32, #tpu.memory_space<hbm>> -> memref<80x128xf32, #tpu.memory_space<hbm>>
      %dma_wait3A_81 = arith.constant 0 : i32
      %dma_wait3A_82 = arith.constant 0 : i32
      %dma_wait3A_83 = tpu.memref_slice %arg2[%dma_wait3A_81, %dma_wait3A_82] : memref<10000x128xf32, #tpu.memory_space<hbm>> -> memref<80x128xf32, #tpu.memory_space<hbm>>
      tpu.wait_dma2 semaphore(%arg14 : memref<!tpu.dma_semaphore, #tpu.memory_space<semaphore_mem>>) src(%dma_wait3A_83 : memref<80x128xf32, #tpu.memory_space<hbm>>) dst(%arg10 : memref<80x128xf32, #tpu.memory_space<vmem>>)
      %dma_wait3A_84 = arith.constant 0 : i32
      %dma_wait3A_85 = arith.constant 0 : i32
      %dma_wait3A_86 = tpu.memref_slice %arg3[%dma_wait3A_84, %dma_wait3A_85] : memref<10000x128xf32, #tpu.memory_space<hbm>> -> memref<80x128xf32, #tpu.memory_space<hbm>>
      %dma_wait3A_87 = arith.constant 0 : i32
      %dma_wait3A_88 = arith.constant 0 : i32
      %dma_wait3A_89 = tpu.memref_slice %arg3[%dma_wait3A_87, %dma_wait3A_88] : memref<10000x128xf32, #tpu.memory_space<hbm>> -> memref<80x128xf32, #tpu.memory_space<hbm>>
      tpu.wait_dma2 semaphore(%arg14 : memref<!tpu.dma_semaphore, #tpu.memory_space<semaphore_mem>>) src(%dma_wait3A_89 : memref<80x128xf32, #tpu.memory_space<hbm>>) dst(%arg12 : memref<80x128xf32, #tpu.memory_space<vmem>>)
      %scan3A_90 = arith.constant 0 : i32
      %scan3A_91 = arith.constant 0 : i32
      %scan3A_92 = arith.constant 80 : i32
      %scan3A_93 = arith.addi %scan3A_91, %scan3A_92 : i32
      %scan3A_94 = arith.constant 1 : i32
      scf.for %scan3A_106 = %scan3A_91 to %scan3A_93 step %scan3A_94  : i32 {
        %get3A = arith.index_cast %scan3A_106 : i32 to index
        %get3A_107 = arith.constant 0 : index
        %get3A_108 = tpu.vector_load %arg12[%get3A, %get3A_107] {strides = array<i32>} : memref<80x128xf32, #tpu.memory_space<vmem>>, vector<1x16xf32>,
        %get3A_109 = vector.shape_cast %get3A_108 : vector<1x16xf32> to vector<16xf32>
        %swap3A = arith.index_cast %scan3A_106 : i32 to index
        %swap3A_110 = arith.constant 0 : index
        %swap3A_111 = tpu.vector_load %arg10[%swap3A, %swap3A_110] {strides = array<i32>} : memref<80x128xf32, #tpu.memory_space<vmem>>, vector<1x16xf32>,
        %swap3A_112 = vector.shape_cast %swap3A_111 : vector<1x16xf32> to vector<16xf32>
        %swap3A_113 = vector.shape_cast %get3A_109 : vector<16xf32> to vector<1x16xf32>
        tpu.vector_store %arg10[%swap3A, %swap3A_110], %swap3A_113 {add = true, strides = array<i32>} : memref<80x128xf32, #tpu.memory_space<vmem>>, vector<1x16xf32>,
        %get3A_114 = arith.index_cast %scan3A_106 : i32 to index
        %get3A_115 = arith.constant 16 : index
        %get3A_116 = tpu.vector_load %arg12[%get3A_114, %get3A_115] {strides = array<i32>} : memref<80x128xf32, #tpu.memory_space<vmem>>, vector<1x16xf32>,
        %get3A_117 = vector.shape_cast %get3A_116 : vector<1x16xf32> to vector<16xf32>
        %swap3A_118 = arith.index_cast %scan3A_106 : i32 to index
        %swap3A_119 = arith.constant 16 : index
        %swap3A_120 = tpu.vector_load %arg10[%swap3A_118, %swap3A_119] {strides = array<i32>} : memref<80x128xf32, #tpu.memory_space<vmem>>, vector<1x16xf32>,
        %swap3A_121 = vector.shape_cast %swap3A_120 : vector<1x16xf32> to vector<16xf32>
        %swap3A_122 = vector.shape_cast %get3A_117 : vector<16xf32> to vector<1x16xf32>
        tpu.vector_store %arg10[%swap3A_118, %swap3A_119], %swap3A_122 {add = true, strides = array<i32>} : memref<80x128xf32, #tpu.memory_space<vmem>>, vector<1x16xf32>,
        %get3A_123 = arith.index_cast %scan3A_106 : i32 to index
        %get3A_124 = arith.constant 32 : index
        %get3A_125 = tpu.vector_load %arg12[%get3A_123, %get3A_124] {strides = array<i32>} : memref<80x128xf32, #tpu.memory_space<vmem>>, vector<1x16xf32>,
        %get3A_126 = vector.shape_cast %get3A_125 : vector<1x16xf32> to vector<16xf32>
        %swap3A_127 = arith.index_cast %scan3A_106 : i32 to index
        %swap3A_128 = arith.constant 32 : index
        %swap3A_129 = tpu.vector_load %arg10[%swap3A_127, %swap3A_128] {strides = array<i32>} : memref<80x128xf32, #tpu.memory_space<vmem>>, vector<1x16xf32>,
        %swap3A_130 = vector.shape_cast %swap3A_129 : vector<1x16xf32> to vector<16xf32>
        %swap3A_131 = vector.shape_cast %get3A_126 : vector<16xf32> to vector<1x16xf32>
        tpu.vector_store %arg10[%swap3A_127, %swap3A_128], %swap3A_131 {add = true, strides = array<i32>} : memref<80x128xf32, #tpu.memory_space<vmem>>, vector<1x16xf32>,
        %get3A_132 = arith.index_cast %scan3A_106 : i32 to index
        %get3A_133 = arith.constant 48 : index
        %get3A_134 = tpu.vector_load %arg12[%get3A_132, %get3A_133] {strides = array<i32>} : memref<80x128xf32, #tpu.memory_space<vmem>>, vector<1x16xf32>,
        %get3A_135 = vector.shape_cast %get3A_134 : vector<1x16xf32> to vector<16xf32>
        %swap3A_136 = arith.index_cast %scan3A_106 : i32 to index
        %swap3A_137 = arith.constant 48 : index
        %swap3A_138 = tpu.vector_load %arg10[%swap3A_136, %swap3A_137] {strides = array<i32>} : memref<80x128xf32, #tpu.memory_space<vmem>>, vector<1x16xf32>,
        %swap3A_139 = vector.shape_cast %swap3A_138 : vector<1x16xf32> to vector<16xf32>
        %swap3A_140 = vector.shape_cast %get3A_135 : vector<16xf32> to vector<1x16xf32>
        tpu.vector_store %arg10[%swap3A_136, %swap3A_137], %swap3A_140 {add = true, strides = array<i32>} : memref<80x128xf32, #tpu.memory_space<vmem>>, vector<1x16xf32>,
        %get3A_141 = arith.index_cast %scan3A_106 : i32 to index
        %get3A_142 = arith.constant 64 : index
        %get3A_143 = tpu.vector_load %arg12[%get3A_141, %get3A_142] {strides = array<i32>} : memref<80x128xf32, #tpu.memory_space<vmem>>, vector<1x16xf32>,
        %get3A_144 = vector.shape_cast %get3A_143 : vector<1x16xf32> to vector<16xf32>
        %swap3A_145 = arith.index_cast %scan3A_106 : i32 to index
        %swap3A_146 = arith.constant 64 : index
        %swap3A_147 = tpu.vector_load %arg10[%swap3A_145, %swap3A_146] {strides = array<i32>} : memref<80x128xf32, #tpu.memory_space<vmem>>, vector<1x16xf32>,
        %swap3A_148 = vector.shape_cast %swap3A_147 : vector<1x16xf32> to vector<16xf32>
        %swap3A_149 = vector.shape_cast %get3A_144 : vector<16xf32> to vector<1x16xf32>
        tpu.vector_store %arg10[%swap3A_145, %swap3A_146], %swap3A_149 {add = true, strides = array<i32>} : memref<80x128xf32, #tpu.memory_space<vmem>>, vector<1x16xf32>,
        %get3A_150 = arith.index_cast %scan3A_106 : i32 to index
        %get3A_151 = arith.constant 80 : index
        %get3A_152 = tpu.vector_load %arg12[%get3A_150, %get3A_151] {strides = array<i32>} : memref<80x128xf32, #tpu.memory_space<vmem>>, vector<1x16xf32>,
        %get3A_153 = vector.shape_cast %get3A_152 : vector<1x16xf32> to vector<16xf32>
        %swap3A_154 = arith.index_cast %scan3A_106 : i32 to index
        %swap3A_155 = arith.constant 80 : index
        %swap3A_156 = tpu.vector_load %arg10[%swap3A_154, %swap3A_155] {strides = array<i32>} : memref<80x128xf32, #tpu.memory_space<vmem>>, vector<1x16xf32>,
        %swap3A_157 = vector.shape_cast %swap3A_156 : vector<1x16xf32> to vector<16xf32>
        %swap3A_158 = vector.shape_cast %get3A_153 : vector<16xf32> to vector<1x16xf32>
        tpu.vector_store %arg10[%swap3A_154, %swap3A_155], %swap3A_158 {add = true, strides = array<i32>} : memref<80x128xf32, #tpu.memory_space<vmem>>, vector<1x16xf32>,
        %get3A_159 = arith.index_cast %scan3A_106 : i32 to index
        %get3A_160 = arith.constant 96 : index
        %get3A_161 = tpu.vector_load %arg12[%get3A_159, %get3A_160] {strides = array<i32>} : memref<80x128xf32, #tpu.memory_space<vmem>>, vector<1x16xf32>,
        %get3A_162 = vector.shape_cast %get3A_161 : vector<1x16xf32> to vector<16xf32>
        %swap3A_163 = arith.index_cast %scan3A_106 : i32 to index
        %swap3A_164 = arith.constant 96 : index
        %swap3A_165 = tpu.vector_load %arg10[%swap3A_163, %swap3A_164] {strides = array<i32>} : memref<80x128xf32, #tpu.memory_space<vmem>>, vector<1x16xf32>,
        %swap3A_166 = vector.shape_cast %swap3A_165 : vector<1x16xf32> to vector<16xf32>
        %swap3A_167 = vector.shape_cast %get3A_162 : vector<16xf32> to vector<1x16xf32>
        tpu.vector_store %arg10[%swap3A_163, %swap3A_164], %swap3A_167 {add = true, strides = array<i32>} : memref<80x128xf32, #tpu.memory_space<vmem>>, vector<1x16xf32>,
        %get3A_168 = arith.index_cast %scan3A_106 : i32 to index
        %get3A_169 = arith.constant 112 : index
        %get3A_170 = tpu.vector_load %arg12[%get3A_168, %get3A_169] {strides = array<i32>} : memref<80x128xf32, #tpu.memory_space<vmem>>, vector<1x16xf32>,
        %get3A_171 = vector.shape_cast %get3A_170 : vector<1x16xf32> to vector<16xf32>
        %swap3A_172 = arith.index_cast %scan3A_106 : i32 to index
        %swap3A_173 = arith.constant 112 : index
        %swap3A_174 = tpu.vector_load %arg10[%swap3A_172, %swap3A_173] {strides = array<i32>} : memref<80x128xf32, #tpu.memory_space<vmem>>, vector<1x16xf32>,
        %swap3A_175 = vector.shape_cast %swap3A_174 : vector<1x16xf32> to vector<16xf32>
        %swap3A_176 = vector.shape_cast %get3A_171 : vector<16xf32> to vector<1x16xf32>
        tpu.vector_store %arg10[%swap3A_172, %swap3A_173], %swap3A_176 {add = true, strides = array<i32>} : memref<80x128xf32, #tpu.memory_space<vmem>>, vector<1x16xf32>,
      }
      %scan3A_95 = arith.constant 80 : i32
      %mul3A_96 = arith.constant 80 : i32
      %mul3A_97 = arith.muli %add3A_77, %mul3A_96 : i32
      %add3A_98 = arith.addi %mul3A_2, %mul3A_97 : i32
      "tpu.region"() ({
        %run_scoped3A = tpu.sem_alloc : memref<!tpu.dma_semaphore, #tpu.memory_space<semaphore_mem>>
        %dma_start3A_106 = arith.constant 0 : i32
        %dma_start3A_107 = tpu.memref_slice %arg6[%add3A_98, %dma_start3A_106] : memref<38400x128xf32, #tpu.memory_space<hbm>> -> memref<80x128xf32, #tpu.memory_space<hbm>>
        %dma_start3A_108 = arith.constant 0 : i32
        %dma_start3A_109 = tpu.memref_slice %arg6[%add3A_98, %dma_start3A_108] : memref<38400x128xf32, #tpu.memory_space<hbm>> -> memref<80x128xf32, #tpu.memory_space<hbm>>
        tpu.enqueue_dma source(%arg10 : memref<80x128xf32, #tpu.memory_space<vmem>>) target(%dma_start3A_109 : memref<80x128xf32, #tpu.memory_space<hbm>>) target_semaphore(%run_scoped3A : memref<!tpu.dma_semaphore, #tpu.memory_space<semaphore_mem>>)
        %dma_wait3A_110 = arith.constant 0 : i32
        %dma_wait3A_111 = tpu.memref_slice %arg6[%add3A_98, %dma_wait3A_110] : memref<38400x128xf32, #tpu.memory_space<hbm>> -> memref<80x128xf32, #tpu.memory_space<hbm>>
        %dma_wait3A_112 = arith.constant 0 : i32
        %dma_wait3A_113 = tpu.memref_slice %arg6[%add3A_98, %dma_wait3A_112] : memref<38400x128xf32, #tpu.memory_space<hbm>> -> memref<80x128xf32, #tpu.memory_space<hbm>>
        tpu.wait_dma2 semaphore(%run_scoped3A : memref<!tpu.dma_semaphore, #tpu.memory_space<semaphore_mem>>) src(%arg10 : memref<80x128xf32, #tpu.memory_space<vmem>>) dst(%dma_wait3A_113 : memref<80x128xf32, #tpu.memory_space<hbm>>)
        tpu.yield
      }) : () -> ()
      %add3A_99 = arith.constant 2 : i32
      %add3A_100 = arith.addi %add3A_77, %add3A_99 : i32
      %lt3A_101 = arith.constant 15 : i32
      %lt3A_102 = arith.cmpi slt, %add3A_100, %lt3A_101 : i32
      %convert_element_type3A_103 = arith.extui %lt3A_102 : i1 to i32
      %cond3A_104 = arith.constant 0 : i32
      %cond3A_105 = arith.cmpi ne, %convert_element_type3A_103, %cond3A_104 : i32
      scf.if %cond3A_105 {
        %add3A_106 = arith.constant 2 : i32
        %add3A_107 = arith.addi %add3A_77, %add3A_106 : i32
        %mul3A_108 = arith.constant 80 : i32
        %mul3A_109 = arith.muli %add3A_107, %mul3A_108 : i32
        %dma_start3A_110 = tpu.memref_slice %arg7[%mul3A_109] : memref<1200xi32, #tpu.memory_space<vmem>> -> memref<80xi32, #tpu.memory_space<vmem>>
        %dma_start3A_111 = arith.constant 0 : i32
        %dma_start3A_112 = arith.constant 0 : i32
        %dma_start3A_113 = tpu.memref_slice %arg2[%dma_start3A_111, %dma_start3A_112] : memref<10000x128xf32, #tpu.memory_space<hbm>> -> memref<10000x128xf32, #tpu.memory_space<hbm>>
        tpu.enqueue_indirect_dma source(%dma_start3A_113 : memref<10000x128xf32, #tpu.memory_space<hbm>>) target(%arg10 : memref<80x128xf32, #tpu.memory_space<vmem>>) offsets(%dma_start3A_110 : memref<80xi32, #tpu.memory_space<vmem>>) semaphore(%arg14 : memref<!tpu.dma_semaphore, #tpu.memory_space<semaphore_mem>>)
        %dma_start3A_114 = tpu.memref_slice %arg8[%mul3A_109] : memref<1200xi32, #tpu.memory_space<vmem>> -> memref<80xi32, #tpu.memory_space<vmem>>
        %dma_start3A_115 = arith.constant 0 : i32
        %dma_start3A_116 = arith.constant 0 : i32
        %dma_start3A_117 = tpu.memref_slice %arg3[%dma_start3A_115, %dma_start3A_116] : memref<10000x128xf32, #tpu.memory_space<hbm>> -> memref<10000x128xf32, #tpu.memory_space<hbm>>
        tpu.enqueue_indirect_dma source(%dma_start3A_117 : memref<10000x128xf32, #tpu.memory_space<hbm>>) target(%arg12 : memref<80x128xf32, #tpu.memory_space<vmem>>) offsets(%dma_start3A_114 : memref<80xi32, #tpu.memory_space<vmem>>) semaphore(%arg14 : memref<!tpu.dma_semaphore, #tpu.memory_space<semaphore_mem>>)
      } else {
      }
    }
    %scan3A_26 = arith.constant 7 : i32
    %dma_wait3A = arith.constant 0 : i32
    %dma_wait3A_27 = arith.constant 0 : i32
    %dma_wait3A_28 = tpu.memref_slice %arg2[%dma_wait3A, %dma_wait3A_27] : memref<10000x128xf32, #tpu.memory_space<hbm>> -> memref<80x128xf32, #tpu.memory_space<hbm>>
    %dma_wait3A_29 = arith.constant 0 : i32
    %dma_wait3A_30 = arith.constant 0 : i32
    %dma_wait3A_31 = tpu.memref_slice %arg2[%dma_wait3A_29, %dma_wait3A_30] : memref<10000x128xf32, #tpu.memory_space<hbm>> -> memref<80x128xf32, #tpu.memory_space<hbm>>
    tpu.wait_dma2 semaphore(%arg13 : memref<!tpu.dma_semaphore, #tpu.memory_space<semaphore_mem>>) src(%dma_wait3A_31 : memref<80x128xf32, #tpu.memory_space<hbm>>) dst(%arg9 : memref<80x128xf32, #tpu.memory_space<vmem>>)
    %dma_wait3A_32 = arith.constant 0 : i32
    %dma_wait3A_33 = arith.constant 0 : i32
    %dma_wait3A_34 = tpu.memref_slice %arg3[%dma_wait3A_32, %dma_wait3A_33] : memref<10000x128xf32, #tpu.memory_space<hbm>> -> memref<80x128xf32, #tpu.memory_space<hbm>>
    %dma_wait3A_35 = arith.constant 0 : i32
    %dma_wait3A_36 = arith.constant 0 : i32
    %dma_wait3A_37 = tpu.memref_slice %arg3[%dma_wait3A_35, %dma_wait3A_36] : memref<10000x128xf32, #tpu.memory_space<hbm>> -> memref<80x128xf32, #tpu.memory_space<hbm>>
    tpu.wait_dma2 semaphore(%arg13 : memref<!tpu.dma_semaphore, #tpu.memory_space<semaphore_mem>>) src(%dma_wait3A_37 : memref<80x128xf32, #tpu.memory_space<hbm>>) dst(%arg11 : memref<80x128xf32, #tpu.memory_space<vmem>>)
    %scan3A_38 = arith.constant 0 : i32
    %scan3A_39 = arith.constant 0 : i32
    %scan3A_40 = arith.constant 80 : i32
    %scan3A_41 = arith.addi %scan3A_39, %scan3A_40 : i32
    %scan3A_42 = arith.constant 1 : i32
    scf.for %scan3A_46 = %scan3A_39 to %scan3A_41 step %scan3A_42  : i32 {
      %get3A = arith.index_cast %scan3A_46 : i32 to index
      %get3A_47 = arith.constant 0 : index
      %get3A_48 = tpu.vector_load %arg11[%get3A, %get3A_47] {strides = array<i32>} : memref<80x128xf32, #tpu.memory_space<vmem>>, vector<1x16xf32>,
      %get3A_49 = vector.shape_cast %get3A_48 : vector<1x16xf32> to vector<16xf32>
      %swap3A = arith.index_cast %scan3A_46 : i32 to index
      %swap3A_50 = arith.constant 0 : index
      %swap3A_51 = tpu.vector_load %arg9[%swap3A, %swap3A_50] {strides = array<i32>} : memref<80x128xf32, #tpu.memory_space<vmem>>, vector<1x16xf32>,
      %swap3A_52 = vector.shape_cast %swap3A_51 : vector<1x16xf32> to vector<16xf32>
      %swap3A_53 = vector.shape_cast %get3A_49 : vector<16xf32> to vector<1x16xf32>
      tpu.vector_store %arg9[%swap3A, %swap3A_50], %swap3A_53 {add = true, strides = array<i32>} : memref<80x128xf32, #tpu.memory_space<vmem>>, vector<1x16xf32>,
      %get3A_54 = arith.index_cast %scan3A_46 : i32 to index
      %get3A_55 = arith.constant 16 : index
      %get3A_56 = tpu.vector_load %arg11[%get3A_54, %get3A_55] {strides = array<i32>} : memref<80x128xf32, #tpu.memory_space<vmem>>, vector<1x16xf32>,
      %get3A_57 = vector.shape_cast %get3A_56 : vector<1x16xf32> to vector<16xf32>
      %swap3A_58 = arith.index_cast %scan3A_46 : i32 to index
      %swap3A_59 = arith.constant 16 : index
      %swap3A_60 = tpu.vector_load %arg9[%swap3A_58, %swap3A_59] {strides = array<i32>} : memref<80x128xf32, #tpu.memory_space<vmem>>, vector<1x16xf32>,
      %swap3A_61 = vector.shape_cast %swap3A_60 : vector<1x16xf32> to vector<16xf32>
      %swap3A_62 = vector.shape_cast %get3A_57 : vector<16xf32> to vector<1x16xf32>
      tpu.vector_store %arg9[%swap3A_58, %swap3A_59], %swap3A_62 {add = true, strides = array<i32>} : memref<80x128xf32, #tpu.memory_space<vmem>>, vector<1x16xf32>,
      %get3A_63 = arith.index_cast %scan3A_46 : i32 to index
      %get3A_64 = arith.constant 32 : index
      %get3A_65 = tpu.vector_load %arg11[%get3A_63, %get3A_64] {strides = array<i32>} : memref<80x128xf32, #tpu.memory_space<vmem>>, vector<1x16xf32>,
      %get3A_66 = vector.shape_cast %get3A_65 : vector<1x16xf32> to vector<16xf32>
      %swap3A_67 = arith.index_cast %scan3A_46 : i32 to index
      %swap3A_68 = arith.constant 32 : index
      %swap3A_69 = tpu.vector_load %arg9[%swap3A_67, %swap3A_68] {strides = array<i32>} : memref<80x128xf32, #tpu.memory_space<vmem>>, vector<1x16xf32>,
      %swap3A_70 = vector.shape_cast %swap3A_69 : vector<1x16xf32> to vector<16xf32>
      %swap3A_71 = vector.shape_cast %get3A_66 : vector<16xf32> to vector<1x16xf32>
      tpu.vector_store %arg9[%swap3A_67, %swap3A_68], %swap3A_71 {add = true, strides = array<i32>} : memref<80x128xf32, #tpu.memory_space<vmem>>, vector<1x16xf32>,
      %get3A_72 = arith.index_cast %scan3A_46 : i32 to index
      %get3A_73 = arith.constant 48 : index
      %get3A_74 = tpu.vector_load %arg11[%get3A_72, %get3A_73] {strides = array<i32>} : memref<80x128xf32, #tpu.memory_space<vmem>>, vector<1x16xf32>,
      %get3A_75 = vector.shape_cast %get3A_74 : vector<1x16xf32> to vector<16xf32>
      %swap3A_76 = arith.index_cast %scan3A_46 : i32 to index
      %swap3A_77 = arith.constant 48 : index
      %swap3A_78 = tpu.vector_load %arg9[%swap3A_76, %swap3A_77] {strides = array<i32>} : memref<80x128xf32, #tpu.memory_space<vmem>>, vector<1x16xf32>,
      %swap3A_79 = vector.shape_cast %swap3A_78 : vector<1x16xf32> to vector<16xf32>
      %swap3A_80 = vector.shape_cast %get3A_75 : vector<16xf32> to vector<1x16xf32>
      tpu.vector_store %arg9[%swap3A_76, %swap3A_77], %swap3A_80 {add = true, strides = array<i32>} : memref<80x128xf32, #tpu.memory_space<vmem>>, vector<1x16xf32>,
      %get3A_81 = arith.index_cast %scan3A_46 : i32 to index
      %get3A_82 = arith.constant 64 : index
      %get3A_83 = tpu.vector_load %arg11[%get3A_81, %get3A_82] {strides = array<i32>} : memref<80x128xf32, #tpu.memory_space<vmem>>, vector<1x16xf32>,
      %get3A_84 = vector.shape_cast %get3A_83 : vector<1x16xf32> to vector<16xf32>
      %swap3A_85 = arith.index_cast %scan3A_46 : i32 to index
      %swap3A_86 = arith.constant 64 : index
      %swap3A_87 = tpu.vector_load %arg9[%swap3A_85, %swap3A_86] {strides = array<i32>} : memref<80x128xf32, #tpu.memory_space<vmem>>, vector<1x16xf32>,
      %swap3A_88 = vector.shape_cast %swap3A_87 : vector<1x16xf32> to vector<16xf32>
      %swap3A_89 = vector.shape_cast %get3A_84 : vector<16xf32> to vector<1x16xf32>
      tpu.vector_store %arg9[%swap3A_85, %swap3A_86], %swap3A_89 {add = true, strides = array<i32>} : memref<80x128xf32, #tpu.memory_space<vmem>>, vector<1x16xf32>,
      %get3A_90 = arith.index_cast %scan3A_46 : i32 to index
      %get3A_91 = arith.constant 80 : index
      %get3A_92 = tpu.vector_load %arg11[%get3A_90, %get3A_91] {strides = array<i32>} : memref<80x128xf32, #tpu.memory_space<vmem>>, vector<1x16xf32>,
      %get3A_93 = vector.shape_cast %get3A_92 : vector<1x16xf32> to vector<16xf32>
      %swap3A_94 = arith.index_cast %scan3A_46 : i32 to index
      %swap3A_95 = arith.constant 80 : index
      %swap3A_96 = tpu.vector_load %arg9[%swap3A_94, %swap3A_95] {strides = array<i32>} : memref<80x128xf32, #tpu.memory_space<vmem>>, vector<1x16xf32>,
      %swap3A_97 = vector.shape_cast %swap3A_96 : vector<1x16xf32> to vector<16xf32>
      %swap3A_98 = vector.shape_cast %get3A_93 : vector<16xf32> to vector<1x16xf32>
      tpu.vector_store %arg9[%swap3A_94, %swap3A_95], %swap3A_98 {add = true, strides = array<i32>} : memref<80x128xf32, #tpu.memory_space<vmem>>, vector<1x16xf32>,
      %get3A_99 = arith.index_cast %scan3A_46 : i32 to index
      %get3A_100 = arith.constant 96 : index
      %get3A_101 = tpu.vector_load %arg11[%get3A_99, %get3A_100] {strides = array<i32>} : memref<80x128xf32, #tpu.memory_space<vmem>>, vector<1x16xf32>,
      %get3A_102 = vector.shape_cast %get3A_101 : vector<1x16xf32> to vector<16xf32>
      %swap3A_103 = arith.index_cast %scan3A_46 : i32 to index
      %swap3A_104 = arith.constant 96 : index
      %swap3A_105 = tpu.vector_load %arg9[%swap3A_103, %swap3A_104] {strides = array<i32>} : memref<80x128xf32, #tpu.memory_space<vmem>>, vector<1x16xf32>,
      %swap3A_106 = vector.shape_cast %swap3A_105 : vector<1x16xf32> to vector<16xf32>
      %swap3A_107 = vector.shape_cast %get3A_102 : vector<16xf32> to vector<1x16xf32>
      tpu.vector_store %arg9[%swap3A_103, %swap3A_104], %swap3A_107 {add = true, strides = array<i32>} : memref<80x128xf32, #tpu.memory_space<vmem>>, vector<1x16xf32>,
      %get3A_108 = arith.index_cast %scan3A_46 : i32 to index
      %get3A_109 = arith.constant 112 : index
      %get3A_110 = tpu.vector_load %arg11[%get3A_108, %get3A_109] {strides = array<i32>} : memref<80x128xf32, #tpu.memory_space<vmem>>, vector<1x16xf32>,
      %get3A_111 = vector.shape_cast %get3A_110 : vector<1x16xf32> to vector<16xf32>
      %swap3A_112 = arith.index_cast %scan3A_46 : i32 to index
      %swap3A_113 = arith.constant 112 : index
      %swap3A_114 = tpu.vector_load %arg9[%swap3A_112, %swap3A_113] {strides = array<i32>} : memref<80x128xf32, #tpu.memory_space<vmem>>, vector<1x16xf32>,
      %swap3A_115 = vector.shape_cast %swap3A_114 : vector<1x16xf32> to vector<16xf32>
      %swap3A_116 = vector.shape_cast %get3A_111 : vector<16xf32> to vector<1x16xf32>
      tpu.vector_store %arg9[%swap3A_112, %swap3A_113], %swap3A_116 {add = true, strides = array<i32>} : memref<80x128xf32, #tpu.memory_space<vmem>>, vector<1x16xf32>,
    }
    %scan3A_43 = arith.constant 80 : i32
    %add3A_44 = arith.constant 1120 : i32
    %add3A_45 = arith.addi %mul3A_2, %add3A_44 : i32
    "tpu.region"() ({
      %run_scoped3A = tpu.sem_alloc : memref<!tpu.dma_semaphore, #tpu.memory_space<semaphore_mem>>
      %dma_start3A_46 = arith.constant 0 : i32
      %dma_start3A_47 = tpu.memref_slice %arg6[%add3A_45, %dma_start3A_46] : memref<38400x128xf32, #tpu.memory_space<hbm>> -> memref<80x128xf32, #tpu.memory_space<hbm>>
      %dma_start3A_48 = arith.constant 0 : i32
      %dma_start3A_49 = tpu.memref_slice %arg6[%add3A_45, %dma_start3A_48] : memref<38400x128xf32, #tpu.memory_space<hbm>> -> memref<80x128xf32, #tpu.memory_space<hbm>>
      tpu.enqueue_dma source(%arg9 : memref<80x128xf32, #tpu.memory_space<vmem>>) target(%dma_start3A_49 : memref<80x128xf32, #tpu.memory_space<hbm>>) target_semaphore(%run_scoped3A : memref<!tpu.dma_semaphore, #tpu.memory_space<semaphore_mem>>)
      %dma_wait3A_50 = arith.constant 0 : i32
      %dma_wait3A_51 = tpu.memref_slice %arg6[%add3A_45, %dma_wait3A_50] : memref<38400x128xf32, #tpu.memory_space<hbm>> -> memref<80x128xf32, #tpu.memory_space<hbm>>
      %dma_wait3A_52 = arith.constant 0 : i32
      %dma_wait3A_53 = tpu.memref_slice %arg6[%add3A_45, %dma_wait3A_52] : memref<38400x128xf32, #tpu.memory_space<hbm>> -> memref<80x128xf32, #tpu.memory_space<hbm>>
      tpu.wait_dma2 semaphore(%run_scoped3A : memref<!tpu.dma_semaphore, #tpu.memory_space<semaphore_mem>>) src(%arg9 : memref<80x128xf32, #tpu.memory_space<vmem>>) dst(%dma_wait3A_53 : memref<80x128xf32, #tpu.memory_space<hbm>>)
      tpu.yield
    }) : () -> ()
    return
  }
}

module attributes {stable_mosaic.version = 14 : i64} {
  func.func @_tables_body(%arg0: i32, %arg1: memref<2000x128xf32, #tpu.memory_space<vmem>>, %arg2: memref<128x128xf32, #tpu.memory_space<vmem>>, %arg3: memref<128x128xf32, #tpu.memory_space<vmem>>, %arg4: memref<1x128xf32, #tpu.memory_space<vmem>>, %arg5: memref<2000x128xf32, #tpu.memory_space<vmem>>, %arg6: memref<2000x128xf32, #tpu.memory_space<vmem>>) attributes {dimension_semantics = [#tpu.dimension_semantics<arbitrary>], iteration_bounds = array<i64: 5>, scalar_prefetch = 0 : i64, scratch_operands = 0 : i64, tpu.core_type = #tpu.core_type<tc>, window_params = [{transform_indices = @transform_0, window_bounds = array<i64: 2000, 128>}, {pipeline_mode = #tpu.pipeline_mode<synchronous>, transform_indices = @transform_1, window_bounds = array<i64: 128, 128>}, {pipeline_mode = #tpu.pipeline_mode<synchronous>, transform_indices = @transform_2, window_bounds = array<i64: 128, 128>}, {pipeline_mode = #tpu.pipeline_mode<synchronous>, transform_indices = @transform_3, window_bounds = array<i64: 1, 128>}, {transform_indices = @transform_4, window_bounds = array<i64: 2000, 128>}, {transform_indices = @transform_5, window_bounds = array<i64: 2000, 128>}]} {
    %get3A = arith.constant 0 : index
    %get3A_0 = arith.constant 0 : index
    %get3A_1 = vector.load %arg1[%get3A, %get3A_0] : memref<2000x128xf32, #tpu.memory_space<vmem>>, vector<2000x128xf32>
    %get3A_2 = arith.constant 0 : index
    %get3A_3 = arith.constant 0 : index
    %get3A_4 = vector.load %arg2[%get3A_2, %get3A_3] : memref<128x128xf32, #tpu.memory_space<vmem>>, vector<128x128xf32>
    %dot_general3A = arith.constant dense<0.000000e+00> : vector<2000x128xf32>
    %dot_general3A_5 = tpu.matmul %get3A_1, %get3A_4, %dot_general3A {dimension_numbers = #tpu.dot_dimension_numbers<[1], [0], [0], [1], [0, 0, 1, 1], [], []>, transpose_lhs_hint = false} : vector<2000x128xf32>, vector<128x128xf32>, vector<2000x128xf32> -> vector<2000x128xf32>
    %get3A_6 = arith.constant 0 : index
    %get3A_7 = arith.constant 0 : index
    %get3A_8 = vector.load %arg4[%get3A_6, %get3A_7] : memref<1x128xf32, #tpu.memory_space<vmem>>, vector<1x128xf32>
    %add3A = vector.broadcast %get3A_8 : vector<1x128xf32> to vector<2000x128xf32>
    %add3A_9 = arith.addf %dot_general3A_5, %add3A : vector<2000x128xf32>
    %swap3A = arith.constant 0 : index
    %swap3A_10 = arith.constant 0 : index
    %swap3A_11 = vector.load %arg5[%swap3A, %swap3A_10] : memref<2000x128xf32, #tpu.memory_space<vmem>>, vector<2000x128xf32>
    tpu.vector_store %arg5[%swap3A, %swap3A_10], %add3A_9 {strides = array<i32>} : memref<2000x128xf32, #tpu.memory_space<vmem>>, vector<2000x128xf32>,
    %get3A_12 = arith.constant 0 : index
    %get3A_13 = arith.constant 0 : index
    %get3A_14 = vector.load %arg3[%get3A_12, %get3A_13] : memref<128x128xf32, #tpu.memory_space<vmem>>, vector<128x128xf32>
    %dot_general3A_15 = arith.constant dense<0.000000e+00> : vector<2000x128xf32>
    %dot_general3A_16 = tpu.matmul %get3A_1, %get3A_14, %dot_general3A_15 {dimension_numbers = #tpu.dot_dimension_numbers<[1], [0], [0], [1], [0, 0, 1, 1], [], []>, transpose_lhs_hint = false} : vector<2000x128xf32>, vector<128x128xf32>, vector<2000x128xf32> -> vector<2000x128xf32>
    %swap3A_17 = arith.constant 0 : index
    %swap3A_18 = arith.constant 0 : index
    %swap3A_19 = vector.load %arg6[%swap3A_17, %swap3A_18] : memref<2000x128xf32, #tpu.memory_space<vmem>>, vector<2000x128xf32>
    tpu.vector_store %arg6[%swap3A_17, %swap3A_18], %dot_general3A_16 {strides = array<i32>} : memref<2000x128xf32, #tpu.memory_space<vmem>>, vector<2000x128xf32>,
    return
  }
  func.func @transform_0(%arg0: i32) -> (i32, i32) {
    %c0_i32 = arith.constant 0 : i32
    %c0_i32_0 = arith.constant 0 : i32
    return %arg0, %c0_i32 : i32, i32
  }
  func.func @transform_1(%arg0: i32) -> (i32, i32) {
    %c0_i32 = arith.constant 0 : i32
    %c0_i32_0 = arith.constant 0 : i32
    %c0_i32_1 = arith.constant 0 : i32
    return %c0_i32, %c0_i32_0 : i32, i32
  }
  func.func @transform_2(%arg0: i32) -> (i32, i32) {
    %c0_i32 = arith.constant 0 : i32
    %c0_i32_0 = arith.constant 0 : i32
    %c0_i32_1 = arith.constant 0 : i32
    return %c0_i32, %c0_i32_0 : i32, i32
  }
  func.func @transform_3(%arg0: i32) -> (i32, i32) {
    %c0_i32 = arith.constant 0 : i32
    %c0_i32_0 = arith.constant 0 : i32
    %c0_i32_1 = arith.constant 0 : i32
    return %c0_i32, %c0_i32_0 : i32, i32
  }
  func.func @transform_4(%arg0: i32) -> (i32, i32) {
    %c0_i32 = arith.constant 0 : i32
    %c0_i32_0 = arith.constant 0 : i32
    return %arg0, %c0_i32 : i32, i32
  }
  func.func @transform_5(%arg0: i32) -> (i32, i32) {
    %c0_i32 = arith.constant 0 : i32
    %c0_i32_0 = arith.constant 0 : i32
    return %arg0, %c0_i32 : i32, i32
  }
}

module attributes {stable_mosaic.version = 14 : i64} {
  func.func @_edge_body(%arg0: i32, %arg1: memref<6400x128xf32, #tpu.memory_space<vmem>>, %arg2: memref<4x6400xf32, #tpu.memory_space<vmem>>, %arg3: memref<128x512xbf16, #tpu.memory_space<vmem>>, %arg4: memref<320000x128xf32, #tpu.memory_space<any>>, %arg5: memref<6400x128xf32, #tpu.memory_space<vmem>>) attributes {dimension_semantics = [#tpu.dimension_semantics<arbitrary>], iteration_bounds = array<i64: 10>, scalar_prefetch = 0 : i64, scratch_operands = 0 : i64, tpu.core_type = #tpu.core_type<tc>, window_params = [{transform_indices = @transform_0, window_bounds = array<i64: 6400, 128>}, {transform_indices = @transform_1, window_bounds = array<i64: 4, 6400>}, {pipeline_mode = #tpu.pipeline_mode<synchronous>, transform_indices = @transform_2, window_bounds = array<i64: 128, 512>}, {}, {transform_indices = @transform_4, window_bounds = array<i64: 6400, 128>}]} {
    %get3A = arith.constant 0 : index
    %get3A_0 = arith.constant 0 : index
    %get3A_1 = vector.load %arg1[%get3A, %get3A_0] : memref<6400x128xf32, #tpu.memory_space<vmem>>, vector<6400x128xf32>
    %convert_element_type3A = arith.truncf %get3A_1 : vector<6400x128xf32> to vector<6400x128xbf16>
    %get3A_2 = arith.constant 0 : index
    %get3A_3 = arith.constant 0 : index
    %get3A_4 = vector.load %arg3[%get3A_2, %get3A_3] : memref<128x512xbf16, #tpu.memory_space<vmem>>, vector<128x512xbf16>
    %slice3A = vector.extract_strided_slice %get3A_4 {offsets = [0, 0], sizes = [128, 128], strides = [1, 1]} : vector<128x512xbf16> to vector<128x128xbf16>
    %dot_general3A = arith.constant dense<0.000000e+00> : vector<6400x128xf32>
    %dot_general3A_5 = tpu.matmul %convert_element_type3A, %slice3A, %dot_general3A {dimension_numbers = #tpu.dot_dimension_numbers<[1], [0], [0], [1], [0, 0, 1, 1], [], []>, transpose_lhs_hint = false} : vector<6400x128xbf16>, vector<128x128xbf16>, vector<6400x128xf32> -> vector<6400x128xf32>
    %get3A_6 = arith.constant 0 : index
    %get3A_7 = arith.constant 0 : index
    %get3A_8 = vector.load %arg2[%get3A_6, %get3A_7] : memref<4x6400xf32, #tpu.memory_space<vmem>>, vector<4x6400xf32>
    %transpose3A = tpu.transpose %get3A_8, [1, 0] : vector<4x6400xf32> -> vector<6400x4xf32>
    %slice3A_9 = vector.extract_strided_slice %transpose3A {offsets = [0, 0], sizes = [6400, 1], strides = [1, 1]} : vector<6400x4xf32> to vector<6400x1xf32>
    %mul3A = vector.broadcast %slice3A_9 : vector<6400x1xf32> to vector<6400x128xf32>
    %mul3A_10 = arith.mulf %mul3A, %dot_general3A_5 : vector<6400x128xf32>
    %slice3A_11 = vector.extract_strided_slice %transpose3A {offsets = [0, 1], sizes = [6400, 1], strides = [1, 1]} : vector<6400x4xf32> to vector<6400x1xf32>
    %slice3A_12 = vector.extract_strided_slice %get3A_4 {offsets = [0, 128], sizes = [128, 128], strides = [1, 1]} : vector<128x512xbf16> to vector<128x128xbf16>
    %dot_general3A_13 = arith.constant dense<0.000000e+00> : vector<6400x128xf32>
    %dot_general3A_14 = tpu.matmul %convert_element_type3A, %slice3A_12, %dot_general3A_13 {dimension_numbers = #tpu.dot_dimension_numbers<[1], [0], [0], [1], [0, 0, 1, 1], [], []>, transpose_lhs_hint = false} : vector<6400x128xbf16>, vector<128x128xbf16>, vector<6400x128xf32> -> vector<6400x128xf32>
    %mul3A_15 = vector.broadcast %slice3A_11 : vector<6400x1xf32> to vector<6400x128xf32>
    %mul3A_16 = arith.mulf %mul3A_15, %dot_general3A_14 : vector<6400x128xf32>
    %add3A = arith.addf %mul3A_10, %mul3A_16 : vector<6400x128xf32>
    %slice3A_17 = vector.extract_strided_slice %transpose3A {offsets = [0, 2], sizes = [6400, 1], strides = [1, 1]} : vector<6400x4xf32> to vector<6400x1xf32>
    %slice3A_18 = vector.extract_strided_slice %get3A_4 {offsets = [0, 256], sizes = [128, 128], strides = [1, 1]} : vector<128x512xbf16> to vector<128x128xbf16>
    %dot_general3A_19 = arith.constant dense<0.000000e+00> : vector<6400x128xf32>
    %dot_general3A_20 = tpu.matmul %convert_element_type3A, %slice3A_18, %dot_general3A_19 {dimension_numbers = #tpu.dot_dimension_numbers<[1], [0], [0], [1], [0, 0, 1, 1], [], []>, transpose_lhs_hint = false} : vector<6400x128xbf16>, vector<128x128xbf16>, vector<6400x128xf32> -> vector<6400x128xf32>
    %mul3A_21 = vector.broadcast %slice3A_17 : vector<6400x1xf32> to vector<6400x128xf32>
    %mul3A_22 = arith.mulf %mul3A_21, %dot_general3A_20 : vector<6400x128xf32>
    %add3A_23 = arith.addf %add3A, %mul3A_22 : vector<6400x128xf32>
    %slice3A_24 = vector.extract_strided_slice %transpose3A {offsets = [0, 3], sizes = [6400, 1], strides = [1, 1]} : vector<6400x4xf32> to vector<6400x1xf32>
    %slice3A_25 = vector.extract_strided_slice %get3A_4 {offsets = [0, 384], sizes = [128, 128], strides = [1, 1]} : vector<128x512xbf16> to vector<128x128xbf16>
    %dot_general3A_26 = arith.constant dense<0.000000e+00> : vector<6400x128xf32>
    %dot_general3A_27 = tpu.matmul %convert_element_type3A, %slice3A_25, %dot_general3A_26 {dimension_numbers = #tpu.dot_dimension_numbers<[1], [0], [0], [1], [0, 0, 1, 1], [], []>, transpose_lhs_hint = false} : vector<6400x128xbf16>, vector<128x128xbf16>, vector<6400x128xf32> -> vector<6400x128xf32>
    %mul3A_28 = vector.broadcast %slice3A_24 : vector<6400x1xf32> to vector<6400x128xf32>
    %mul3A_29 = arith.mulf %mul3A_28, %dot_general3A_27 : vector<6400x128xf32>
    %add3A_30 = arith.addf %add3A_23, %mul3A_29 : vector<6400x128xf32>
    %swap3A = arith.constant 0 : index
    %swap3A_31 = arith.constant 0 : index
    %swap3A_32 = vector.load %arg5[%swap3A, %swap3A_31] : memref<6400x128xf32, #tpu.memory_space<vmem>>, vector<6400x128xf32>
    tpu.vector_store %arg5[%swap3A, %swap3A_31], %add3A_30 {strides = array<i32>} : memref<6400x128xf32, #tpu.memory_space<vmem>>, vector<6400x128xf32>,
    return
  }
  func.func @transform_0(%arg0: i32) -> (i32, i32) {
    %c0_i32 = arith.constant 0 : i32
    %c0_i32_0 = arith.constant 0 : i32
    return %arg0, %c0_i32 : i32, i32
  }
  func.func @transform_1(%arg0: i32) -> (i32, i32) {
    %add3A = arith.constant 4 : i32
    %add3A_0 = arith.addi %add3A, %arg0 : i32
    %c0_i32 = arith.constant 0 : i32
    %c0_i32_1 = arith.constant 0 : i32
    return %c0_i32, %add3A_0 : i32, i32
  }
  func.func @transform_2(%arg0: i32) -> (i32, i32) {
    %c0_i32 = arith.constant 0 : i32
    %c0_i32_0 = arith.constant 0 : i32
    %c0_i32_1 = arith.constant 0 : i32
    return %c0_i32, %c0_i32_0 : i32, i32
  }
  func.func @transform_4(%arg0: i32) -> (i32, i32) {
    %add3A = arith.constant 4 : i32
    %add3A_0 = arith.addi %add3A, %arg0 : i32
    %c0_i32 = arith.constant 0 : i32
    %c0_i32_1 = arith.constant 0 : i32
    return %add3A_0, %c0_i32 : i32, i32
  }
}

module attributes {stable_mosaic.version = 14 : i64} {
  func.func @_edge_body(%arg0: i32, %arg1: memref<6400x128xf32, #tpu.memory_space<vmem>>, %arg2: memref<4x6400xf32, #tpu.memory_space<vmem>>, %arg3: memref<128x512xbf16, #tpu.memory_space<vmem>>, %arg4: memref<6400x128xf32, #tpu.memory_space<vmem>>) attributes {dimension_semantics = [#tpu.dimension_semantics<arbitrary>], iteration_bounds = array<i64: 4>, scalar_prefetch = 0 : i64, scratch_operands = 0 : i64, tpu.core_type = #tpu.core_type<tc>, window_params = [{transform_indices = @transform_0, window_bounds = array<i64: 6400, 128>}, {transform_indices = @transform_1, window_bounds = array<i64: 4, 6400>}, {pipeline_mode = #tpu.pipeline_mode<synchronous>, transform_indices = @transform_2, window_bounds = array<i64: 128, 512>}, {transform_indices = @transform_3, window_bounds = array<i64: 6400, 128>}]} {
    %get3A = arith.constant 0 : index
    %get3A_0 = arith.constant 0 : index
    %get3A_1 = vector.load %arg1[%get3A, %get3A_0] : memref<6400x128xf32, #tpu.memory_space<vmem>>, vector<6400x128xf32>
    %convert_element_type3A = arith.truncf %get3A_1 : vector<6400x128xf32> to vector<6400x128xbf16>
    %get3A_2 = arith.constant 0 : index
    %get3A_3 = arith.constant 0 : index
    %get3A_4 = vector.load %arg3[%get3A_2, %get3A_3] : memref<128x512xbf16, #tpu.memory_space<vmem>>, vector<128x512xbf16>
    %slice3A = vector.extract_strided_slice %get3A_4 {offsets = [0, 0], sizes = [128, 128], strides = [1, 1]} : vector<128x512xbf16> to vector<128x128xbf16>
    %dot_general3A = arith.constant dense<0.000000e+00> : vector<6400x128xf32>
    %dot_general3A_5 = tpu.matmul %convert_element_type3A, %slice3A, %dot_general3A {dimension_numbers = #tpu.dot_dimension_numbers<[1], [0], [0], [1], [0, 0, 1, 1], [], []>, transpose_lhs_hint = false} : vector<6400x128xbf16>, vector<128x128xbf16>, vector<6400x128xf32> -> vector<6400x128xf32>
    %get3A_6 = arith.constant 0 : index
    %get3A_7 = arith.constant 0 : index
    %get3A_8 = vector.load %arg2[%get3A_6, %get3A_7] : memref<4x6400xf32, #tpu.memory_space<vmem>>, vector<4x6400xf32>
    %transpose3A = tpu.transpose %get3A_8, [1, 0] : vector<4x6400xf32> -> vector<6400x4xf32>
    %slice3A_9 = vector.extract_strided_slice %transpose3A {offsets = [0, 0], sizes = [6400, 1], strides = [1, 1]} : vector<6400x4xf32> to vector<6400x1xf32>
    %mul3A = vector.broadcast %slice3A_9 : vector<6400x1xf32> to vector<6400x128xf32>
    %mul3A_10 = arith.mulf %mul3A, %dot_general3A_5 : vector<6400x128xf32>
    %slice3A_11 = vector.extract_strided_slice %transpose3A {offsets = [0, 1], sizes = [6400, 1], strides = [1, 1]} : vector<6400x4xf32> to vector<6400x1xf32>
    %slice3A_12 = vector.extract_strided_slice %get3A_4 {offsets = [0, 128], sizes = [128, 128], strides = [1, 1]} : vector<128x512xbf16> to vector<128x128xbf16>
    %dot_general3A_13 = arith.constant dense<0.000000e+00> : vector<6400x128xf32>
    %dot_general3A_14 = tpu.matmul %convert_element_type3A, %slice3A_12, %dot_general3A_13 {dimension_numbers = #tpu.dot_dimension_numbers<[1], [0], [0], [1], [0, 0, 1, 1], [], []>, transpose_lhs_hint = false} : vector<6400x128xbf16>, vector<128x128xbf16>, vector<6400x128xf32> -> vector<6400x128xf32>
    %mul3A_15 = vector.broadcast %slice3A_11 : vector<6400x1xf32> to vector<6400x128xf32>
    %mul3A_16 = arith.mulf %mul3A_15, %dot_general3A_14 : vector<6400x128xf32>
    %add3A = arith.addf %mul3A_10, %mul3A_16 : vector<6400x128xf32>
    %slice3A_17 = vector.extract_strided_slice %transpose3A {offsets = [0, 2], sizes = [6400, 1], strides = [1, 1]} : vector<6400x4xf32> to vector<6400x1xf32>
    %slice3A_18 = vector.extract_strided_slice %get3A_4 {offsets = [0, 256], sizes = [128, 128], strides = [1, 1]} : vector<128x512xbf16> to vector<128x128xbf16>
    %dot_general3A_19 = arith.constant dense<0.000000e+00> : vector<6400x128xf32>
    %dot_general3A_20 = tpu.matmul %convert_element_type3A, %slice3A_18, %dot_general3A_19 {dimension_numbers = #tpu.dot_dimension_numbers<[1], [0], [0], [1], [0, 0, 1, 1], [], []>, transpose_lhs_hint = false} : vector<6400x128xbf16>, vector<128x128xbf16>, vector<6400x128xf32> -> vector<6400x128xf32>
    %mul3A_21 = vector.broadcast %slice3A_17 : vector<6400x1xf32> to vector<6400x128xf32>
    %mul3A_22 = arith.mulf %mul3A_21, %dot_general3A_20 : vector<6400x128xf32>
    %add3A_23 = arith.addf %add3A, %mul3A_22 : vector<6400x128xf32>
    %slice3A_24 = vector.extract_strided_slice %transpose3A {offsets = [0, 3], sizes = [6400, 1], strides = [1, 1]} : vector<6400x4xf32> to vector<6400x1xf32>
    %slice3A_25 = vector.extract_strided_slice %get3A_4 {offsets = [0, 384], sizes = [128, 128], strides = [1, 1]} : vector<128x512xbf16> to vector<128x128xbf16>
    %dot_general3A_26 = arith.constant dense<0.000000e+00> : vector<6400x128xf32>
    %dot_general3A_27 = tpu.matmul %convert_element_type3A, %slice3A_25, %dot_general3A_26 {dimension_numbers = #tpu.dot_dimension_numbers<[1], [0], [0], [1], [0, 0, 1, 1], [], []>, transpose_lhs_hint = false} : vector<6400x128xbf16>, vector<128x128xbf16>, vector<6400x128xf32> -> vector<6400x128xf32>
    %mul3A_28 = vector.broadcast %slice3A_24 : vector<6400x1xf32> to vector<6400x128xf32>
    %mul3A_29 = arith.mulf %mul3A_28, %dot_general3A_27 : vector<6400x128xf32>
    %add3A_30 = arith.addf %add3A_23, %mul3A_29 : vector<6400x128xf32>
    %swap3A = arith.constant 0 : index
    %swap3A_31 = arith.constant 0 : index
    %swap3A_32 = vector.load %arg4[%swap3A, %swap3A_31] : memref<6400x128xf32, #tpu.memory_space<vmem>>, vector<6400x128xf32>
    tpu.vector_store %arg4[%swap3A, %swap3A_31], %add3A_30 {strides = array<i32>} : memref<6400x128xf32, #tpu.memory_space<vmem>>, vector<6400x128xf32>,
    return
  }
  func.func @transform_0(%arg0: i32) -> (i32, i32) {
    %c0_i32 = arith.constant 0 : i32
    %c0_i32_0 = arith.constant 0 : i32
    return %arg0, %c0_i32 : i32, i32
  }
  func.func @transform_1(%arg0: i32) -> (i32, i32) {
    %add3A = arith.constant 0 : i32
    %add3A_0 = arith.addi %add3A, %arg0 : i32
    %c0_i32 = arith.constant 0 : i32
    %c0_i32_1 = arith.constant 0 : i32
    return %c0_i32, %add3A_0 : i32, i32
  }
  func.func @transform_2(%arg0: i32) -> (i32, i32) {
    %c0_i32 = arith.constant 0 : i32
    %c0_i32_0 = arith.constant 0 : i32
    %c0_i32_1 = arith.constant 0 : i32
    return %c0_i32, %c0_i32_0 : i32, i32
  }
  func.func @transform_3(%arg0: i32) -> (i32, i32) {
    %add3A = arith.constant 0 : i32
    %add3A_0 = arith.addi %add3A, %arg0 : i32
    %c0_i32 = arith.constant 0 : i32
    %c0_i32_1 = arith.constant 0 : i32
    return %add3A_0, %c0_i32 : i32, i32
  }
}

module attributes {stable_mosaic.version = 14 : i64} {
  func.func @_edge_body(%arg0: i32, %arg1: memref<6400x128xf32, #tpu.memory_space<vmem>>, %arg2: memref<4x6400xf32, #tpu.memory_space<vmem>>, %arg3: memref<128x512xbf16, #tpu.memory_space<vmem>>, %arg4: memref<320000x128xf32, #tpu.memory_space<any>>, %arg5: memref<6400x128xf32, #tpu.memory_space<vmem>>) attributes {dimension_semantics = [#tpu.dimension_semantics<arbitrary>], iteration_bounds = array<i64: 10>, scalar_prefetch = 0 : i64, scratch_operands = 0 : i64, tpu.core_type = #tpu.core_type<tc>, window_params = [{transform_indices = @transform_0, window_bounds = array<i64: 6400, 128>}, {transform_indices = @transform_1, window_bounds = array<i64: 4, 6400>}, {pipeline_mode = #tpu.pipeline_mode<synchronous>, transform_indices = @transform_2, window_bounds = array<i64: 128, 512>}, {}, {transform_indices = @transform_4, window_bounds = array<i64: 6400, 128>}]} {
    %get3A = arith.constant 0 : index
    %get3A_0 = arith.constant 0 : index
    %get3A_1 = vector.load %arg1[%get3A, %get3A_0] : memref<6400x128xf32, #tpu.memory_space<vmem>>, vector<6400x128xf32>
    %convert_element_type3A = arith.truncf %get3A_1 : vector<6400x128xf32> to vector<6400x128xbf16>
    %get3A_2 = arith.constant 0 : index
    %get3A_3 = arith.constant 0 : index
    %get3A_4 = vector.load %arg3[%get3A_2, %get3A_3] : memref<128x512xbf16, #tpu.memory_space<vmem>>, vector<128x512xbf16>
    %slice3A = vector.extract_strided_slice %get3A_4 {offsets = [0, 0], sizes = [128, 128], strides = [1, 1]} : vector<128x512xbf16> to vector<128x128xbf16>
    %dot_general3A = arith.constant dense<0.000000e+00> : vector<6400x128xf32>
    %dot_general3A_5 = tpu.matmul %convert_element_type3A, %slice3A, %dot_general3A {dimension_numbers = #tpu.dot_dimension_numbers<[1], [0], [0], [1], [0, 0, 1, 1], [], []>, transpose_lhs_hint = false} : vector<6400x128xbf16>, vector<128x128xbf16>, vector<6400x128xf32> -> vector<6400x128xf32>
    %get3A_6 = arith.constant 0 : index
    %get3A_7 = arith.constant 0 : index
    %get3A_8 = vector.load %arg2[%get3A_6, %get3A_7] : memref<4x6400xf32, #tpu.memory_space<vmem>>, vector<4x6400xf32>
    %transpose3A = tpu.transpose %get3A_8, [1, 0] : vector<4x6400xf32> -> vector<6400x4xf32>
    %slice3A_9 = vector.extract_strided_slice %transpose3A {offsets = [0, 0], sizes = [6400, 1], strides = [1, 1]} : vector<6400x4xf32> to vector<6400x1xf32>
    %mul3A = vector.broadcast %slice3A_9 : vector<6400x1xf32> to vector<6400x128xf32>
    %mul3A_10 = arith.mulf %mul3A, %dot_general3A_5 : vector<6400x128xf32>
    %slice3A_11 = vector.extract_strided_slice %transpose3A {offsets = [0, 1], sizes = [6400, 1], strides = [1, 1]} : vector<6400x4xf32> to vector<6400x1xf32>
    %slice3A_12 = vector.extract_strided_slice %get3A_4 {offsets = [0, 128], sizes = [128, 128], strides = [1, 1]} : vector<128x512xbf16> to vector<128x128xbf16>
    %dot_general3A_13 = arith.constant dense<0.000000e+00> : vector<6400x128xf32>
    %dot_general3A_14 = tpu.matmul %convert_element_type3A, %slice3A_12, %dot_general3A_13 {dimension_numbers = #tpu.dot_dimension_numbers<[1], [0], [0], [1], [0, 0, 1, 1], [], []>, transpose_lhs_hint = false} : vector<6400x128xbf16>, vector<128x128xbf16>, vector<6400x128xf32> -> vector<6400x128xf32>
    %mul3A_15 = vector.broadcast %slice3A_11 : vector<6400x1xf32> to vector<6400x128xf32>
    %mul3A_16 = arith.mulf %mul3A_15, %dot_general3A_14 : vector<6400x128xf32>
    %add3A = arith.addf %mul3A_10, %mul3A_16 : vector<6400x128xf32>
    %slice3A_17 = vector.extract_strided_slice %transpose3A {offsets = [0, 2], sizes = [6400, 1], strides = [1, 1]} : vector<6400x4xf32> to vector<6400x1xf32>
    %slice3A_18 = vector.extract_strided_slice %get3A_4 {offsets = [0, 256], sizes = [128, 128], strides = [1, 1]} : vector<128x512xbf16> to vector<128x128xbf16>
    %dot_general3A_19 = arith.constant dense<0.000000e+00> : vector<6400x128xf32>
    %dot_general3A_20 = tpu.matmul %convert_element_type3A, %slice3A_18, %dot_general3A_19 {dimension_numbers = #tpu.dot_dimension_numbers<[1], [0], [0], [1], [0, 0, 1, 1], [], []>, transpose_lhs_hint = false} : vector<6400x128xbf16>, vector<128x128xbf16>, vector<6400x128xf32> -> vector<6400x128xf32>
    %mul3A_21 = vector.broadcast %slice3A_17 : vector<6400x1xf32> to vector<6400x128xf32>
    %mul3A_22 = arith.mulf %mul3A_21, %dot_general3A_20 : vector<6400x128xf32>
    %add3A_23 = arith.addf %add3A, %mul3A_22 : vector<6400x128xf32>
    %slice3A_24 = vector.extract_strided_slice %transpose3A {offsets = [0, 3], sizes = [6400, 1], strides = [1, 1]} : vector<6400x4xf32> to vector<6400x1xf32>
    %slice3A_25 = vector.extract_strided_slice %get3A_4 {offsets = [0, 384], sizes = [128, 128], strides = [1, 1]} : vector<128x512xbf16> to vector<128x128xbf16>
    %dot_general3A_26 = arith.constant dense<0.000000e+00> : vector<6400x128xf32>
    %dot_general3A_27 = tpu.matmul %convert_element_type3A, %slice3A_25, %dot_general3A_26 {dimension_numbers = #tpu.dot_dimension_numbers<[1], [0], [0], [1], [0, 0, 1, 1], [], []>, transpose_lhs_hint = false} : vector<6400x128xbf16>, vector<128x128xbf16>, vector<6400x128xf32> -> vector<6400x128xf32>
    %mul3A_28 = vector.broadcast %slice3A_24 : vector<6400x1xf32> to vector<6400x128xf32>
    %mul3A_29 = arith.mulf %mul3A_28, %dot_general3A_27 : vector<6400x128xf32>
    %add3A_30 = arith.addf %add3A_23, %mul3A_29 : vector<6400x128xf32>
    %swap3A = arith.constant 0 : index
    %swap3A_31 = arith.constant 0 : index
    %swap3A_32 = vector.load %arg5[%swap3A, %swap3A_31] : memref<6400x128xf32, #tpu.memory_space<vmem>>, vector<6400x128xf32>
    tpu.vector_store %arg5[%swap3A, %swap3A_31], %add3A_30 {strides = array<i32>} : memref<6400x128xf32, #tpu.memory_space<vmem>>, vector<6400x128xf32>,
    return
  }
  func.func @transform_0(%arg0: i32) -> (i32, i32) {
    %c0_i32 = arith.constant 0 : i32
    %c0_i32_0 = arith.constant 0 : i32
    return %arg0, %c0_i32 : i32, i32
  }
  func.func @transform_1(%arg0: i32) -> (i32, i32) {
    %add3A = arith.constant 14 : i32
    %add3A_0 = arith.addi %add3A, %arg0 : i32
    %c0_i32 = arith.constant 0 : i32
    %c0_i32_1 = arith.constant 0 : i32
    return %c0_i32, %add3A_0 : i32, i32
  }
  func.func @transform_2(%arg0: i32) -> (i32, i32) {
    %c0_i32 = arith.constant 0 : i32
    %c0_i32_0 = arith.constant 0 : i32
    %c0_i32_1 = arith.constant 0 : i32
    return %c0_i32, %c0_i32_0 : i32, i32
  }
  func.func @transform_4(%arg0: i32) -> (i32, i32) {
    %add3A = arith.constant 14 : i32
    %add3A_0 = arith.addi %add3A, %arg0 : i32
    %c0_i32 = arith.constant 0 : i32
    %c0_i32_1 = arith.constant 0 : i32
    return %add3A_0, %c0_i32 : i32, i32
  }
}

module attributes {stable_mosaic.version = 14 : i64} {
  func.func @_edge_body(%arg0: i32, %arg1: memref<6400x128xf32, #tpu.memory_space<vmem>>, %arg2: memref<4x6400xf32, #tpu.memory_space<vmem>>, %arg3: memref<128x512xbf16, #tpu.memory_space<vmem>>, %arg4: memref<320000x128xf32, #tpu.memory_space<any>>, %arg5: memref<6400x128xf32, #tpu.memory_space<vmem>>) attributes {dimension_semantics = [#tpu.dimension_semantics<arbitrary>], iteration_bounds = array<i64: 10>, scalar_prefetch = 0 : i64, scratch_operands = 0 : i64, tpu.core_type = #tpu.core_type<tc>, window_params = [{transform_indices = @transform_0, window_bounds = array<i64: 6400, 128>}, {transform_indices = @transform_1, window_bounds = array<i64: 4, 6400>}, {pipeline_mode = #tpu.pipeline_mode<synchronous>, transform_indices = @transform_2, window_bounds = array<i64: 128, 512>}, {}, {transform_indices = @transform_4, window_bounds = array<i64: 6400, 128>}]} {
    %get3A = arith.constant 0 : index
    %get3A_0 = arith.constant 0 : index
    %get3A_1 = vector.load %arg1[%get3A, %get3A_0] : memref<6400x128xf32, #tpu.memory_space<vmem>>, vector<6400x128xf32>
    %convert_element_type3A = arith.truncf %get3A_1 : vector<6400x128xf32> to vector<6400x128xbf16>
    %get3A_2 = arith.constant 0 : index
    %get3A_3 = arith.constant 0 : index
    %get3A_4 = vector.load %arg3[%get3A_2, %get3A_3] : memref<128x512xbf16, #tpu.memory_space<vmem>>, vector<128x512xbf16>
    %slice3A = vector.extract_strided_slice %get3A_4 {offsets = [0, 0], sizes = [128, 128], strides = [1, 1]} : vector<128x512xbf16> to vector<128x128xbf16>
    %dot_general3A = arith.constant dense<0.000000e+00> : vector<6400x128xf32>
    %dot_general3A_5 = tpu.matmul %convert_element_type3A, %slice3A, %dot_general3A {dimension_numbers = #tpu.dot_dimension_numbers<[1], [0], [0], [1], [0, 0, 1, 1], [], []>, transpose_lhs_hint = false} : vector<6400x128xbf16>, vector<128x128xbf16>, vector<6400x128xf32> -> vector<6400x128xf32>
    %get3A_6 = arith.constant 0 : index
    %get3A_7 = arith.constant 0 : index
    %get3A_8 = vector.load %arg2[%get3A_6, %get3A_7] : memref<4x6400xf32, #tpu.memory_space<vmem>>, vector<4x6400xf32>
    %transpose3A = tpu.transpose %get3A_8, [1, 0] : vector<4x6400xf32> -> vector<6400x4xf32>
    %slice3A_9 = vector.extract_strided_slice %transpose3A {offsets = [0, 0], sizes = [6400, 1], strides = [1, 1]} : vector<6400x4xf32> to vector<6400x1xf32>
    %mul3A = vector.broadcast %slice3A_9 : vector<6400x1xf32> to vector<6400x128xf32>
    %mul3A_10 = arith.mulf %mul3A, %dot_general3A_5 : vector<6400x128xf32>
    %slice3A_11 = vector.extract_strided_slice %transpose3A {offsets = [0, 1], sizes = [6400, 1], strides = [1, 1]} : vector<6400x4xf32> to vector<6400x1xf32>
    %slice3A_12 = vector.extract_strided_slice %get3A_4 {offsets = [0, 128], sizes = [128, 128], strides = [1, 1]} : vector<128x512xbf16> to vector<128x128xbf16>
    %dot_general3A_13 = arith.constant dense<0.000000e+00> : vector<6400x128xf32>
    %dot_general3A_14 = tpu.matmul %convert_element_type3A, %slice3A_12, %dot_general3A_13 {dimension_numbers = #tpu.dot_dimension_numbers<[1], [0], [0], [1], [0, 0, 1, 1], [], []>, transpose_lhs_hint = false} : vector<6400x128xbf16>, vector<128x128xbf16>, vector<6400x128xf32> -> vector<6400x128xf32>
    %mul3A_15 = vector.broadcast %slice3A_11 : vector<6400x1xf32> to vector<6400x128xf32>
    %mul3A_16 = arith.mulf %mul3A_15, %dot_general3A_14 : vector<6400x128xf32>
    %add3A = arith.addf %mul3A_10, %mul3A_16 : vector<6400x128xf32>
    %slice3A_17 = vector.extract_strided_slice %transpose3A {offsets = [0, 2], sizes = [6400, 1], strides = [1, 1]} : vector<6400x4xf32> to vector<6400x1xf32>
    %slice3A_18 = vector.extract_strided_slice %get3A_4 {offsets = [0, 256], sizes = [128, 128], strides = [1, 1]} : vector<128x512xbf16> to vector<128x128xbf16>
    %dot_general3A_19 = arith.constant dense<0.000000e+00> : vector<6400x128xf32>
    %dot_general3A_20 = tpu.matmul %convert_element_type3A, %slice3A_18, %dot_general3A_19 {dimension_numbers = #tpu.dot_dimension_numbers<[1], [0], [0], [1], [0, 0, 1, 1], [], []>, transpose_lhs_hint = false} : vector<6400x128xbf16>, vector<128x128xbf16>, vector<6400x128xf32> -> vector<6400x128xf32>
    %mul3A_21 = vector.broadcast %slice3A_17 : vector<6400x1xf32> to vector<6400x128xf32>
    %mul3A_22 = arith.mulf %mul3A_21, %dot_general3A_20 : vector<6400x128xf32>
    %add3A_23 = arith.addf %add3A, %mul3A_22 : vector<6400x128xf32>
    %slice3A_24 = vector.extract_strided_slice %transpose3A {offsets = [0, 3], sizes = [6400, 1], strides = [1, 1]} : vector<6400x4xf32> to vector<6400x1xf32>
    %slice3A_25 = vector.extract_strided_slice %get3A_4 {offsets = [0, 384], sizes = [128, 128], strides = [1, 1]} : vector<128x512xbf16> to vector<128x128xbf16>
    %dot_general3A_26 = arith.constant dense<0.000000e+00> : vector<6400x128xf32>
    %dot_general3A_27 = tpu.matmul %convert_element_type3A, %slice3A_25, %dot_general3A_26 {dimension_numbers = #tpu.dot_dimension_numbers<[1], [0], [0], [1], [0, 0, 1, 1], [], []>, transpose_lhs_hint = false} : vector<6400x128xbf16>, vector<128x128xbf16>, vector<6400x128xf32> -> vector<6400x128xf32>
    %mul3A_28 = vector.broadcast %slice3A_24 : vector<6400x1xf32> to vector<6400x128xf32>
    %mul3A_29 = arith.mulf %mul3A_28, %dot_general3A_27 : vector<6400x128xf32>
    %add3A_30 = arith.addf %add3A_23, %mul3A_29 : vector<6400x128xf32>
    %swap3A = arith.constant 0 : index
    %swap3A_31 = arith.constant 0 : index
    %swap3A_32 = vector.load %arg5[%swap3A, %swap3A_31] : memref<6400x128xf32, #tpu.memory_space<vmem>>, vector<6400x128xf32>
    tpu.vector_store %arg5[%swap3A, %swap3A_31], %add3A_30 {strides = array<i32>} : memref<6400x128xf32, #tpu.memory_space<vmem>>, vector<6400x128xf32>,
    return
  }
  func.func @transform_0(%arg0: i32) -> (i32, i32) {
    %c0_i32 = arith.constant 0 : i32
    %c0_i32_0 = arith.constant 0 : i32
    return %arg0, %c0_i32 : i32, i32
  }
  func.func @transform_1(%arg0: i32) -> (i32, i32) {
    %add3A = arith.constant 24 : i32
    %add3A_0 = arith.addi %add3A, %arg0 : i32
    %c0_i32 = arith.constant 0 : i32
    %c0_i32_1 = arith.constant 0 : i32
    return %c0_i32, %add3A_0 : i32, i32
  }
  func.func @transform_2(%arg0: i32) -> (i32, i32) {
    %c0_i32 = arith.constant 0 : i32
    %c0_i32_0 = arith.constant 0 : i32
    %c0_i32_1 = arith.constant 0 : i32
    return %c0_i32, %c0_i32_0 : i32, i32
  }
  func.func @transform_4(%arg0: i32) -> (i32, i32) {
    %add3A = arith.constant 24 : i32
    %add3A_0 = arith.addi %add3A, %arg0 : i32
    %c0_i32 = arith.constant 0 : i32
    %c0_i32_1 = arith.constant 0 : i32
    return %add3A_0, %c0_i32 : i32, i32
  }
}

module attributes {stable_mosaic.version = 14 : i64} {
  func.func @_edge_body(%arg0: i32, %arg1: memref<6400x128xf32, #tpu.memory_space<vmem>>, %arg2: memref<4x6400xf32, #tpu.memory_space<vmem>>, %arg3: memref<128x512xbf16, #tpu.memory_space<vmem>>, %arg4: memref<320000x128xf32, #tpu.memory_space<any>>, %arg5: memref<6400x128xf32, #tpu.memory_space<vmem>>) attributes {dimension_semantics = [#tpu.dimension_semantics<arbitrary>], iteration_bounds = array<i64: 10>, scalar_prefetch = 0 : i64, scratch_operands = 0 : i64, tpu.core_type = #tpu.core_type<tc>, window_params = [{transform_indices = @transform_0, window_bounds = array<i64: 6400, 128>}, {transform_indices = @transform_1, window_bounds = array<i64: 4, 6400>}, {pipeline_mode = #tpu.pipeline_mode<synchronous>, transform_indices = @transform_2, window_bounds = array<i64: 128, 512>}, {}, {transform_indices = @transform_4, window_bounds = array<i64: 6400, 128>}]} {
    %get3A = arith.constant 0 : index
    %get3A_0 = arith.constant 0 : index
    %get3A_1 = vector.load %arg1[%get3A, %get3A_0] : memref<6400x128xf32, #tpu.memory_space<vmem>>, vector<6400x128xf32>
    %convert_element_type3A = arith.truncf %get3A_1 : vector<6400x128xf32> to vector<6400x128xbf16>
    %get3A_2 = arith.constant 0 : index
    %get3A_3 = arith.constant 0 : index
    %get3A_4 = vector.load %arg3[%get3A_2, %get3A_3] : memref<128x512xbf16, #tpu.memory_space<vmem>>, vector<128x512xbf16>
    %slice3A = vector.extract_strided_slice %get3A_4 {offsets = [0, 0], sizes = [128, 128], strides = [1, 1]} : vector<128x512xbf16> to vector<128x128xbf16>
    %dot_general3A = arith.constant dense<0.000000e+00> : vector<6400x128xf32>
    %dot_general3A_5 = tpu.matmul %convert_element_type3A, %slice3A, %dot_general3A {dimension_numbers = #tpu.dot_dimension_numbers<[1], [0], [0], [1], [0, 0, 1, 1], [], []>, transpose_lhs_hint = false} : vector<6400x128xbf16>, vector<128x128xbf16>, vector<6400x128xf32> -> vector<6400x128xf32>
    %get3A_6 = arith.constant 0 : index
    %get3A_7 = arith.constant 0 : index
    %get3A_8 = vector.load %arg2[%get3A_6, %get3A_7] : memref<4x6400xf32, #tpu.memory_space<vmem>>, vector<4x6400xf32>
    %transpose3A = tpu.transpose %get3A_8, [1, 0] : vector<4x6400xf32> -> vector<6400x4xf32>
    %slice3A_9 = vector.extract_strided_slice %transpose3A {offsets = [0, 0], sizes = [6400, 1], strides = [1, 1]} : vector<6400x4xf32> to vector<6400x1xf32>
    %mul3A = vector.broadcast %slice3A_9 : vector<6400x1xf32> to vector<6400x128xf32>
    %mul3A_10 = arith.mulf %mul3A, %dot_general3A_5 : vector<6400x128xf32>
    %slice3A_11 = vector.extract_strided_slice %transpose3A {offsets = [0, 1], sizes = [6400, 1], strides = [1, 1]} : vector<6400x4xf32> to vector<6400x1xf32>
    %slice3A_12 = vector.extract_strided_slice %get3A_4 {offsets = [0, 128], sizes = [128, 128], strides = [1, 1]} : vector<128x512xbf16> to vector<128x128xbf16>
    %dot_general3A_13 = arith.constant dense<0.000000e+00> : vector<6400x128xf32>
    %dot_general3A_14 = tpu.matmul %convert_element_type3A, %slice3A_12, %dot_general3A_13 {dimension_numbers = #tpu.dot_dimension_numbers<[1], [0], [0], [1], [0, 0, 1, 1], [], []>, transpose_lhs_hint = false} : vector<6400x128xbf16>, vector<128x128xbf16>, vector<6400x128xf32> -> vector<6400x128xf32>
    %mul3A_15 = vector.broadcast %slice3A_11 : vector<6400x1xf32> to vector<6400x128xf32>
    %mul3A_16 = arith.mulf %mul3A_15, %dot_general3A_14 : vector<6400x128xf32>
    %add3A = arith.addf %mul3A_10, %mul3A_16 : vector<6400x128xf32>
    %slice3A_17 = vector.extract_strided_slice %transpose3A {offsets = [0, 2], sizes = [6400, 1], strides = [1, 1]} : vector<6400x4xf32> to vector<6400x1xf32>
    %slice3A_18 = vector.extract_strided_slice %get3A_4 {offsets = [0, 256], sizes = [128, 128], strides = [1, 1]} : vector<128x512xbf16> to vector<128x128xbf16>
    %dot_general3A_19 = arith.constant dense<0.000000e+00> : vector<6400x128xf32>
    %dot_general3A_20 = tpu.matmul %convert_element_type3A, %slice3A_18, %dot_general3A_19 {dimension_numbers = #tpu.dot_dimension_numbers<[1], [0], [0], [1], [0, 0, 1, 1], [], []>, transpose_lhs_hint = false} : vector<6400x128xbf16>, vector<128x128xbf16>, vector<6400x128xf32> -> vector<6400x128xf32>
    %mul3A_21 = vector.broadcast %slice3A_17 : vector<6400x1xf32> to vector<6400x128xf32>
    %mul3A_22 = arith.mulf %mul3A_21, %dot_general3A_20 : vector<6400x128xf32>
    %add3A_23 = arith.addf %add3A, %mul3A_22 : vector<6400x128xf32>
    %slice3A_24 = vector.extract_strided_slice %transpose3A {offsets = [0, 3], sizes = [6400, 1], strides = [1, 1]} : vector<6400x4xf32> to vector<6400x1xf32>
    %slice3A_25 = vector.extract_strided_slice %get3A_4 {offsets = [0, 384], sizes = [128, 128], strides = [1, 1]} : vector<128x512xbf16> to vector<128x128xbf16>
    %dot_general3A_26 = arith.constant dense<0.000000e+00> : vector<6400x128xf32>
    %dot_general3A_27 = tpu.matmul %convert_element_type3A, %slice3A_25, %dot_general3A_26 {dimension_numbers = #tpu.dot_dimension_numbers<[1], [0], [0], [1], [0, 0, 1, 1], [], []>, transpose_lhs_hint = false} : vector<6400x128xbf16>, vector<128x128xbf16>, vector<6400x128xf32> -> vector<6400x128xf32>
    %mul3A_28 = vector.broadcast %slice3A_24 : vector<6400x1xf32> to vector<6400x128xf32>
    %mul3A_29 = arith.mulf %mul3A_28, %dot_general3A_27 : vector<6400x128xf32>
    %add3A_30 = arith.addf %add3A_23, %mul3A_29 : vector<6400x128xf32>
    %swap3A = arith.constant 0 : index
    %swap3A_31 = arith.constant 0 : index
    %swap3A_32 = vector.load %arg5[%swap3A, %swap3A_31] : memref<6400x128xf32, #tpu.memory_space<vmem>>, vector<6400x128xf32>
    tpu.vector_store %arg5[%swap3A, %swap3A_31], %add3A_30 {strides = array<i32>} : memref<6400x128xf32, #tpu.memory_space<vmem>>, vector<6400x128xf32>,
    return
  }
  func.func @transform_0(%arg0: i32) -> (i32, i32) {
    %c0_i32 = arith.constant 0 : i32
    %c0_i32_0 = arith.constant 0 : i32
    return %arg0, %c0_i32 : i32, i32
  }
  func.func @transform_1(%arg0: i32) -> (i32, i32) {
    %add3A = arith.constant 34 : i32
    %add3A_0 = arith.addi %add3A, %arg0 : i32
    %c0_i32 = arith.constant 0 : i32
    %c0_i32_1 = arith.constant 0 : i32
    return %c0_i32, %add3A_0 : i32, i32
  }
  func.func @transform_2(%arg0: i32) -> (i32, i32) {
    %c0_i32 = arith.constant 0 : i32
    %c0_i32_0 = arith.constant 0 : i32
    %c0_i32_1 = arith.constant 0 : i32
    return %c0_i32, %c0_i32_0 : i32, i32
  }
  func.func @transform_4(%arg0: i32) -> (i32, i32) {
    %add3A = arith.constant 34 : i32
    %add3A_0 = arith.addi %add3A, %arg0 : i32
    %c0_i32 = arith.constant 0 : i32
    %c0_i32_1 = arith.constant 0 : i32
    return %add3A_0, %c0_i32 : i32, i32
  }
}

module attributes {stable_mosaic.version = 14 : i64} {
  func.func @_edge_body(%arg0: i32, %arg1: memref<6400x128xf32, #tpu.memory_space<vmem>>, %arg2: memref<4x6400xf32, #tpu.memory_space<vmem>>, %arg3: memref<128x512xbf16, #tpu.memory_space<vmem>>, %arg4: memref<320000x128xf32, #tpu.memory_space<any>>, %arg5: memref<6400x128xf32, #tpu.memory_space<vmem>>) attributes {dimension_semantics = [#tpu.dimension_semantics<arbitrary>], iteration_bounds = array<i64: 6>, scalar_prefetch = 0 : i64, scratch_operands = 0 : i64, tpu.core_type = #tpu.core_type<tc>, window_params = [{transform_indices = @transform_0, window_bounds = array<i64: 6400, 128>}, {transform_indices = @transform_1, window_bounds = array<i64: 4, 6400>}, {pipeline_mode = #tpu.pipeline_mode<synchronous>, transform_indices = @transform_2, window_bounds = array<i64: 128, 512>}, {}, {transform_indices = @transform_4, window_bounds = array<i64: 6400, 128>}]} {
    %get3A = arith.constant 0 : index
    %get3A_0 = arith.constant 0 : index
    %get3A_1 = vector.load %arg1[%get3A, %get3A_0] : memref<6400x128xf32, #tpu.memory_space<vmem>>, vector<6400x128xf32>
    %convert_element_type3A = arith.truncf %get3A_1 : vector<6400x128xf32> to vector<6400x128xbf16>
    %get3A_2 = arith.constant 0 : index
    %get3A_3 = arith.constant 0 : index
    %get3A_4 = vector.load %arg3[%get3A_2, %get3A_3] : memref<128x512xbf16, #tpu.memory_space<vmem>>, vector<128x512xbf16>
    %slice3A = vector.extract_strided_slice %get3A_4 {offsets = [0, 0], sizes = [128, 128], strides = [1, 1]} : vector<128x512xbf16> to vector<128x128xbf16>
    %dot_general3A = arith.constant dense<0.000000e+00> : vector<6400x128xf32>
    %dot_general3A_5 = tpu.matmul %convert_element_type3A, %slice3A, %dot_general3A {dimension_numbers = #tpu.dot_dimension_numbers<[1], [0], [0], [1], [0, 0, 1, 1], [], []>, transpose_lhs_hint = false} : vector<6400x128xbf16>, vector<128x128xbf16>, vector<6400x128xf32> -> vector<6400x128xf32>
    %get3A_6 = arith.constant 0 : index
    %get3A_7 = arith.constant 0 : index
    %get3A_8 = vector.load %arg2[%get3A_6, %get3A_7] : memref<4x6400xf32, #tpu.memory_space<vmem>>, vector<4x6400xf32>
    %transpose3A = tpu.transpose %get3A_8, [1, 0] : vector<4x6400xf32> -> vector<6400x4xf32>
    %slice3A_9 = vector.extract_strided_slice %transpose3A {offsets = [0, 0], sizes = [6400, 1], strides = [1, 1]} : vector<6400x4xf32> to vector<6400x1xf32>
    %mul3A = vector.broadcast %slice3A_9 : vector<6400x1xf32> to vector<6400x128xf32>
    %mul3A_10 = arith.mulf %mul3A, %dot_general3A_5 : vector<6400x128xf32>
    %slice3A_11 = vector.extract_strided_slice %transpose3A {offsets = [0, 1], sizes = [6400, 1], strides = [1, 1]} : vector<6400x4xf32> to vector<6400x1xf32>
    %slice3A_12 = vector.extract_strided_slice %get3A_4 {offsets = [0, 128], sizes = [128, 128], strides = [1, 1]} : vector<128x512xbf16> to vector<128x128xbf16>
    %dot_general3A_13 = arith.constant dense<0.000000e+00> : vector<6400x128xf32>
    %dot_general3A_14 = tpu.matmul %convert_element_type3A, %slice3A_12, %dot_general3A_13 {dimension_numbers = #tpu.dot_dimension_numbers<[1], [0], [0], [1], [0, 0, 1, 1], [], []>, transpose_lhs_hint = false} : vector<6400x128xbf16>, vector<128x128xbf16>, vector<6400x128xf32> -> vector<6400x128xf32>
    %mul3A_15 = vector.broadcast %slice3A_11 : vector<6400x1xf32> to vector<6400x128xf32>
    %mul3A_16 = arith.mulf %mul3A_15, %dot_general3A_14 : vector<6400x128xf32>
    %add3A = arith.addf %mul3A_10, %mul3A_16 : vector<6400x128xf32>
    %slice3A_17 = vector.extract_strided_slice %transpose3A {offsets = [0, 2], sizes = [6400, 1], strides = [1, 1]} : vector<6400x4xf32> to vector<6400x1xf32>
    %slice3A_18 = vector.extract_strided_slice %get3A_4 {offsets = [0, 256], sizes = [128, 128], strides = [1, 1]} : vector<128x512xbf16> to vector<128x128xbf16>
    %dot_general3A_19 = arith.constant dense<0.000000e+00> : vector<6400x128xf32>
    %dot_general3A_20 = tpu.matmul %convert_element_type3A, %slice3A_18, %dot_general3A_19 {dimension_numbers = #tpu.dot_dimension_numbers<[1], [0], [0], [1], [0, 0, 1, 1], [], []>, transpose_lhs_hint = false} : vector<6400x128xbf16>, vector<128x128xbf16>, vector<6400x128xf32> -> vector<6400x128xf32>
    %mul3A_21 = vector.broadcast %slice3A_17 : vector<6400x1xf32> to vector<6400x128xf32>
    %mul3A_22 = arith.mulf %mul3A_21, %dot_general3A_20 : vector<6400x128xf32>
    %add3A_23 = arith.addf %add3A, %mul3A_22 : vector<6400x128xf32>
    %slice3A_24 = vector.extract_strided_slice %transpose3A {offsets = [0, 3], sizes = [6400, 1], strides = [1, 1]} : vector<6400x4xf32> to vector<6400x1xf32>
    %slice3A_25 = vector.extract_strided_slice %get3A_4 {offsets = [0, 384], sizes = [128, 128], strides = [1, 1]} : vector<128x512xbf16> to vector<128x128xbf16>
    %dot_general3A_26 = arith.constant dense<0.000000e+00> : vector<6400x128xf32>
    %dot_general3A_27 = tpu.matmul %convert_element_type3A, %slice3A_25, %dot_general3A_26 {dimension_numbers = #tpu.dot_dimension_numbers<[1], [0], [0], [1], [0, 0, 1, 1], [], []>, transpose_lhs_hint = false} : vector<6400x128xbf16>, vector<128x128xbf16>, vector<6400x128xf32> -> vector<6400x128xf32>
    %mul3A_28 = vector.broadcast %slice3A_24 : vector<6400x1xf32> to vector<6400x128xf32>
    %mul3A_29 = arith.mulf %mul3A_28, %dot_general3A_27 : vector<6400x128xf32>
    %add3A_30 = arith.addf %add3A_23, %mul3A_29 : vector<6400x128xf32>
    %swap3A = arith.constant 0 : index
    %swap3A_31 = arith.constant 0 : index
    %swap3A_32 = vector.load %arg5[%swap3A, %swap3A_31] : memref<6400x128xf32, #tpu.memory_space<vmem>>, vector<6400x128xf32>
    tpu.vector_store %arg5[%swap3A, %swap3A_31], %add3A_30 {strides = array<i32>} : memref<6400x128xf32, #tpu.memory_space<vmem>>, vector<6400x128xf32>,
    return
  }
  func.func @transform_0(%arg0: i32) -> (i32, i32) {
    %c0_i32 = arith.constant 0 : i32
    %c0_i32_0 = arith.constant 0 : i32
    return %arg0, %c0_i32 : i32, i32
  }
  func.func @transform_1(%arg0: i32) -> (i32, i32) {
    %add3A = arith.constant 44 : i32
    %add3A_0 = arith.addi %add3A, %arg0 : i32
    %c0_i32 = arith.constant 0 : i32
    %c0_i32_1 = arith.constant 0 : i32
    return %c0_i32, %add3A_0 : i32, i32
  }
  func.func @transform_2(%arg0: i32) -> (i32, i32) {
    %c0_i32 = arith.constant 0 : i32
    %c0_i32_0 = arith.constant 0 : i32
    %c0_i32_1 = arith.constant 0 : i32
    return %c0_i32, %c0_i32_0 : i32, i32
  }
  func.func @transform_4(%arg0: i32) -> (i32, i32) {
    %add3A = arith.constant 44 : i32
    %add3A_0 = arith.addi %add3A, %arg0 : i32
    %c0_i32 = arith.constant 0 : i32
    %c0_i32_1 = arith.constant 0 : i32
    return %add3A_0, %c0_i32 : i32, i32
  }
}

</mosaic_0001>

<sc_bundles>
// kernel: kernel.15.cloned.1.call-start
scs
__scs_entry_jumppad:
0x0: {  	(pc) =	sbr.rel $0x88, $3  }
0x1: {  	(tag) =	ssettag $0x0;
	lr =	simm.s32 $0x1  }
0x2: {  	[smem:$0x3F9A] =	sst lr;
	_ =	strace $0xD0000000  }
0x3: {  	_ = 	snop  }
0x4: {  	_ = 	snop  }
0x5: {  	_ = 	snop  }
0x6: {  	_ = 	snop  }
0x7: {  	_ = 	snop  }
__scs_overlays_trampoline_lowered:
0x8: {  	[smem:$0x3FA9] =	sst s0  }
0x9: {  	[smem:$0x3FAA] =	sst s1  }
0xa: {  	[smem:$0x3FAB] =	sst s2  }
0xb: {  	[smem:$0x3FAC] =	sst s3  }
0xc: {  	[smem:$0x3FAD] =	sst s4  }
0xd: {  	[smem:$0x3FAE] =	sst s5  }
0xe: {  	[smem:$0x3FAF] =	sst s6  }
0xf: {  	[smem:$0x3FB0] =	sst s7  }
0x10: {  	[smem:$0x3FB1] =	sst s8  }
0x11: {  	[smem:$0x3FB2] =	sst s9;
	s0 =	simm.s32 @!p0 $0x0  }
0x12: {  	s1 =	sld [smem:$0x3F98];
	s0 =	simm.s32 @p0 $0x1  }
0x13: {  	[smem:$0x3FB3] =	sst s0;
	s0 =	simm.s32 @!p1 $0x0  }
0x14: {  	s2 =	sld [smem:$0x3F97];
	s0 =	simm.s32 @p1 $0x1  }
0x15: {  	[smem:$0x3FB4] =	sst s0;
	s0 =	simm.s32 @!p2 $0x0  }
0x16: {  	s3 =	sld [smem:$0x3FDB];
	s0 =	simm.s32 @p2 $0x1  }
0x17: {  	s4 =	simm.s32 $0x1BF5;
	[smem:$0x3FB6] =	sst s0  }
0x18: {  	s0 =	sld [smem:$0x3F99];
	_ =	swait.ge [sflag:s4], $0x0  }
0x19: {  	s7 =	sld [smem:$0x3F9A]  }
0x1a: {  	s8 =	sadd.s32 $0xFFFFE003, lr  }
0x1b: {  	s9 =	sadd.s32 $0xFFFFFEF7, lr;
	s5 =	simm.s32 $0xFFFFFFFF;
	p2 =	slt.u32 s8, $0xFFFFF086  }
0x1c: {  	p1 =	slt.u32 s9, $0xF7A;
	s5 =	simm.s32 @!p2 $0x0  }
0x1d: {  	s5 =	simm.s32 @p1 $0x1;
	p0 =	seq.s32 s7, s2  }
0x1e: {  	s7 =	smul.u32 @!p0 $0xF7A, s2;
	p2 =	seq.s32 @!p0 s5, $0x0  }
0x1f: {  	s9 =	smul.u32 $0xF7A, s1;
	s8 =	simm.s32 @!p0 $0x1BF5;
	p2 =	por !p2, p0  }
0x20: {  	[sflag:s8] =	ssyncset.s32 @!p0 $0xFFFFF086;
	s6 =	sadd.s32 @!p0 s3, s7;
	s7 =	simm.s32 @!p0 $0x108  }
0x21: {  	s3 =	sadd.s32 s3, s9;
	s6 =	sadd.s32 @!p0 $0x88, s6;
	s7 =	simm.s32 @p2 $0x1082  }
0x22: {  	[simem:s7], [sflag:s8] =	dma.local @!p0 [hbm:s6], $0xF7A  }
0x23: {  	s9 =	sor.u32 $0xD0000000, s2;
	s6 =	simm.s32 $0x108;
	_ =	swait.ge @!p0 [sflag:s8], $0x0  }
0x24: {  	s3 =	sadd.s32 $0x88, s3;
	s6 =	simm.s32 @!p1 $0x1082;
	[sflag:s4] =	ssyncset.s32 $0xFFFFF086  }
0x25: {  	[simem:s6], [sflag:s4] =	dma.local [hbm:s3], $0xF7A  }
0x26: {  	[smem:$0x3F9A] =	sst s1;
	(tag) =	ssettag s2;
	_ =	strace s9  }
0x27: {  	s1 =	sld [smem:$0x3FAA]  }
0x28: {  	s2 =	sld [smem:$0x3FAB]  }
0x29: {  	s4 =	sld [smem:$0x3FAD]  }
0x2a: {  	p0 =	seq.s32 s5, $0x0;
	s5 =	sld [smem:$0x3FAE]  }
0x2b: {  	s6 =	sld [smem:$0x3FAF]  }
0x2c: {  	s7 =	sld [smem:$0x3FB0]  }
0x2d: {  	s3 =	simm.s32 $0x108;
	s8 =	sld [smem:$0x3FB1]  }
0x2e: {  	s3 =	simm.s32 @!p0 $0x1082;
	s9 =	sld [smem:$0x3FB2]  }
0x2f: {  	lr =	sadd.s32 s0, s3;
	s0 =	sld [smem:$0x3FA9]  }
0x30: {  	s3 =	sld [smem:$0x3FAC]  }
0x31: {  	[smem:$0x3FB5] =	sst s10  }
0x32: {  	s10 =	sld [smem:$0x3FB3];
	_ =	sdelay $0x3  }
0x33: {  	p0 =	seq.s32 s10, $0x1;
	s10 =	sld [smem:$0x3FB5];
	_ =	sdelay $0x3  }
0x34: {  	[smem:$0x3FB5] =	sst s10  }
0x35: {  	s10 =	sld [smem:$0x3FB4];
	_ =	sdelay $0x3  }
0x36: {  	p1 =	seq.s32 s10, $0x1;
	s10 =	sld [smem:$0x3FB5];
	_ =	sdelay $0x3  }
0x37: {  	[smem:$0x3FB5] =	sst s10  }
0x38: {  	s10 =	sld [smem:$0x3FB6]  }
0x39: {  	_ = 	snop;
	(pc) =	sbr.ind lr, $3  }
0x3a: {  	_ = 	snop  }
0x3b: {  	_ = 	snop  }
0x3c: {  	p2 =	seq.s32 s10, $0x1;
	s10 =	sld [smem:$0x3FB5]  }
0x3d: {  	_ =	shalt  }
0x3e: {  	_ =	shalt  }
0x3f: {  	_ =	shalt  }
0x40: {  	_ =	shalt  }
0x41: {  	_ =	shalt  }
0x42: {  	_ =	shalt  }
0x43: {  	_ =	shalt  }
0x44: {  	_ =	shalt  }
0x45: {  	_ =	shalt  }
0x46: {  	_ =	shalt  }
0x47: {  	_ =	shalt  }
0x48: {  	_ =	shalt  }
0x49: {  	_ =	shalt  }
0x4a: {  	_ =	shalt  }
0x4b: {  	_ =	shalt  }
0x4c: {  	_ =	shalt  }
0x4d: {  	_ =	shalt  }
0x4e: {  	_ =	shalt  }
0x4f: {  	_ =	shalt  }
0x50: {  	_ =	shalt  }
0x51: {  	_ =	shalt  }
0x52: {  	_ =	shalt  }
0x53: {  	_ =	shalt  }
0x54: {  	_ =	shalt  }
0x55: {  	_ =	shalt  }
0x56: {  	_ =	shalt  }
0x57: {  	_ =	shalt  }
0x58: {  	_ =	shalt  }
0x59: {  	_ =	shalt  }
0x5a: {  	_ =	shalt  }
0x5b: {  	_ =	shalt  }
0x5c: {  	_ =	shalt  }
0x5d: {  	_ =	shalt  }
0x5e: {  	_ =	shalt  }
0x5f: {  	_ =	shalt  }
0x60: {  	_ =	shalt  }
0x61: {  	_ =	shalt  }
0x62: {  	_ =	shalt  }
0x63: {  	_ =	shalt  }
0x64: {  	_ =	shalt  }
0x65: {  	_ =	shalt  }
0x66: {  	_ =	shalt  }
0x67: {  	_ =	shalt  }
0x68: {  	_ =	shalt  }
0x69: {  	_ =	shalt  }
0x6a: {  	_ =	shalt  }
0x6b: {  	_ =	shalt  }
0x6c: {  	_ =	shalt  }
0x6d: {  	_ =	shalt  }
0x6e: {  	_ =	shalt  }
0x6f: {  	_ =	shalt  }
0x70: {  	_ =	shalt  }
0x71: {  	_ =	shalt  }
0x72: {  	_ =	shalt  }
0x73: {  	_ =	shalt  }
0x74: {  	_ =	shalt  }
0x75: {  	_ =	shalt  }
0x76: {  	_ =	shalt  }
0x77: {  	_ =	shalt  }
0x78: {  	_ =	shalt  }
0x79: {  	_ =	shalt  }
0x7a: {  	_ =	shalt  }
0x7b: {  	_ =	shalt  }
0x7c: {  	_ =	shalt  }
0x7d: {  	_ =	shalt  }
0x7e: {  	_ =	shalt  }
0x7f: {  	_ =	shalt  }
0x80: {  	_ =	shalt  }
0x81: {  	_ =	shalt  }
0x82: {  	_ =	shalt  }
0x83: {  	_ =	shalt  }
0x84: {  	_ =	shalt  }
0x85: {  	_ =	shalt  }
0x86: {  	_ =	shalt  }
0x87: {  	_ =	shalt  }
.Lfunc_end0:
.L_simem_size_0:
called_computation_lowered:
.L_overlay_start_0:
0x88: {  	s2 =	sld [smem:$0x3FD9]  }
0x89: {  	s3 =	sld [smem:$0x3FFE];
	_ =	sdelay $0x1  }
0x8a: {  	s1 =	srdreg.scid  }
0x8b: {  	s0 =	sand.u32 $0x1, s1  }
0x8c: {  	s17 =	sshll.u32 s0, $0xA;
	s2 =	sadd.s32 s3, s2  }
0x8d: {  	s2 =	sadd.s32 s2, s17  }
0x8e: {  	[smem:$0x3FC1] =	sst s2  }
0x8f: {  	_ = 	snop  }
0x90: {  	s2 =	sld [smem:$0x3FD0];
	(tm) =	ssettm $0x1  }
0x91: {  	s18 =	sld [smem:$0x3FFB];
	_ =	sdelay $0x3  }
0x92: {  	_ =	strace s18  }
0x93: {  	s3 =	sld [smem:$0x3FFC];
	_ =	sdelay $0x3  }
0x94: {  	_ =	strace s3  }
0x95: {  	s3 =	sld [smem:$0x3FFD];
	_ =	sdelay $0x3  }
0x96: {  	_ =	strace s3  }
0x97: {  	_ =	strace $0x8FFFFFFF  }
0x98: {  	s19 =	sld [smem:$0x3FDB];
	_ =	sdelay $0x1  }
0x99: {  	s4 =	simm.s32 $_scs_section_size  }
0x9a: {  	s5 =	simm.s32 $_size__tile_overlayer_lowered;
	s6 =	simm.s32 $_tile_overlayer_lowered  }
0x9b: {  	s22 =	simm.s32 $0x1BFF;
	s21 =	sshll.u32 s6, $0x1;
	s3 =	sadd.s32 s4, s19  }
0x9c: {  	s7 =	simm.s32 $0x0;
	s20 =	sshll.u32 s5, $0x1;
	s5 =	sadd.s32 s21, s3  }
0x9d: {  	[timem:s7], [sflag:s22] =	dma.local [hbm:s5], s20  }
0x9e: {  	_ =	swait.ge [sflag:s22], s20  }
0x9f: {  	s4 =	ssub.s32 $0x0, s20;
	[sflag:s22] =	ssyncset.done $0x0  }
0xa0: {  	[sflag:s22] =	ssyncadd.s32 s4;
	_ =	sdelay $0x1  }
0xa1: {  	s23 =	simm.s32 $0x1B8B  }
0xa2: {  	_ =	swait.ge [sflag:s23], $0x1  }
0xa3: {  	[sflag:s23] =	ssyncset.done $0x0  }
0xa4: {  	s25 =	simm.s32 $0x1B8E;
	s24 =	sld [smem:$0x3FFE];
	[sflag:s23] =	ssyncadd.s32 $0xFFFFFFFF  }
0xa5: {  	s26 =	simm.s32 $execute0_lowered;
	[smem:$0x3FD2] =	sst s25  }
0xa6: {  	s5 =	sshll.u32 s26, $0x1;
	_ =	strace $0x80000046;
	[dreg:$0x1] =	wrdreg $0xFFFFFFFF  }
0xa7: {  	s28 =	simm.s32 $_size_execute0_lowered;
	s3 =	sadd.s32 s3, s5;
	[dreg:$0x0] =	wrdreg $0x0  }
0xa8: {  	s5 =	sshll.u32 s28, $0x1;
	[dreg:$0x2] =	wrdreg s3  }
0xa9: {  	[dreg:$0x3] =	wrdreg s5  }
0xaa: {  	[dreg:$0x4] =	wrdreg $0xC0  }
0xab: {  	_ =	task [dreg:s7], $0x5FFFF  }
0xac: {  	[dreg:$0x1] =	wrdreg $0xFFFFFFFF  }
0xad: {  	[dreg:$0x0] =	wrdreg $0x60  }
0xae: {  	[dreg:$0x2] =	wrdreg s24  }
0xaf: {  	[dreg:$0x3] =	wrdreg s2  }
0xb0: {  	[dreg:$0x4] =	wrdreg $0x9  }
0xb1: {  	_ =	task.clear_ibuf [dreg:s7], $0x5FFFF;
	_ =	strace $0x90000046  }
0xb2: {  	s29 =	simm.s32 $0x9;
	_ =	strace $0x80000048  }
0xb3: {  	_ =	swait.ge [sflag:s29], $0x1  }
0xb4: {  	[sflag:s29] =	ssyncadd.s32 $0xFFFFFFFF  }
0xb5: {  	_ =	strace $0x90000048  }
0xb6: {  	_ =	sfence  }
0xb7: {  	s30 =	sld [smem:$0x0];
	_ =	sdelay $0x2  }
0xb8: {  	s31 =	sshll.u32 s1, $0xD;
	s1 =	sshrl.u32 s1, $0x2  }
0xb9: {  	s3 =	sand.u32 $0x4000, s31;
	s1 =	sadd.s32 s1, s30  }
0xba: {  	s0 =	sor.u32 s3, s0;
	s1 =	sshll.u32 s1, $0x11  }
0xbb: {  	s0 =	sor.u32 s1, s0  }
0xbc: {  	s0 =	sadd.s32 $0x8F2B, s0  }
0xbd: {  	[sflag:s0] =	ssyncadd.remote.s32 $0x1  }
0xbe: {  	_ =	sfence.sel $0xFFFF  }
0xbf: {  	[dreg:$0x0] =	wrdreg $0xFFFFFFFF;
	(pc) =	sbr.abs _section_cstart, $3  }
0xc0: {  	[dreg:$0x1] =	wrdreg $0xFFFFFFFF  }
0xc1: {  	_ =	task.clear_ibuf [dreg:s7], $0x2FFFF;
	_ =	strace $0x9FFFFFFF  }
0xc2: {  	(tm) =	ssettm $0x7FFFFFFF  }
0xc3: {  	_ =	shalt  }
tec
execute0_lowered:
.L_overlay_start_1:
0x0: {  	(tag) =	ssettag $0x1  }
0x1: {  	s7 =	rddreg [dreg:$0x0];
	s1 =	srdreg.scid  }
0x2: {  	s0 =	stileid.u32;
	s2 =	rddreg [dreg:$0x1];
	s3 =	simm.s32 $0x0  }
0x3: {  	s11 =	simm.s32 $0x3;
	s12 =	simm.s32 $0x380;
	s13 =	simm.s32 $0x50  }
0x4: {  	s14 =	simm.s32 $0x700;
	s15 =	simm.s32 $0x5700;
	s16 =	simm.s32 $0x2F00  }
0x5: {  	s17 =	simm.s32 $0x3D0;
	s5 =	sand.u32 $0x1, s1;
	s4 =	sshll.u32 s0, $0x1  }
0x6: {  	s18 =	simm.s32 $0x7F00;
	s19 =	simm.s32 $0x1;
	s4 =	sor.u32 s5, s4  }
0x7: {  	s20 =	simm.s32 $0x2;
	s21 =	simm.s32 $0x0;
	s4 =	smul.u32 $0x320, s4  }
.Ltmp0:
0x8: {  	s1 =	rddreg [dreg:$0x2];
	s8 =	ssub.s32 $0x2, s5;
	(pc) =	sbr.rel .LBB2_1-.Ltmp0, $4  }
0x9: {  	[smem:$0x7FF] =	sst s3;
	s6 =	sadd.s32 $0x2C400, s7;
	s10 =	sshrl.u32 s8, $0x1  }
0xa: {  	_ =	strace $0x80000047;
	s10 =	ssub.s32 s8, s10;
	s9 =	sshrl.u32 s4, $0x3  }
0xb: {  	s5 =	sadd.s32 $0x5200, s7;
	s10 =	smax.u32 s10, $0x1;
	s9 =	sadd.s32 s9, s7  }
0xc: {  	s7 =	sadd.s32 $0x3600, s9;
	s8 =	sadd.s32 $0x4400, s9;
	s9 =	sadd.s32 $0x50, s4  }
.LBB2_8:
0xd: {  	s21 =	sadd.s32 $0x1, s21  }
0xe: {  	p0 =	sne.s32 s21, s10  }
.Ltmp1:
0xf: {  	_ = 	snop;
	(pc) =	sbr.rel @!p0 .LBB2_9-.Ltmp1, $1  }
0x10: {  	_ =	sdelay $0x3  }
.LBB2_1:
0x11: {  	[tilespmem:s3], [sflag:$0x3] =	stream.linear.gather [hbm4b:s7+s3], $0x320, $0x38;
	[tilespmem:$0xA700] =	vst v63  }
0x12: {  	_ =	swait.ge [sflag:s11], $0x320  }
0x13: {  	[sflag:s11] =	ssyncset.done $0x0  }
0x14: {  	[sflag:s11] =	ssyncadd.s32 $0xFFFFFCE0  }
0x15: {  	[tilespmem:s12], [sflag:$0x3] =	stream.linear.gather [hbm4b:s8+s3], $0x320, $0x38;
	[tilespmem:$0xA700] =	vst v63  }
0x16: {  	_ =	swait.ge [sflag:s11], $0x320  }
0x17: {  	[sflag:s11] =	ssyncset.done $0x0  }
0x18: {  	[sflag:s11] =	ssyncadd.s32 $0xFFFFFCE0  }
0x19: {  	[tilespmem:s14], [sflag:$0x1] =	stream.indirect.gather [hbm4b:s5+s13], $0x80, s3, s13, $0xb8;
	[tilespmem:$0xA700] =	vst v63  }
0x1a: {  	_ = 	snop  }
0x1b: {  	[tilespmem:s15], [sflag:$0x1] =	stream.indirect.gather [hbm4b:s6+s13], $0x80, s12, s13, $0xb8;
	[tilespmem:$0xA700] =	vst v63  }
0x1c: {  	_ = 	snop  }
0x1d: {  	[tilespmem:s16], [sflag:$0x2] =	stream.indirect.gather [hbm4b:s5+s13], $0x80, s13, s13, $0xb8;
	[tilespmem:$0xA700] =	vst v63  }
0x1e: {  	s22 =	simm.s32 $0x0  }
0x1f: {  	[tilespmem:s18], [sflag:$0x2] =	stream.indirect.gather [hbm4b:s6+s13], $0x80, s17, s13, $0xb8;
	[tilespmem:$0xA700] =	vst v63  }
.LBB2_2:
0x20: {  	_ =	swait.ge [sflag:s19], $0x2800  }
0x21: {  	[sflag:s19] =	ssyncset.done $0x0  }
0x22: {  	[sflag:s19] =	ssyncadd.s32 $0xFFFFD800  }
0x23: {  	_ =	swait.ge [sflag:s19], $0x2800  }
0x24: {  	[sflag:s19] =	ssyncset.done $0x0  }
0x25: {  	s24 =	simm.s32 $0x0;
	s23 =	simm.s32 $0x200;
	[sflag:s19] =	ssyncadd.s32 $0xFFFFD800  }
.LBB2_3:
0x26: {  	p0 =	sne.s32 s23, $0x9E00;
	v0 =	vld [tilespmem:s24+$0x5770]  }
0x27: {  	v1 =	vld [tilespmem:s24+$0x5700]  }
0x28: {  	v2 =	vld [tilespmem:s24+$0x5710]  }
0x29: {  	v3 =	vld [tilespmem:s24+$0x5720]  }
0x2a: {  	v4 =	vld [tilespmem:s24+$0x5730]  }
0x2b: {  	[tilespmem:s24+$0x770] =	vst.add.f32.msk $0xffff, v0  }
0x2c: {  	v0 =	vld [tilespmem:s24+$0x5740]  }
0x2d: {  	v5 =	vld [tilespmem:s24+$0x5750]  }
0x2e: {  	v6 =	vld [tilespmem:s24+$0x5760]  }
0x2f: {  	[tilespmem:s24+$0x700] =	vst.add.f32.msk $0xffff, v1  }
0x30: {  	[tilespmem:s24+$0x710] =	vst.add.f32.msk $0xffff, v2  }
.Ltmp2:
0x31: {  	[tilespmem:s24+$0x720] =	vst.add.f32.msk $0xffff, v3;
	(pc) =	sbr.rel @p0 .LBB2_3-.Ltmp2, $4  }
0x32: {  	[tilespmem:s24+$0x730] =	vst.add.f32.msk $0xffff, v4  }
0x33: {  	[tilespmem:s24+$0x740] =	vst.add.f32.msk $0xffff, v0  }
0x34: {  	[tilespmem:s24+$0x750] =	vst.add.f32.msk $0xffff, v5  }
0x35: {  	[tilespmem:s24+$0x760] =	vst.add.f32.msk $0xffff, v6;
	s24 =	sshra.s32 s23, $0x2;
	s23 =	sadd.s32 $0x200, s23  }
0x36: {  	v0 =	vld [tilespmem:s24+$0x5770]  }
0x37: {  	v1 =	vld [tilespmem:s24+$0x5700]  }
0x38: {  	v2 =	vld [tilespmem:s24+$0x5710]  }
0x39: {  	v3 =	vld [tilespmem:s24+$0x5720]  }
0x3a: {  	v4 =	vld [tilespmem:s24+$0x5730]  }
0x3b: {  	v63 =	vld [tilespmem:s24+$0x5740]  }
0x3c: {  	v5 =	vld [tilespmem:s24+$0x5750]  }
0x3d: {  	v6 =	vld [tilespmem:s24+$0x5760]  }
0x3e: {  	[tilespmem:s24+$0x770] =	vst.add.f32.msk $0xffff, v0  }
0x3f: {  	[tilespmem:s24+$0x700] =	vst.add.f32.msk $0xffff, v1  }
0x40: {  	[tilespmem:s24+$0x710] =	vst.add.f32.msk $0xffff, v2  }
0x41: {  	s23 =	smul.u32 $0xA0, s22;
	[tilespmem:s24+$0x720] =	vst.add.f32.msk $0xffff, v3  }
0x42: {  	[tilespmem:s24+$0x730] =	vst.add.f32.msk $0xffff, v4  }
0x43: {  	s25 =	sadd.s32 s4, s23;
	[tilespmem:s24+$0x740] =	vst.add.f32.msk $0xffff, v63  }
0x44: {  	s25 =	sshll.u32 s25, $0x4;
	[tilespmem:s24+$0x750] =	vst.add.f32.msk $0xffff, v5  }
0x45: {  	s31 =	sadd.s32 s2, s25;
	[tilespmem:s24+$0x760] =	vst.add.f32.msk $0xffff, v6  }
0x46: {  	[hbm4b:s31+s3] =	stream.linear.scatter [tilespmem:s14], [sflag:$0x3], $0x2800, $0x38;
	[tilespmem:$0xA700] =	vst v63  }
0x47: {  	p0 =	seq.s32 s22, $0x4;
	_ =	swait.ge [sflag:s11], $0x2800  }
0x48: {  	s26 =	simm.s32 @!p0 $0x700;
	[sflag:s11] =	ssyncset.done $0x0  }
0x49: {  	s25 =	simm.s32 @!p0 $0x50;
	s24 =	sadd.s32 @!p0 $0xA0, s23;
	[sflag:s11] =	ssyncadd.s32 $0xFFFFD800  }
0x4a: {  	[tilespmem:s26], [sflag:$0x1] =	stream.indirect.gather @!p0 [hbm4b:s5+s25], $0x80, s24, s25, $0xb8;
	[tilespmem:$0xA700] =	vst v63  }
0x4b: {  	s24 =	sadd.s32 @!p0 $0x420, s23;
	s26 =	simm.s32 @!p0 $0x5700  }
0x4c: {  	[tilespmem:s26], [sflag:$0x1] =	stream.indirect.gather @!p0 [hbm4b:s6+s25], $0x80, s24, s25, $0xb8;
	[tilespmem:$0xA700] =	vst v63  }
0x4d: {  	_ =	swait.ge [sflag:s20], $0x2800  }
0x4e: {  	[sflag:s20] =	ssyncset.done $0x0  }
0x4f: {  	[sflag:s20] =	ssyncadd.s32 $0xFFFFD800  }
0x50: {  	_ =	swait.ge [sflag:s20], $0x2800  }
0x51: {  	[sflag:s20] =	ssyncset.done $0x0  }
0x52: {  	s24 =	simm.s32 $0x0;
	s25 =	simm.s32 $0x200;
	[sflag:s20] =	ssyncadd.s32 $0xFFFFD800  }
.LBB2_5:
0x53: {  	p1 =	sne.s32 s25, $0x9E00;
	v0 =	vld [tilespmem:s24+$0x7F70]  }
0x54: {  	v1 =	vld [tilespmem:s24+$0x7F00]  }
0x55: {  	v2 =	vld [tilespmem:s24+$0x7F10]  }
0x56: {  	v3 =	vld [tilespmem:s24+$0x7F20]  }
0x57: {  	v4 =	vld [tilespmem:s24+$0x7F30]  }
0x58: {  	[tilespmem:s24+$0x2F70] =	vst.add.f32.msk $0xffff, v0  }
0x59: {  	v0 =	vld [tilespmem:s24+$0x7F40]  }
0x5a: {  	v5 =	vld [tilespmem:s24+$0x7F50]  }
0x5b: {  	v6 =	vld [tilespmem:s24+$0x7F60]  }
0x5c: {  	[tilespmem:s24+$0x2F00] =	vst.add.f32.msk $0xffff, v1  }
0x5d: {  	[tilespmem:s24+$0x2F10] =	vst.add.f32.msk $0xffff, v2  }
.Ltmp3:
0x5e: {  	[tilespmem:s24+$0x2F20] =	vst.add.f32.msk $0xffff, v3;
	(pc) =	sbr.rel @p1 .LBB2_5-.Ltmp3, $4  }
0x5f: {  	[tilespmem:s24+$0x2F30] =	vst.add.f32.msk $0xffff, v4  }
0x60: {  	[tilespmem:s24+$0x2F40] =	vst.add.f32.msk $0xffff, v0  }
0x61: {  	[tilespmem:s24+$0x2F50] =	vst.add.f32.msk $0xffff, v5  }
0x62: {  	[tilespmem:s24+$0x2F60] =	vst.add.f32.msk $0xffff, v6;
	s24 =	sshra.s32 s25, $0x2;
	s25 =	sadd.s32 $0x200, s25  }
0x63: {  	v0 =	vld [tilespmem:s24+$0x7F70]  }
0x64: {  	v1 =	vld [tilespmem:s24+$0x7F00]  }
0x65: {  	v2 =	vld [tilespmem:s24+$0x7F10]  }
0x66: {  	v3 =	vld [tilespmem:s24+$0x7F20]  }
0x67: {  	v4 =	vld [tilespmem:s24+$0x7F30]  }
0x68: {  	v63 =	vld [tilespmem:s24+$0x7F40]  }
0x69: {  	v5 =	vld [tilespmem:s24+$0x7F50]  }
0x6a: {  	v6 =	vld [tilespmem:s24+$0x7F60]  }
0x6b: {  	[tilespmem:s24+$0x2F70] =	vst.add.f32.msk $0xffff, v0  }
0x6c: {  	[tilespmem:s24+$0x2F00] =	vst.add.f32.msk $0xffff, v1  }
0x6d: {  	[tilespmem:s24+$0x2F10] =	vst.add.f32.msk $0xffff, v2  }
0x6e: {  	[tilespmem:s24+$0x2F20] =	vst.add.f32.msk $0xffff, v3  }
0x6f: {  	[tilespmem:s24+$0x2F30] =	vst.add.f32.msk $0xffff, v4  }
0x70: {  	s25 =	sadd.s32 s23, s9;
	[tilespmem:s24+$0x2F40] =	vst.add.f32.msk $0xffff, v63  }
0x71: {  	s25 =	sshll.u32 s25, $0x4;
	[tilespmem:s24+$0x2F50] =	vst.add.f32.msk $0xffff, v5  }
.Ltmp4:
0x72: {  	s31 =	sadd.s32 s2, s25;
	[tilespmem:s24+$0x2F60] =	vst.add.f32.msk $0xffff, v6;
	(pc) =	sbr.rel @p0 .LBB2_8-.Ltmp4, $4  }
0x73: {  	[hbm4b:s31+s3] =	stream.linear.scatter [tilespmem:s16], [sflag:$0x3], $0x2800, $0x38;
	[tilespmem:$0xA700] =	vst v63  }
0x74: {  	_ =	swait.ge [sflag:s11], $0x2800  }
0x75: {  	[sflag:s11] =	ssyncset.done $0x0  }
0x76: {  	[sflag:s11] =	ssyncadd.s32 $0xFFFFD800  }
.Ltmp5:
0x77: {  	(pc) =	sbr.rel .LBB2_2-.Ltmp5, $4  }
0x78: {  	s24 =	sadd.s32 $0xF0, s23  }
0x79: {  	[tilespmem:s16], [sflag:$0x2] =	stream.indirect.gather [hbm4b:s5+s13], $0x80, s24, s13, $0xb8;
	[tilespmem:$0xA700] =	vst v63  }
0x7a: {  	s31 =	sadd.s32 $0x470, s23;
	s22 =	sadd.s32 $0x1, s22  }
0x7b: {  	[tilespmem:s18], [sflag:$0x2] =	stream.indirect.gather [hbm4b:s6+s13], $0x80, s31, s13, $0xb8;
	[tilespmem:$0xA700] =	vst v63  }
.LBB2_9:
0x7c: {  	_ =	sfence.sel $0x180000  }
0x7d: {  	[bflag:$0x0] =	sbarrier.arrive $0xFFFF  }
0x7e: {  	p0 =	sne.s32 s0, $0x0;
	_ =	strace $0x90000047  }
0x7f: {  	s0 =	sadd.s32 @!p0 $0x100000, s1;
	[bflag:$0x2] =	sbarrier.arrive $0xFFFF  }
0x80: {  	[sflag:s0] =	ssyncadd.tile.s32 @!p0 $0x1;
	_ =	shalt  }
.Lfunc_end2:
_tile_overlayer_lowered:
.L_overlay_start_2:
0x81: {  	(tag) =	ssettag $0x2  }
0x82: {  	s0 =	rddreg [dreg:$0x0];
	s2 =	stileid.u32  }
0x83: {  	s1 =	rddreg [dreg:$0x1];
	p0 =	sne.s32 s2, $0x0  }
0x84: {  	s3 =	rddreg [dreg:$0x2];
	[bflag:$0x3] =	sbarrier.arrive $0xFFFF;
	s2 =	simm.s32 @!p0 $0x1C03  }
0x85: {  	[timem:s3], [sflag:s2] =	dma.local @!p0 [hbm:s0], s1  }
0x86: {  	s0 =	simm.s32 @!p0 $0x3  }
0x87: {  	_ =	swait.ge @!p0 [sflag:s0], s1  }
0x88: {  	s1 =	ssub.s32 @!p0 $0x0, s1;
	[sflag:s0] =	ssyncset.done @!p0 $0x0  }
0x89: {  	[sflag:s0] =	ssyncadd.s32 @!p0 s1  }
0x8a: {  	[bflag:$0x3] =	sbarrier.arrive $0xFFFF  }
0x8b: {  	_ =	shalt  }

// kernel: kernel.18.cloned.1.call-start
scs
__scs_entry_jumppad:
0x0: {  	(pc) =	sbr.rel $0x88, $3  }
0x1: {  	(tag) =	ssettag $0x0;
	lr =	simm.s32 $0x1  }
0x2: {  	[smem:$0x3F9A] =	sst lr;
	_ =	strace $0xD0000000  }
0x3: {  	_ = 	snop  }
0x4: {  	_ = 	snop  }
0x5: {  	_ = 	snop  }
0x6: {  	_ = 	snop  }
0x7: {  	_ = 	snop  }
__scs_overlays_trampoline_lowered:
0x8: {  	[smem:$0x3FA9] =	sst s0  }
0x9: {  	[smem:$0x3FAA] =	sst s1  }
0xa: {  	[smem:$0x3FAB] =	sst s2  }
0xb: {  	[smem:$0x3FAC] =	sst s3  }
0xc: {  	[smem:$0x3FAD] =	sst s4  }
0xd: {  	[smem:$0x3FAE] =	sst s5  }
0xe: {  	[smem:$0x3FAF] =	sst s6  }
0xf: {  	[smem:$0x3FB0] =	sst s7  }
0x10: {  	[smem:$0x3FB1] =	sst s8  }
0x11: {  	[smem:$0x3FB2] =	sst s9;
	s0 =	simm.s32 @!p0 $0x0  }
0x12: {  	s1 =	sld [smem:$0x3F98];
	s0 =	simm.s32 @p0 $0x1  }
0x13: {  	[smem:$0x3FB3] =	sst s0;
	s0 =	simm.s32 @!p1 $0x0  }
0x14: {  	s2 =	sld [smem:$0x3F97];
	s0 =	simm.s32 @p1 $0x1  }
0x15: {  	[smem:$0x3FB4] =	sst s0;
	s0 =	simm.s32 @!p2 $0x0  }
0x16: {  	s3 =	sld [smem:$0x3FDB];
	s0 =	simm.s32 @p2 $0x1  }
0x17: {  	s4 =	simm.s32 $0x1BF5;
	[smem:$0x3FB6] =	sst s0  }
0x18: {  	s0 =	sld [smem:$0x3F99];
	_ =	swait.ge [sflag:s4], $0x0  }
0x19: {  	s7 =	sld [smem:$0x3F9A]  }
0x1a: {  	s8 =	sadd.s32 $0xFFFFE003, lr  }
0x1b: {  	s9 =	sadd.s32 $0xFFFFFEF7, lr;
	s5 =	simm.s32 $0xFFFFFFFF;
	p2 =	slt.u32 s8, $0xFFFFF086  }
0x1c: {  	p1 =	slt.u32 s9, $0xF7A;
	s5 =	simm.s32 @!p2 $0x0  }
0x1d: {  	s5 =	simm.s32 @p1 $0x1;
	p0 =	seq.s32 s7, s2  }
0x1e: {  	s7 =	smul.u32 @!p0 $0xF7A, s2;
	p2 =	seq.s32 @!p0 s5, $0x0  }
0x1f: {  	s9 =	smul.u32 $0xF7A, s1;
	s8 =	simm.s32 @!p0 $0x1BF5;
	p2 =	por !p2, p0  }
0x20: {  	[sflag:s8] =	ssyncset.s32 @!p0 $0xFFFFF086;
	s6 =	sadd.s32 @!p0 s3, s7;
	s7 =	simm.s32 @!p0 $0x108  }
0x21: {  	s3 =	sadd.s32 s3, s9;
	s6 =	sadd.s32 @!p0 $0x88, s6;
	s7 =	simm.s32 @p2 $0x1082  }
0x22: {  	[simem:s7], [sflag:s8] =	dma.local @!p0 [hbm:s6], $0xF7A  }
0x23: {  	s9 =	sor.u32 $0xD0000000, s2;
	s6 =	simm.s32 $0x108;
	_ =	swait.ge @!p0 [sflag:s8], $0x0  }
0x24: {  	s3 =	sadd.s32 $0x88, s3;
	s6 =	simm.s32 @!p1 $0x1082;
	[sflag:s4] =	ssyncset.s32 $0xFFFFF086  }
0x25: {  	[simem:s6], [sflag:s4] =	dma.local [hbm:s3], $0xF7A  }
0x26: {  	[smem:$0x3F9A] =	sst s1;
	(tag) =	ssettag s2;
	_ =	strace s9  }
0x27: {  	s1 =	sld [smem:$0x3FAA]  }
0x28: {  	s2 =	sld [smem:$0x3FAB]  }
0x29: {  	s4 =	sld [smem:$0x3FAD]  }
0x2a: {  	p0 =	seq.s32 s5, $0x0;
	s5 =	sld [smem:$0x3FAE]  }
0x2b: {  	s6 =	sld [smem:$0x3FAF]  }
0x2c: {  	s7 =	sld [smem:$0x3FB0]  }
0x2d: {  	s3 =	simm.s32 $0x108;
	s8 =	sld [smem:$0x3FB1]  }
0x2e: {  	s3 =	simm.s32 @!p0 $0x1082;
	s9 =	sld [smem:$0x3FB2]  }
0x2f: {  	lr =	sadd.s32 s0, s3;
	s0 =	sld [smem:$0x3FA9]  }
0x30: {  	s3 =	sld [smem:$0x3FAC]  }
0x31: {  	[smem:$0x3FB5] =	sst s10  }
0x32: {  	s10 =	sld [smem:$0x3FB3];
	_ =	sdelay $0x3  }
0x33: {  	p0 =	seq.s32 s10, $0x1;
	s10 =	sld [smem:$0x3FB5];
	_ =	sdelay $0x3  }
0x34: {  	[smem:$0x3FB5] =	sst s10  }
0x35: {  	s10 =	sld [smem:$0x3FB4];
	_ =	sdelay $0x3  }
0x36: {  	p1 =	seq.s32 s10, $0x1;
	s10 =	sld [smem:$0x3FB5];
	_ =	sdelay $0x3  }
0x37: {  	[smem:$0x3FB5] =	sst s10  }
0x38: {  	s10 =	sld [smem:$0x3FB6]  }
0x39: {  	_ = 	snop;
	(pc) =	sbr.ind lr, $3  }
0x3a: {  	_ = 	snop  }
0x3b: {  	_ = 	snop  }
0x3c: {  	p2 =	seq.s32 s10, $0x1;
	s10 =	sld [smem:$0x3FB5]  }
0x3d: {  	_ =	shalt  }
0x3e: {  	_ =	shalt  }
0x3f: {  	_ =	shalt  }
0x40: {  	_ =	shalt  }
0x41: {  	_ =	shalt  }
0x42: {  	_ =	shalt  }
0x43: {  	_ =	shalt  }
0x44: {  	_ =	shalt  }
0x45: {  	_ =	shalt  }
0x46: {  	_ =	shalt  }
0x47: {  	_ =	shalt  }
0x48: {  	_ =	shalt  }
0x49: {  	_ =	shalt  }
0x4a: {  	_ =	shalt  }
0x4b: {  	_ =	shalt  }
0x4c: {  	_ =	shalt  }
0x4d: {  	_ =	shalt  }
0x4e: {  	_ =	shalt  }
0x4f: {  	_ =	shalt  }
0x50: {  	_ =	shalt  }
0x51: {  	_ =	shalt  }
0x52: {  	_ =	shalt  }
0x53: {  	_ =	shalt  }
0x54: {  	_ =	shalt  }
0x55: {  	_ =	shalt  }
0x56: {  	_ =	shalt  }
0x57: {  	_ =	shalt  }
0x58: {  	_ =	shalt  }
0x59: {  	_ =	shalt  }
0x5a: {  	_ =	shalt  }
0x5b: {  	_ =	shalt  }
0x5c: {  	_ =	shalt  }
0x5d: {  	_ =	shalt  }
0x5e: {  	_ =	shalt  }
0x5f: {  	_ =	shalt  }
0x60: {  	_ =	shalt  }
0x61: {  	_ =	shalt  }
0x62: {  	_ =	shalt  }
0x63: {  	_ =	shalt  }
0x64: {  	_ =	shalt  }
0x65: {  	_ =	shalt  }
0x66: {  	_ =	shalt  }
0x67: {  	_ =	shalt  }
0x68: {  	_ =	shalt  }
0x69: {  	_ =	shalt  }
0x6a: {  	_ =	shalt  }
0x6b: {  	_ =	shalt  }
0x6c: {  	_ =	shalt  }
0x6d: {  	_ =	shalt  }
0x6e: {  	_ =	shalt  }
0x6f: {  	_ =	shalt  }
0x70: {  	_ =	shalt  }
0x71: {  	_ =	shalt  }
0x72: {  	_ =	shalt  }
0x73: {  	_ =	shalt  }
0x74: {  	_ =	shalt  }
0x75: {  	_ =	shalt  }
0x76: {  	_ =	shalt  }
0x77: {  	_ =	shalt  }
0x78: {  	_ =	shalt  }
0x79: {  	_ =	shalt  }
0x7a: {  	_ =	shalt  }
0x7b: {  	_ =	shalt  }
0x7c: {  	_ =	shalt  }
0x7d: {  	_ =	shalt  }
0x7e: {  	_ =	shalt  }
0x7f: {  	_ =	shalt  }
0x80: {  	_ =	shalt  }
0x81: {  	_ =	shalt  }
0x82: {  	_ =	shalt  }
0x83: {  	_ =	shalt  }
0x84: {  	_ =	shalt  }
0x85: {  	_ =	shalt  }
0x86: {  	_ =	shalt  }
0x87: {  	_ =	shalt  }
.Lfunc_end0:
.L_simem_size_0:
called_computation.1_lowered:
.L_overlay_start_0:
0x88: {  	s2 =	sld [smem:$0x3FD9]  }
0x89: {  	s3 =	sld [smem:$0x3FFE];
	_ =	sdelay $0x1  }
0x8a: {  	s1 =	srdreg.scid  }
0x8b: {  	s0 =	sand.u32 $0x1, s1  }
0x8c: {  	s17 =	sshll.u32 s0, $0xA;
	s2 =	sadd.s32 s3, s2  }
0x8d: {  	s2 =	sadd.s32 s2, s17  }
0x8e: {  	[smem:$0x3FC1] =	sst s2  }
0x8f: {  	_ = 	snop  }
0x90: {  	(tm) =	ssettm $0x1  }
0x91: {  	s18 =	sld [smem:$0x3FFB];
	_ =	sdelay $0x3  }
0x92: {  	_ =	strace s18  }
0x93: {  	s2 =	sld [smem:$0x3FFC];
	_ =	sdelay $0x3  }
0x94: {  	_ =	strace s2  }
0x95: {  	s2 =	sld [smem:$0x3FFD];
	_ =	sdelay $0x3  }
0x96: {  	_ =	strace s2  }
0x97: {  	_ =	strace $0x8FFFFFFF  }
0x98: {  	s19 =	sld [smem:$0x3FDB];
	_ =	sdelay $0x1  }
0x99: {  	s20 =	simm.s32 $_scs_section_size  }
0x9a: {  	s4 =	simm.s32 $_size__tile_overlayer_lowered;
	s5 =	simm.s32 $_tile_overlayer_lowered  }
0x9b: {  	s6 =	simm.s32 $0x1BFF;
	s21 =	sshll.u32 s5, $0x1;
	s3 =	sadd.s32 s20, s19  }
0x9c: {  	s22 =	simm.s32 $0x0;
	s4 =	sshll.u32 s4, $0x1;
	s5 =	sadd.s32 s21, s3  }
0x9d: {  	[timem:s22], [sflag:s6] =	dma.local [hbm:s5], s4  }
0x9e: {  	_ =	swait.ge [sflag:s6], s4  }
0x9f: {  	s4 =	ssub.s32 $0x0, s4;
	[sflag:s6] =	ssyncset.done $0x0  }
0xa0: {  	[sflag:s6] =	ssyncadd.s32 s4;
	_ =	sdelay $0x1  }
0xa1: {  	s23 =	simm.s32 $0x1B8B  }
0xa2: {  	_ =	swait.ge [sflag:s23], $0x1  }
0xa3: {  	[sflag:s23] =	ssyncset.done $0x0  }
0xa4: {  	[sflag:s23] =	ssyncadd.s32 $0xFFFFFFFF  }
0xa5: {  	s4 =	sld [smem:$0x0]  }
0xa6: {  	s5 =	sand.u32 $0xFFFFFFFE, s1  }
0xa7: {  	p0 =	sne.s32 s1, s5  }
0xa8: {  	s5 =	sshll.u32 @p0 s5, $0xE  }
0xa9: {  	s5 =	sadd.s32 @p0 $0x11B8D, s5;
	s6 =	sshll.u32 @p0 s4, $0x11  }
0xaa: {  	s5 =	sor.u32 @p0 s6, s5  }
0xab: {  	[sflag:s5] =	ssyncadd.remote.s32 @p0 $0x1;
	_ =	sdelay $0x1  }
0xac: {  	s5 =	simm.s32 @p0 $0x1B8D  }
0xad: {  	_ =	swait.eq @p0 [sflag:s5], $0x1  }
0xae: {  	[sflag:s5] =	ssyncadd.s32 @p0 $0xFFFFFFFF  }
0xaf: {  	s6 =	sshll.u32 @!p0 s1, $0xE  }
0xb0: {  	s6 =	sor.u32 @!p0 $0x4000, s6;
	s5 =	simm.s32 @!p0 $0x1B8D  }
0xb1: {  	s4 =	sshll.u32 @!p0 s4, $0x11;
	s6 =	sadd.s32 @!p0 $0x11B8D, s6;
	_ =	swait.eq @!p0 [sflag:s5], $0x1  }
0xb2: {  	s4 =	sor.u32 @!p0 s4, s6;
	[sflag:s5] =	ssyncadd.s32 @!p0 $0xFFFFFFFF  }
0xb3: {  	s25 =	simm.s32 $0x1B8E;
	s24 =	sld [smem:$0x3FFE];
	[sflag:s4] =	ssyncadd.remote.s32 @!p0 $0x1  }
0xb4: {  	s26 =	simm.s32 $execute0_lowered;
	[smem:$0x3FD2] =	sst s25  }
0xb5: {  	s5 =	sshll.u32 s26, $0x1;
	_ =	strace $0x80000049;
	[dreg:$0x1] =	wrdreg $0xFFFFFFFF  }
0xb6: {  	s28 =	simm.s32 $_size_execute0_lowered;
	s3 =	sadd.s32 s3, s5;
	[dreg:$0x0] =	wrdreg $0x0  }
0xb7: {  	s5 =	sshll.u32 s28, $0x1;
	[dreg:$0x2] =	wrdreg s3  }
0xb8: {  	[dreg:$0x3] =	wrdreg s5  }
0xb9: {  	[dreg:$0x4] =	wrdreg $0xC0  }
0xba: {  	_ =	task [dreg:s22], $0x5FFFF  }
0xbb: {  	[dreg:$0x1] =	wrdreg $0xFFFFFFFF  }
0xbc: {  	[dreg:$0x0] =	wrdreg $0x60  }
0xbd: {  	[dreg:$0x2] =	wrdreg s24  }
0xbe: {  	[dreg:$0x3] =	wrdreg $0xA  }
0xbf: {  	_ =	task.clear_ibuf [dreg:s22], $0x4FFFF;
	_ =	strace $0x90000049  }
0xc0: {  	s29 =	simm.s32 $0xA;
	_ =	strace $0x8000004B  }
0xc1: {  	_ =	swait.ge [sflag:s29], $0x1  }
0xc2: {  	[sflag:s29] =	ssyncadd.s32 $0xFFFFFFFF  }
0xc3: {  	_ =	strace $0x9000004B  }
0xc4: {  	_ =	sfence  }
0xc5: {  	s30 =	sld [smem:$0x0];
	_ =	sdelay $0x2  }
0xc6: {  	s31 =	sshll.u32 s1, $0xD;
	s1 =	sshrl.u32 s1, $0x2  }
0xc7: {  	s4 =	sand.u32 $0x4000, s31;
	s1 =	sadd.s32 s1, s30  }
0xc8: {  	s0 =	sor.u32 s4, s0;
	s1 =	sshll.u32 s1, $0x11  }
0xc9: {  	s0 =	sor.u32 s1, s0  }
0xca: {  	s0 =	sadd.s32 $0x8F2B, s0  }
0xcb: {  	[sflag:s0] =	ssyncadd.remote.s32 $0x1  }
0xcc: {  	_ =	sfence.sel $0xFFFF  }
0xcd: {  	[dreg:$0x0] =	wrdreg $0xFFFFFFFF;
	(pc) =	sbr.abs _section_cstart, $3  }
0xce: {  	[dreg:$0x1] =	wrdreg $0xFFFFFFFF  }
0xcf: {  	_ =	task.clear_ibuf [dreg:s22], $0x2FFFF;
	_ =	strace $0x9FFFFFFF  }
0xd0: {  	(tm) =	ssettm $0x7FFFFFFF  }
0xd1: {  	_ =	shalt  }
tec
execute0_lowered:
.L_overlay_start_1:
0x0: {  	(tag) =	ssettag $0x1  }
0x1: {  	s1 =	srdreg.scid;
	s0 =	stileid.u32  }
0x2: {  	s6 =	rddreg [dreg:$0x0];
	s2 =	simm.s32 $0x0;
	s12 =	simm.s32 $0x3  }
0x3: {  	s13 =	simm.s32 $0x800;
	s14 =	simm.s32 $0x50;
	s15 =	simm.s32 $0x1000  }
0x4: {  	s16 =	simm.s32 $0x6000;
	s17 =	simm.s32 $0x3800;
	s18 =	simm.s32 $0x850  }
0x5: {  	s19 =	simm.s32 $0x8800;
	s20 =	simm.s32 $0x1;
	s21 =	simm.s32 $0x2  }
0x6: {  	s7 =	sand.u32 $0x1, s1;
	s3 =	sshll.u32 s0, $0x1;
	s1 =	rddreg [dreg:$0x1]  }
0x7: {  	s22 =	simm.s32 $0x0;
	[smem:$0x7FF] =	sst s2;
	s5 =	sor.u32 s7, s3  }
0x8: {  	s4 =	sadd.s32 $0x5200, s6;
	s7 =	ssub.s32 $0x2, s7;
	s3 =	smul.u32 $0x7D0, s5  }
0x9: {  	_ =	strace $0x8000004A;
	s9 =	smul.u32 $0x3E800, s5;
	s10 =	sshrl.u32 s7, $0x1  }
0xa: {  	s5 =	sadd.s32 $0x2C400, s6;
	s11 =	ssub.s32 s7, s10;
	s8 =	sshrl.u32 s3, $0x3  }
0xb: {  	s9 =	sshrl.u32 s9, $0x3;
	s8 =	sadd.s32 s8, s6;
	s6 =	sadd.s32 $0x63600, s6  }
0xc: {  	s11 =	smax.u32 s11, $0x1;
	s7 =	sadd.s32 $0x55600, s8;
	s31 =	sadd.s32 s6, s9  }
0xd: {  	s8 =	sadd.s32 $0x53600, s8;
	s9 =	sadd.s32 $0x50, s3;
	s10 =	sadd.s32 $0x7800, s31  }
.LBB2_1:
0xe: {  	[tilespmem:s2], [sflag:$0x3] =	stream.linear.gather [hbm4b:s7+s2], $0x7D0, $0x38;
	[tilespmem:$0xB000] =	vst v63  }
0xf: {  	_ =	swait.ge [sflag:s12], $0x7D0  }
0x10: {  	[sflag:s12] =	ssyncset.done $0x0  }
0x11: {  	[sflag:s12] =	ssyncadd.s32 $0xFFFFF830  }
0x12: {  	[tilespmem:s13], [sflag:$0x3] =	stream.linear.gather [hbm4b:s8+s2], $0x7D0, $0x38;
	[tilespmem:$0xB000] =	vst v63  }
0x13: {  	_ =	swait.ge [sflag:s12], $0x7D0  }
0x14: {  	[sflag:s12] =	ssyncset.done $0x0  }
0x15: {  	[sflag:s12] =	ssyncadd.s32 $0xFFFFF830  }
0x16: {  	[tilespmem:s15], [sflag:$0x1] =	stream.indirect.gather [hbm4b:s4+s14], $0x80, s2, s14, $0xb8;
	[tilespmem:$0xB000] =	vst v63  }
0x17: {  	_ = 	snop  }
0x18: {  	[tilespmem:s16], [sflag:$0x1] =	stream.indirect.gather [hbm4b:s5+s14], $0x80, s13, s14, $0xb8;
	[tilespmem:$0xB000] =	vst v63  }
0x19: {  	_ = 	snop  }
0x1a: {  	[tilespmem:s17], [sflag:$0x2] =	stream.indirect.gather [hbm4b:s4+s14], $0x80, s14, s14, $0xb8;
	[tilespmem:$0xB000] =	vst v63  }
0x1b: {  	s23 =	simm.s32 $0x0  }
0x1c: {  	[tilespmem:s19], [sflag:$0x2] =	stream.indirect.gather [hbm4b:s5+s14], $0x80, s18, s14, $0xb8;
	[tilespmem:$0xB000] =	vst v63  }
.LBB2_2:
0x1d: {  	_ =	swait.ge [sflag:s20], $0x2800  }
0x1e: {  	[sflag:s20] =	ssyncset.done $0x0  }
0x1f: {  	[sflag:s20] =	ssyncadd.s32 $0xFFFFD800  }
0x20: {  	_ =	swait.ge [sflag:s20], $0x2800  }
0x21: {  	[sflag:s20] =	ssyncset.done $0x0  }
0x22: {  	s25 =	simm.s32 $0x0;
	s24 =	simm.s32 $0x200;
	[sflag:s20] =	ssyncadd.s32 $0xFFFFD800  }
.LBB2_3:
0x23: {  	p0 =	sne.s32 s24, $0x9E00;
	v0 =	vld [tilespmem:s25+$0x6070]  }
0x24: {  	v1 =	vld [tilespmem:s25+$0x6000]  }
0x25: {  	v2 =	vld [tilespmem:s25+$0x6010]  }
0x26: {  	v3 =	vld [tilespmem:s25+$0x6020]  }
0x27: {  	v4 =	vld [tilespmem:s25+$0x6030]  }
0x28: {  	[tilespmem:s25+$0x1070] =	vst.add.f32.msk $0xffff, v0  }
0x29: {  	v0 =	vld [tilespmem:s25+$0x6040]  }
0x2a: {  	v5 =	vld [tilespmem:s25+$0x6050]  }
0x2b: {  	v6 =	vld [tilespmem:s25+$0x6060]  }
0x2c: {  	[tilespmem:s25+$0x1000] =	vst.add.f32.msk $0xffff, v1  }
0x2d: {  	[tilespmem:s25+$0x1010] =	vst.add.f32.msk $0xffff, v2  }
.Ltmp0:
0x2e: {  	[tilespmem:s25+$0x1020] =	vst.add.f32.msk $0xffff, v3;
	(pc) =	sbr.rel @p0 .LBB2_3-.Ltmp0, $4  }
0x2f: {  	[tilespmem:s25+$0x1030] =	vst.add.f32.msk $0xffff, v4  }
0x30: {  	[tilespmem:s25+$0x1040] =	vst.add.f32.msk $0xffff, v0  }
0x31: {  	[tilespmem:s25+$0x1050] =	vst.add.f32.msk $0xffff, v5  }
0x32: {  	[tilespmem:s25+$0x1060] =	vst.add.f32.msk $0xffff, v6;
	s25 =	sshra.s32 s24, $0x2;
	s24 =	sadd.s32 $0x200, s24  }
0x33: {  	v0 =	vld [tilespmem:s25+$0x6070]  }
0x34: {  	v1 =	vld [tilespmem:s25+$0x6000]  }
0x35: {  	v2 =	vld [tilespmem:s25+$0x6010]  }
0x36: {  	v3 =	vld [tilespmem:s25+$0x6020]  }
0x37: {  	v4 =	vld [tilespmem:s25+$0x6030]  }
0x38: {  	v63 =	vld [tilespmem:s25+$0x6040]  }
0x39: {  	v5 =	vld [tilespmem:s25+$0x6050]  }
0x3a: {  	v6 =	vld [tilespmem:s25+$0x6060]  }
0x3b: {  	[tilespmem:s25+$0x1070] =	vst.add.f32.msk $0xffff, v0  }
0x3c: {  	[tilespmem:s25+$0x1000] =	vst.add.f32.msk $0xffff, v1  }
0x3d: {  	[tilespmem:s25+$0x1010] =	vst.add.f32.msk $0xffff, v2  }
0x3e: {  	s24 =	smul.u32 $0xA0, s23;
	[tilespmem:s25+$0x1020] =	vst.add.f32.msk $0xffff, v3  }
0x3f: {  	[tilespmem:s25+$0x1030] =	vst.add.f32.msk $0xffff, v4  }
0x40: {  	s26 =	sadd.s32 s3, s24;
	[tilespmem:s25+$0x1040] =	vst.add.f32.msk $0xffff, v63  }
0x41: {  	s26 =	sshll.u32 s26, $0x4;
	[tilespmem:s25+$0x1050] =	vst.add.f32.msk $0xffff, v5  }
0x42: {  	s29 =	simm.s32 $0x0;
	s28 =	sadd.s32 s6, s26;
	[tilespmem:s25+$0x1060] =	vst.add.f32.msk $0xffff, v6  }
0x43: {  	[hbm4b:s28+s29] =	stream.linear.scatter [tilespmem:s15], [sflag:$0x3], $0x2800, $0x38;
	[tilespmem:$0xB000] =	vst v63  }
0x44: {  	_ =	swait.ge [sflag:s12], $0x2800  }
0x45: {  	[sflag:s12] =	ssyncset.done $0x0  }
0x46: {  	s30 =	sadd.s32 $0xA0, s24;
	[sflag:s12] =	ssyncadd.s32 $0xFFFFD800  }
0x47: {  	[tilespmem:s15], [sflag:$0x1] =	stream.indirect.gather [hbm4b:s4+s14], $0x80, s30, s14, $0xb8;
	[tilespmem:$0xB000] =	vst v63  }
0x48: {  	s31 =	sadd.s32 $0x8A0, s24  }
0x49: {  	[tilespmem:s16], [sflag:$0x1] =	stream.indirect.gather [hbm4b:s5+s14], $0x80, s31, s14, $0xb8;
	[tilespmem:$0xB000] =	vst v63  }
0x4a: {  	_ =	swait.ge [sflag:s21], $0x2800  }
0x4b: {  	[sflag:s21] =	ssyncset.done $0x0  }
0x4c: {  	[sflag:s21] =	ssyncadd.s32 $0xFFFFD800  }
0x4d: {  	_ =	swait.ge [sflag:s21], $0x2800  }
0x4e: {  	[sflag:s21] =	ssyncset.done $0x0  }
0x4f: {  	s26 =	simm.s32 $0x200;
	s25 =	simm.s32 $0x0;
	[sflag:s21] =	ssyncadd.s32 $0xFFFFD800  }
.LBB2_5:
0x50: {  	p0 =	sne.s32 s26, $0x9E00;
	v0 =	vld [tilespmem:s25+$0x8870]  }
0x51: {  	v1 =	vld [tilespmem:s25+$0x8800]  }
0x52: {  	v2 =	vld [tilespmem:s25+$0x8810]  }
0x53: {  	v3 =	vld [tilespmem:s25+$0x8820]  }
0x54: {  	v4 =	vld [tilespmem:s25+$0x8830]  }
0x55: {  	[tilespmem:s25+$0x3870] =	vst.add.f32.msk $0xffff, v0  }
0x56: {  	v0 =	vld [tilespmem:s25+$0x8840]  }
0x57: {  	v5 =	vld [tilespmem:s25+$0x8850]  }
0x58: {  	v6 =	vld [tilespmem:s25+$0x8860]  }
0x59: {  	[tilespmem:s25+$0x3800] =	vst.add.f32.msk $0xffff, v1  }
0x5a: {  	[tilespmem:s25+$0x3810] =	vst.add.f32.msk $0xffff, v2  }
.Ltmp1:
0x5b: {  	[tilespmem:s25+$0x3820] =	vst.add.f32.msk $0xffff, v3;
	(pc) =	sbr.rel @p0 .LBB2_5-.Ltmp1, $4  }
0x5c: {  	[tilespmem:s25+$0x3830] =	vst.add.f32.msk $0xffff, v4  }
0x5d: {  	[tilespmem:s25+$0x3840] =	vst.add.f32.msk $0xffff, v0  }
0x5e: {  	[tilespmem:s25+$0x3850] =	vst.add.f32.msk $0xffff, v5  }
0x5f: {  	[tilespmem:s25+$0x3860] =	vst.add.f32.msk $0xffff, v6;
	s25 =	sshra.s32 s26, $0x2;
	s26 =	sadd.s32 $0x200, s26  }
0x60: {  	v0 =	vld [tilespmem:s25+$0x8870]  }
0x61: {  	v1 =	vld [tilespmem:s25+$0x8800]  }
0x62: {  	v2 =	vld [tilespmem:s25+$0x8810]  }
0x63: {  	v3 =	vld [tilespmem:s25+$0x8820]  }
0x64: {  	v4 =	vld [tilespmem:s25+$0x8830]  }
0x65: {  	v63 =	vld [tilespmem:s25+$0x8840]  }
0x66: {  	v5 =	vld [tilespmem:s25+$0x8850]  }
0x67: {  	v6 =	vld [tilespmem:s25+$0x8860]  }
0x68: {  	[tilespmem:s25+$0x3870] =	vst.add.f32.msk $0xffff, v0  }
0x69: {  	[tilespmem:s25+$0x3800] =	vst.add.f32.msk $0xffff, v1  }
0x6a: {  	[tilespmem:s25+$0x3810] =	vst.add.f32.msk $0xffff, v2  }
0x6b: {  	[tilespmem:s25+$0x3820] =	vst.add.f32.msk $0xffff, v3  }
0x6c: {  	[tilespmem:s25+$0x3830] =	vst.add.f32.msk $0xffff, v4  }
0x6d: {  	s26 =	sadd.s32 s24, s9;
	[tilespmem:s25+$0x3840] =	vst.add.f32.msk $0xffff, v63  }
0x6e: {  	p0 =	seq.s32 s23, $0xB;
	s26 =	sshll.u32 s26, $0x4;
	[tilespmem:s25+$0x3850] =	vst.add.f32.msk $0xffff, v5  }
.Ltmp2:
0x6f: {  	s31 =	sadd.s32 s6, s26;
	[tilespmem:s25+$0x3860] =	vst.add.f32.msk $0xffff, v6;
	(pc) =	sbr.rel @p0 .LBB2_8-.Ltmp2, $4  }
0x70: {  	[hbm4b:s31+s2] =	stream.linear.scatter [tilespmem:s17], [sflag:$0x3], $0x2800, $0x38;
	[tilespmem:$0xB000] =	vst v63  }
0x71: {  	_ =	swait.ge [sflag:s12], $0x2800  }
0x72: {  	[sflag:s12] =	ssyncset.done $0x0  }
0x73: {  	[sflag:s12] =	ssyncadd.s32 $0xFFFFD800  }
.Ltmp3:
0x74: {  	(pc) =	sbr.rel .LBB2_2-.Ltmp3, $4  }
0x75: {  	s25 =	sadd.s32 $0xF0, s24  }
0x76: {  	[tilespmem:s17], [sflag:$0x2] =	stream.indirect.gather [hbm4b:s4+s14], $0x80, s25, s14, $0xb8;
	[tilespmem:$0xB000] =	vst v63  }
0x77: {  	s31 =	sadd.s32 $0x8F0, s24;
	s23 =	sadd.s32 $0x1, s23  }
0x78: {  	[tilespmem:s19], [sflag:$0x2] =	stream.indirect.gather [hbm4b:s5+s14], $0x80, s31, s14, $0xb8;
	[tilespmem:$0xB000] =	vst v63  }
.LBB2_8:
0x79: {  	_ =	swait.ge [sflag:s20], $0x2800  }
0x7a: {  	[sflag:s20] =	ssyncset.done $0x0  }
0x7b: {  	[sflag:s20] =	ssyncadd.s32 $0xFFFFD800  }
0x7c: {  	_ =	swait.ge [sflag:s20], $0x2800  }
0x7d: {  	[sflag:s20] =	ssyncset.done $0x0  }
0x7e: {  	s23 =	simm.s32 $0x0;
	s24 =	simm.s32 $0x200;
	[sflag:s20] =	ssyncadd.s32 $0xFFFFD800  }
.LBB2_9:
0x7f: {  	p0 =	sne.s32 s24, $0x9E00;
	v0 =	vld [tilespmem:s23+$0x6070]  }
0x80: {  	v1 =	vld [tilespmem:s23+$0x6000]  }
0x81: {  	v2 =	vld [tilespmem:s23+$0x6010]  }
0x82: {  	v3 =	vld [tilespmem:s23+$0x6020]  }
0x83: {  	v4 =	vld [tilespmem:s23+$0x6030]  }
0x84: {  	[tilespmem:s23+$0x1070] =	vst.add.f32.msk $0xffff, v0  }
0x85: {  	v0 =	vld [tilespmem:s23+$0x6040]  }
0x86: {  	v5 =	vld [tilespmem:s23+$0x6050]  }
0x87: {  	v6 =	vld [tilespmem:s23+$0x6060]  }
0x88: {  	[tilespmem:s23+$0x1000] =	vst.add.f32.msk $0xffff, v1  }
0x89: {  	[tilespmem:s23+$0x1010] =	vst.add.f32.msk $0xffff, v2  }
.Ltmp4:
0x8a: {  	[tilespmem:s23+$0x1020] =	vst.add.f32.msk $0xffff, v3;
	(pc) =	sbr.rel @p0 .LBB2_9-.Ltmp4, $4  }
0x8b: {  	[tilespmem:s23+$0x1030] =	vst.add.f32.msk $0xffff, v4  }
0x8c: {  	[tilespmem:s23+$0x1040] =	vst.add.f32.msk $0xffff, v0  }
0x8d: {  	[tilespmem:s23+$0x1050] =	vst.add.f32.msk $0xffff, v5  }
0x8e: {  	[tilespmem:s23+$0x1060] =	vst.add.f32.msk $0xffff, v6;
	s23 =	sshra.s32 s24, $0x2;
	s24 =	sadd.s32 $0x200, s24  }
0x8f: {  	v0 =	vld [tilespmem:s23+$0x6070]  }
0x90: {  	v1 =	vld [tilespmem:s23+$0x6000]  }
0x91: {  	v2 =	vld [tilespmem:s23+$0x6010]  }
0x92: {  	v3 =	vld [tilespmem:s23+$0x6020]  }
0x93: {  	v4 =	vld [tilespmem:s23+$0x6030]  }
0x94: {  	v63 =	vld [tilespmem:s23+$0x6040]  }
0x95: {  	v5 =	vld [tilespmem:s23+$0x6050]  }
0x96: {  	v6 =	vld [tilespmem:s23+$0x6060]  }
0x97: {  	[tilespmem:s23+$0x1070] =	vst.add.f32.msk $0xffff, v0  }
0x98: {  	[tilespmem:s23+$0x1000] =	vst.add.f32.msk $0xffff, v1  }
0x99: {  	[tilespmem:s23+$0x1010] =	vst.add.f32.msk $0xffff, v2  }
0x9a: {  	[tilespmem:s23+$0x1020] =	vst.add.f32.msk $0xffff, v3  }
0x9b: {  	[tilespmem:s23+$0x1030] =	vst.add.f32.msk $0xffff, v4  }
0x9c: {  	s22 =	sadd.s32 $0x1, s22;
	[tilespmem:s23+$0x1040] =	vst.add.f32.msk $0xffff, v63  }
0x9d: {  	p0 =	sne.s32 s22, s11;
	[tilespmem:s23+$0x1050] =	vst.add.f32.msk $0xffff, v5  }
.Ltmp5:
0x9e: {  	[tilespmem:s23+$0x1060] =	vst.add.f32.msk $0xffff, v6;
	(pc) =	sbr.rel @p0 .LBB2_1-.Ltmp5, $4  }
0x9f: {  	[hbm4b:s10+s2] =	stream.linear.scatter [tilespmem:s15], [sflag:$0x3], $0x2800, $0x38;
	[tilespmem:$0xB000] =	vst v63  }
0xa0: {  	_ =	swait.ge [sflag:s12], $0x2800  }
0xa1: {  	[sflag:s12] =	ssyncset.done $0x0  }
0xa2: {  	[sflag:s12] =	ssyncadd.s32 $0xFFFFD800  }
0xa3: {  	_ =	sfence.sel $0x180000  }
0xa4: {  	[bflag:$0x0] =	sbarrier.arrive $0xFFFF  }
0xa5: {  	p0 =	sne.s32 s0, $0x0;
	_ =	strace $0x9000004A  }
0xa6: {  	s0 =	sadd.s32 @!p0 $0x100000, s1;
	[bflag:$0x2] =	sbarrier.arrive $0xFFFF  }
0xa7: {  	[sflag:s0] =	ssyncadd.tile.s32 @!p0 $0x1;
	_ =	shalt  }
.Lfunc_end2:
_tile_overlayer_lowered:
.L_overlay_start_2:
0xa8: {  	(tag) =	ssettag $0x2  }
0xa9: {  	s0 =	rddreg [dreg:$0x0];
	s2 =	stileid.u32  }
0xaa: {  	s1 =	rddreg [dreg:$0x1];
	p0 =	sne.s32 s2, $0x0  }
0xab: {  	s3 =	rddreg [dreg:$0x2];
	[bflag:$0x3] =	sbarrier.arrive $0xFFFF;
	s2 =	simm.s32 @!p0 $0x1C03  }
0xac: {  	[timem:s3], [sflag:s2] =	dma.local @!p0 [hbm:s0], s1  }
0xad: {  	s0 =	simm.s32 @!p0 $0x3  }
0xae: {  	_ =	swait.ge @!p0 [sflag:s0], s1  }
0xaf: {  	s1 =	ssub.s32 @!p0 $0x0, s1;
	[sflag:s0] =	ssyncset.done @!p0 $0x0  }
0xb0: {  	[sflag:s0] =	ssyncadd.s32 @!p0 s1  }
0xb1: {  	[bflag:$0x3] =	sbarrier.arrive $0xFFFF  }
0xb2: {  	_ =	shalt  }

// kernel: kernel.21.cloned.1.call-start
scs
__scs_entry_jumppad:
0x0: {  	(pc) =	sbr.rel $0x88, $3  }
0x1: {  	(tag) =	ssettag $0x0;
	lr =	simm.s32 $0x1  }
0x2: {  	[smem:$0x3F9A] =	sst lr;
	_ =	strace $0xD0000000  }
0x3: {  	_ = 	snop  }
0x4: {  	_ = 	snop  }
0x5: {  	_ = 	snop  }
0x6: {  	_ = 	snop  }
0x7: {  	_ = 	snop  }
__scs_overlays_trampoline_lowered:
0x8: {  	[smem:$0x3FA9] =	sst s0  }
0x9: {  	[smem:$0x3FAA] =	sst s1  }
0xa: {  	[smem:$0x3FAB] =	sst s2  }
0xb: {  	[smem:$0x3FAC] =	sst s3  }
0xc: {  	[smem:$0x3FAD] =	sst s4  }
0xd: {  	[smem:$0x3FAE] =	sst s5  }
0xe: {  	[smem:$0x3FAF] =	sst s6  }
0xf: {  	[smem:$0x3FB0] =	sst s7  }
0x10: {  	[smem:$0x3FB1] =	sst s8  }
0x11: {  	[smem:$0x3FB2] =	sst s9;
	s0 =	simm.s32 @!p0 $0x0  }
0x12: {  	s1 =	sld [smem:$0x3F98];
	s0 =	simm.s32 @p0 $0x1  }
0x13: {  	[smem:$0x3FB3] =	sst s0;
	s0 =	simm.s32 @!p1 $0x0  }
0x14: {  	s2 =	sld [smem:$0x3F97];
	s0 =	simm.s32 @p1 $0x1  }
0x15: {  	[smem:$0x3FB4] =	sst s0;
	s0 =	simm.s32 @!p2 $0x0  }
0x16: {  	s3 =	sld [smem:$0x3FDB];
	s0 =	simm.s32 @p2 $0x1  }
0x17: {  	s4 =	simm.s32 $0x1BF5;
	[smem:$0x3FB6] =	sst s0  }
0x18: {  	s0 =	sld [smem:$0x3F99];
	_ =	swait.ge [sflag:s4], $0x0  }
0x19: {  	s7 =	sld [smem:$0x3F9A]  }
0x1a: {  	s8 =	sadd.s32 $0xFFFFE003, lr  }
0x1b: {  	s9 =	sadd.s32 $0xFFFFFEF7, lr;
	s5 =	simm.s32 $0xFFFFFFFF;
	p2 =	slt.u32 s8, $0xFFFFF086  }
0x1c: {  	p1 =	slt.u32 s9, $0xF7A;
	s5 =	simm.s32 @!p2 $0x0  }
0x1d: {  	s5 =	simm.s32 @p1 $0x1;
	p0 =	seq.s32 s7, s2  }
0x1e: {  	s7 =	smul.u32 @!p0 $0xF7A, s2;
	p2 =	seq.s32 @!p0 s5, $0x0  }
0x1f: {  	s9 =	smul.u32 $0xF7A, s1;
	s8 =	simm.s32 @!p0 $0x1BF5;
	p2 =	por !p2, p0  }
0x20: {  	[sflag:s8] =	ssyncset.s32 @!p0 $0xFFFFF086;
	s6 =	sadd.s32 @!p0 s3, s7;
	s7 =	simm.s32 @!p0 $0x108  }
0x21: {  	s3 =	sadd.s32 s3, s9;
	s6 =	sadd.s32 @!p0 $0x88, s6;
	s7 =	simm.s32 @p2 $0x1082  }
0x22: {  	[simem:s7], [sflag:s8] =	dma.local @!p0 [hbm:s6], $0xF7A  }
0x23: {  	s9 =	sor.u32 $0xD0000000, s2;
	s6 =	simm.s32 $0x108;
	_ =	swait.ge @!p0 [sflag:s8], $0x0  }
0x24: {  	s3 =	sadd.s32 $0x88, s3;
	s6 =	simm.s32 @!p1 $0x1082;
	[sflag:s4] =	ssyncset.s32 $0xFFFFF086  }
0x25: {  	[simem:s6], [sflag:s4] =	dma.local [hbm:s3], $0xF7A  }
0x26: {  	[smem:$0x3F9A] =	sst s1;
	(tag) =	ssettag s2;
	_ =	strace s9  }
0x27: {  	s1 =	sld [smem:$0x3FAA]  }
0x28: {  	s2 =	sld [smem:$0x3FAB]  }
0x29: {  	s4 =	sld [smem:$0x3FAD]  }
0x2a: {  	p0 =	seq.s32 s5, $0x0;
	s5 =	sld [smem:$0x3FAE]  }
0x2b: {  	s6 =	sld [smem:$0x3FAF]  }
0x2c: {  	s7 =	sld [smem:$0x3FB0]  }
0x2d: {  	s3 =	simm.s32 $0x108;
	s8 =	sld [smem:$0x3FB1]  }
0x2e: {  	s3 =	simm.s32 @!p0 $0x1082;
	s9 =	sld [smem:$0x3FB2]  }
0x2f: {  	lr =	sadd.s32 s0, s3;
	s0 =	sld [smem:$0x3FA9]  }
0x30: {  	s3 =	sld [smem:$0x3FAC]  }
0x31: {  	[smem:$0x3FB5] =	sst s10  }
0x32: {  	s10 =	sld [smem:$0x3FB3];
	_ =	sdelay $0x3  }
0x33: {  	p0 =	seq.s32 s10, $0x1;
	s10 =	sld [smem:$0x3FB5];
	_ =	sdelay $0x3  }
0x34: {  	[smem:$0x3FB5] =	sst s10  }
0x35: {  	s10 =	sld [smem:$0x3FB4];
	_ =	sdelay $0x3  }
0x36: {  	p1 =	seq.s32 s10, $0x1;
	s10 =	sld [smem:$0x3FB5];
	_ =	sdelay $0x3  }
0x37: {  	[smem:$0x3FB5] =	sst s10  }
0x38: {  	s10 =	sld [smem:$0x3FB6]  }
0x39: {  	_ = 	snop;
	(pc) =	sbr.ind lr, $3  }
0x3a: {  	_ = 	snop  }
0x3b: {  	_ = 	snop  }
0x3c: {  	p2 =	seq.s32 s10, $0x1;
	s10 =	sld [smem:$0x3FB5]  }
0x3d: {  	_ =	shalt  }
0x3e: {  	_ =	shalt  }
0x3f: {  	_ =	shalt  }
0x40: {  	_ =	shalt  }
0x41: {  	_ =	shalt  }
0x42: {  	_ =	shalt  }
0x43: {  	_ =	shalt  }
0x44: {  	_ =	shalt  }
0x45: {  	_ =	shalt  }
0x46: {  	_ =	shalt  }
0x47: {  	_ =	shalt  }
0x48: {  	_ =	shalt  }
0x49: {  	_ =	shalt  }
0x4a: {  	_ =	shalt  }
0x4b: {  	_ =	shalt  }
0x4c: {  	_ =	shalt  }
0x4d: {  	_ =	shalt  }
0x4e: {  	_ =	shalt  }
0x4f: {  	_ =	shalt  }
0x50: {  	_ =	shalt  }
0x51: {  	_ =	shalt  }
0x52: {  	_ =	shalt  }
0x53: {  	_ =	shalt  }
0x54: {  	_ =	shalt  }
0x55: {  	_ =	shalt  }
0x56: {  	_ =	shalt  }
0x57: {  	_ =	shalt  }
0x58: {  	_ =	shalt  }
0x59: {  	_ =	shalt  }
0x5a: {  	_ =	shalt  }
0x5b: {  	_ =	shalt  }
0x5c: {  	_ =	shalt  }
0x5d: {  	_ =	shalt  }
0x5e: {  	_ =	shalt  }
0x5f: {  	_ =	shalt  }
0x60: {  	_ =	shalt  }
0x61: {  	_ =	shalt  }
0x62: {  	_ =	shalt  }
0x63: {  	_ =	shalt  }
0x64: {  	_ =	shalt  }
0x65: {  	_ =	shalt  }
0x66: {  	_ =	shalt  }
0x67: {  	_ =	shalt  }
0x68: {  	_ =	shalt  }
0x69: {  	_ =	shalt  }
0x6a: {  	_ =	shalt  }
0x6b: {  	_ =	shalt  }
0x6c: {  	_ =	shalt  }
0x6d: {  	_ =	shalt  }
0x6e: {  	_ =	shalt  }
0x6f: {  	_ =	shalt  }
0x70: {  	_ =	shalt  }
0x71: {  	_ =	shalt  }
0x72: {  	_ =	shalt  }
0x73: {  	_ =	shalt  }
0x74: {  	_ =	shalt  }
0x75: {  	_ =	shalt  }
0x76: {  	_ =	shalt  }
0x77: {  	_ =	shalt  }
0x78: {  	_ =	shalt  }
0x79: {  	_ =	shalt  }
0x7a: {  	_ =	shalt  }
0x7b: {  	_ =	shalt  }
0x7c: {  	_ =	shalt  }
0x7d: {  	_ =	shalt  }
0x7e: {  	_ =	shalt  }
0x7f: {  	_ =	shalt  }
0x80: {  	_ =	shalt  }
0x81: {  	_ =	shalt  }
0x82: {  	_ =	shalt  }
0x83: {  	_ =	shalt  }
0x84: {  	_ =	shalt  }
0x85: {  	_ =	shalt  }
0x86: {  	_ =	shalt  }
0x87: {  	_ =	shalt  }
.Lfunc_end0:
.L_simem_size_0:
called_computation.2_lowered:
.L_overlay_start_0:
0x88: {  	s2 =	sld [smem:$0x3FD9]  }
0x89: {  	s3 =	sld [smem:$0x3FFE];
	_ =	sdelay $0x1  }
0x8a: {  	s1 =	srdreg.scid  }
0x8b: {  	s0 =	sand.u32 $0x1, s1  }
0x8c: {  	s17 =	sshll.u32 s0, $0xA;
	s2 =	sadd.s32 s3, s2  }
0x8d: {  	s2 =	sadd.s32 s2, s17  }
0x8e: {  	[smem:$0x3FC1] =	sst s2  }
0x8f: {  	_ = 	snop  }
0x90: {  	(tm) =	ssettm $0x1  }
0x91: {  	s18 =	sld [smem:$0x3FFB];
	_ =	sdelay $0x3  }
0x92: {  	_ =	strace s18  }
0x93: {  	s2 =	sld [smem:$0x3FFC];
	_ =	sdelay $0x3  }
0x94: {  	_ =	strace s2  }
0x95: {  	s2 =	sld [smem:$0x3FFD];
	_ =	sdelay $0x3  }
0x96: {  	_ =	strace s2  }
0x97: {  	_ =	strace $0x8FFFFFFF  }
0x98: {  	s19 =	sld [smem:$0x3FDB];
	_ =	sdelay $0x1  }
0x99: {  	s20 =	simm.s32 $_scs_section_size  }
0x9a: {  	s4 =	simm.s32 $_size__tile_overlayer_lowered;
	s5 =	simm.s32 $_tile_overlayer_lowered  }
0x9b: {  	s6 =	simm.s32 $0x1BFF;
	s21 =	sshll.u32 s5, $0x1;
	s3 =	sadd.s32 s20, s19  }
0x9c: {  	s22 =	simm.s32 $0x0;
	s4 =	sshll.u32 s4, $0x1;
	s5 =	sadd.s32 s21, s3  }
0x9d: {  	[timem:s22], [sflag:s6] =	dma.local [hbm:s5], s4  }
0x9e: {  	_ =	swait.ge [sflag:s6], s4  }
0x9f: {  	s4 =	ssub.s32 $0x0, s4;
	[sflag:s6] =	ssyncset.done $0x0  }
0xa0: {  	[sflag:s6] =	ssyncadd.s32 s4;
	_ =	sdelay $0x1  }
0xa1: {  	s23 =	simm.s32 $0x1B8B  }
0xa2: {  	_ =	swait.ge [sflag:s23], $0x1  }
0xa3: {  	[sflag:s23] =	ssyncset.done $0x0  }
0xa4: {  	[sflag:s23] =	ssyncadd.s32 $0xFFFFFFFF  }
0xa5: {  	s4 =	sld [smem:$0x0]  }
0xa6: {  	s5 =	sand.u32 $0xFFFFFFFE, s1  }
0xa7: {  	p0 =	sne.s32 s1, s5  }
0xa8: {  	s5 =	sshll.u32 @p0 s5, $0xE  }
0xa9: {  	s5 =	sadd.s32 @p0 $0x11B8D, s5;
	s6 =	sshll.u32 @p0 s4, $0x11  }
0xaa: {  	s5 =	sor.u32 @p0 s6, s5  }
0xab: {  	[sflag:s5] =	ssyncadd.remote.s32 @p0 $0x1;
	_ =	sdelay $0x1  }
0xac: {  	s5 =	simm.s32 @p0 $0x1B8D  }
0xad: {  	_ =	swait.eq @p0 [sflag:s5], $0x1  }
0xae: {  	[sflag:s5] =	ssyncadd.s32 @p0 $0xFFFFFFFF  }
0xaf: {  	s6 =	sshll.u32 @!p0 s1, $0xE  }
0xb0: {  	s6 =	sor.u32 @!p0 $0x4000, s6;
	s5 =	simm.s32 @!p0 $0x1B8D  }
0xb1: {  	s4 =	sshll.u32 @!p0 s4, $0x11;
	s6 =	sadd.s32 @!p0 $0x11B8D, s6;
	_ =	swait.eq @!p0 [sflag:s5], $0x1  }
0xb2: {  	s4 =	sor.u32 @!p0 s4, s6;
	[sflag:s5] =	ssyncadd.s32 @!p0 $0xFFFFFFFF  }
0xb3: {  	s25 =	simm.s32 $0x1B8E;
	s24 =	sld [smem:$0x3FFE];
	[sflag:s4] =	ssyncadd.remote.s32 @!p0 $0x1  }
0xb4: {  	s26 =	simm.s32 $execute0_lowered;
	[smem:$0x3FD2] =	sst s25  }
0xb5: {  	s5 =	sshll.u32 s26, $0x1;
	_ =	strace $0x8000004C;
	[dreg:$0x1] =	wrdreg $0xFFFFFFFF  }
0xb6: {  	s28 =	simm.s32 $_size_execute0_lowered;
	s3 =	sadd.s32 s3, s5;
	[dreg:$0x0] =	wrdreg $0x0  }
0xb7: {  	s5 =	sshll.u32 s28, $0x1;
	[dreg:$0x2] =	wrdreg s3  }
0xb8: {  	[dreg:$0x3] =	wrdreg s5  }
0xb9: {  	[dreg:$0x4] =	wrdreg $0xC0  }
0xba: {  	_ =	task [dreg:s22], $0x5FFFF  }
0xbb: {  	[dreg:$0x1] =	wrdreg $0xFFFFFFFF  }
0xbc: {  	[dreg:$0x0] =	wrdreg $0x60  }
0xbd: {  	[dreg:$0x2] =	wrdreg s24  }
0xbe: {  	[dreg:$0x3] =	wrdreg $0xB  }
0xbf: {  	_ =	task.clear_ibuf [dreg:s22], $0x4FFFF;
	_ =	strace $0x9000004C  }
0xc0: {  	s29 =	simm.s32 $0xB;
	_ =	strace $0x8000004E  }
0xc1: {  	_ =	swait.ge [sflag:s29], $0x1  }
0xc2: {  	[sflag:s29] =	ssyncadd.s32 $0xFFFFFFFF  }
0xc3: {  	_ =	strace $0x9000004E  }
0xc4: {  	_ =	sfence  }
0xc5: {  	s30 =	sld [smem:$0x0];
	_ =	sdelay $0x2  }
0xc6: {  	s31 =	sshll.u32 s1, $0xD;
	s1 =	sshrl.u32 s1, $0x2  }
0xc7: {  	s4 =	sand.u32 $0x4000, s31;
	s1 =	sadd.s32 s1, s30  }
0xc8: {  	s0 =	sor.u32 s4, s0;
	s1 =	sshll.u32 s1, $0x11  }
0xc9: {  	s0 =	sor.u32 s1, s0  }
0xca: {  	s0 =	sadd.s32 $0x8F2B, s0  }
0xcb: {  	[sflag:s0] =	ssyncadd.remote.s32 $0x1  }
0xcc: {  	_ =	sfence.sel $0xFFFF  }
0xcd: {  	[dreg:$0x0] =	wrdreg $0xFFFFFFFF;
	(pc) =	sbr.abs _section_cstart, $3  }
0xce: {  	[dreg:$0x1] =	wrdreg $0xFFFFFFFF  }
0xcf: {  	_ =	task.clear_ibuf [dreg:s22], $0x2FFFF;
	_ =	strace $0x9FFFFFFF  }
0xd0: {  	(tm) =	ssettm $0x7FFFFFFF  }
0xd1: {  	_ =	shalt  }
tec
execute0_lowered:
.L_overlay_start_1:
0x0: {  	(tag) =	ssettag $0x1  }
0x1: {  	s1 =	srdreg.scid;
	s0 =	stileid.u32  }
0x2: {  	s6 =	rddreg [dreg:$0x0];
	s2 =	simm.s32 $0x0;
	s12 =	simm.s32 $0x3  }
0x3: {  	s13 =	simm.s32 $0x800;
	s14 =	simm.s32 $0x50;
	s15 =	simm.s32 $0x1000  }
0x4: {  	s16 =	simm.s32 $0x6000;
	s17 =	simm.s32 $0x3800;
	s18 =	simm.s32 $0x850  }
0x5: {  	s19 =	simm.s32 $0x8800;
	s20 =	simm.s32 $0x1;
	s21 =	simm.s32 $0x2  }
0x6: {  	s7 =	sand.u32 $0x1, s1;
	s3 =	sshll.u32 s0, $0x1;
	s1 =	rddreg [dreg:$0x1]  }
0x7: {  	s22 =	simm.s32 $0x0;
	[smem:$0x7FF] =	sst s2;
	s5 =	sor.u32 s7, s3  }
0x8: {  	s4 =	sadd.s32 $0x5200, s6;
	s7 =	ssub.s32 $0x2, s7;
	s3 =	smul.u32 $0x7D0, s5  }
0x9: {  	_ =	strace $0x8000004D;
	s9 =	smul.u32 $0x3E800, s5;
	s10 =	sshrl.u32 s7, $0x1  }
0xa: {  	s5 =	sadd.s32 $0x2C400, s6;
	s11 =	ssub.s32 s7, s10;
	s8 =	sshrl.u32 s3, $0x3  }
0xb: {  	s9 =	sshrl.u32 s9, $0x3;
	s8 =	sadd.s32 s8, s6;
	s6 =	sadd.s32 $0x15D600, s6  }
0xc: {  	s11 =	smax.u32 s11, $0x1;
	s7 =	sadd.s32 $0x59600, s8;
	s31 =	sadd.s32 s6, s9  }
0xd: {  	s8 =	sadd.s32 $0x57600, s8;
	s9 =	sadd.s32 $0x50, s3;
	s10 =	sadd.s32 $0x7800, s31  }
.LBB2_1:
0xe: {  	[tilespmem:s2], [sflag:$0x3] =	stream.linear.gather [hbm4b:s7+s2], $0x7D0, $0x38;
	[tilespmem:$0xB000] =	vst v63  }
0xf: {  	_ =	swait.ge [sflag:s12], $0x7D0  }
0x10: {  	[sflag:s12] =	ssyncset.done $0x0  }
0x11: {  	[sflag:s12] =	ssyncadd.s32 $0xFFFFF830  }
0x12: {  	[tilespmem:s13], [sflag:$0x3] =	stream.linear.gather [hbm4b:s8+s2], $0x7D0, $0x38;
	[tilespmem:$0xB000] =	vst v63  }
0x13: {  	_ =	swait.ge [sflag:s12], $0x7D0  }
0x14: {  	[sflag:s12] =	ssyncset.done $0x0  }
0x15: {  	[sflag:s12] =	ssyncadd.s32 $0xFFFFF830  }
0x16: {  	[tilespmem:s15], [sflag:$0x1] =	stream.indirect.gather [hbm4b:s4+s14], $0x80, s2, s14, $0xb8;
	[tilespmem:$0xB000] =	vst v63  }
0x17: {  	_ = 	snop  }
0x18: {  	[tilespmem:s16], [sflag:$0x1] =	stream.indirect.gather [hbm4b:s5+s14], $0x80, s13, s14, $0xb8;
	[tilespmem:$0xB000] =	vst v63  }
0x19: {  	_ = 	snop  }
0x1a: {  	[tilespmem:s17], [sflag:$0x2] =	stream.indirect.gather [hbm4b:s4+s14], $0x80, s14, s14, $0xb8;
	[tilespmem:$0xB000] =	vst v63  }
0x1b: {  	s23 =	simm.s32 $0x0  }
0x1c: {  	[tilespmem:s19], [sflag:$0x2] =	stream.indirect.gather [hbm4b:s5+s14], $0x80, s18, s14, $0xb8;
	[tilespmem:$0xB000] =	vst v63  }
.LBB2_2:
0x1d: {  	_ =	swait.ge [sflag:s20], $0x2800  }
0x1e: {  	[sflag:s20] =	ssyncset.done $0x0  }
0x1f: {  	[sflag:s20] =	ssyncadd.s32 $0xFFFFD800  }
0x20: {  	_ =	swait.ge [sflag:s20], $0x2800  }
0x21: {  	[sflag:s20] =	ssyncset.done $0x0  }
0x22: {  	s25 =	simm.s32 $0x0;
	s24 =	simm.s32 $0x200;
	[sflag:s20] =	ssyncadd.s32 $0xFFFFD800  }
.LBB2_3:
0x23: {  	p0 =	sne.s32 s24, $0x9E00;
	v0 =	vld [tilespmem:s25+$0x6070]  }
0x24: {  	v1 =	vld [tilespmem:s25+$0x6000]  }
0x25: {  	v2 =	vld [tilespmem:s25+$0x6010]  }
0x26: {  	v3 =	vld [tilespmem:s25+$0x6020]  }
0x27: {  	v4 =	vld [tilespmem:s25+$0x6030]  }
0x28: {  	[tilespmem:s25+$0x1070] =	vst.add.f32.msk $0xffff, v0  }
0x29: {  	v0 =	vld [tilespmem:s25+$0x6040]  }
0x2a: {  	v5 =	vld [tilespmem:s25+$0x6050]  }
0x2b: {  	v6 =	vld [tilespmem:s25+$0x6060]  }
0x2c: {  	[tilespmem:s25+$0x1000] =	vst.add.f32.msk $0xffff, v1  }
0x2d: {  	[tilespmem:s25+$0x1010] =	vst.add.f32.msk $0xffff, v2  }
.Ltmp0:
0x2e: {  	[tilespmem:s25+$0x1020] =	vst.add.f32.msk $0xffff, v3;
	(pc) =	sbr.rel @p0 .LBB2_3-.Ltmp0, $4  }
0x2f: {  	[tilespmem:s25+$0x1030] =	vst.add.f32.msk $0xffff, v4  }
0x30: {  	[tilespmem:s25+$0x1040] =	vst.add.f32.msk $0xffff, v0  }
0x31: {  	[tilespmem:s25+$0x1050] =	vst.add.f32.msk $0xffff, v5  }
0x32: {  	[tilespmem:s25+$0x1060] =	vst.add.f32.msk $0xffff, v6;
	s25 =	sshra.s32 s24, $0x2;
	s24 =	sadd.s32 $0x200, s24  }
0x33: {  	v0 =	vld [tilespmem:s25+$0x6070]  }
0x34: {  	v1 =	vld [tilespmem:s25+$0x6000]  }
0x35: {  	v2 =	vld [tilespmem:s25+$0x6010]  }
0x36: {  	v3 =	vld [tilespmem:s25+$0x6020]  }
0x37: {  	v4 =	vld [tilespmem:s25+$0x6030]  }
0x38: {  	v63 =	vld [tilespmem:s25+$0x6040]  }
0x39: {  	v5 =	vld [tilespmem:s25+$0x6050]  }
0x3a: {  	v6 =	vld [tilespmem:s25+$0x6060]  }
0x3b: {  	[tilespmem:s25+$0x1070] =	vst.add.f32.msk $0xffff, v0  }
0x3c: {  	[tilespmem:s25+$0x1000] =	vst.add.f32.msk $0xffff, v1  }
0x3d: {  	[tilespmem:s25+$0x1010] =	vst.add.f32.msk $0xffff, v2  }
0x3e: {  	s24 =	smul.u32 $0xA0, s23;
	[tilespmem:s25+$0x1020] =	vst.add.f32.msk $0xffff, v3  }
0x3f: {  	[tilespmem:s25+$0x1030] =	vst.add.f32.msk $0xffff, v4  }
0x40: {  	s26 =	sadd.s32 s3, s24;
	[tilespmem:s25+$0x1040] =	vst.add.f32.msk $0xffff, v63  }
0x41: {  	s26 =	sshll.u32 s26, $0x4;
	[tilespmem:s25+$0x1050] =	vst.add.f32.msk $0xffff, v5  }
0x42: {  	s29 =	simm.s32 $0x0;
	s28 =	sadd.s32 s6, s26;
	[tilespmem:s25+$0x1060] =	vst.add.f32.msk $0xffff, v6  }
0x43: {  	[hbm4b:s28+s29] =	stream.linear.scatter [tilespmem:s15], [sflag:$0x3], $0x2800, $0x38;
	[tilespmem:$0xB000] =	vst v63  }
0x44: {  	_ =	swait.ge [sflag:s12], $0x2800  }
0x45: {  	[sflag:s12] =	ssyncset.done $0x0  }
0x46: {  	s30 =	sadd.s32 $0xA0, s24;
	[sflag:s12] =	ssyncadd.s32 $0xFFFFD800  }
0x47: {  	[tilespmem:s15], [sflag:$0x1] =	stream.indirect.gather [hbm4b:s4+s14], $0x80, s30, s14, $0xb8;
	[tilespmem:$0xB000] =	vst v63  }
0x48: {  	s31 =	sadd.s32 $0x8A0, s24  }
0x49: {  	[tilespmem:s16], [sflag:$0x1] =	stream.indirect.gather [hbm4b:s5+s14], $0x80, s31, s14, $0xb8;
	[tilespmem:$0xB000] =	vst v63  }
0x4a: {  	_ =	swait.ge [sflag:s21], $0x2800  }
0x4b: {  	[sflag:s21] =	ssyncset.done $0x0  }
0x4c: {  	[sflag:s21] =	ssyncadd.s32 $0xFFFFD800  }
0x4d: {  	_ =	swait.ge [sflag:s21], $0x2800  }
0x4e: {  	[sflag:s21] =	ssyncset.done $0x0  }
0x4f: {  	s26 =	simm.s32 $0x200;
	s25 =	simm.s32 $0x0;
	[sflag:s21] =	ssyncadd.s32 $0xFFFFD800  }
.LBB2_5:
0x50: {  	p0 =	sne.s32 s26, $0x9E00;
	v0 =	vld [tilespmem:s25+$0x8870]  }
0x51: {  	v1 =	vld [tilespmem:s25+$0x8800]  }
0x52: {  	v2 =	vld [tilespmem:s25+$0x8810]  }
0x53: {  	v3 =	vld [tilespmem:s25+$0x8820]  }
0x54: {  	v4 =	vld [tilespmem:s25+$0x8830]  }
0x55: {  	[tilespmem:s25+$0x3870] =	vst.add.f32.msk $0xffff, v0  }
0x56: {  	v0 =	vld [tilespmem:s25+$0x8840]  }
0x57: {  	v5 =	vld [tilespmem:s25+$0x8850]  }
0x58: {  	v6 =	vld [tilespmem:s25+$0x8860]  }
0x59: {  	[tilespmem:s25+$0x3800] =	vst.add.f32.msk $0xffff, v1  }
0x5a: {  	[tilespmem:s25+$0x3810] =	vst.add.f32.msk $0xffff, v2  }
.Ltmp1:
0x5b: {  	[tilespmem:s25+$0x3820] =	vst.add.f32.msk $0xffff, v3;
	(pc) =	sbr.rel @p0 .LBB2_5-.Ltmp1, $4  }
0x5c: {  	[tilespmem:s25+$0x3830] =	vst.add.f32.msk $0xffff, v4  }
0x5d: {  	[tilespmem:s25+$0x3840] =	vst.add.f32.msk $0xffff, v0  }
0x5e: {  	[tilespmem:s25+$0x3850] =	vst.add.f32.msk $0xffff, v5  }
0x5f: {  	[tilespmem:s25+$0x3860] =	vst.add.f32.msk $0xffff, v6;
	s25 =	sshra.s32 s26, $0x2;
	s26 =	sadd.s32 $0x200, s26  }
0x60: {  	v0 =	vld [tilespmem:s25+$0x8870]  }
0x61: {  	v1 =	vld [tilespmem:s25+$0x8800]  }
0x62: {  	v2 =	vld [tilespmem:s25+$0x8810]  }
0x63: {  	v3 =	vld [tilespmem:s25+$0x8820]  }
0x64: {  	v4 =	vld [tilespmem:s25+$0x8830]  }
0x65: {  	v63 =	vld [tilespmem:s25+$0x8840]  }
0x66: {  	v5 =	vld [tilespmem:s25+$0x8850]  }
0x67: {  	v6 =	vld [tilespmem:s25+$0x8860]  }
0x68: {  	[tilespmem:s25+$0x3870] =	vst.add.f32.msk $0xffff, v0  }
0x69: {  	[tilespmem:s25+$0x3800] =	vst.add.f32.msk $0xffff, v1  }
0x6a: {  	[tilespmem:s25+$0x3810] =	vst.add.f32.msk $0xffff, v2  }
0x6b: {  	[tilespmem:s25+$0x3820] =	vst.add.f32.msk $0xffff, v3  }
0x6c: {  	[tilespmem:s25+$0x3830] =	vst.add.f32.msk $0xffff, v4  }
0x6d: {  	s26 =	sadd.s32 s24, s9;
	[tilespmem:s25+$0x3840] =	vst.add.f32.msk $0xffff, v63  }
0x6e: {  	p0 =	seq.s32 s23, $0xB;
	s26 =	sshll.u32 s26, $0x4;
	[tilespmem:s25+$0x3850] =	vst.add.f32.msk $0xffff, v5  }
.Ltmp2:
0x6f: {  	s31 =	sadd.s32 s6, s26;
	[tilespmem:s25+$0x3860] =	vst.add.f32.msk $0xffff, v6;
	(pc) =	sbr.rel @p0 .LBB2_8-.Ltmp2, $4  }
0x70: {  	[hbm4b:s31+s2] =	stream.linear.scatter [tilespmem:s17], [sflag:$0x3], $0x2800, $0x38;
	[tilespmem:$0xB000] =	vst v63  }
0x71: {  	_ =	swait.ge [sflag:s12], $0x2800  }
0x72: {  	[sflag:s12] =	ssyncset.done $0x0  }
0x73: {  	[sflag:s12] =	ssyncadd.s32 $0xFFFFD800  }
.Ltmp3:
0x74: {  	(pc) =	sbr.rel .LBB2_2-.Ltmp3, $4  }
0x75: {  	s25 =	sadd.s32 $0xF0, s24  }
0x76: {  	[tilespmem:s17], [sflag:$0x2] =	stream.indirect.gather [hbm4b:s4+s14], $0x80, s25, s14, $0xb8;
	[tilespmem:$0xB000] =	vst v63  }
0x77: {  	s31 =	sadd.s32 $0x8F0, s24;
	s23 =	sadd.s32 $0x1, s23  }
0x78: {  	[tilespmem:s19], [sflag:$0x2] =	stream.indirect.gather [hbm4b:s5+s14], $0x80, s31, s14, $0xb8;
	[tilespmem:$0xB000] =	vst v63  }
.LBB2_8:
0x79: {  	_ =	swait.ge [sflag:s20], $0x2800  }
0x7a: {  	[sflag:s20] =	ssyncset.done $0x0  }
0x7b: {  	[sflag:s20] =	ssyncadd.s32 $0xFFFFD800  }
0x7c: {  	_ =	swait.ge [sflag:s20], $0x2800  }
0x7d: {  	[sflag:s20] =	ssyncset.done $0x0  }
0x7e: {  	s23 =	simm.s32 $0x0;
	s24 =	simm.s32 $0x200;
	[sflag:s20] =	ssyncadd.s32 $0xFFFFD800  }
.LBB2_9:
0x7f: {  	p0 =	sne.s32 s24, $0x9E00;
	v0 =	vld [tilespmem:s23+$0x6070]  }
0x80: {  	v1 =	vld [tilespmem:s23+$0x6000]  }
0x81: {  	v2 =	vld [tilespmem:s23+$0x6010]  }
0x82: {  	v3 =	vld [tilespmem:s23+$0x6020]  }
0x83: {  	v4 =	vld [tilespmem:s23+$0x6030]  }
0x84: {  	[tilespmem:s23+$0x1070] =	vst.add.f32.msk $0xffff, v0  }
0x85: {  	v0 =	vld [tilespmem:s23+$0x6040]  }
0x86: {  	v5 =	vld [tilespmem:s23+$0x6050]  }
0x87: {  	v6 =	vld [tilespmem:s23+$0x6060]  }
0x88: {  	[tilespmem:s23+$0x1000] =	vst.add.f32.msk $0xffff, v1  }
0x89: {  	[tilespmem:s23+$0x1010] =	vst.add.f32.msk $0xffff, v2  }
.Ltmp4:
0x8a: {  	[tilespmem:s23+$0x1020] =	vst.add.f32.msk $0xffff, v3;
	(pc) =	sbr.rel @p0 .LBB2_9-.Ltmp4, $4  }
0x8b: {  	[tilespmem:s23+$0x1030] =	vst.add.f32.msk $0xffff, v4  }
0x8c: {  	[tilespmem:s23+$0x1040] =	vst.add.f32.msk $0xffff, v0  }
0x8d: {  	[tilespmem:s23+$0x1050] =	vst.add.f32.msk $0xffff, v5  }
0x8e: {  	[tilespmem:s23+$0x1060] =	vst.add.f32.msk $0xffff, v6;
	s23 =	sshra.s32 s24, $0x2;
	s24 =	sadd.s32 $0x200, s24  }
0x8f: {  	v0 =	vld [tilespmem:s23+$0x6070]  }
0x90: {  	v1 =	vld [tilespmem:s23+$0x6000]  }
0x91: {  	v2 =	vld [tilespmem:s23+$0x6010]  }
0x92: {  	v3 =	vld [tilespmem:s23+$0x6020]  }
0x93: {  	v4 =	vld [tilespmem:s23+$0x6030]  }
0x94: {  	v63 =	vld [tilespmem:s23+$0x6040]  }
0x95: {  	v5 =	vld [tilespmem:s23+$0x6050]  }
0x96: {  	v6 =	vld [tilespmem:s23+$0x6060]  }
0x97: {  	[tilespmem:s23+$0x1070] =	vst.add.f32.msk $0xffff, v0  }
0x98: {  	[tilespmem:s23+$0x1000] =	vst.add.f32.msk $0xffff, v1  }
0x99: {  	[tilespmem:s23+$0x1010] =	vst.add.f32.msk $0xffff, v2  }
0x9a: {  	[tilespmem:s23+$0x1020] =	vst.add.f32.msk $0xffff, v3  }
0x9b: {  	[tilespmem:s23+$0x1030] =	vst.add.f32.msk $0xffff, v4  }
0x9c: {  	s22 =	sadd.s32 $0x1, s22;
	[tilespmem:s23+$0x1040] =	vst.add.f32.msk $0xffff, v63  }
0x9d: {  	p0 =	sne.s32 s22, s11;
	[tilespmem:s23+$0x1050] =	vst.add.f32.msk $0xffff, v5  }
.Ltmp5:
0x9e: {  	[tilespmem:s23+$0x1060] =	vst.add.f32.msk $0xffff, v6;
	(pc) =	sbr.rel @p0 .LBB2_1-.Ltmp5, $4  }
0x9f: {  	[hbm4b:s10+s2] =	stream.linear.scatter [tilespmem:s15], [sflag:$0x3], $0x2800, $0x38;
	[tilespmem:$0xB000] =	vst v63  }
0xa0: {  	_ =	swait.ge [sflag:s12], $0x2800  }
0xa1: {  	[sflag:s12] =	ssyncset.done $0x0  }
0xa2: {  	[sflag:s12] =	ssyncadd.s32 $0xFFFFD800  }
0xa3: {  	_ =	sfence.sel $0x180000  }
0xa4: {  	[bflag:$0x0] =	sbarrier.arrive $0xFFFF  }
0xa5: {  	p0 =	sne.s32 s0, $0x0;
	_ =	strace $0x9000004D  }
0xa6: {  	s0 =	sadd.s32 @!p0 $0x100000, s1;
	[bflag:$0x2] =	sbarrier.arrive $0xFFFF  }
0xa7: {  	[sflag:s0] =	ssyncadd.tile.s32 @!p0 $0x1;
	_ =	shalt  }
.Lfunc_end2:
_tile_overlayer_lowered:
.L_overlay_start_2:
0xa8: {  	(tag) =	ssettag $0x2  }
0xa9: {  	s0 =	rddreg [dreg:$0x0];
	s2 =	stileid.u32  }
0xaa: {  	s1 =	rddreg [dreg:$0x1];
	p0 =	sne.s32 s2, $0x0  }
0xab: {  	s3 =	rddreg [dreg:$0x2];
	[bflag:$0x3] =	sbarrier.arrive $0xFFFF;
	s2 =	simm.s32 @!p0 $0x1C03  }
0xac: {  	[timem:s3], [sflag:s2] =	dma.local @!p0 [hbm:s0], s1  }
0xad: {  	s0 =	simm.s32 @!p0 $0x3  }
0xae: {  	_ =	swait.ge @!p0 [sflag:s0], s1  }
0xaf: {  	s1 =	ssub.s32 @!p0 $0x0, s1;
	[sflag:s0] =	ssyncset.done @!p0 $0x0  }
0xb0: {  	[sflag:s0] =	ssyncadd.s32 @!p0 s1  }
0xb1: {  	[bflag:$0x3] =	sbarrier.arrive $0xFFFF  }
0xb2: {  	_ =	shalt  }

// kernel: kernel.24.cloned.1.call-start
scs
__scs_entry_jumppad:
0x0: {  	(pc) =	sbr.rel $0x88, $3  }
0x1: {  	(tag) =	ssettag $0x0;
	lr =	simm.s32 $0x1  }
0x2: {  	[smem:$0x3F9A] =	sst lr;
	_ =	strace $0xD0000000  }
0x3: {  	_ = 	snop  }
0x4: {  	_ = 	snop  }
0x5: {  	_ = 	snop  }
0x6: {  	_ = 	snop  }
0x7: {  	_ = 	snop  }
__scs_overlays_trampoline_lowered:
0x8: {  	[smem:$0x3FA9] =	sst s0  }
0x9: {  	[smem:$0x3FAA] =	sst s1  }
0xa: {  	[smem:$0x3FAB] =	sst s2  }
0xb: {  	[smem:$0x3FAC] =	sst s3  }
0xc: {  	[smem:$0x3FAD] =	sst s4  }
0xd: {  	[smem:$0x3FAE] =	sst s5  }
0xe: {  	[smem:$0x3FAF] =	sst s6  }
0xf: {  	[smem:$0x3FB0] =	sst s7  }
0x10: {  	[smem:$0x3FB1] =	sst s8  }
0x11: {  	[smem:$0x3FB2] =	sst s9;
	s0 =	simm.s32 @!p0 $0x0  }
0x12: {  	s1 =	sld [smem:$0x3F98];
	s0 =	simm.s32 @p0 $0x1  }
0x13: {  	[smem:$0x3FB3] =	sst s0;
	s0 =	simm.s32 @!p1 $0x0  }
0x14: {  	s2 =	sld [smem:$0x3F97];
	s0 =	simm.s32 @p1 $0x1  }
0x15: {  	[smem:$0x3FB4] =	sst s0;
	s0 =	simm.s32 @!p2 $0x0  }
0x16: {  	s3 =	sld [smem:$0x3FDB];
	s0 =	simm.s32 @p2 $0x1  }
0x17: {  	s4 =	simm.s32 $0x1BF5;
	[smem:$0x3FB6] =	sst s0  }
0x18: {  	s0 =	sld [smem:$0x3F99];
	_ =	swait.ge [sflag:s4], $0x0  }
0x19: {  	s7 =	sld [smem:$0x3F9A]  }
0x1a: {  	s8 =	sadd.s32 $0xFFFFE003, lr  }
0x1b: {  	s9 =	sadd.s32 $0xFFFFFEF7, lr;
	s5 =	simm.s32 $0xFFFFFFFF;
	p2 =	slt.u32 s8, $0xFFFFF086  }
0x1c: {  	p1 =	slt.u32 s9, $0xF7A;
	s5 =	simm.s32 @!p2 $0x0  }
0x1d: {  	s5 =	simm.s32 @p1 $0x1;
	p0 =	seq.s32 s7, s2  }
0x1e: {  	s7 =	smul.u32 @!p0 $0xF7A, s2;
	p2 =	seq.s32 @!p0 s5, $0x0  }
0x1f: {  	s9 =	smul.u32 $0xF7A, s1;
	s8 =	simm.s32 @!p0 $0x1BF5;
	p2 =	por !p2, p0  }
0x20: {  	[sflag:s8] =	ssyncset.s32 @!p0 $0xFFFFF086;
	s6 =	sadd.s32 @!p0 s3, s7;
	s7 =	simm.s32 @!p0 $0x108  }
0x21: {  	s3 =	sadd.s32 s3, s9;
	s6 =	sadd.s32 @!p0 $0x88, s6;
	s7 =	simm.s32 @p2 $0x1082  }
0x22: {  	[simem:s7], [sflag:s8] =	dma.local @!p0 [hbm:s6], $0xF7A  }
0x23: {  	s9 =	sor.u32 $0xD0000000, s2;
	s6 =	simm.s32 $0x108;
	_ =	swait.ge @!p0 [sflag:s8], $0x0  }
0x24: {  	s3 =	sadd.s32 $0x88, s3;
	s6 =	simm.s32 @!p1 $0x1082;
	[sflag:s4] =	ssyncset.s32 $0xFFFFF086  }
0x25: {  	[simem:s6], [sflag:s4] =	dma.local [hbm:s3], $0xF7A  }
0x26: {  	[smem:$0x3F9A] =	sst s1;
	(tag) =	ssettag s2;
	_ =	strace s9  }
0x27: {  	s1 =	sld [smem:$0x3FAA]  }
0x28: {  	s2 =	sld [smem:$0x3FAB]  }
0x29: {  	s4 =	sld [smem:$0x3FAD]  }
0x2a: {  	p0 =	seq.s32 s5, $0x0;
	s5 =	sld [smem:$0x3FAE]  }
0x2b: {  	s6 =	sld [smem:$0x3FAF]  }
0x2c: {  	s7 =	sld [smem:$0x3FB0]  }
0x2d: {  	s3 =	simm.s32 $0x108;
	s8 =	sld [smem:$0x3FB1]  }
0x2e: {  	s3 =	simm.s32 @!p0 $0x1082;
	s9 =	sld [smem:$0x3FB2]  }
0x2f: {  	lr =	sadd.s32 s0, s3;
	s0 =	sld [smem:$0x3FA9]  }
0x30: {  	s3 =	sld [smem:$0x3FAC]  }
0x31: {  	[smem:$0x3FB5] =	sst s10  }
0x32: {  	s10 =	sld [smem:$0x3FB3];
	_ =	sdelay $0x3  }
0x33: {  	p0 =	seq.s32 s10, $0x1;
	s10 =	sld [smem:$0x3FB5];
	_ =	sdelay $0x3  }
0x34: {  	[smem:$0x3FB5] =	sst s10  }
0x35: {  	s10 =	sld [smem:$0x3FB4];
	_ =	sdelay $0x3  }
0x36: {  	p1 =	seq.s32 s10, $0x1;
	s10 =	sld [smem:$0x3FB5];
	_ =	sdelay $0x3  }
0x37: {  	[smem:$0x3FB5] =	sst s10  }
0x38: {  	s10 =	sld [smem:$0x3FB6]  }
0x39: {  	_ = 	snop;
	(pc) =	sbr.ind lr, $3  }
0x3a: {  	_ = 	snop  }
0x3b: {  	_ = 	snop  }
0x3c: {  	p2 =	seq.s32 s10, $0x1;
	s10 =	sld [smem:$0x3FB5]  }
0x3d: {  	_ =	shalt  }
0x3e: {  	_ =	shalt  }
0x3f: {  	_ =	shalt  }
0x40: {  	_ =	shalt  }
0x41: {  	_ =	shalt  }
0x42: {  	_ =	shalt  }
0x43: {  	_ =	shalt  }
0x44: {  	_ =	shalt  }
0x45: {  	_ =	shalt  }
0x46: {  	_ =	shalt  }
0x47: {  	_ =	shalt  }
0x48: {  	_ =	shalt  }
0x49: {  	_ =	shalt  }
0x4a: {  	_ =	shalt  }
0x4b: {  	_ =	shalt  }
0x4c: {  	_ =	shalt  }
0x4d: {  	_ =	shalt  }
0x4e: {  	_ =	shalt  }
0x4f: {  	_ =	shalt  }
0x50: {  	_ =	shalt  }
0x51: {  	_ =	shalt  }
0x52: {  	_ =	shalt  }
0x53: {  	_ =	shalt  }
0x54: {  	_ =	shalt  }
0x55: {  	_ =	shalt  }
0x56: {  	_ =	shalt  }
0x57: {  	_ =	shalt  }
0x58: {  	_ =	shalt  }
0x59: {  	_ =	shalt  }
0x5a: {  	_ =	shalt  }
0x5b: {  	_ =	shalt  }
0x5c: {  	_ =	shalt  }
0x5d: {  	_ =	shalt  }
0x5e: {  	_ =	shalt  }
0x5f: {  	_ =	shalt  }
0x60: {  	_ =	shalt  }
0x61: {  	_ =	shalt  }
0x62: {  	_ =	shalt  }
0x63: {  	_ =	shalt  }
0x64: {  	_ =	shalt  }
0x65: {  	_ =	shalt  }
0x66: {  	_ =	shalt  }
0x67: {  	_ =	shalt  }
0x68: {  	_ =	shalt  }
0x69: {  	_ =	shalt  }
0x6a: {  	_ =	shalt  }
0x6b: {  	_ =	shalt  }
0x6c: {  	_ =	shalt  }
0x6d: {  	_ =	shalt  }
0x6e: {  	_ =	shalt  }
0x6f: {  	_ =	shalt  }
0x70: {  	_ =	shalt  }
0x71: {  	_ =	shalt  }
0x72: {  	_ =	shalt  }
0x73: {  	_ =	shalt  }
0x74: {  	_ =	shalt  }
0x75: {  	_ =	shalt  }
0x76: {  	_ =	shalt  }
0x77: {  	_ =	shalt  }
0x78: {  	_ =	shalt  }
0x79: {  	_ =	shalt  }
0x7a: {  	_ =	shalt  }
0x7b: {  	_ =	shalt  }
0x7c: {  	_ =	shalt  }
0x7d: {  	_ =	shalt  }
0x7e: {  	_ =	shalt  }
0x7f: {  	_ =	shalt  }
0x80: {  	_ =	shalt  }
0x81: {  	_ =	shalt  }
0x82: {  	_ =	shalt  }
0x83: {  	_ =	shalt  }
0x84: {  	_ =	shalt  }
0x85: {  	_ =	shalt  }
0x86: {  	_ =	shalt  }
0x87: {  	_ =	shalt  }
.Lfunc_end0:
.L_simem_size_0:
called_computation.3_lowered:
.L_overlay_start_0:
0x88: {  	s2 =	sld [smem:$0x3FD9]  }
0x89: {  	s3 =	sld [smem:$0x3FFE];
	_ =	sdelay $0x1  }
0x8a: {  	s1 =	srdreg.scid  }
0x8b: {  	s0 =	sand.u32 $0x1, s1  }
0x8c: {  	s17 =	sshll.u32 s0, $0xA;
	s2 =	sadd.s32 s3, s2  }
0x8d: {  	s2 =	sadd.s32 s2, s17  }
0x8e: {  	[smem:$0x3FC1] =	sst s2  }
0x8f: {  	_ = 	snop  }
0x90: {  	(tm) =	ssettm $0x1  }
0x91: {  	s18 =	sld [smem:$0x3FFB];
	_ =	sdelay $0x3  }
0x92: {  	_ =	strace s18  }
0x93: {  	s2 =	sld [smem:$0x3FFC];
	_ =	sdelay $0x3  }
0x94: {  	_ =	strace s2  }
0x95: {  	s2 =	sld [smem:$0x3FFD];
	_ =	sdelay $0x3  }
0x96: {  	_ =	strace s2  }
0x97: {  	_ =	strace $0x8FFFFFFF  }
0x98: {  	s19 =	sld [smem:$0x3FDB];
	_ =	sdelay $0x1  }
0x99: {  	s20 =	simm.s32 $_scs_section_size  }
0x9a: {  	s4 =	simm.s32 $_size__tile_overlayer_lowered;
	s5 =	simm.s32 $_tile_overlayer_lowered  }
0x9b: {  	s6 =	simm.s32 $0x1BFF;
	s21 =	sshll.u32 s5, $0x1;
	s3 =	sadd.s32 s20, s19  }
0x9c: {  	s22 =	simm.s32 $0x0;
	s4 =	sshll.u32 s4, $0x1;
	s5 =	sadd.s32 s21, s3  }
0x9d: {  	[timem:s22], [sflag:s6] =	dma.local [hbm:s5], s4  }
0x9e: {  	_ =	swait.ge [sflag:s6], s4  }
0x9f: {  	s4 =	ssub.s32 $0x0, s4;
	[sflag:s6] =	ssyncset.done $0x0  }
0xa0: {  	[sflag:s6] =	ssyncadd.s32 s4;
	_ =	sdelay $0x1  }
0xa1: {  	s23 =	simm.s32 $0x1B8B  }
0xa2: {  	_ =	swait.ge [sflag:s23], $0x1  }
0xa3: {  	[sflag:s23] =	ssyncset.done $0x0  }
0xa4: {  	[sflag:s23] =	ssyncadd.s32 $0xFFFFFFFF  }
0xa5: {  	s4 =	sld [smem:$0x0]  }
0xa6: {  	s5 =	sand.u32 $0xFFFFFFFE, s1  }
0xa7: {  	p0 =	sne.s32 s1, s5  }
0xa8: {  	s5 =	sshll.u32 @p0 s5, $0xE  }
0xa9: {  	s5 =	sadd.s32 @p0 $0x11B8D, s5;
	s6 =	sshll.u32 @p0 s4, $0x11  }
0xaa: {  	s5 =	sor.u32 @p0 s6, s5  }
0xab: {  	[sflag:s5] =	ssyncadd.remote.s32 @p0 $0x1;
	_ =	sdelay $0x1  }
0xac: {  	s5 =	simm.s32 @p0 $0x1B8D  }
0xad: {  	_ =	swait.eq @p0 [sflag:s5], $0x1  }
0xae: {  	[sflag:s5] =	ssyncadd.s32 @p0 $0xFFFFFFFF  }
0xaf: {  	s6 =	sshll.u32 @!p0 s1, $0xE  }
0xb0: {  	s6 =	sor.u32 @!p0 $0x4000, s6;
	s5 =	simm.s32 @!p0 $0x1B8D  }
0xb1: {  	s4 =	sshll.u32 @!p0 s4, $0x11;
	s6 =	sadd.s32 @!p0 $0x11B8D, s6;
	_ =	swait.eq @!p0 [sflag:s5], $0x1  }
0xb2: {  	s4 =	sor.u32 @!p0 s4, s6;
	[sflag:s5] =	ssyncadd.s32 @!p0 $0xFFFFFFFF  }
0xb3: {  	s25 =	simm.s32 $0x1B8E;
	s24 =	sld [smem:$0x3FFE];
	[sflag:s4] =	ssyncadd.remote.s32 @!p0 $0x1  }
0xb4: {  	s26 =	simm.s32 $execute0_lowered;
	[smem:$0x3FD2] =	sst s25  }
0xb5: {  	s5 =	sshll.u32 s26, $0x1;
	_ =	strace $0x8000004F;
	[dreg:$0x1] =	wrdreg $0xFFFFFFFF  }
0xb6: {  	s28 =	simm.s32 $_size_execute0_lowered;
	s3 =	sadd.s32 s3, s5;
	[dreg:$0x0] =	wrdreg $0x0  }
0xb7: {  	s5 =	sshll.u32 s28, $0x1;
	[dreg:$0x2] =	wrdreg s3  }
0xb8: {  	[dreg:$0x3] =	wrdreg s5  }
0xb9: {  	[dreg:$0x4] =	wrdreg $0xC0  }
0xba: {  	_ =	task [dreg:s22], $0x5FFFF  }
0xbb: {  	[dreg:$0x1] =	wrdreg $0xFFFFFFFF  }
0xbc: {  	[dreg:$0x0] =	wrdreg $0x60  }
0xbd: {  	[dreg:$0x2] =	wrdreg s24  }
0xbe: {  	[dreg:$0x3] =	wrdreg $0xC  }
0xbf: {  	_ =	task.clear_ibuf [dreg:s22], $0x4FFFF;
	_ =	strace $0x9000004F  }
0xc0: {  	s29 =	simm.s32 $0xC;
	_ =	strace $0x80000051  }
0xc1: {  	_ =	swait.ge [sflag:s29], $0x1  }
0xc2: {  	[sflag:s29] =	ssyncadd.s32 $0xFFFFFFFF  }
0xc3: {  	_ =	strace $0x90000051  }
0xc4: {  	_ =	sfence  }
0xc5: {  	s30 =	sld [smem:$0x0];
	_ =	sdelay $0x2  }
0xc6: {  	s31 =	sshll.u32 s1, $0xD;
	s1 =	sshrl.u32 s1, $0x2  }
0xc7: {  	s4 =	sand.u32 $0x4000, s31;
	s1 =	sadd.s32 s1, s30  }
0xc8: {  	s0 =	sor.u32 s4, s0;
	s1 =	sshll.u32 s1, $0x11  }
0xc9: {  	s0 =	sor.u32 s1, s0  }
0xca: {  	s0 =	sadd.s32 $0x8F2B, s0  }
0xcb: {  	[sflag:s0] =	ssyncadd.remote.s32 $0x1  }
0xcc: {  	_ =	sfence.sel $0xFFFF  }
0xcd: {  	[dreg:$0x0] =	wrdreg $0xFFFFFFFF;
	(pc) =	sbr.abs _section_cstart, $3  }
0xce: {  	[dreg:$0x1] =	wrdreg $0xFFFFFFFF  }
0xcf: {  	_ =	task.clear_ibuf [dreg:s22], $0x2FFFF;
	_ =	strace $0x9FFFFFFF  }
0xd0: {  	(tm) =	ssettm $0x7FFFFFFF  }
0xd1: {  	_ =	shalt  }
tec
execute0_lowered:
.L_overlay_start_1:
0x0: {  	(tag) =	ssettag $0x1  }
0x1: {  	s1 =	srdreg.scid;
	s0 =	stileid.u32  }
0x2: {  	s6 =	rddreg [dreg:$0x0];
	s2 =	simm.s32 $0x0;
	s12 =	simm.s32 $0x3  }
0x3: {  	s13 =	simm.s32 $0x800;
	s14 =	simm.s32 $0x50;
	s15 =	simm.s32 $0x1000  }
0x4: {  	s16 =	simm.s32 $0x6000;
	s17 =	simm.s32 $0x3800;
	s18 =	simm.s32 $0x850  }
0x5: {  	s19 =	simm.s32 $0x8800;
	s20 =	simm.s32 $0x1;
	s21 =	simm.s32 $0x2  }
0x6: {  	s7 =	sand.u32 $0x1, s1;
	s3 =	sshll.u32 s0, $0x1;
	s1 =	rddreg [dreg:$0x1]  }
0x7: {  	s22 =	simm.s32 $0x0;
	[smem:$0x7FF] =	sst s2;
	s5 =	sor.u32 s7, s3  }
0x8: {  	s4 =	sadd.s32 $0x5200, s6;
	s7 =	ssub.s32 $0x2, s7;
	s3 =	smul.u32 $0x7D0, s5  }
0x9: {  	_ =	strace $0x80000050;
	s9 =	smul.u32 $0x3E800, s5;
	s10 =	sshrl.u32 s7, $0x1  }
0xa: {  	s5 =	sadd.s32 $0x2C400, s6;
	s11 =	ssub.s32 s7, s10;
	s8 =	sshrl.u32 s3, $0x3  }
0xb: {  	s9 =	sshrl.u32 s9, $0x3;
	s8 =	sadd.s32 s8, s6;
	s6 =	sadd.s32 $0x257600, s6  }
0xc: {  	s11 =	smax.u32 s11, $0x1;
	s7 =	sadd.s32 $0x5D600, s8;
	s31 =	sadd.s32 s6, s9  }
0xd: {  	s8 =	sadd.s32 $0x5B600, s8;
	s9 =	sadd.s32 $0x50, s3;
	s10 =	sadd.s32 $0x7800, s31  }
.LBB2_1:
0xe: {  	[tilespmem:s2], [sflag:$0x3] =	stream.linear.gather [hbm4b:s7+s2], $0x7D0, $0x38;
	[tilespmem:$0xB000] =	vst v63  }
0xf: {  	_ =	swait.ge [sflag:s12], $0x7D0  }
0x10: {  	[sflag:s12] =	ssyncset.done $0x0  }
0x11: {  	[sflag:s12] =	ssyncadd.s32 $0xFFFFF830  }
0x12: {  	[tilespmem:s13], [sflag:$0x3] =	stream.linear.gather [hbm4b:s8+s2], $0x7D0, $0x38;
	[tilespmem:$0xB000] =	vst v63  }
0x13: {  	_ =	swait.ge [sflag:s12], $0x7D0  }
0x14: {  	[sflag:s12] =	ssyncset.done $0x0  }
0x15: {  	[sflag:s12] =	ssyncadd.s32 $0xFFFFF830  }
0x16: {  	[tilespmem:s15], [sflag:$0x1] =	stream.indirect.gather [hbm4b:s4+s14], $0x80, s2, s14, $0xb8;
	[tilespmem:$0xB000] =	vst v63  }
0x17: {  	_ = 	snop  }
0x18: {  	[tilespmem:s16], [sflag:$0x1] =	stream.indirect.gather [hbm4b:s5+s14], $0x80, s13, s14, $0xb8;
	[tilespmem:$0xB000] =	vst v63  }
0x19: {  	_ = 	snop  }
0x1a: {  	[tilespmem:s17], [sflag:$0x2] =	stream.indirect.gather [hbm4b:s4+s14], $0x80, s14, s14, $0xb8;
	[tilespmem:$0xB000] =	vst v63  }
0x1b: {  	s23 =	simm.s32 $0x0  }
0x1c: {  	[tilespmem:s19], [sflag:$0x2] =	stream.indirect.gather [hbm4b:s5+s14], $0x80, s18, s14, $0xb8;
	[tilespmem:$0xB000] =	vst v63  }
.LBB2_2:
0x1d: {  	_ =	swait.ge [sflag:s20], $0x2800  }
0x1e: {  	[sflag:s20] =	ssyncset.done $0x0  }
0x1f: {  	[sflag:s20] =	ssyncadd.s32 $0xFFFFD800  }
0x20: {  	_ =	swait.ge [sflag:s20], $0x2800  }
0x21: {  	[sflag:s20] =	ssyncset.done $0x0  }
0x22: {  	s25 =	simm.s32 $0x0;
	s24 =	simm.s32 $0x200;
	[sflag:s20] =	ssyncadd.s32 $0xFFFFD800  }
.LBB2_3:
0x23: {  	p0 =	sne.s32 s24, $0x9E00;
	v0 =	vld [tilespmem:s25+$0x6070]  }
0x24: {  	v1 =	vld [tilespmem:s25+$0x6000]  }
0x25: {  	v2 =	vld [tilespmem:s25+$0x6010]  }
0x26: {  	v3 =	vld [tilespmem:s25+$0x6020]  }
0x27: {  	v4 =	vld [tilespmem:s25+$0x6030]  }
0x28: {  	[tilespmem:s25+$0x1070] =	vst.add.f32.msk $0xffff, v0  }
0x29: {  	v0 =	vld [tilespmem:s25+$0x6040]  }
0x2a: {  	v5 =	vld [tilespmem:s25+$0x6050]  }
0x2b: {  	v6 =	vld [tilespmem:s25+$0x6060]  }
0x2c: {  	[tilespmem:s25+$0x1000] =	vst.add.f32.msk $0xffff, v1  }
0x2d: {  	[tilespmem:s25+$0x1010] =	vst.add.f32.msk $0xffff, v2  }
.Ltmp0:
0x2e: {  	[tilespmem:s25+$0x1020] =	vst.add.f32.msk $0xffff, v3;
	(pc) =	sbr.rel @p0 .LBB2_3-.Ltmp0, $4  }
0x2f: {  	[tilespmem:s25+$0x1030] =	vst.add.f32.msk $0xffff, v4  }
0x30: {  	[tilespmem:s25+$0x1040] =	vst.add.f32.msk $0xffff, v0  }
0x31: {  	[tilespmem:s25+$0x1050] =	vst.add.f32.msk $0xffff, v5  }
0x32: {  	[tilespmem:s25+$0x1060] =	vst.add.f32.msk $0xffff, v6;
	s25 =	sshra.s32 s24, $0x2;
	s24 =	sadd.s32 $0x200, s24  }
0x33: {  	v0 =	vld [tilespmem:s25+$0x6070]  }
0x34: {  	v1 =	vld [tilespmem:s25+$0x6000]  }
0x35: {  	v2 =	vld [tilespmem:s25+$0x6010]  }
0x36: {  	v3 =	vld [tilespmem:s25+$0x6020]  }
0x37: {  	v4 =	vld [tilespmem:s25+$0x6030]  }
0x38: {  	v63 =	vld [tilespmem:s25+$0x6040]  }
0x39: {  	v5 =	vld [tilespmem:s25+$0x6050]  }
0x3a: {  	v6 =	vld [tilespmem:s25+$0x6060]  }
0x3b: {  	[tilespmem:s25+$0x1070] =	vst.add.f32.msk $0xffff, v0  }
0x3c: {  	[tilespmem:s25+$0x1000] =	vst.add.f32.msk $0xffff, v1  }
0x3d: {  	[tilespmem:s25+$0x1010] =	vst.add.f32.msk $0xffff, v2  }
0x3e: {  	s24 =	smul.u32 $0xA0, s23;
	[tilespmem:s25+$0x1020] =	vst.add.f32.msk $0xffff, v3  }
0x3f: {  	[tilespmem:s25+$0x1030] =	vst.add.f32.msk $0xffff, v4  }
0x40: {  	s26 =	sadd.s32 s3, s24;
	[tilespmem:s25+$0x1040] =	vst.add.f32.msk $0xffff, v63  }
0x41: {  	s26 =	sshll.u32 s26, $0x4;
	[tilespmem:s25+$0x1050] =	vst.add.f32.msk $0xffff, v5  }
0x42: {  	s29 =	simm.s32 $0x0;
	s28 =	sadd.s32 s6, s26;
	[tilespmem:s25+$0x1060] =	vst.add.f32.msk $0xffff, v6  }
0x43: {  	[hbm4b:s28+s29] =	stream.linear.scatter [tilespmem:s15], [sflag:$0x3], $0x2800, $0x38;
	[tilespmem:$0xB000] =	vst v63  }
0x44: {  	_ =	swait.ge [sflag:s12], $0x2800  }
0x45: {  	[sflag:s12] =	ssyncset.done $0x0  }
0x46: {  	s30 =	sadd.s32 $0xA0, s24;
	[sflag:s12] =	ssyncadd.s32 $0xFFFFD800  }
0x47: {  	[tilespmem:s15], [sflag:$0x1] =	stream.indirect.gather [hbm4b:s4+s14], $0x80, s30, s14, $0xb8;
	[tilespmem:$0xB000] =	vst v63  }
0x48: {  	s31 =	sadd.s32 $0x8A0, s24  }
0x49: {  	[tilespmem:s16], [sflag:$0x1] =	stream.indirect.gather [hbm4b:s5+s14], $0x80, s31, s14, $0xb8;
	[tilespmem:$0xB000] =	vst v63  }
0x4a: {  	_ =	swait.ge [sflag:s21], $0x2800  }
0x4b: {  	[sflag:s21] =	ssyncset.done $0x0  }
0x4c: {  	[sflag:s21] =	ssyncadd.s32 $0xFFFFD800  }
0x4d: {  	_ =	swait.ge [sflag:s21], $0x2800  }
0x4e: {  	[sflag:s21] =	ssyncset.done $0x0  }
0x4f: {  	s26 =	simm.s32 $0x200;
	s25 =	simm.s32 $0x0;
	[sflag:s21] =	ssyncadd.s32 $0xFFFFD800  }
.LBB2_5:
0x50: {  	p0 =	sne.s32 s26, $0x9E00;
	v0 =	vld [tilespmem:s25+$0x8870]  }
0x51: {  	v1 =	vld [tilespmem:s25+$0x8800]  }
0x52: {  	v2 =	vld [tilespmem:s25+$0x8810]  }
0x53: {  	v3 =	vld [tilespmem:s25+$0x8820]  }
0x54: {  	v4 =	vld [tilespmem:s25+$0x8830]  }
0x55: {  	[tilespmem:s25+$0x3870] =	vst.add.f32.msk $0xffff, v0  }
0x56: {  	v0 =	vld [tilespmem:s25+$0x8840]  }
0x57: {  	v5 =	vld [tilespmem:s25+$0x8850]  }
0x58: {  	v6 =	vld [tilespmem:s25+$0x8860]  }
0x59: {  	[tilespmem:s25+$0x3800] =	vst.add.f32.msk $0xffff, v1  }
0x5a: {  	[tilespmem:s25+$0x3810] =	vst.add.f32.msk $0xffff, v2  }
.Ltmp1:
0x5b: {  	[tilespmem:s25+$0x3820] =	vst.add.f32.msk $0xffff, v3;
	(pc) =	sbr.rel @p0 .LBB2_5-.Ltmp1, $4  }
0x5c: {  	[tilespmem:s25+$0x3830] =	vst.add.f32.msk $0xffff, v4  }
0x5d: {  	[tilespmem:s25+$0x3840] =	vst.add.f32.msk $0xffff, v0  }
0x5e: {  	[tilespmem:s25+$0x3850] =	vst.add.f32.msk $0xffff, v5  }
0x5f: {  	[tilespmem:s25+$0x3860] =	vst.add.f32.msk $0xffff, v6;
	s25 =	sshra.s32 s26, $0x2;
	s26 =	sadd.s32 $0x200, s26  }
0x60: {  	v0 =	vld [tilespmem:s25+$0x8870]  }
0x61: {  	v1 =	vld [tilespmem:s25+$0x8800]  }
0x62: {  	v2 =	vld [tilespmem:s25+$0x8810]  }
0x63: {  	v3 =	vld [tilespmem:s25+$0x8820]  }
0x64: {  	v4 =	vld [tilespmem:s25+$0x8830]  }
0x65: {  	v63 =	vld [tilespmem:s25+$0x8840]  }
0x66: {  	v5 =	vld [tilespmem:s25+$0x8850]  }
0x67: {  	v6 =	vld [tilespmem:s25+$0x8860]  }
0x68: {  	[tilespmem:s25+$0x3870] =	vst.add.f32.msk $0xffff, v0  }
0x69: {  	[tilespmem:s25+$0x3800] =	vst.add.f32.msk $0xffff, v1  }
0x6a: {  	[tilespmem:s25+$0x3810] =	vst.add.f32.msk $0xffff, v2  }
0x6b: {  	[tilespmem:s25+$0x3820] =	vst.add.f32.msk $0xffff, v3  }
0x6c: {  	[tilespmem:s25+$0x3830] =	vst.add.f32.msk $0xffff, v4  }
0x6d: {  	s26 =	sadd.s32 s24, s9;
	[tilespmem:s25+$0x3840] =	vst.add.f32.msk $0xffff, v63  }
0x6e: {  	p0 =	seq.s32 s23, $0xB;
	s26 =	sshll.u32 s26, $0x4;
	[tilespmem:s25+$0x3850] =	vst.add.f32.msk $0xffff, v5  }
.Ltmp2:
0x6f: {  	s31 =	sadd.s32 s6, s26;
	[tilespmem:s25+$0x3860] =	vst.add.f32.msk $0xffff, v6;
	(pc) =	sbr.rel @p0 .LBB2_8-.Ltmp2, $4  }
0x70: {  	[hbm4b:s31+s2] =	stream.linear.scatter [tilespmem:s17], [sflag:$0x3], $0x2800, $0x38;
	[tilespmem:$0xB000] =	vst v63  }
0x71: {  	_ =	swait.ge [sflag:s12], $0x2800  }
0x72: {  	[sflag:s12] =	ssyncset.done $0x0  }
0x73: {  	[sflag:s12] =	ssyncadd.s32 $0xFFFFD800  }
.Ltmp3:
0x74: {  	(pc) =	sbr.rel .LBB2_2-.Ltmp3, $4  }
0x75: {  	s25 =	sadd.s32 $0xF0, s24  }
0x76: {  	[tilespmem:s17], [sflag:$0x2] =	stream.indirect.gather [hbm4b:s4+s14], $0x80, s25, s14, $0xb8;
	[tilespmem:$0xB000] =	vst v63  }
0x77: {  	s31 =	sadd.s32 $0x8F0, s24;
	s23 =	sadd.s32 $0x1, s23  }
0x78: {  	[tilespmem:s19], [sflag:$0x2] =	stream.indirect.gather [hbm4b:s5+s14], $0x80, s31, s14, $0xb8;
	[tilespmem:$0xB000] =	vst v63  }
.LBB2_8:
0x79: {  	_ =	swait.ge [sflag:s20], $0x2800  }
0x7a: {  	[sflag:s20] =	ssyncset.done $0x0  }
0x7b: {  	[sflag:s20] =	ssyncadd.s32 $0xFFFFD800  }
0x7c: {  	_ =	swait.ge [sflag:s20], $0x2800  }
0x7d: {  	[sflag:s20] =	ssyncset.done $0x0  }
0x7e: {  	s23 =	simm.s32 $0x0;
	s24 =	simm.s32 $0x200;
	[sflag:s20] =	ssyncadd.s32 $0xFFFFD800  }
.LBB2_9:
0x7f: {  	p0 =	sne.s32 s24, $0x9E00;
	v0 =	vld [tilespmem:s23+$0x6070]  }
0x80: {  	v1 =	vld [tilespmem:s23+$0x6000]  }
0x81: {  	v2 =	vld [tilespmem:s23+$0x6010]  }
0x82: {  	v3 =	vld [tilespmem:s23+$0x6020]  }
0x83: {  	v4 =	vld [tilespmem:s23+$0x6030]  }
0x84: {  	[tilespmem:s23+$0x1070] =	vst.add.f32.msk $0xffff, v0  }
0x85: {  	v0 =	vld [tilespmem:s23+$0x6040]  }
0x86: {  	v5 =	vld [tilespmem:s23+$0x6050]  }
0x87: {  	v6 =	vld [tilespmem:s23+$0x6060]  }
0x88: {  	[tilespmem:s23+$0x1000] =	vst.add.f32.msk $0xffff, v1  }
0x89: {  	[tilespmem:s23+$0x1010] =	vst.add.f32.msk $0xffff, v2  }
.Ltmp4:
0x8a: {  	[tilespmem:s23+$0x1020] =	vst.add.f32.msk $0xffff, v3;
	(pc) =	sbr.rel @p0 .LBB2_9-.Ltmp4, $4  }
0x8b: {  	[tilespmem:s23+$0x1030] =	vst.add.f32.msk $0xffff, v4  }
0x8c: {  	[tilespmem:s23+$0x1040] =	vst.add.f32.msk $0xffff, v0  }
0x8d: {  	[tilespmem:s23+$0x1050] =	vst.add.f32.msk $0xffff, v5  }
0x8e: {  	[tilespmem:s23+$0x1060] =	vst.add.f32.msk $0xffff, v6;
	s23 =	sshra.s32 s24, $0x2;
	s24 =	sadd.s32 $0x200, s24  }
0x8f: {  	v0 =	vld [tilespmem:s23+$0x6070]  }
0x90: {  	v1 =	vld [tilespmem:s23+$0x6000]  }
0x91: {  	v2 =	vld [tilespmem:s23+$0x6010]  }
0x92: {  	v3 =	vld [tilespmem:s23+$0x6020]  }
0x93: {  	v4 =	vld [tilespmem:s23+$0x6030]  }
0x94: {  	v63 =	vld [tilespmem:s23+$0x6040]  }
0x95: {  	v5 =	vld [tilespmem:s23+$0x6050]  }
0x96: {  	v6 =	vld [tilespmem:s23+$0x6060]  }
0x97: {  	[tilespmem:s23+$0x1070] =	vst.add.f32.msk $0xffff, v0  }
0x98: {  	[tilespmem:s23+$0x1000] =	vst.add.f32.msk $0xffff, v1  }
0x99: {  	[tilespmem:s23+$0x1010] =	vst.add.f32.msk $0xffff, v2  }
0x9a: {  	[tilespmem:s23+$0x1020] =	vst.add.f32.msk $0xffff, v3  }
0x9b: {  	[tilespmem:s23+$0x1030] =	vst.add.f32.msk $0xffff, v4  }
0x9c: {  	s22 =	sadd.s32 $0x1, s22;
	[tilespmem:s23+$0x1040] =	vst.add.f32.msk $0xffff, v63  }
0x9d: {  	p0 =	sne.s32 s22, s11;
	[tilespmem:s23+$0x1050] =	vst.add.f32.msk $0xffff, v5  }
.Ltmp5:
0x9e: {  	[tilespmem:s23+$0x1060] =	vst.add.f32.msk $0xffff, v6;
	(pc) =	sbr.rel @p0 .LBB2_1-.Ltmp5, $4  }
0x9f: {  	[hbm4b:s10+s2] =	stream.linear.scatter [tilespmem:s15], [sflag:$0x3], $0x2800, $0x38;
	[tilespmem:$0xB000] =	vst v63  }
0xa0: {  	_ =	swait.ge [sflag:s12], $0x2800  }
0xa1: {  	[sflag:s12] =	ssyncset.done $0x0  }
0xa2: {  	[sflag:s12] =	ssyncadd.s32 $0xFFFFD800  }
0xa3: {  	_ =	sfence.sel $0x180000  }
0xa4: {  	[bflag:$0x0] =	sbarrier.arrive $0xFFFF  }
0xa5: {  	p0 =	sne.s32 s0, $0x0;
	_ =	strace $0x90000050  }
0xa6: {  	s0 =	sadd.s32 @!p0 $0x100000, s1;
	[bflag:$0x2] =	sbarrier.arrive $0xFFFF  }
0xa7: {  	[sflag:s0] =	ssyncadd.tile.s32 @!p0 $0x1;
	_ =	shalt  }
.Lfunc_end2:
_tile_overlayer_lowered:
.L_overlay_start_2:
0xa8: {  	(tag) =	ssettag $0x2  }
0xa9: {  	s0 =	rddreg [dreg:$0x0];
	s2 =	stileid.u32  }
0xaa: {  	s1 =	rddreg [dreg:$0x1];
	p0 =	sne.s32 s2, $0x0  }
0xab: {  	s3 =	rddreg [dreg:$0x2];
	[bflag:$0x3] =	sbarrier.arrive $0xFFFF;
	s2 =	simm.s32 @!p0 $0x1C03  }
0xac: {  	[timem:s3], [sflag:s2] =	dma.local @!p0 [hbm:s0], s1  }
0xad: {  	s0 =	simm.s32 @!p0 $0x3  }
0xae: {  	_ =	swait.ge @!p0 [sflag:s0], s1  }
0xaf: {  	s1 =	ssub.s32 @!p0 $0x0, s1;
	[sflag:s0] =	ssyncset.done @!p0 $0x0  }
0xb0: {  	[sflag:s0] =	ssyncadd.s32 @!p0 s1  }
0xb1: {  	[bflag:$0x3] =	sbarrier.arrive $0xFFFF  }
0xb2: {  	_ =	shalt  }

// kernel: kernel.27.cloned.1.call-start
scs
__scs_entry_jumppad:
0x0: {  	(pc) =	sbr.rel $0x88, $3  }
0x1: {  	(tag) =	ssettag $0x0;
	lr =	simm.s32 $0x1  }
0x2: {  	[smem:$0x3F9A] =	sst lr;
	_ =	strace $0xD0000000  }
0x3: {  	_ = 	snop  }
0x4: {  	_ = 	snop  }
0x5: {  	_ = 	snop  }
0x6: {  	_ = 	snop  }
0x7: {  	_ = 	snop  }
__scs_overlays_trampoline_lowered:
0x8: {  	[smem:$0x3FA9] =	sst s0  }
0x9: {  	[smem:$0x3FAA] =	sst s1  }
0xa: {  	[smem:$0x3FAB] =	sst s2  }
0xb: {  	[smem:$0x3FAC] =	sst s3  }
0xc: {  	[smem:$0x3FAD] =	sst s4  }
0xd: {  	[smem:$0x3FAE] =	sst s5  }
0xe: {  	[smem:$0x3FAF] =	sst s6  }
0xf: {  	[smem:$0x3FB0] =	sst s7  }
0x10: {  	[smem:$0x3FB1] =	sst s8  }
0x11: {  	[smem:$0x3FB2] =	sst s9;
	s0 =	simm.s32 @!p0 $0x0  }
0x12: {  	s1 =	sld [smem:$0x3F98];
	s0 =	simm.s32 @p0 $0x1  }
0x13: {  	[smem:$0x3FB3] =	sst s0;
	s0 =	simm.s32 @!p1 $0x0  }
0x14: {  	s2 =	sld [smem:$0x3F97];
	s0 =	simm.s32 @p1 $0x1  }
0x15: {  	[smem:$0x3FB4] =	sst s0;
	s0 =	simm.s32 @!p2 $0x0  }
0x16: {  	s3 =	sld [smem:$0x3FDB];
	s0 =	simm.s32 @p2 $0x1  }
0x17: {  	s4 =	simm.s32 $0x1BF5;
	[smem:$0x3FB6] =	sst s0  }
0x18: {  	s0 =	sld [smem:$0x3F99];
	_ =	swait.ge [sflag:s4], $0x0  }
0x19: {  	s7 =	sld [smem:$0x3F9A]  }
0x1a: {  	s8 =	sadd.s32 $0xFFFFE003, lr  }
0x1b: {  	s9 =	sadd.s32 $0xFFFFFEF7, lr;
	s5 =	simm.s32 $0xFFFFFFFF;
	p2 =	slt.u32 s8, $0xFFFFF086  }
0x1c: {  	p1 =	slt.u32 s9, $0xF7A;
	s5 =	simm.s32 @!p2 $0x0  }
0x1d: {  	s5 =	simm.s32 @p1 $0x1;
	p0 =	seq.s32 s7, s2  }
0x1e: {  	s7 =	smul.u32 @!p0 $0xF7A, s2;
	p2 =	seq.s32 @!p0 s5, $0x0  }
0x1f: {  	s9 =	smul.u32 $0xF7A, s1;
	s8 =	simm.s32 @!p0 $0x1BF5;
	p2 =	por !p2, p0  }
0x20: {  	[sflag:s8] =	ssyncset.s32 @!p0 $0xFFFFF086;
	s6 =	sadd.s32 @!p0 s3, s7;
	s7 =	simm.s32 @!p0 $0x108  }
0x21: {  	s3 =	sadd.s32 s3, s9;
	s6 =	sadd.s32 @!p0 $0x88, s6;
	s7 =	simm.s32 @p2 $0x1082  }
0x22: {  	[simem:s7], [sflag:s8] =	dma.local @!p0 [hbm:s6], $0xF7A  }
0x23: {  	s9 =	sor.u32 $0xD0000000, s2;
	s6 =	simm.s32 $0x108;
	_ =	swait.ge @!p0 [sflag:s8], $0x0  }
0x24: {  	s3 =	sadd.s32 $0x88, s3;
	s6 =	simm.s32 @!p1 $0x1082;
	[sflag:s4] =	ssyncset.s32 $0xFFFFF086  }
0x25: {  	[simem:s6], [sflag:s4] =	dma.local [hbm:s3], $0xF7A  }
0x26: {  	[smem:$0x3F9A] =	sst s1;
	(tag) =	ssettag s2;
	_ =	strace s9  }
0x27: {  	s1 =	sld [smem:$0x3FAA]  }
0x28: {  	s2 =	sld [smem:$0x3FAB]  }
0x29: {  	s4 =	sld [smem:$0x3FAD]  }
0x2a: {  	p0 =	seq.s32 s5, $0x0;
	s5 =	sld [smem:$0x3FAE]  }
0x2b: {  	s6 =	sld [smem:$0x3FAF]  }
0x2c: {  	s7 =	sld [smem:$0x3FB0]  }
0x2d: {  	s3 =	simm.s32 $0x108;
	s8 =	sld [smem:$0x3FB1]  }
0x2e: {  	s3 =	simm.s32 @!p0 $0x1082;
	s9 =	sld [smem:$0x3FB2]  }
0x2f: {  	lr =	sadd.s32 s0, s3;
	s0 =	sld [smem:$0x3FA9]  }
0x30: {  	s3 =	sld [smem:$0x3FAC]  }
0x31: {  	[smem:$0x3FB5] =	sst s10  }
0x32: {  	s10 =	sld [smem:$0x3FB3];
	_ =	sdelay $0x3  }
0x33: {  	p0 =	seq.s32 s10, $0x1;
	s10 =	sld [smem:$0x3FB5];
	_ =	sdelay $0x3  }
0x34: {  	[smem:$0x3FB5] =	sst s10  }
0x35: {  	s10 =	sld [smem:$0x3FB4];
	_ =	sdelay $0x3  }
0x36: {  	p1 =	seq.s32 s10, $0x1;
	s10 =	sld [smem:$0x3FB5];
	_ =	sdelay $0x3  }
0x37: {  	[smem:$0x3FB5] =	sst s10  }
0x38: {  	s10 =	sld [smem:$0x3FB6]  }
0x39: {  	_ = 	snop;
	(pc) =	sbr.ind lr, $3  }
0x3a: {  	_ = 	snop  }
0x3b: {  	_ = 	snop  }
0x3c: {  	p2 =	seq.s32 s10, $0x1;
	s10 =	sld [smem:$0x3FB5]  }
0x3d: {  	_ =	shalt  }
0x3e: {  	_ =	shalt  }
0x3f: {  	_ =	shalt  }
0x40: {  	_ =	shalt  }
0x41: {  	_ =	shalt  }
0x42: {  	_ =	shalt  }
0x43: {  	_ =	shalt  }
0x44: {  	_ =	shalt  }
0x45: {  	_ =	shalt  }
0x46: {  	_ =	shalt  }
0x47: {  	_ =	shalt  }
0x48: {  	_ =	shalt  }
0x49: {  	_ =	shalt  }
0x4a: {  	_ =	shalt  }
0x4b: {  	_ =	shalt  }
0x4c: {  	_ =	shalt  }
0x4d: {  	_ =	shalt  }
0x4e: {  	_ =	shalt  }
0x4f: {  	_ =	shalt  }
0x50: {  	_ =	shalt  }
0x51: {  	_ =	shalt  }
0x52: {  	_ =	shalt  }
0x53: {  	_ =	shalt  }
0x54: {  	_ =	shalt  }
0x55: {  	_ =	shalt  }
0x56: {  	_ =	shalt  }
0x57: {  	_ =	shalt  }
0x58: {  	_ =	shalt  }
0x59: {  	_ =	shalt  }
0x5a: {  	_ =	shalt  }
0x5b: {  	_ =	shalt  }
0x5c: {  	_ =	shalt  }
0x5d: {  	_ =	shalt  }
0x5e: {  	_ =	shalt  }
0x5f: {  	_ =	shalt  }
0x60: {  	_ =	shalt  }
0x61: {  	_ =	shalt  }
0x62: {  	_ =	shalt  }
0x63: {  	_ =	shalt  }
0x64: {  	_ =	shalt  }
0x65: {  	_ =	shalt  }
0x66: {  	_ =	shalt  }
0x67: {  	_ =	shalt  }
0x68: {  	_ =	shalt  }
0x69: {  	_ =	shalt  }
0x6a: {  	_ =	shalt  }
0x6b: {  	_ =	shalt  }
0x6c: {  	_ =	shalt  }
0x6d: {  	_ =	shalt  }
0x6e: {  	_ =	shalt  }
0x6f: {  	_ =	shalt  }
0x70: {  	_ =	shalt  }
0x71: {  	_ =	shalt  }
0x72: {  	_ =	shalt  }
0x73: {  	_ =	shalt  }
0x74: {  	_ =	shalt  }
0x75: {  	_ =	shalt  }
0x76: {  	_ =	shalt  }
0x77: {  	_ =	shalt  }
0x78: {  	_ =	shalt  }
0x79: {  	_ =	shalt  }
0x7a: {  	_ =	shalt  }
0x7b: {  	_ =	shalt  }
0x7c: {  	_ =	shalt  }
0x7d: {  	_ =	shalt  }
0x7e: {  	_ =	shalt  }
0x7f: {  	_ =	shalt  }
0x80: {  	_ =	shalt  }
0x81: {  	_ =	shalt  }
0x82: {  	_ =	shalt  }
0x83: {  	_ =	shalt  }
0x84: {  	_ =	shalt  }
0x85: {  	_ =	shalt  }
0x86: {  	_ =	shalt  }
0x87: {  	_ =	shalt  }
.Lfunc_end0:
.L_simem_size_0:
called_computation.4_lowered:
.L_overlay_start_0:
0x88: {  	s2 =	sld [smem:$0x3FD9]  }
0x89: {  	s3 =	sld [smem:$0x3FFE];
	_ =	sdelay $0x1  }
0x8a: {  	s1 =	srdreg.scid  }
0x8b: {  	s0 =	sand.u32 $0x1, s1  }
0x8c: {  	s17 =	sshll.u32 s0, $0xA;
	s2 =	sadd.s32 s3, s2  }
0x8d: {  	s2 =	sadd.s32 s2, s17  }
0x8e: {  	[smem:$0x3FC1] =	sst s2  }
0x8f: {  	_ = 	snop  }
0x90: {  	(tm) =	ssettm $0x1  }
0x91: {  	s18 =	sld [smem:$0x3FFB];
	_ =	sdelay $0x3  }
0x92: {  	_ =	strace s18  }
0x93: {  	s2 =	sld [smem:$0x3FFC];
	_ =	sdelay $0x3  }
0x94: {  	_ =	strace s2  }
0x95: {  	s2 =	sld [smem:$0x3FFD];
	_ =	sdelay $0x3  }
0x96: {  	_ =	strace s2  }
0x97: {  	_ =	strace $0x8FFFFFFF  }
0x98: {  	s19 =	sld [smem:$0x3FDB];
	_ =	sdelay $0x1  }
0x99: {  	s20 =	simm.s32 $_scs_section_size  }
0x9a: {  	s4 =	simm.s32 $_size__tile_overlayer_lowered;
	s5 =	simm.s32 $_tile_overlayer_lowered  }
0x9b: {  	s6 =	simm.s32 $0x1BFF;
	s21 =	sshll.u32 s5, $0x1;
	s3 =	sadd.s32 s20, s19  }
0x9c: {  	s22 =	simm.s32 $0x0;
	s4 =	sshll.u32 s4, $0x1;
	s5 =	sadd.s32 s21, s3  }
0x9d: {  	[timem:s22], [sflag:s6] =	dma.local [hbm:s5], s4  }
0x9e: {  	_ =	swait.ge [sflag:s6], s4  }
0x9f: {  	s4 =	ssub.s32 $0x0, s4;
	[sflag:s6] =	ssyncset.done $0x0  }
0xa0: {  	[sflag:s6] =	ssyncadd.s32 s4;
	_ =	sdelay $0x1  }
0xa1: {  	s23 =	simm.s32 $0x1B8B  }
0xa2: {  	_ =	swait.ge [sflag:s23], $0x1  }
0xa3: {  	[sflag:s23] =	ssyncset.done $0x0  }
0xa4: {  	[sflag:s23] =	ssyncadd.s32 $0xFFFFFFFF  }
0xa5: {  	s4 =	sld [smem:$0x0]  }
0xa6: {  	s5 =	sand.u32 $0xFFFFFFFE, s1  }
0xa7: {  	p0 =	sne.s32 s1, s5  }
0xa8: {  	s5 =	sshll.u32 @p0 s5, $0xE  }
0xa9: {  	s5 =	sadd.s32 @p0 $0x11B8D, s5;
	s6 =	sshll.u32 @p0 s4, $0x11  }
0xaa: {  	s5 =	sor.u32 @p0 s6, s5  }
0xab: {  	[sflag:s5] =	ssyncadd.remote.s32 @p0 $0x1;
	_ =	sdelay $0x1  }
0xac: {  	s5 =	simm.s32 @p0 $0x1B8D  }
0xad: {  	_ =	swait.eq @p0 [sflag:s5], $0x1  }
0xae: {  	[sflag:s5] =	ssyncadd.s32 @p0 $0xFFFFFFFF  }
0xaf: {  	s6 =	sshll.u32 @!p0 s1, $0xE  }
0xb0: {  	s6 =	sor.u32 @!p0 $0x4000, s6;
	s5 =	simm.s32 @!p0 $0x1B8D  }
0xb1: {  	s4 =	sshll.u32 @!p0 s4, $0x11;
	s6 =	sadd.s32 @!p0 $0x11B8D, s6;
	_ =	swait.eq @!p0 [sflag:s5], $0x1  }
0xb2: {  	s4 =	sor.u32 @!p0 s4, s6;
	[sflag:s5] =	ssyncadd.s32 @!p0 $0xFFFFFFFF  }
0xb3: {  	s25 =	simm.s32 $0x1B8E;
	s24 =	sld [smem:$0x3FFE];
	[sflag:s4] =	ssyncadd.remote.s32 @!p0 $0x1  }
0xb4: {  	s26 =	simm.s32 $execute0_lowered;
	[smem:$0x3FD2] =	sst s25  }
0xb5: {  	s5 =	sshll.u32 s26, $0x1;
	_ =	strace $0x80000052;
	[dreg:$0x1] =	wrdreg $0xFFFFFFFF  }
0xb6: {  	s28 =	simm.s32 $_size_execute0_lowered;
	s3 =	sadd.s32 s3, s5;
	[dreg:$0x0] =	wrdreg $0x0  }
0xb7: {  	s5 =	sshll.u32 s28, $0x1;
	[dreg:$0x2] =	wrdreg s3  }
0xb8: {  	[dreg:$0x3] =	wrdreg s5  }
0xb9: {  	[dreg:$0x4] =	wrdreg $0xC0  }
0xba: {  	_ =	task [dreg:s22], $0x5FFFF  }
0xbb: {  	[dreg:$0x1] =	wrdreg $0xFFFFFFFF  }
0xbc: {  	[dreg:$0x0] =	wrdreg $0x60  }
0xbd: {  	[dreg:$0x2] =	wrdreg s24  }
0xbe: {  	[dreg:$0x3] =	wrdreg $0xD  }
0xbf: {  	_ =	task.clear_ibuf [dreg:s22], $0x4FFFF;
	_ =	strace $0x90000052  }
0xc0: {  	s29 =	simm.s32 $0xD;
	_ =	strace $0x80000054  }
0xc1: {  	_ =	swait.ge [sflag:s29], $0x1  }
0xc2: {  	[sflag:s29] =	ssyncadd.s32 $0xFFFFFFFF  }
0xc3: {  	_ =	strace $0x90000054  }
0xc4: {  	_ =	sfence  }
0xc5: {  	s30 =	sld [smem:$0x0];
	_ =	sdelay $0x2  }
0xc6: {  	s31 =	sshll.u32 s1, $0xD;
	s1 =	sshrl.u32 s1, $0x2  }
0xc7: {  	s4 =	sand.u32 $0x4000, s31;
	s1 =	sadd.s32 s1, s30  }
0xc8: {  	s0 =	sor.u32 s4, s0;
	s1 =	sshll.u32 s1, $0x11  }
0xc9: {  	s0 =	sor.u32 s1, s0  }
0xca: {  	s0 =	sadd.s32 $0x8F2B, s0  }
0xcb: {  	[sflag:s0] =	ssyncadd.remote.s32 $0x1  }
0xcc: {  	_ =	sfence.sel $0xFFFF  }
0xcd: {  	[dreg:$0x0] =	wrdreg $0xFFFFFFFF;
	(pc) =	sbr.abs _section_cstart, $3  }
0xce: {  	[dreg:$0x1] =	wrdreg $0xFFFFFFFF  }
0xcf: {  	_ =	task.clear_ibuf [dreg:s22], $0x2FFFF;
	_ =	strace $0x9FFFFFFF  }
0xd0: {  	(tm) =	ssettm $0x7FFFFFFF  }
0xd1: {  	_ =	shalt  }
tec
execute0_lowered:
.L_overlay_start_1:
0x0: {  	(tag) =	ssettag $0x1  }
0x1: {  	s1 =	srdreg.scid;
	s0 =	stileid.u32  }
0x2: {  	s6 =	rddreg [dreg:$0x0];
	s2 =	simm.s32 $0x0;
	s12 =	simm.s32 $0x3  }
0x3: {  	s13 =	simm.s32 $0x800;
	s14 =	simm.s32 $0x50;
	s15 =	simm.s32 $0x1000  }
0x4: {  	s16 =	simm.s32 $0x6000;
	s17 =	simm.s32 $0x3800;
	s18 =	simm.s32 $0x850  }
0x5: {  	s19 =	simm.s32 $0x8800;
	s20 =	simm.s32 $0x1;
	s21 =	simm.s32 $0x2  }
0x6: {  	s7 =	sand.u32 $0x1, s1;
	s3 =	sshll.u32 s0, $0x1;
	s1 =	rddreg [dreg:$0x1]  }
0x7: {  	s22 =	simm.s32 $0x0;
	[smem:$0x7FF] =	sst s2;
	s5 =	sor.u32 s7, s3  }
0x8: {  	s4 =	sadd.s32 $0x5200, s6;
	s7 =	ssub.s32 $0x2, s7;
	s3 =	smul.u32 $0x7D0, s5  }
0x9: {  	_ =	strace $0x80000053;
	s9 =	smul.u32 $0x3E800, s5;
	s10 =	sshrl.u32 s7, $0x1  }
0xa: {  	s5 =	sadd.s32 $0x2C400, s6;
	s11 =	ssub.s32 s7, s10;
	s8 =	sshrl.u32 s3, $0x3  }
0xb: {  	s9 =	sshrl.u32 s9, $0x3;
	s8 =	sadd.s32 s8, s6;
	s6 =	sadd.s32 $0x351600, s6  }
0xc: {  	s11 =	smax.u32 s11, $0x1;
	s7 =	sadd.s32 $0x61600, s8;
	s31 =	sadd.s32 s6, s9  }
0xd: {  	s8 =	sadd.s32 $0x5F600, s8;
	s9 =	sadd.s32 $0x50, s3;
	s10 =	sadd.s32 $0x7800, s31  }
.LBB2_1:
0xe: {  	[tilespmem:s2], [sflag:$0x3] =	stream.linear.gather [hbm4b:s7+s2], $0x7D0, $0x38;
	[tilespmem:$0xB000] =	vst v63  }
0xf: {  	_ =	swait.ge [sflag:s12], $0x7D0  }
0x10: {  	[sflag:s12] =	ssyncset.done $0x0  }
0x11: {  	[sflag:s12] =	ssyncadd.s32 $0xFFFFF830  }
0x12: {  	[tilespmem:s13], [sflag:$0x3] =	stream.linear.gather [hbm4b:s8+s2], $0x7D0, $0x38;
	[tilespmem:$0xB000] =	vst v63  }
0x13: {  	_ =	swait.ge [sflag:s12], $0x7D0  }
0x14: {  	[sflag:s12] =	ssyncset.done $0x0  }
0x15: {  	[sflag:s12] =	ssyncadd.s32 $0xFFFFF830  }
0x16: {  	[tilespmem:s15], [sflag:$0x1] =	stream.indirect.gather [hbm4b:s4+s14], $0x80, s2, s14, $0xb8;
	[tilespmem:$0xB000] =	vst v63  }
0x17: {  	_ = 	snop  }
0x18: {  	[tilespmem:s16], [sflag:$0x1] =	stream.indirect.gather [hbm4b:s5+s14], $0x80, s13, s14, $0xb8;
	[tilespmem:$0xB000] =	vst v63  }
0x19: {  	_ = 	snop  }
0x1a: {  	[tilespmem:s17], [sflag:$0x2] =	stream.indirect.gather [hbm4b:s4+s14], $0x80, s14, s14, $0xb8;
	[tilespmem:$0xB000] =	vst v63  }
0x1b: {  	s23 =	simm.s32 $0x0  }
0x1c: {  	[tilespmem:s19], [sflag:$0x2] =	stream.indirect.gather [hbm4b:s5+s14], $0x80, s18, s14, $0xb8;
	[tilespmem:$0xB000] =	vst v63  }
.LBB2_2:
0x1d: {  	_ =	swait.ge [sflag:s20], $0x2800  }
0x1e: {  	[sflag:s20] =	ssyncset.done $0x0  }
0x1f: {  	[sflag:s20] =	ssyncadd.s32 $0xFFFFD800  }
0x20: {  	_ =	swait.ge [sflag:s20], $0x2800  }
0x21: {  	[sflag:s20] =	ssyncset.done $0x0  }
0x22: {  	s25 =	simm.s32 $0x0;
	s24 =	simm.s32 $0x200;
	[sflag:s20] =	ssyncadd.s32 $0xFFFFD800  }
.LBB2_3:
0x23: {  	p0 =	sne.s32 s24, $0x9E00;
	v0 =	vld [tilespmem:s25+$0x6070]  }
0x24: {  	v1 =	vld [tilespmem:s25+$0x6000]  }
0x25: {  	v2 =	vld [tilespmem:s25+$0x6010]  }
0x26: {  	v3 =	vld [tilespmem:s25+$0x6020]  }
0x27: {  	v4 =	vld [tilespmem:s25+$0x6030]  }
0x28: {  	[tilespmem:s25+$0x1070] =	vst.add.f32.msk $0xffff, v0  }
0x29: {  	v0 =	vld [tilespmem:s25+$0x6040]  }
0x2a: {  	v5 =	vld [tilespmem:s25+$0x6050]  }
0x2b: {  	v6 =	vld [tilespmem:s25+$0x6060]  }
0x2c: {  	[tilespmem:s25+$0x1000] =	vst.add.f32.msk $0xffff, v1  }
0x2d: {  	[tilespmem:s25+$0x1010] =	vst.add.f32.msk $0xffff, v2  }
.Ltmp0:
0x2e: {  	[tilespmem:s25+$0x1020] =	vst.add.f32.msk $0xffff, v3;
	(pc) =	sbr.rel @p0 .LBB2_3-.Ltmp0, $4  }
0x2f: {  	[tilespmem:s25+$0x1030] =	vst.add.f32.msk $0xffff, v4  }
0x30: {  	[tilespmem:s25+$0x1040] =	vst.add.f32.msk $0xffff, v0  }
0x31: {  	[tilespmem:s25+$0x1050] =	vst.add.f32.msk $0xffff, v5  }
0x32: {  	[tilespmem:s25+$0x1060] =	vst.add.f32.msk $0xffff, v6;
	s25 =	sshra.s32 s24, $0x2;
	s24 =	sadd.s32 $0x200, s24  }
0x33: {  	v0 =	vld [tilespmem:s25+$0x6070]  }
0x34: {  	v1 =	vld [tilespmem:s25+$0x6000]  }
0x35: {  	v2 =	vld [tilespmem:s25+$0x6010]  }
0x36: {  	v3 =	vld [tilespmem:s25+$0x6020]  }
0x37: {  	v4 =	vld [tilespmem:s25+$0x6030]  }
0x38: {  	v63 =	vld [tilespmem:s25+$0x6040]  }
0x39: {  	v5 =	vld [tilespmem:s25+$0x6050]  }
0x3a: {  	v6 =	vld [tilespmem:s25+$0x6060]  }
0x3b: {  	[tilespmem:s25+$0x1070] =	vst.add.f32.msk $0xffff, v0  }
0x3c: {  	[tilespmem:s25+$0x1000] =	vst.add.f32.msk $0xffff, v1  }
0x3d: {  	[tilespmem:s25+$0x1010] =	vst.add.f32.msk $0xffff, v2  }
0x3e: {  	s24 =	smul.u32 $0xA0, s23;
	[tilespmem:s25+$0x1020] =	vst.add.f32.msk $0xffff, v3  }
0x3f: {  	[tilespmem:s25+$0x1030] =	vst.add.f32.msk $0xffff, v4  }
0x40: {  	s26 =	sadd.s32 s3, s24;
	[tilespmem:s25+$0x1040] =	vst.add.f32.msk $0xffff, v63  }
0x41: {  	s26 =	sshll.u32 s26, $0x4;
	[tilespmem:s25+$0x1050] =	vst.add.f32.msk $0xffff, v5  }
0x42: {  	s29 =	simm.s32 $0x0;
	s28 =	sadd.s32 s6, s26;
	[tilespmem:s25+$0x1060] =	vst.add.f32.msk $0xffff, v6  }
0x43: {  	[hbm4b:s28+s29] =	stream.linear.scatter [tilespmem:s15], [sflag:$0x3], $0x2800, $0x38;
	[tilespmem:$0xB000] =	vst v63  }
0x44: {  	_ =	swait.ge [sflag:s12], $0x2800  }
0x45: {  	[sflag:s12] =	ssyncset.done $0x0  }
0x46: {  	s30 =	sadd.s32 $0xA0, s24;
	[sflag:s12] =	ssyncadd.s32 $0xFFFFD800  }
0x47: {  	[tilespmem:s15], [sflag:$0x1] =	stream.indirect.gather [hbm4b:s4+s14], $0x80, s30, s14, $0xb8;
	[tilespmem:$0xB000] =	vst v63  }
0x48: {  	s31 =	sadd.s32 $0x8A0, s24  }
0x49: {  	[tilespmem:s16], [sflag:$0x1] =	stream.indirect.gather [hbm4b:s5+s14], $0x80, s31, s14, $0xb8;
	[tilespmem:$0xB000] =	vst v63  }
0x4a: {  	_ =	swait.ge [sflag:s21], $0x2800  }
0x4b: {  	[sflag:s21] =	ssyncset.done $0x0  }
0x4c: {  	[sflag:s21] =	ssyncadd.s32 $0xFFFFD800  }
0x4d: {  	_ =	swait.ge [sflag:s21], $0x2800  }
0x4e: {  	[sflag:s21] =	ssyncset.done $0x0  }
0x4f: {  	s26 =	simm.s32 $0x200;
	s25 =	simm.s32 $0x0;
	[sflag:s21] =	ssyncadd.s32 $0xFFFFD800  }
.LBB2_5:
0x50: {  	p0 =	sne.s32 s26, $0x9E00;
	v0 =	vld [tilespmem:s25+$0x8870]  }
0x51: {  	v1 =	vld [tilespmem:s25+$0x8800]  }
0x52: {  	v2 =	vld [tilespmem:s25+$0x8810]  }
0x53: {  	v3 =	vld [tilespmem:s25+$0x8820]  }
0x54: {  	v4 =	vld [tilespmem:s25+$0x8830]  }
0x55: {  	[tilespmem:s25+$0x3870] =	vst.add.f32.msk $0xffff, v0  }
0x56: {  	v0 =	vld [tilespmem:s25+$0x8840]  }
0x57: {  	v5 =	vld [tilespmem:s25+$0x8850]  }
0x58: {  	v6 =	vld [tilespmem:s25+$0x8860]  }
0x59: {  	[tilespmem:s25+$0x3800] =	vst.add.f32.msk $0xffff, v1  }
0x5a: {  	[tilespmem:s25+$0x3810] =	vst.add.f32.msk $0xffff, v2  }
.Ltmp1:
0x5b: {  	[tilespmem:s25+$0x3820] =	vst.add.f32.msk $0xffff, v3;
	(pc) =	sbr.rel @p0 .LBB2_5-.Ltmp1, $4  }
0x5c: {  	[tilespmem:s25+$0x3830] =	vst.add.f32.msk $0xffff, v4  }
0x5d: {  	[tilespmem:s25+$0x3840] =	vst.add.f32.msk $0xffff, v0  }
0x5e: {  	[tilespmem:s25+$0x3850] =	vst.add.f32.msk $0xffff, v5  }
0x5f: {  	[tilespmem:s25+$0x3860] =	vst.add.f32.msk $0xffff, v6;
	s25 =	sshra.s32 s26, $0x2;
	s26 =	sadd.s32 $0x200, s26  }
0x60: {  	v0 =	vld [tilespmem:s25+$0x8870]  }
0x61: {  	v1 =	vld [tilespmem:s25+$0x8800]  }
0x62: {  	v2 =	vld [tilespmem:s25+$0x8810]  }
0x63: {  	v3 =	vld [tilespmem:s25+$0x8820]  }
0x64: {  	v4 =	vld [tilespmem:s25+$0x8830]  }
0x65: {  	v63 =	vld [tilespmem:s25+$0x8840]  }
0x66: {  	v5 =	vld [tilespmem:s25+$0x8850]  }
0x67: {  	v6 =	vld [tilespmem:s25+$0x8860]  }
0x68: {  	[tilespmem:s25+$0x3870] =	vst.add.f32.msk $0xffff, v0  }
0x69: {  	[tilespmem:s25+$0x3800] =	vst.add.f32.msk $0xffff, v1  }
0x6a: {  	[tilespmem:s25+$0x3810] =	vst.add.f32.msk $0xffff, v2  }
0x6b: {  	[tilespmem:s25+$0x3820] =	vst.add.f32.msk $0xffff, v3  }
0x6c: {  	[tilespmem:s25+$0x3830] =	vst.add.f32.msk $0xffff, v4  }
0x6d: {  	s26 =	sadd.s32 s24, s9;
	[tilespmem:s25+$0x3840] =	vst.add.f32.msk $0xffff, v63  }
0x6e: {  	p0 =	seq.s32 s23, $0xB;
	s26 =	sshll.u32 s26, $0x4;
	[tilespmem:s25+$0x3850] =	vst.add.f32.msk $0xffff, v5  }
.Ltmp2:
0x6f: {  	s31 =	sadd.s32 s6, s26;
	[tilespmem:s25+$0x3860] =	vst.add.f32.msk $0xffff, v6;
	(pc) =	sbr.rel @p0 .LBB2_8-.Ltmp2, $4  }
0x70: {  	[hbm4b:s31+s2] =	stream.linear.scatter [tilespmem:s17], [sflag:$0x3], $0x2800, $0x38;
	[tilespmem:$0xB000] =	vst v63  }
0x71: {  	_ =	swait.ge [sflag:s12], $0x2800  }
0x72: {  	[sflag:s12] =	ssyncset.done $0x0  }
0x73: {  	[sflag:s12] =	ssyncadd.s32 $0xFFFFD800  }
.Ltmp3:
0x74: {  	(pc) =	sbr.rel .LBB2_2-.Ltmp3, $4  }
0x75: {  	s25 =	sadd.s32 $0xF0, s24  }
0x76: {  	[tilespmem:s17], [sflag:$0x2] =	stream.indirect.gather [hbm4b:s4+s14], $0x80, s25, s14, $0xb8;
	[tilespmem:$0xB000] =	vst v63  }
0x77: {  	s31 =	sadd.s32 $0x8F0, s24;
	s23 =	sadd.s32 $0x1, s23  }
0x78: {  	[tilespmem:s19], [sflag:$0x2] =	stream.indirect.gather [hbm4b:s5+s14], $0x80, s31, s14, $0xb8;
	[tilespmem:$0xB000] =	vst v63  }
.LBB2_8:
0x79: {  	_ =	swait.ge [sflag:s20], $0x2800  }
0x7a: {  	[sflag:s20] =	ssyncset.done $0x0  }
0x7b: {  	[sflag:s20] =	ssyncadd.s32 $0xFFFFD800  }
0x7c: {  	_ =	swait.ge [sflag:s20], $0x2800  }
0x7d: {  	[sflag:s20] =	ssyncset.done $0x0  }
0x7e: {  	s23 =	simm.s32 $0x0;
	s24 =	simm.s32 $0x200;
	[sflag:s20] =	ssyncadd.s32 $0xFFFFD800  }
.LBB2_9:
0x7f: {  	p0 =	sne.s32 s24, $0x9E00;
	v0 =	vld [tilespmem:s23+$0x6070]  }
0x80: {  	v1 =	vld [tilespmem:s23+$0x6000]  }
0x81: {  	v2 =	vld [tilespmem:s23+$0x6010]  }
0x82: {  	v3 =	vld [tilespmem:s23+$0x6020]  }
0x83: {  	v4 =	vld [tilespmem:s23+$0x6030]  }
0x84: {  	[tilespmem:s23+$0x1070] =	vst.add.f32.msk $0xffff, v0  }
0x85: {  	v0 =	vld [tilespmem:s23+$0x6040]  }
0x86: {  	v5 =	vld [tilespmem:s23+$0x6050]  }
0x87: {  	v6 =	vld [tilespmem:s23+$0x6060]  }
0x88: {  	[tilespmem:s23+$0x1000] =	vst.add.f32.msk $0xffff, v1  }
0x89: {  	[tilespmem:s23+$0x1010] =	vst.add.f32.msk $0xffff, v2  }
.Ltmp4:
0x8a: {  	[tilespmem:s23+$0x1020] =	vst.add.f32.msk $0xffff, v3;
	(pc) =	sbr.rel @p0 .LBB2_9-.Ltmp4, $4  }
0x8b: {  	[tilespmem:s23+$0x1030] =	vst.add.f32.msk $0xffff, v4  }
0x8c: {  	[tilespmem:s23+$0x1040] =	vst.add.f32.msk $0xffff, v0  }
0x8d: {  	[tilespmem:s23+$0x1050] =	vst.add.f32.msk $0xffff, v5  }
0x8e: {  	[tilespmem:s23+$0x1060] =	vst.add.f32.msk $0xffff, v6;
	s23 =	sshra.s32 s24, $0x2;
	s24 =	sadd.s32 $0x200, s24  }
0x8f: {  	v0 =	vld [tilespmem:s23+$0x6070]  }
0x90: {  	v1 =	vld [tilespmem:s23+$0x6000]  }
0x91: {  	v2 =	vld [tilespmem:s23+$0x6010]  }
0x92: {  	v3 =	vld [tilespmem:s23+$0x6020]  }
0x93: {  	v4 =	vld [tilespmem:s23+$0x6030]  }
0x94: {  	v63 =	vld [tilespmem:s23+$0x6040]  }
0x95: {  	v5 =	vld [tilespmem:s23+$0x6050]  }
0x96: {  	v6 =	vld [tilespmem:s23+$0x6060]  }
0x97: {  	[tilespmem:s23+$0x1070] =	vst.add.f32.msk $0xffff, v0  }
0x98: {  	[tilespmem:s23+$0x1000] =	vst.add.f32.msk $0xffff, v1  }
0x99: {  	[tilespmem:s23+$0x1010] =	vst.add.f32.msk $0xffff, v2  }
0x9a: {  	[tilespmem:s23+$0x1020] =	vst.add.f32.msk $0xffff, v3  }
0x9b: {  	[tilespmem:s23+$0x1030] =	vst.add.f32.msk $0xffff, v4  }
0x9c: {  	s22 =	sadd.s32 $0x1, s22;
	[tilespmem:s23+$0x1040] =	vst.add.f32.msk $0xffff, v63  }
0x9d: {  	p0 =	sne.s32 s22, s11;
	[tilespmem:s23+$0x1050] =	vst.add.f32.msk $0xffff, v5  }
.Ltmp5:
0x9e: {  	[tilespmem:s23+$0x1060] =	vst.add.f32.msk $0xffff, v6;
	(pc) =	sbr.rel @p0 .LBB2_1-.Ltmp5, $4  }
0x9f: {  	[hbm4b:s10+s2] =	stream.linear.scatter [tilespmem:s15], [sflag:$0x3], $0x2800, $0x38;
	[tilespmem:$0xB000] =	vst v63  }
0xa0: {  	_ =	swait.ge [sflag:s12], $0x2800  }
0xa1: {  	[sflag:s12] =	ssyncset.done $0x0  }
0xa2: {  	[sflag:s12] =	ssyncadd.s32 $0xFFFFD800  }
0xa3: {  	_ =	sfence.sel $0x180000  }
0xa4: {  	[bflag:$0x0] =	sbarrier.arrive $0xFFFF  }
0xa5: {  	p0 =	sne.s32 s0, $0x0;
	_ =	strace $0x90000053  }
0xa6: {  	s0 =	sadd.s32 @!p0 $0x100000, s1;
	[bflag:$0x2] =	sbarrier.arrive $0xFFFF  }
0xa7: {  	[sflag:s0] =	ssyncadd.tile.s32 @!p0 $0x1;
	_ =	shalt  }
.Lfunc_end2:
_tile_overlayer_lowered:
.L_overlay_start_2:
0xa8: {  	(tag) =	ssettag $0x2  }
0xa9: {  	s0 =	rddreg [dreg:$0x0];
	s2 =	stileid.u32  }
0xaa: {  	s1 =	rddreg [dreg:$0x1];
	p0 =	sne.s32 s2, $0x0  }
0xab: {  	s3 =	rddreg [dreg:$0x2];
	[bflag:$0x3] =	sbarrier.arrive $0xFFFF;
	s2 =	simm.s32 @!p0 $0x1C03  }
0xac: {  	[timem:s3], [sflag:s2] =	dma.local @!p0 [hbm:s0], s1  }
0xad: {  	s0 =	simm.s32 @!p0 $0x3  }
0xae: {  	_ =	swait.ge @!p0 [sflag:s0], s1  }
0xaf: {  	s1 =	ssub.s32 @!p0 $0x0, s1;
	[sflag:s0] =	ssyncset.done @!p0 $0x0  }
0xb0: {  	[sflag:s0] =	ssyncadd.s32 @!p0 s1  }
0xb1: {  	[bflag:$0x3] =	sbarrier.arrive $0xFFFF  }
0xb2: {  	_ =	shalt  }

// kernel: kernel.30.cloned.1.call-start
scs
__scs_entry_jumppad:
0x0: {  	(pc) =	sbr.rel $0x88, $3  }
0x1: {  	(tag) =	ssettag $0x0;
	lr =	simm.s32 $0x1  }
0x2: {  	[smem:$0x3F9A] =	sst lr;
	_ =	strace $0xD0000000  }
0x3: {  	_ = 	snop  }
0x4: {  	_ = 	snop  }
0x5: {  	_ = 	snop  }
0x6: {  	_ = 	snop  }
0x7: {  	_ = 	snop  }
__scs_overlays_trampoline_lowered:
0x8: {  	[smem:$0x3FA9] =	sst s0  }
0x9: {  	[smem:$0x3FAA] =	sst s1  }
0xa: {  	[smem:$0x3FAB] =	sst s2  }
0xb: {  	[smem:$0x3FAC] =	sst s3  }
0xc: {  	[smem:$0x3FAD] =	sst s4  }
0xd: {  	[smem:$0x3FAE] =	sst s5  }
0xe: {  	[smem:$0x3FAF] =	sst s6  }
0xf: {  	[smem:$0x3FB0] =	sst s7  }
0x10: {  	[smem:$0x3FB1] =	sst s8  }
0x11: {  	[smem:$0x3FB2] =	sst s9;
	s0 =	simm.s32 @!p0 $0x0  }
0x12: {  	s1 =	sld [smem:$0x3F98];
	s0 =	simm.s32 @p0 $0x1  }
0x13: {  	[smem:$0x3FB3] =	sst s0;
	s0 =	simm.s32 @!p1 $0x0  }
0x14: {  	s2 =	sld [smem:$0x3F97];
	s0 =	simm.s32 @p1 $0x1  }
0x15: {  	[smem:$0x3FB4] =	sst s0;
	s0 =	simm.s32 @!p2 $0x0  }
0x16: {  	s3 =	sld [smem:$0x3FDB];
	s0 =	simm.s32 @p2 $0x1  }
0x17: {  	s4 =	simm.s32 $0x1BF5;
	[smem:$0x3FB6] =	sst s0  }
0x18: {  	s0 =	sld [smem:$0x3F99];
	_ =	swait.ge [sflag:s4], $0x0  }
0x19: {  	s7 =	sld [smem:$0x3F9A]  }
0x1a: {  	s8 =	sadd.s32 $0xFFFFE003, lr  }
0x1b: {  	s9 =	sadd.s32 $0xFFFFFEF7, lr;
	s5 =	simm.s32 $0xFFFFFFFF;
	p2 =	slt.u32 s8, $0xFFFFF086  }
0x1c: {  	p1 =	slt.u32 s9, $0xF7A;
	s5 =	simm.s32 @!p2 $0x0  }
0x1d: {  	s5 =	simm.s32 @p1 $0x1;
	p0 =	seq.s32 s7, s2  }
0x1e: {  	s7 =	smul.u32 @!p0 $0xF7A, s2;
	p2 =	seq.s32 @!p0 s5, $0x0  }
0x1f: {  	s9 =	smul.u32 $0xF7A, s1;
	s8 =	simm.s32 @!p0 $0x1BF5;
	p2 =	por !p2, p0  }
0x20: {  	[sflag:s8] =	ssyncset.s32 @!p0 $0xFFFFF086;
	s6 =	sadd.s32 @!p0 s3, s7;
	s7 =	simm.s32 @!p0 $0x108  }
0x21: {  	s3 =	sadd.s32 s3, s9;
	s6 =	sadd.s32 @!p0 $0x88, s6;
	s7 =	simm.s32 @p2 $0x1082  }
0x22: {  	[simem:s7], [sflag:s8] =	dma.local @!p0 [hbm:s6], $0xF7A  }
0x23: {  	s9 =	sor.u32 $0xD0000000, s2;
	s6 =	simm.s32 $0x108;
	_ =	swait.ge @!p0 [sflag:s8], $0x0  }
0x24: {  	s3 =	sadd.s32 $0x88, s3;
	s6 =	simm.s32 @!p1 $0x1082;
	[sflag:s4] =	ssyncset.s32 $0xFFFFF086  }
0x25: {  	[simem:s6], [sflag:s4] =	dma.local [hbm:s3], $0xF7A  }
0x26: {  	[smem:$0x3F9A] =	sst s1;
	(tag) =	ssettag s2;
	_ =	strace s9  }
0x27: {  	s1 =	sld [smem:$0x3FAA]  }
0x28: {  	s2 =	sld [smem:$0x3FAB]  }
0x29: {  	s4 =	sld [smem:$0x3FAD]  }
0x2a: {  	p0 =	seq.s32 s5, $0x0;
	s5 =	sld [smem:$0x3FAE]  }
0x2b: {  	s6 =	sld [smem:$0x3FAF]  }
0x2c: {  	s7 =	sld [smem:$0x3FB0]  }
0x2d: {  	s3 =	simm.s32 $0x108;
	s8 =	sld [smem:$0x3FB1]  }
0x2e: {  	s3 =	simm.s32 @!p0 $0x1082;
	s9 =	sld [smem:$0x3FB2]  }
0x2f: {  	lr =	sadd.s32 s0, s3;
	s0 =	sld [smem:$0x3FA9]  }
0x30: {  	s3 =	sld [smem:$0x3FAC]  }
0x31: {  	[smem:$0x3FB5] =	sst s10  }
0x32: {  	s10 =	sld [smem:$0x3FB3];
	_ =	sdelay $0x3  }
0x33: {  	p0 =	seq.s32 s10, $0x1;
	s10 =	sld [smem:$0x3FB5];
	_ =	sdelay $0x3  }
0x34: {  	[smem:$0x3FB5] =	sst s10  }
0x35: {  	s10 =	sld [smem:$0x3FB4];
	_ =	sdelay $0x3  }
0x36: {  	p1 =	seq.s32 s10, $0x1;
	s10 =	sld [smem:$0x3FB5];
	_ =	sdelay $0x3  }
0x37: {  	[smem:$0x3FB5] =	sst s10  }
0x38: {  	s10 =	sld [smem:$0x3FB6]  }
0x39: {  	_ = 	snop;
	(pc) =	sbr.ind lr, $3  }
0x3a: {  	_ = 	snop  }
0x3b: {  	_ = 	snop  }
0x3c: {  	p2 =	seq.s32 s10, $0x1;
	s10 =	sld [smem:$0x3FB5]  }
0x3d: {  	_ =	shalt  }
0x3e: {  	_ =	shalt  }
0x3f: {  	_ =	shalt  }
0x40: {  	_ =	shalt  }
0x41: {  	_ =	shalt  }
0x42: {  	_ =	shalt  }
0x43: {  	_ =	shalt  }
0x44: {  	_ =	shalt  }
0x45: {  	_ =	shalt  }
0x46: {  	_ =	shalt  }
0x47: {  	_ =	shalt  }
0x48: {  	_ =	shalt  }
0x49: {  	_ =	shalt  }
0x4a: {  	_ =	shalt  }
0x4b: {  	_ =	shalt  }
0x4c: {  	_ =	shalt  }
0x4d: {  	_ =	shalt  }
0x4e: {  	_ =	shalt  }
0x4f: {  	_ =	shalt  }
0x50: {  	_ =	shalt  }
0x51: {  	_ =	shalt  }
0x52: {  	_ =	shalt  }
0x53: {  	_ =	shalt  }
0x54: {  	_ =	shalt  }
0x55: {  	_ =	shalt  }
0x56: {  	_ =	shalt  }
0x57: {  	_ =	shalt  }
0x58: {  	_ =	shalt  }
0x59: {  	_ =	shalt  }
0x5a: {  	_ =	shalt  }
0x5b: {  	_ =	shalt  }
0x5c: {  	_ =	shalt  }
0x5d: {  	_ =	shalt  }
0x5e: {  	_ =	shalt  }
0x5f: {  	_ =	shalt  }
0x60: {  	_ =	shalt  }
0x61: {  	_ =	shalt  }
0x62: {  	_ =	shalt  }
0x63: {  	_ =	shalt  }
0x64: {  	_ =	shalt  }
0x65: {  	_ =	shalt  }
0x66: {  	_ =	shalt  }
0x67: {  	_ =	shalt  }
0x68: {  	_ =	shalt  }
0x69: {  	_ =	shalt  }
0x6a: {  	_ =	shalt  }
0x6b: {  	_ =	shalt  }
0x6c: {  	_ =	shalt  }
0x6d: {  	_ =	shalt  }
0x6e: {  	_ =	shalt  }
0x6f: {  	_ =	shalt  }
0x70: {  	_ =	shalt  }
0x71: {  	_ =	shalt  }
0x72: {  	_ =	shalt  }
0x73: {  	_ =	shalt  }
0x74: {  	_ =	shalt  }
0x75: {  	_ =	shalt  }
0x76: {  	_ =	shalt  }
0x77: {  	_ =	shalt  }
0x78: {  	_ =	shalt  }
0x79: {  	_ =	shalt  }
0x7a: {  	_ =	shalt  }
0x7b: {  	_ =	shalt  }
0x7c: {  	_ =	shalt  }
0x7d: {  	_ =	shalt  }
0x7e: {  	_ =	shalt  }
0x7f: {  	_ =	shalt  }
0x80: {  	_ =	shalt  }
0x81: {  	_ =	shalt  }
0x82: {  	_ =	shalt  }
0x83: {  	_ =	shalt  }
0x84: {  	_ =	shalt  }
0x85: {  	_ =	shalt  }
0x86: {  	_ =	shalt  }
0x87: {  	_ =	shalt  }
.Lfunc_end0:
.L_simem_size_0:
called_computation.5_lowered:
.L_overlay_start_0:
0x88: {  	s2 =	sld [smem:$0x3FD9]  }
0x89: {  	s3 =	sld [smem:$0x3FFE];
	_ =	sdelay $0x1  }
0x8a: {  	s1 =	srdreg.scid  }
0x8b: {  	s0 =	sand.u32 $0x1, s1  }
0x8c: {  	s17 =	sshll.u32 s0, $0xA;
	s2 =	sadd.s32 s3, s2  }
0x8d: {  	s2 =	sadd.s32 s2, s17  }
0x8e: {  	[smem:$0x3FC1] =	sst s2  }
0x8f: {  	_ = 	snop  }
0x90: {  	(tm) =	ssettm $0x1  }
0x91: {  	s18 =	sld [smem:$0x3FFB];
	_ =	sdelay $0x3  }
0x92: {  	_ =	strace s18  }
0x93: {  	s2 =	sld [smem:$0x3FFC];
	_ =	sdelay $0x3  }
0x94: {  	_ =	strace s2  }
0x95: {  	s2 =	sld [smem:$0x3FFD];
	_ =	sdelay $0x3  }
0x96: {  	_ =	strace s2  }
0x97: {  	_ =	strace $0x8FFFFFFF  }
0x98: {  	s19 =	sld [smem:$0x3FDB];
	_ =	sdelay $0x1  }
0x99: {  	s20 =	simm.s32 $_scs_section_size  }
0x9a: {  	s4 =	simm.s32 $_size__tile_overlayer_lowered;
	s5 =	simm.s32 $_tile_overlayer_lowered  }
0x9b: {  	s6 =	simm.s32 $0x1BFF;
	s21 =	sshll.u32 s5, $0x1;
	s3 =	sadd.s32 s20, s19  }
0x9c: {  	s22 =	simm.s32 $0x0;
	s4 =	sshll.u32 s4, $0x1;
	s5 =	sadd.s32 s21, s3  }
0x9d: {  	[timem:s22], [sflag:s6] =	dma.local [hbm:s5], s4  }
0x9e: {  	_ =	swait.ge [sflag:s6], s4  }
0x9f: {  	s4 =	ssub.s32 $0x0, s4;
	[sflag:s6] =	ssyncset.done $0x0  }
0xa0: {  	[sflag:s6] =	ssyncadd.s32 s4;
	_ =	sdelay $0x1  }
0xa1: {  	s23 =	simm.s32 $0x1B8B  }
0xa2: {  	_ =	swait.ge [sflag:s23], $0x1  }
0xa3: {  	[sflag:s23] =	ssyncset.done $0x0  }
0xa4: {  	[sflag:s23] =	ssyncadd.s32 $0xFFFFFFFF  }
0xa5: {  	s4 =	sld [smem:$0x0]  }
0xa6: {  	s5 =	sand.u32 $0xFFFFFFFE, s1  }
0xa7: {  	p0 =	sne.s32 s1, s5  }
0xa8: {  	s5 =	sshll.u32 @p0 s5, $0xE  }
0xa9: {  	s5 =	sadd.s32 @p0 $0x11B8D, s5;
	s6 =	sshll.u32 @p0 s4, $0x11  }
0xaa: {  	s5 =	sor.u32 @p0 s6, s5  }
0xab: {  	[sflag:s5] =	ssyncadd.remote.s32 @p0 $0x1;
	_ =	sdelay $0x1  }
0xac: {  	s5 =	simm.s32 @p0 $0x1B8D  }
0xad: {  	_ =	swait.eq @p0 [sflag:s5], $0x1  }
0xae: {  	[sflag:s5] =	ssyncadd.s32 @p0 $0xFFFFFFFF  }
0xaf: {  	s6 =	sshll.u32 @!p0 s1, $0xE  }
0xb0: {  	s6 =	sor.u32 @!p0 $0x4000, s6;
	s5 =	simm.s32 @!p0 $0x1B8D  }
0xb1: {  	s4 =	sshll.u32 @!p0 s4, $0x11;
	s6 =	sadd.s32 @!p0 $0x11B8D, s6;
	_ =	swait.eq @!p0 [sflag:s5], $0x1  }
0xb2: {  	s4 =	sor.u32 @!p0 s4, s6;
	[sflag:s5] =	ssyncadd.s32 @!p0 $0xFFFFFFFF  }
0xb3: {  	s25 =	simm.s32 $0x1B8E;
	s24 =	sld [smem:$0x3FFE];
	[sflag:s4] =	ssyncadd.remote.s32 @!p0 $0x1  }
0xb4: {  	s26 =	simm.s32 $execute0_lowered;
	[smem:$0x3FD2] =	sst s25  }
0xb5: {  	s5 =	sshll.u32 s26, $0x1;
	_ =	strace $0x80000055;
	[dreg:$0x1] =	wrdreg $0xFFFFFFFF  }
0xb6: {  	s28 =	simm.s32 $_size_execute0_lowered;
	s3 =	sadd.s32 s3, s5;
	[dreg:$0x0] =	wrdreg $0x0  }
0xb7: {  	s5 =	sshll.u32 s28, $0x1;
	[dreg:$0x2] =	wrdreg s3  }
0xb8: {  	[dreg:$0x3] =	wrdreg s5  }
0xb9: {  	[dreg:$0x4] =	wrdreg $0xC0  }
0xba: {  	_ =	task [dreg:s22], $0x5FFFF  }
0xbb: {  	[dreg:$0x1] =	wrdreg $0xFFFFFFFF  }
0xbc: {  	[dreg:$0x0] =	wrdreg $0x60  }
0xbd: {  	[dreg:$0x2] =	wrdreg s24  }
0xbe: {  	[dreg:$0x3] =	wrdreg $0xE  }
0xbf: {  	_ =	task.clear_ibuf [dreg:s22], $0x4FFFF;
	_ =	strace $0x90000055  }
0xc0: {  	s29 =	simm.s32 $0xE;
	_ =	strace $0x80000057  }
0xc1: {  	_ =	swait.ge [sflag:s29], $0x1  }
0xc2: {  	[sflag:s29] =	ssyncadd.s32 $0xFFFFFFFF  }
0xc3: {  	_ =	strace $0x90000057  }
0xc4: {  	_ =	sfence  }
0xc5: {  	s30 =	sld [smem:$0x0];
	_ =	sdelay $0x2  }
0xc6: {  	s31 =	sshll.u32 s1, $0xD;
	s1 =	sshrl.u32 s1, $0x2  }
0xc7: {  	s4 =	sand.u32 $0x4000, s31;
	s1 =	sadd.s32 s1, s30  }
0xc8: {  	s0 =	sor.u32 s4, s0;
	s1 =	sshll.u32 s1, $0x11  }
0xc9: {  	s0 =	sor.u32 s1, s0  }
0xca: {  	s0 =	sadd.s32 $0x8F2B, s0  }
0xcb: {  	[sflag:s0] =	ssyncadd.remote.s32 $0x1  }
0xcc: {  	_ =	sfence.sel $0xFFFF  }
0xcd: {  	[dreg:$0x0] =	wrdreg $0xFFFFFFFF;
	(pc) =	sbr.abs _section_cstart, $3  }
0xce: {  	[dreg:$0x1] =	wrdreg $0xFFFFFFFF  }
0xcf: {  	_ =	task.clear_ibuf [dreg:s22], $0x2FFFF;
	_ =	strace $0x9FFFFFFF  }
0xd0: {  	(tm) =	ssettm $0x7FFFFFFF  }
0xd1: {  	_ =	shalt  }
tec
execute0_lowered:
.L_overlay_start_1:
0x0: {  	(tag) =	ssettag $0x1  }
0x1: {  	s1 =	srdreg.scid;
	s0 =	stileid.u32  }
0x2: {  	s6 =	rddreg [dreg:$0x0];
	s2 =	simm.s32 $0x0;
	s12 =	simm.s32 $0x3  }
0x3: {  	s13 =	simm.s32 $0x500;
	s14 =	simm.s32 $0x50;
	s15 =	simm.s32 $0xA00  }
0x4: {  	s16 =	simm.s32 $0x5A00;
	s17 =	simm.s32 $0x3200;
	s18 =	simm.s32 $0x550  }
0x5: {  	s19 =	simm.s32 $0x8200;
	s20 =	simm.s32 $0x1;
	s21 =	simm.s32 $0x2  }
0x6: {  	s7 =	sand.u32 $0x1, s1;
	s3 =	sshll.u32 s0, $0x1;
	s1 =	rddreg [dreg:$0x1]  }
0x7: {  	s22 =	simm.s32 $0x0;
	[smem:$0x7FF] =	sst s2;
	s5 =	sor.u32 s7, s3  }
0x8: {  	s4 =	sadd.s32 $0x5200, s6;
	s7 =	ssub.s32 $0x2, s7;
	s3 =	smul.u32 $0x4B0, s5  }
0x9: {  	_ =	strace $0x80000056;
	s9 =	smul.u32 $0x25800, s5;
	s10 =	sshrl.u32 s7, $0x1  }
0xa: {  	s5 =	sadd.s32 $0x2C400, s6;
	s11 =	ssub.s32 s7, s10;
	s8 =	sshrl.u32 s3, $0x3  }
0xb: {  	s9 =	sshrl.u32 s9, $0x3;
	s8 =	sadd.s32 s8, s6;
	s6 =	sadd.s32 $0x44DE00, s6  }
0xc: {  	s11 =	smax.u32 s11, $0x1;
	s7 =	sadd.s32 $0x44B600, s8;
	s31 =	sadd.s32 s6, s9  }
0xd: {  	s8 =	sadd.s32 $0x44CA00, s8;
	s9 =	sadd.s32 $0x50, s3;
	s10 =	sadd.s32 $0x4600, s31  }
.LBB2_1:
0xe: {  	[tilespmem:s2], [sflag:$0x3] =	stream.linear.gather [hbm4b:s7+s2], $0x4B0, $0x38;
	[tilespmem:$0xAA00] =	vst v63  }
0xf: {  	_ =	swait.ge [sflag:s12], $0x4B0  }
0x10: {  	[sflag:s12] =	ssyncset.done $0x0  }
0x11: {  	[sflag:s12] =	ssyncadd.s32 $0xFFFFFB50  }
0x12: {  	[tilespmem:s13], [sflag:$0x3] =	stream.linear.gather [hbm4b:s8+s2], $0x4B0, $0x38;
	[tilespmem:$0xAA00] =	vst v63  }
0x13: {  	_ =	swait.ge [sflag:s12], $0x4B0  }
0x14: {  	[sflag:s12] =	ssyncset.done $0x0  }
0x15: {  	[sflag:s12] =	ssyncadd.s32 $0xFFFFFB50  }
0x16: {  	[tilespmem:s15], [sflag:$0x1] =	stream.indirect.gather [hbm4b:s4+s14], $0x80, s2, s14, $0xb8;
	[tilespmem:$0xAA00] =	vst v63  }
0x17: {  	_ = 	snop  }
0x18: {  	[tilespmem:s16], [sflag:$0x1] =	stream.indirect.gather [hbm4b:s5+s14], $0x80, s13, s14, $0xb8;
	[tilespmem:$0xAA00] =	vst v63  }
0x19: {  	_ = 	snop  }
0x1a: {  	[tilespmem:s17], [sflag:$0x2] =	stream.indirect.gather [hbm4b:s4+s14], $0x80, s14, s14, $0xb8;
	[tilespmem:$0xAA00] =	vst v63  }
0x1b: {  	s23 =	simm.s32 $0x0  }
0x1c: {  	[tilespmem:s19], [sflag:$0x2] =	stream.indirect.gather [hbm4b:s5+s14], $0x80, s18, s14, $0xb8;
	[tilespmem:$0xAA00] =	vst v63  }
.LBB2_2:
0x1d: {  	_ =	swait.ge [sflag:s20], $0x2800  }
0x1e: {  	[sflag:s20] =	ssyncset.done $0x0  }
0x1f: {  	[sflag:s20] =	ssyncadd.s32 $0xFFFFD800  }
0x20: {  	_ =	swait.ge [sflag:s20], $0x2800  }
0x21: {  	[sflag:s20] =	ssyncset.done $0x0  }
0x22: {  	s25 =	simm.s32 $0x0;
	s24 =	simm.s32 $0x200;
	[sflag:s20] =	ssyncadd.s32 $0xFFFFD800  }
.LBB2_3:
0x23: {  	p0 =	sne.s32 s24, $0x9E00;
	v0 =	vld [tilespmem:s25+$0x5A70]  }
0x24: {  	v1 =	vld [tilespmem:s25+$0x5A00]  }
0x25: {  	v2 =	vld [tilespmem:s25+$0x5A10]  }
0x26: {  	v3 =	vld [tilespmem:s25+$0x5A20]  }
0x27: {  	v4 =	vld [tilespmem:s25+$0x5A30]  }
0x28: {  	[tilespmem:s25+$0xA70] =	vst.add.f32.msk $0xffff, v0  }
0x29: {  	v0 =	vld [tilespmem:s25+$0x5A40]  }
0x2a: {  	v5 =	vld [tilespmem:s25+$0x5A50]  }
0x2b: {  	v6 =	vld [tilespmem:s25+$0x5A60]  }
0x2c: {  	[tilespmem:s25+$0xA00] =	vst.add.f32.msk $0xffff, v1  }
0x2d: {  	[tilespmem:s25+$0xA10] =	vst.add.f32.msk $0xffff, v2  }
.Ltmp0:
0x2e: {  	[tilespmem:s25+$0xA20] =	vst.add.f32.msk $0xffff, v3;
	(pc) =	sbr.rel @p0 .LBB2_3-.Ltmp0, $4  }
0x2f: {  	[tilespmem:s25+$0xA30] =	vst.add.f32.msk $0xffff, v4  }
0x30: {  	[tilespmem:s25+$0xA40] =	vst.add.f32.msk $0xffff, v0  }
0x31: {  	[tilespmem:s25+$0xA50] =	vst.add.f32.msk $0xffff, v5  }
0x32: {  	[tilespmem:s25+$0xA60] =	vst.add.f32.msk $0xffff, v6;
	s25 =	sshra.s32 s24, $0x2;
	s24 =	sadd.s32 $0x200, s24  }
0x33: {  	v0 =	vld [tilespmem:s25+$0x5A70]  }
0x34: {  	v1 =	vld [tilespmem:s25+$0x5A00]  }
0x35: {  	v2 =	vld [tilespmem:s25+$0x5A10]  }
0x36: {  	v3 =	vld [tilespmem:s25+$0x5A20]  }
0x37: {  	v4 =	vld [tilespmem:s25+$0x5A30]  }
0x38: {  	v63 =	vld [tilespmem:s25+$0x5A40]  }
0x39: {  	v5 =	vld [tilespmem:s25+$0x5A50]  }
0x3a: {  	v6 =	vld [tilespmem:s25+$0x5A60]  }
0x3b: {  	[tilespmem:s25+$0xA70] =	vst.add.f32.msk $0xffff, v0  }
0x3c: {  	[tilespmem:s25+$0xA00] =	vst.add.f32.msk $0xffff, v1  }
0x3d: {  	[tilespmem:s25+$0xA10] =	vst.add.f32.msk $0xffff, v2  }
0x3e: {  	s24 =	smul.u32 $0xA0, s23;
	[tilespmem:s25+$0xA20] =	vst.add.f32.msk $0xffff, v3  }
0x3f: {  	[tilespmem:s25+$0xA30] =	vst.add.f32.msk $0xffff, v4  }
0x40: {  	s26 =	sadd.s32 s3, s24;
	[tilespmem:s25+$0xA40] =	vst.add.f32.msk $0xffff, v63  }
0x41: {  	s26 =	sshll.u32 s26, $0x4;
	[tilespmem:s25+$0xA50] =	vst.add.f32.msk $0xffff, v5  }
0x42: {  	s29 =	simm.s32 $0x0;
	s28 =	sadd.s32 s6, s26;
	[tilespmem:s25+$0xA60] =	vst.add.f32.msk $0xffff, v6  }
0x43: {  	[hbm4b:s28+s29] =	stream.linear.scatter [tilespmem:s15], [sflag:$0x3], $0x2800, $0x38;
	[tilespmem:$0xAA00] =	vst v63  }
0x44: {  	_ =	swait.ge [sflag:s12], $0x2800  }
0x45: {  	[sflag:s12] =	ssyncset.done $0x0  }
0x46: {  	s30 =	sadd.s32 $0xA0, s24;
	[sflag:s12] =	ssyncadd.s32 $0xFFFFD800  }
0x47: {  	[tilespmem:s15], [sflag:$0x1] =	stream.indirect.gather [hbm4b:s4+s14], $0x80, s30, s14, $0xb8;
	[tilespmem:$0xAA00] =	vst v63  }
0x48: {  	s31 =	sadd.s32 $0x5A0, s24  }
0x49: {  	[tilespmem:s16], [sflag:$0x1] =	stream.indirect.gather [hbm4b:s5+s14], $0x80, s31, s14, $0xb8;
	[tilespmem:$0xAA00] =	vst v63  }
0x4a: {  	_ =	swait.ge [sflag:s21], $0x2800  }
0x4b: {  	[sflag:s21] =	ssyncset.done $0x0  }
0x4c: {  	[sflag:s21] =	ssyncadd.s32 $0xFFFFD800  }
0x4d: {  	_ =	swait.ge [sflag:s21], $0x2800  }
0x4e: {  	[sflag:s21] =	ssyncset.done $0x0  }
0x4f: {  	s26 =	simm.s32 $0x200;
	s25 =	simm.s32 $0x0;
	[sflag:s21] =	ssyncadd.s32 $0xFFFFD800  }
.LBB2_5:
0x50: {  	p0 =	sne.s32 s26, $0x9E00;
	v0 =	vld [tilespmem:s25+$0x8270]  }
0x51: {  	v1 =	vld [tilespmem:s25+$0x8200]  }
0x52: {  	v2 =	vld [tilespmem:s25+$0x8210]  }
0x53: {  	v3 =	vld [tilespmem:s25+$0x8220]  }
0x54: {  	v4 =	vld [tilespmem:s25+$0x8230]  }
0x55: {  	[tilespmem:s25+$0x3270] =	vst.add.f32.msk $0xffff, v0  }
0x56: {  	v0 =	vld [tilespmem:s25+$0x8240]  }
0x57: {  	v5 =	vld [tilespmem:s25+$0x8250]  }
0x58: {  	v6 =	vld [tilespmem:s25+$0x8260]  }
0x59: {  	[tilespmem:s25+$0x3200] =	vst.add.f32.msk $0xffff, v1  }
0x5a: {  	[tilespmem:s25+$0x3210] =	vst.add.f32.msk $0xffff, v2  }
.Ltmp1:
0x5b: {  	[tilespmem:s25+$0x3220] =	vst.add.f32.msk $0xffff, v3;
	(pc) =	sbr.rel @p0 .LBB2_5-.Ltmp1, $4  }
0x5c: {  	[tilespmem:s25+$0x3230] =	vst.add.f32.msk $0xffff, v4  }
0x5d: {  	[tilespmem:s25+$0x3240] =	vst.add.f32.msk $0xffff, v0  }
0x5e: {  	[tilespmem:s25+$0x3250] =	vst.add.f32.msk $0xffff, v5  }
0x5f: {  	[tilespmem:s25+$0x3260] =	vst.add.f32.msk $0xffff, v6;
	s25 =	sshra.s32 s26, $0x2;
	s26 =	sadd.s32 $0x200, s26  }
0x60: {  	v0 =	vld [tilespmem:s25+$0x8270]  }
0x61: {  	v1 =	vld [tilespmem:s25+$0x8200]  }
0x62: {  	v2 =	vld [tilespmem:s25+$0x8210]  }
0x63: {  	v3 =	vld [tilespmem:s25+$0x8220]  }
0x64: {  	v4 =	vld [tilespmem:s25+$0x8230]  }
0x65: {  	v63 =	vld [tilespmem:s25+$0x8240]  }
0x66: {  	v5 =	vld [tilespmem:s25+$0x8250]  }
0x67: {  	v6 =	vld [tilespmem:s25+$0x8260]  }
0x68: {  	[tilespmem:s25+$0x3270] =	vst.add.f32.msk $0xffff, v0  }
0x69: {  	[tilespmem:s25+$0x3200] =	vst.add.f32.msk $0xffff, v1  }
0x6a: {  	[tilespmem:s25+$0x3210] =	vst.add.f32.msk $0xffff, v2  }
0x6b: {  	[tilespmem:s25+$0x3220] =	vst.add.f32.msk $0xffff, v3  }
0x6c: {  	[tilespmem:s25+$0x3230] =	vst.add.f32.msk $0xffff, v4  }
0x6d: {  	s26 =	sadd.s32 s24, s9;
	[tilespmem:s25+$0x3240] =	vst.add.f32.msk $0xffff, v63  }
0x6e: {  	p0 =	seq.s32 s23, $0x6;
	s26 =	sshll.u32 s26, $0x4;
	[tilespmem:s25+$0x3250] =	vst.add.f32.msk $0xffff, v5  }
.Ltmp2:
0x6f: {  	s31 =	sadd.s32 s6, s26;
	[tilespmem:s25+$0x3260] =	vst.add.f32.msk $0xffff, v6;
	(pc) =	sbr.rel @p0 .LBB2_8-.Ltmp2, $4  }
0x70: {  	[hbm4b:s31+s2] =	stream.linear.scatter [tilespmem:s17], [sflag:$0x3], $0x2800, $0x38;
	[tilespmem:$0xAA00] =	vst v63  }
0x71: {  	_ =	swait.ge [sflag:s12], $0x2800  }
0x72: {  	[sflag:s12] =	ssyncset.done $0x0  }
0x73: {  	[sflag:s12] =	ssyncadd.s32 $0xFFFFD800  }
.Ltmp3:
0x74: {  	(pc) =	sbr.rel .LBB2_2-.Ltmp3, $4  }
0x75: {  	s25 =	sadd.s32 $0xF0, s24  }
0x76: {  	[tilespmem:s17], [sflag:$0x2] =	stream.indirect.gather [hbm4b:s4+s14], $0x80, s25, s14, $0xb8;
	[tilespmem:$0xAA00] =	vst v63  }
0x77: {  	s31 =	sadd.s32 $0x5F0, s24;
	s23 =	sadd.s32 $0x1, s23  }
0x78: {  	[tilespmem:s19], [sflag:$0x2] =	stream.indirect.gather [hbm4b:s5+s14], $0x80, s31, s14, $0xb8;
	[tilespmem:$0xAA00] =	vst v63  }
.LBB2_8:
0x79: {  	_ =	swait.ge [sflag:s20], $0x2800  }
0x7a: {  	[sflag:s20] =	ssyncset.done $0x0  }
0x7b: {  	[sflag:s20] =	ssyncadd.s32 $0xFFFFD800  }
0x7c: {  	_ =	swait.ge [sflag:s20], $0x2800  }
0x7d: {  	[sflag:s20] =	ssyncset.done $0x0  }
0x7e: {  	s23 =	simm.s32 $0x0;
	s24 =	simm.s32 $0x200;
	[sflag:s20] =	ssyncadd.s32 $0xFFFFD800  }
.LBB2_9:
0x7f: {  	p0 =	sne.s32 s24, $0x9E00;
	v0 =	vld [tilespmem:s23+$0x5A70]  }
0x80: {  	v1 =	vld [tilespmem:s23+$0x5A00]  }
0x81: {  	v2 =	vld [tilespmem:s23+$0x5A10]  }
0x82: {  	v3 =	vld [tilespmem:s23+$0x5A20]  }
0x83: {  	v4 =	vld [tilespmem:s23+$0x5A30]  }
0x84: {  	[tilespmem:s23+$0xA70] =	vst.add.f32.msk $0xffff, v0  }
0x85: {  	v0 =	vld [tilespmem:s23+$0x5A40]  }
0x86: {  	v5 =	vld [tilespmem:s23+$0x5A50]  }
0x87: {  	v6 =	vld [tilespmem:s23+$0x5A60]  }
0x88: {  	[tilespmem:s23+$0xA00] =	vst.add.f32.msk $0xffff, v1  }
0x89: {  	[tilespmem:s23+$0xA10] =	vst.add.f32.msk $0xffff, v2  }
.Ltmp4:
0x8a: {  	[tilespmem:s23+$0xA20] =	vst.add.f32.msk $0xffff, v3;
	(pc) =	sbr.rel @p0 .LBB2_9-.Ltmp4, $4  }
0x8b: {  	[tilespmem:s23+$0xA30] =	vst.add.f32.msk $0xffff, v4  }
0x8c: {  	[tilespmem:s23+$0xA40] =	vst.add.f32.msk $0xffff, v0  }
0x8d: {  	[tilespmem:s23+$0xA50] =	vst.add.f32.msk $0xffff, v5  }
0x8e: {  	[tilespmem:s23+$0xA60] =	vst.add.f32.msk $0xffff, v6;
	s23 =	sshra.s32 s24, $0x2;
	s24 =	sadd.s32 $0x200, s24  }
0x8f: {  	v0 =	vld [tilespmem:s23+$0x5A70]  }
0x90: {  	v1 =	vld [tilespmem:s23+$0x5A00]  }
0x91: {  	v2 =	vld [tilespmem:s23+$0x5A10]  }
0x92: {  	v3 =	vld [tilespmem:s23+$0x5A20]  }
0x93: {  	v4 =	vld [tilespmem:s23+$0x5A30]  }
0x94: {  	v63 =	vld [tilespmem:s23+$0x5A40]  }
0x95: {  	v5 =	vld [tilespmem:s23+$0x5A50]  }
0x96: {  	v6 =	vld [tilespmem:s23+$0x5A60]  }
0x97: {  	[tilespmem:s23+$0xA70] =	vst.add.f32.msk $0xffff, v0  }
0x98: {  	[tilespmem:s23+$0xA00] =	vst.add.f32.msk $0xffff, v1  }
0x99: {  	[tilespmem:s23+$0xA10] =	vst.add.f32.msk $0xffff, v2  }
0x9a: {  	[tilespmem:s23+$0xA20] =	vst.add.f32.msk $0xffff, v3  }
0x9b: {  	[tilespmem:s23+$0xA30] =	vst.add.f32.msk $0xffff, v4  }
0x9c: {  	s22 =	sadd.s32 $0x1, s22;
	[tilespmem:s23+$0xA40] =	vst.add.f32.msk $0xffff, v63  }
0x9d: {  	p0 =	sne.s32 s22, s11;
	[tilespmem:s23+$0xA50] =	vst.add.f32.msk $0xffff, v5  }
.Ltmp5:
0x9e: {  	[tilespmem:s23+$0xA60] =	vst.add.f32.msk $0xffff, v6;
	(pc) =	sbr.rel @p0 .LBB2_1-.Ltmp5, $4  }
0x9f: {  	[hbm4b:s10+s2] =	stream.linear.scatter [tilespmem:s15], [sflag:$0x3], $0x2800, $0x38;
	[tilespmem:$0xAA00] =	vst v63  }
0xa0: {  	_ =	swait.ge [sflag:s12], $0x2800  }
0xa1: {  	[sflag:s12] =	ssyncset.done $0x0  }
0xa2: {  	[sflag:s12] =	ssyncadd.s32 $0xFFFFD800  }
0xa3: {  	_ =	sfence.sel $0x180000  }
0xa4: {  	[bflag:$0x0] =	sbarrier.arrive $0xFFFF  }
0xa5: {  	p0 =	sne.s32 s0, $0x0;
	_ =	strace $0x90000056  }
0xa6: {  	s0 =	sadd.s32 @!p0 $0x100000, s1;
	[bflag:$0x2] =	sbarrier.arrive $0xFFFF  }
0xa7: {  	[sflag:s0] =	ssyncadd.tile.s32 @!p0 $0x1;
	_ =	shalt  }
.Lfunc_end2:
_tile_overlayer_lowered:
.L_overlay_start_2:
0xa8: {  	(tag) =	ssettag $0x2  }
0xa9: {  	s0 =	rddreg [dreg:$0x0];
	s2 =	stileid.u32  }
0xaa: {  	s1 =	rddreg [dreg:$0x1];
	p0 =	sne.s32 s2, $0x0  }
0xab: {  	s3 =	rddreg [dreg:$0x2];
	[bflag:$0x3] =	sbarrier.arrive $0xFFFF;
	s2 =	simm.s32 @!p0 $0x1C03  }
0xac: {  	[timem:s3], [sflag:s2] =	dma.local @!p0 [hbm:s0], s1  }
0xad: {  	s0 =	simm.s32 @!p0 $0x3  }
0xae: {  	_ =	swait.ge @!p0 [sflag:s0], s1  }
0xaf: {  	s1 =	ssub.s32 @!p0 $0x0, s1;
	[sflag:s0] =	ssyncset.done @!p0 $0x0  }
0xb0: {  	[sflag:s0] =	ssyncadd.s32 @!p0 s1  }
0xb1: {  	[bflag:$0x3] =	sbarrier.arrive $0xFFFF  }
0xb2: {  	_ =	shalt  }

</sc_bundles>
